<compile_context>
chip_gen: v7x
topology: tpu7x:2x2x1
jax: 0.10.2.dev20260603
libtpu: 0.0.44.dev20260713+nightly
codegen_flags: <defaults>
</compile_context>

<pallas_src>
import functools

import jax
import jax.numpy as jnp
from jax import lax
from jax.experimental import pallas as pl
from jax.experimental.pallas import tpu as pltpu
from jax.experimental.pallas import tpu_sc as plsc

RISKS = ("risk_a", "risk_b", "risk_c")
IN_MAP = {"risk_a": (0, 1), "risk_b": (1, 2), "risk_c": (0, 2, 3)}
D = 32
H = 2
NS = 16
LANES = 16

BN = 1000


def _gelu(x):
    return 0.5 * x * (1.0 + lax.erf(x * (2.0 ** -0.5)))


def _lrelu(x):
    return jnp.where(x >= 0, x, 0.2 * x)


def _prepass_body(m1, m2, m3, m4,
                  w1a, b1a, w2a, b2a, w1b, b1b, w2b, b2b, w1c, b1c, w2c, b2c,
                  wl, wr,
                  lat_a, lat_b, lat_c, xl6, xr6):
    mods = (m1[...], m2[...], m3[...], m4[...])
    encs = ((w1a, b1a, w2a, b2a), (w1b, b1b, w2b, b2b), (w1c, b1c, w2c, b2c))
    lat_refs = (lat_a, lat_b, lat_c)
    for r in range(3):
        w1, b1, w2, b2 = encs[r]
        h = b1[...]
        for k, col in enumerate(IN_MAP[RISKS[r]]):
            h = h + mods[col] * w1[k:k + 1, :]
        h = _gelu(h)
        lat = jnp.dot(h, w2[...]) + b2[...]
        lat_refs[r][...] = lat
        xl = jnp.dot(lat, wl[...])
        xr = jnp.dot(lat, wr[...])
        xl6[2 * r, :, :] = xl[:, :D]
        xl6[2 * r + 1, :, :] = xl[:, D:]
        xr6[2 * r, :, :] = xr[:, :D]
        xr6[2 * r + 1, :, :] = xr[:, D:]


def _run_prepass(mods, params, n):
    grid = n // BN
    full = lambda shape: pl.BlockSpec(shape, lambda i: tuple(0 for _ in shape))
    in_specs = [pl.BlockSpec((BN, 1), lambda i: (i, 0))] * 4
    wargs = []
    for risk in RISKS:
        p = params[risk]
        wargs += [p["enc_W1"], p["enc_b1"].reshape(1, 64),
                  p["enc_W2"], p["enc_b2"].reshape(1, D)]
    g = params["gat"]
    wargs += [g["Wl"], g["Wr"]]
    in_specs += [full(w.shape) for w in wargs]
    out_shape = [jax.ShapeDtypeStruct((n, D), jnp.float32) for _ in range(3)]
    out_shape += [jax.ShapeDtypeStruct((6, n, D), jnp.float32)] * 2
    out_specs = [pl.BlockSpec((BN, D), lambda i: (i, 0))] * 3
    out_specs += [pl.BlockSpec((6, BN, D), lambda i: (0, i, 0))] * 2
    return pl.pallas_call(
        _prepass_body,
        grid=(grid,),
        in_specs=in_specs,
        out_specs=out_specs,
        out_shape=out_shape,
    )(*mods, *wargs)


def _make_sc_kernel(n, ep, nrows, nchunks):
    rows_pt = nchunks
    stripe = 3120
    mesh = plsc.VectorSubcoreMesh(core_axis_name="c", subcore_axis_name="s")
    f32 = jnp.float32

    @functools.partial(
        pl.kernel,
        mesh=mesh,
        compiler_params=pltpu.CompilerParams(needs_layout_passes=False,
                                             use_tc_tiling_on_sc=False),
        out_type=[jax.ShapeDtypeStruct((6 * n, D), f32),
                  jax.ShapeDtypeStruct((6 * n,), f32)],
        scratch_types=[
            pltpu.VMEM((2, 128), jnp.int32),
            pltpu.VMEM((2, 128), jnp.int32),
            pltpu.VMEM((2, 128), jnp.int32),
            pltpu.VMEM((2, 128, D), f32),
            pltpu.VMEM((2, 128, D), f32),
            pltpu.VMEM((2, 128, D), f32),
            pltpu.VMEM((2, 128), f32),
            pltpu.VMEM((D,), f32),
            pltpu.VMEM((40, D), f32),
            pltpu.VMEM((48,), f32),
            pltpu.VMEM_SHARED((nrows, D), f32),
            pltpu.VMEM_SHARED((nrows,), f32),
            pltpu.SemaphoreType.DMA,
            pltpu.SemaphoreType.DMA,
            pltpu.SemaphoreType.DMA,
            pltpu.SemaphoreType.DMA,
            pltpu.SemaphoreType.DMA,
        ],
    )
    def sc_edges(xl6, xr6, srcg, dstg, attsc,
                 num_out, den_out,
                 idx_s, idx_dg, sidx, xlr, xrr, outr, exb, attv,
                 zbuf, zden, num_sh, den_sh, sem1, sem2, sem3, sem4, sem5):
        c = lax.axis_index("c")
        s = lax.axis_index("s")
        z16 = jnp.zeros((LANES,), f32)

        for i in range(40):
            zbuf[i, pl.ds(0, LANES)] = z16
            zbuf[i, pl.ds(LANES, LANES)] = z16
        for i in range(3):
            zden[pl.ds(i * LANES, LANES)] = z16

        pltpu.sync_copy(attsc.at[c], attv)

        lane = lax.iota(jnp.int32, LANES)
        zero_base = stripe * s

        def zero_body(k, _):
            pltpu.sync_copy(zbuf, num_sh.at[pl.ds(zero_base + k * 40, 40)])
            pltpu.sync_copy(zden.at[pl.ds(0, 40)],
                            den_sh.at[pl.ds(zero_base + k * 40, 40)])
            return 0

        att0 = attv[pl.ds(0, LANES)]
        att1 = attv[pl.ds(LANES, LANES)]
        last = jnp.full((LANES,), LANES - 1, jnp.int32)
        m0 = lane == 0

        for r in range(3):
            lax.fori_loop(0, 80, zero_body, 0)
            plsc.subcore_barrier()

            t_vec = jnp.full((LANES,), (2 * r) * n, jnp.int32) + c * n
            att0 = attv[pl.ds(0, LANES)]
            att1 = attv[pl.ds(LANES, LANES)]
            row_base = s * rows_pt

            pltpu.sync_copy(srcg.at[r, c, row_base], idx_s.at[0])
            pltpu.sync_copy(dstg.at[r, c, row_base], idx_dg.at[0])
            pltpu.sync_copy(srcg.at[r, c, row_base + 1], idx_s.at[1])
            pltpu.sync_copy(dstg.at[r, c, row_base + 1], idx_dg.at[1])
            pltpu.async_copy(xl6.at[idx_s.at[0]], xlr.at[0], sem1)
            pltpu.async_copy(xr6.at[idx_dg.at[0]], xrr.at[0], sem2)

            def chunk_body(j, _):
                p = jnp.bitwise_and(j, 1)
                q = 1 - p
                pltpu.make_async_copy(xl6.at[idx_s.at[p]], xlr.at[p],
                                      sem1).wait()
                pltpu.make_async_copy(xr6.at[idx_dg.at[p]], xrr.at[p],
                                      sem2).wait()

                @pl.when(j >= 2)
                def _():
                    pltpu.make_async_copy(outr.at[p],
                                          num_sh.at[sidx.at[p]], sem3).wait()
                    pltpu.make_async_copy(exb.at[p],
                                          den_sh.at[sidx.at[p]], sem4).wait()

                def unoff_body(g, _):
                    sl = pl.ds(g * LANES, LANES)
                    sidx[p, sl] = idx_dg[p, sl] - t_vec
                    return 0

                lax.fori_loop(0, 8, unoff_body, 0)

                @pl.when(j + 2 < nchunks)
                def _():
                    pltpu.async_copy(srcg.at[r, c, row_base + j + 2],
                                     idx_s.at[p], sem5)
                    pltpu.async_copy(dstg.at[r, c, row_base + j + 2],
                                     idx_dg.at[p], sem5)

                @pl.when(j + 1 < nchunks)
                def _():
                    @pl.when(j >= 1)
                    def _():
                        pltpu.make_async_copy(srcg.at[r, c, row_base + j + 1],
                                              idx_s.at[q], sem5).wait()
                        pltpu.make_async_copy(dstg.at[r, c, row_base + j + 1],
                                              idx_dg.at[q], sem5).wait()
                    pltpu.async_copy(xl6.at[idx_s.at[q]], xlr.at[q], sem1)
                    pltpu.async_copy(xr6.at[idx_dg.at[q]], xrr.at[q], sem2)

                pp = jnp.zeros((LANES,), jnp.int32) + p

                @plsc.parallel_loop(0, 128, unroll=8)
                def edge_body(e):
                    xl0 = xlr[p, e, pl.ds(0, LANES)]
                    xl1 = xlr[p, e, pl.ds(LANES, LANES)]
                    xr0 = xrr[p, e, pl.ds(0, LANES)]
                    xr1 = xrr[p, e, pl.ds(LANES, LANES)]
                    z0 = xl0 + xr0
                    z1 = xl1 + xr1
                    t = (jnp.maximum(z0, 0.2 * z0) * att0
                         + jnp.maximum(z1, 0.2 * z1) * att1)
                    tot = jnp.take_along_axis(plsc.cumsum(t), last, axis=0)
                    ex = jnp.exp(tot)
                    outr[p, e, pl.ds(0, LANES)] = xl0 * ex
                    outr[p, e, pl.ds(LANES, LANES)] = xl1 * ex
                    plsc.store_scatter(
                        exb, [pp, jnp.full((LANES,), e, jnp.int32)],
                        ex, mask=m0)

                pltpu.async_copy(outr.at[p], num_sh.at[sidx.at[p]], sem3,
                                 add=True)
                pltpu.async_copy(exb.at[p], den_sh.at[sidx.at[p]], sem4,
                                 add=True)
                return 0

            lax.fori_loop(0, nchunks, chunk_body, 0)

            for k in (nchunks - 2, nchunks - 1):
                pk = k % 2
                pltpu.make_async_copy(outr.at[pk],
                                      num_sh.at[sidx.at[pk]], sem3).wait()
                pltpu.make_async_copy(exb.at[pk],
                                      den_sh.at[sidx.at[pk]], sem4).wait()

            plsc.subcore_barrier()

            t_off = (2 * r + c) * n
            b0 = stripe * s
            pltpu.sync_copy(num_sh.at[pl.ds(b0, stripe)],
                            num_out.at[pl.ds(t_off + b0, stripe)])
            pltpu.sync_copy(den_sh.at[pl.ds(b0, stripe)],
                            den_out.at[pl.ds(t_off + b0, stripe)])

            @pl.when(s == NS - 1)
            def _():
                pltpu.sync_copy(num_sh.at[pl.ds(15 * stripe + stripe, 80)],
                                num_out.at[pl.ds(t_off + 16 * stripe, 80)])
                pltpu.sync_copy(den_sh.at[pl.ds(15 * stripe + stripe, 80)],
                                den_out.at[pl.ds(t_off + 16 * stripe, 80)])

    return sc_edges


def _finalize_body(num, den, xl6, xr6, att64, bias,
                   hw1a, hb1a, hw2a, hb2a, hw1b, hb1b, hw2b, hb2b,
                   hw1c, hb1c, hw2c, hb2c, out):
    heads = ((hw1a, hb1a, hw2a, hb2a), (hw1b, hb1b, hw2b, hb2b),
             (hw1c, hb1c, hw2c, hb2c))
    preds = []
    for r in range(3):
        gs = []
        for h in range(H):
            t = 2 * r + h
            xl = xl6[t, :, :]
            z = xl + xr6[t, :, :]
            logit = jnp.sum(_lrelu(z) * att64[:, h * D:(h + 1) * D],
                            axis=1, keepdims=True)
            ex = jnp.exp(logit)
            dent = den[t, :, :] + ex
            numt = num[t, :, :] + xl * ex
            gs.append(numt / (dent + 1e-16))
        gout = 0.5 * (gs[0] + gs[1]) + bias[...]
        gact = _gelu(gout)
        hw1, hb1, hw2, hb2 = heads[r]
        h1 = _gelu(jnp.dot(gact, hw1[...]) + hb1[...])
        z2 = jnp.dot(h1, hw2[...]) + hb2[...]
        preds.append(jax.nn.sigmoid(z2))
    out[...] = jnp.concatenate(preds, axis=1)


def _run_finalize(num6, den6, xl6, xr6, params, n):
    grid = n // BN
    full = lambda shape: pl.BlockSpec(shape, lambda i: tuple(0 for _ in shape))
    g = params["gat"]
    att64 = g["att"].reshape(1, H * D)
    bias = g["bias"].reshape(1, D)
    wargs = [att64, bias]
    for risk in RISKS:
        p = params[risk]
        wargs += [p["head_W1"], p["head_b1"].reshape(1, D),
                  p["head_W2"], p["head_b2"].reshape(1, 1)]
    num = num6.reshape(6, n, D)
    den = den6.reshape(6, n, 1)
    in_specs = [pl.BlockSpec((6, BN, D), lambda i: (0, i, 0)),
                pl.BlockSpec((6, BN, 1), lambda i: (0, i, 0)),
                pl.BlockSpec((6, BN, D), lambda i: (0, i, 0)),
                pl.BlockSpec((6, BN, D), lambda i: (0, i, 0))]
    in_specs += [full(w.shape) for w in wargs]
    return pl.pallas_call(
        _finalize_body,
        grid=(grid,),
        in_specs=in_specs,
        out_specs=pl.BlockSpec((BN, 3), lambda i: (i, 0)),
        out_shape=jax.ShapeDtypeStruct((n, 3), jnp.float32),
    )(num, den, xl6.reshape(6, n, D), xr6.reshape(6, n, D), *wargs)


def kernel(mod1, mod2, mod3, mod4, edge_index, params):
    n = mod1.shape[0]
    e = edge_index.shape[1]

    lat_a, lat_b, lat_c, xl6, xr6 = _run_prepass(
        (mod1, mod2, mod3, mod4), params, n)

    nchunks = -(-e // (NS * 128))
    ep = NS * 128 * nchunks
    pad = ep - e
    src = jnp.concatenate([edge_index[0],
                           jnp.zeros((pad,), edge_index.dtype)])
    dst_raw = edge_index[1]
    dst = jnp.concatenate([dst_raw,
                           jnp.full((pad,), n, edge_index.dtype)])
    offs = (jnp.arange(6, dtype=jnp.int32) * n).reshape(3, 2, 1)
    srcg = (src[None, None, :] + offs).reshape(3, 2, ep // 128, 128)
    dstg = (dst[None, None, :] + offs).reshape(3, 2, ep // 128, 128)

    xl6f = jnp.concatenate([xl6.reshape(6 * n, D),
                            jnp.zeros((8, D), jnp.float32)])
    xr6f = jnp.concatenate([xr6.reshape(6 * n, D),
                            jnp.zeros((8, D), jnp.float32)])
    attsc = params["gat"]["att"]

    nrows = n + 56
    sc = _make_sc_kernel(n, ep, nrows, nchunks)
    num6, den6 = sc(xl6f, xr6f, srcg, dstg, attsc)

    risk_vector = _run_finalize(num6, den6, xl6, xr6, params, n)
    return (risk_vector, lat_a, lat_b, lat_c)

# --- scband reference (transcript-rebuilt; emitter-appended) ---
"""Pipeline reference for scband-orthogonal-gdifnet-67190468379186 (READ-ONLY COPY).

The authoritative reference and input builder live on the scoring server;
editing this copy changes nothing except your own understanding.
"""

import jax, jax.numpy as jnp
import numpy as np

RISK_TYPES = ["risk_a", "risk_b", "risk_c"]
INPUT_MAP = {"risk_a": ["mod1", "mod2"], "risk_b": ["mod2", "mod3"], "risk_c": ["mod1", "mod3", "mod4"]}
LATENT_DIM = 32
HEADS = 2
N_NODES = 50000
N_EDGES = 800000

def _init_linear(key, fan_in, fan_out):
    k1, k2 = jax.random.split(key)
    bound = 1.0 / np.sqrt(fan_in)
    W = jax.random.uniform(k1, (fan_in, fan_out), minval=-bound, maxval=bound, dtype=jnp.float32)
    b = jax.random.uniform(k2, (fan_out,), minval=-bound, maxval=bound, dtype=jnp.float32)
    return W, b

def setup_inputs(seed: int = 0):
    key = jax.random.key(seed)
    ks = jax.random.split(key, 24)
    inputs = {}
    inputs["mod1"] = jax.random.normal(ks[0], (N_NODES, 1), dtype=jnp.float32)
    inputs["mod2"] = jax.random.normal(ks[1], (N_NODES, 1), dtype=jnp.float32)
    inputs["mod3"] = jax.random.normal(ks[2], (N_NODES, 1), dtype=jnp.float32)
    inputs["mod4"] = jax.random.normal(ks[3], (N_NODES, 1), dtype=jnp.float32)
    inputs["edge_index"] = jax.random.randint(ks[4], (2, N_EDGES), 0, N_NODES, dtype=jnp.int32)
    params = {}
    kidx = 5
    for risk in RISK_TYPES:
        n_in = len(INPUT_MAP[risk])
        eW1, eb1 = _init_linear(ks[kidx], n_in, 64); kidx += 1
        eW2, eb2 = _init_linear(ks[kidx], 64, LATENT_DIM); kidx += 1
        hW1, hb1 = _init_linear(ks[kidx], LATENT_DIM, 32); kidx += 1
        hW2, hb2 = _init_linear(ks[kidx], 32, 1); kidx += 1
        params[risk] = {"enc_W1": eW1, "enc_b1": eb1, "enc_W2": eW2, "enc_b2": eb2,
                        "head_W1": hW1, "head_b1": hb1, "head_W2": hW2, "head_b2": hb2}
    g = np.sqrt(6.0 / (LATENT_DIM + HEADS * LATENT_DIM))
    params["gat"] = {
        "Wl": jax.random.uniform(ks[kidx], (LATENT_DIM, HEADS * LATENT_DIM), minval=-g, maxval=g, dtype=jnp.float32),
        "Wr": jax.random.uniform(ks[kidx + 1], (LATENT_DIM, HEADS * LATENT_DIM), minval=-g, maxval=g, dtype=jnp.float32),
        "att": jax.random.uniform(ks[kidx + 2], (HEADS, LATENT_DIM), minval=-g, maxval=g, dtype=jnp.float32),
        "bias": jnp.zeros((LATENT_DIM,), dtype=jnp.float32),
    }
    inputs["params"] = params
    return inputs

def _gatv2(x, src, dst, p):
    N = x.shape[0]
    xl = (x @ p["Wl"]).reshape(N, HEADS, LATENT_DIM)
    xr = (x @ p["Wr"]).reshape(N, HEADS, LATENT_DIM)
    e = jax.nn.leaky_relu(xl[src] + xr[dst], negative_slope=0.2)
    logits = jnp.sum(e * p["att"][None], axis=-1)  # [E, heads]
    m = jax.ops.segment_max(logits, dst, num_segments=N)
    ex = jnp.exp(logits - m[dst])
    denom = jax.ops.segment_sum(ex, dst, num_segments=N)
    alpha = ex / (denom[dst] + 1e-16)
    out = jax.ops.segment_sum(xl[src] * alpha[..., None], dst, num_segments=N)
    return out.mean(axis=1) + p["bias"]

def _forward(mods, params, edge_index):
    N = mods["mod1"].shape[0]
    loops = jnp.arange(N, dtype=edge_index.dtype)
    src = jnp.concatenate([edge_index[0], loops])  # PyG add_self_loops=True default
    dst = jnp.concatenate([edge_index[1], loops])
    latents = {}
    for risk in RISK_TYPES:
        xin = jnp.concatenate([mods[m] for m in INPUT_MAP[risk]], axis=1)
        p = params[risk]
        h = jax.nn.gelu(xin @ p["enc_W1"] + p["enc_b1"], approximate=False)
        latents[risk] = h @ p["enc_W2"] + p["enc_b2"]
    preds = []
    for risk in RISK_TYPES:
        gout = jax.nn.gelu(_gatv2(latents[risk], src, dst, params["gat"]), approximate=False)
        p = params[risk]
        h = jax.nn.gelu(gout @ p["head_W1"] + p["head_b1"], approximate=False)
        preds.append(jax.nn.sigmoid(h @ p["head_W2"] + p["head_b2"]))
    return jnp.concatenate(preds, axis=1), latents

def reference(mod1, mod2, mod3, mod4, edge_index, params):
    mods = {"mod1": mod1, "mod2": mod2, "mod3": mod3, "mod4": mod4}
    risk_vector, latents = _forward(mods, params, edge_index)
    return (risk_vector, latents["risk_a"], latents["risk_b"], latents["risk_c"])

if __name__ == "__main__":
    import jax
    _d = setup_inputs()
    print(jax.jit(kernel)(*tuple(_d.values())))

</pallas_src>

<mosaic_0001>
#map = affine_map<(d0, d1) -> (0, 0)>
#map1 = affine_map<(d0, d1) -> (0, 0, 0, 0)>
#map2 = affine_map<(d0, d1) -> (0)>
module attributes {stable_mosaic.version = 14 : i64} {
  func.func @sc_edges(%arg0: i32, %arg1: i32, %arg2: memref<300008x32xf32, #tpu.memory_space<hbm>>, %arg3: memref<300008x32xf32, #tpu.memory_space<hbm>>, %arg4: memref<3x2x6256x128xi32, #tpu.memory_space<hbm>>, %arg5: memref<3x2x6256x128xi32, #tpu.memory_space<hbm>>, %arg6: memref<2x32xf32, #tpu.memory_space<hbm>>, %arg7: memref<300000x32xf32, #tpu.memory_space<hbm>>, %arg8: memref<300000xf32, #tpu.memory_space<hbm>>, %arg9: memref<2x128xi32, #tpu.memory_space<vmem>>, %arg10: memref<2x128xi32, #tpu.memory_space<vmem>>, %arg11: memref<2x128xi32, #tpu.memory_space<vmem>>, %arg12: memref<2x128x32xf32, #tpu.memory_space<vmem>>, %arg13: memref<2x128x32xf32, #tpu.memory_space<vmem>>, %arg14: memref<2x128x32xf32, #tpu.memory_space<vmem>>, %arg15: memref<2x128xf32, #tpu.memory_space<vmem>>, %arg16: memref<32xf32, #tpu.memory_space<vmem>>, %arg17: memref<40x32xf32, #tpu.memory_space<vmem>>, %arg18: memref<48xf32, #tpu.memory_space<vmem>>, %arg19: memref<50056x32xf32, #tpu.memory_space<vmem_shared>>, %arg20: memref<50056xf32, #tpu.memory_space<vmem_shared>>, %arg21: memref<!tpu.dma_semaphore, #tpu.memory_space<semaphore_mem>>, %arg22: memref<!tpu.dma_semaphore, #tpu.memory_space<semaphore_mem>>, %arg23: memref<!tpu.dma_semaphore, #tpu.memory_space<semaphore_mem>>, %arg24: memref<!tpu.dma_semaphore, #tpu.memory_space<semaphore_mem>>, %arg25: memref<!tpu.dma_semaphore, #tpu.memory_space<semaphore_mem>>) attributes {dimension_semantics = [#tpu.dimension_semantics<core_parallel>, #tpu.dimension_semantics<subcore_parallel>], iteration_bounds = array<i64: 2, 16>, scalar_prefetch = 0 : i64, scratch_operands = 17 : i64, tpu.core_type = #tpu.core_type<sc_vector_subcore>, window_params = [{transform_indices = #map}, {transform_indices = #map}, {transform_indices = #map1}, {transform_indices = #map1}, {transform_indices = #map}, {transform_indices = #map}, {transform_indices = #map2}]} {
    %broadcast_in_dim3A = arith.constant 0.000000e+00 : f32
    %broadcast_in_dim3A_0 = vector.broadcast %broadcast_in_dim3A : f32 to vector<16xf32>
    %swap3A = arith.constant 0 : i32
    %swap3A_1 = arith.index_cast %swap3A : i32 to index
    %swap3A_2 = arith.constant 0 : index
    %swap3A_3 = tpu.vector_load %arg17[%swap3A_1, %swap3A_2] {strides = array<i32>} : memref<40x32xf32, #tpu.memory_space<vmem>>, vector<16xf32>,
    tpu.vector_store %arg17[%swap3A_1, %swap3A_2], %broadcast_in_dim3A_0 {strides = array<i32>} : memref<40x32xf32, #tpu.memory_space<vmem>>, vector<16xf32>,
    %swap3A_4 = arith.constant 0 : i32
    %swap3A_5 = arith.index_cast %swap3A_4 : i32 to index
    %swap3A_6 = arith.constant 16 : index
    %swap3A_7 = tpu.vector_load %arg17[%swap3A_5, %swap3A_6] {strides = array<i32>} : memref<40x32xf32, #tpu.memory_space<vmem>>, vector<16xf32>,
    tpu.vector_store %arg17[%swap3A_5, %swap3A_6], %broadcast_in_dim3A_0 {strides = array<i32>} : memref<40x32xf32, #tpu.memory_space<vmem>>, vector<16xf32>,
    %swap3A_8 = arith.constant 1 : i32
    %swap3A_9 = arith.index_cast %swap3A_8 : i32 to index
    %swap3A_10 = arith.constant 0 : index
    %swap3A_11 = tpu.vector_load %arg17[%swap3A_9, %swap3A_10] {strides = array<i32>} : memref<40x32xf32, #tpu.memory_space<vmem>>, vector<16xf32>,
    tpu.vector_store %arg17[%swap3A_9, %swap3A_10], %broadcast_in_dim3A_0 {strides = array<i32>} : memref<40x32xf32, #tpu.memory_space<vmem>>, vector<16xf32>,
    %swap3A_12 = arith.constant 1 : i32
    %swap3A_13 = arith.index_cast %swap3A_12 : i32 to index
    %swap3A_14 = arith.constant 16 : index
    %swap3A_15 = tpu.vector_load %arg17[%swap3A_13, %swap3A_14] {strides = array<i32>} : memref<40x32xf32, #tpu.memory_space<vmem>>, vector<16xf32>,
    tpu.vector_store %arg17[%swap3A_13, %swap3A_14], %broadcast_in_dim3A_0 {strides = array<i32>} : memref<40x32xf32, #tpu.memory_space<vmem>>, vector<16xf32>,
    %swap3A_16 = arith.constant 2 : i32
    %swap3A_17 = arith.index_cast %swap3A_16 : i32 to index
    %swap3A_18 = arith.constant 0 : index
    %swap3A_19 = tpu.vector_load %arg17[%swap3A_17, %swap3A_18] {strides = array<i32>} : memref<40x32xf32, #tpu.memory_space<vmem>>, vector<16xf32>,
    tpu.vector_store %arg17[%swap3A_17, %swap3A_18], %broadcast_in_dim3A_0 {strides = array<i32>} : memref<40x32xf32, #tpu.memory_space<vmem>>, vector<16xf32>,
    %swap3A_20 = arith.constant 2 : i32
    %swap3A_21 = arith.index_cast %swap3A_20 : i32 to index
    %swap3A_22 = arith.constant 16 : index
    %swap3A_23 = tpu.vector_load %arg17[%swap3A_21, %swap3A_22] {strides = array<i32>} : memref<40x32xf32, #tpu.memory_space<vmem>>, vector<16xf32>,
    tpu.vector_store %arg17[%swap3A_21, %swap3A_22], %broadcast_in_dim3A_0 {strides = array<i32>} : memref<40x32xf32, #tpu.memory_space<vmem>>, vector<16xf32>,
    %swap3A_24 = arith.constant 3 : i32
    %swap3A_25 = arith.index_cast %swap3A_24 : i32 to index
    %swap3A_26 = arith.constant 0 : index
    %swap3A_27 = tpu.vector_load %arg17[%swap3A_25, %swap3A_26] {strides = array<i32>} : memref<40x32xf32, #tpu.memory_space<vmem>>, vector<16xf32>,
    tpu.vector_store %arg17[%swap3A_25, %swap3A_26], %broadcast_in_dim3A_0 {strides = array<i32>} : memref<40x32xf32, #tpu.memory_space<vmem>>, vector<16xf32>,
    %swap3A_28 = arith.constant 3 : i32
    %swap3A_29 = arith.index_cast %swap3A_28 : i32 to index
    %swap3A_30 = arith.constant 16 : index
    %swap3A_31 = tpu.vector_load %arg17[%swap3A_29, %swap3A_30] {strides = array<i32>} : memref<40x32xf32, #tpu.memory_space<vmem>>, vector<16xf32>,
    tpu.vector_store %arg17[%swap3A_29, %swap3A_30], %broadcast_in_dim3A_0 {strides = array<i32>} : memref<40x32xf32, #tpu.memory_space<vmem>>, vector<16xf32>,
    %swap3A_32 = arith.constant 4 : i32
    %swap3A_33 = arith.index_cast %swap3A_32 : i32 to index
    %swap3A_34 = arith.constant 0 : index
    %swap3A_35 = tpu.vector_load %arg17[%swap3A_33, %swap3A_34] {strides = array<i32>} : memref<40x32xf32, #tpu.memory_space<vmem>>, vector<16xf32>,
    tpu.vector_store %arg17[%swap3A_33, %swap3A_34], %broadcast_in_dim3A_0 {strides = array<i32>} : memref<40x32xf32, #tpu.memory_space<vmem>>, vector<16xf32>,
    %swap3A_36 = arith.constant 4 : i32
    %swap3A_37 = arith.index_cast %swap3A_36 : i32 to index
    %swap3A_38 = arith.constant 16 : index
    %swap3A_39 = tpu.vector_load %arg17[%swap3A_37, %swap3A_38] {strides = array<i32>} : memref<40x32xf32, #tpu.memory_space<vmem>>, vector<16xf32>,
    tpu.vector_store %arg17[%swap3A_37, %swap3A_38], %broadcast_in_dim3A_0 {strides = array<i32>} : memref<40x32xf32, #tpu.memory_space<vmem>>, vector<16xf32>,
    %swap3A_40 = arith.constant 5 : i32
    %swap3A_41 = arith.index_cast %swap3A_40 : i32 to index
    %swap3A_42 = arith.constant 0 : index
    %swap3A_43 = tpu.vector_load %arg17[%swap3A_41, %swap3A_42] {strides = array<i32>} : memref<40x32xf32, #tpu.memory_space<vmem>>, vector<16xf32>,
    tpu.vector_store %arg17[%swap3A_41, %swap3A_42], %broadcast_in_dim3A_0 {strides = array<i32>} : memref<40x32xf32, #tpu.memory_space<vmem>>, vector<16xf32>,
    %swap3A_44 = arith.constant 5 : i32
    %swap3A_45 = arith.index_cast %swap3A_44 : i32 to index
    %swap3A_46 = arith.constant 16 : index
    %swap3A_47 = tpu.vector_load %arg17[%swap3A_45, %swap3A_46] {strides = array<i32>} : memref<40x32xf32, #tpu.memory_space<vmem>>, vector<16xf32>,
    tpu.vector_store %arg17[%swap3A_45, %swap3A_46], %broadcast_in_dim3A_0 {strides = array<i32>} : memref<40x32xf32, #tpu.memory_space<vmem>>, vector<16xf32>,
    %swap3A_48 = arith.constant 6 : i32
    %swap3A_49 = arith.index_cast %swap3A_48 : i32 to index
    %swap3A_50 = arith.constant 0 : index
    %swap3A_51 = tpu.vector_load %arg17[%swap3A_49, %swap3A_50] {strides = array<i32>} : memref<40x32xf32, #tpu.memory_space<vmem>>, vector<16xf32>,
    tpu.vector_store %arg17[%swap3A_49, %swap3A_50], %broadcast_in_dim3A_0 {strides = array<i32>} : memref<40x32xf32, #tpu.memory_space<vmem>>, vector<16xf32>,
    %swap3A_52 = arith.constant 6 : i32
    %swap3A_53 = arith.index_cast %swap3A_52 : i32 to index
    %swap3A_54 = arith.constant 16 : index
    %swap3A_55 = tpu.vector_load %arg17[%swap3A_53, %swap3A_54] {strides = array<i32>} : memref<40x32xf32, #tpu.memory_space<vmem>>, vector<16xf32>,
    tpu.vector_store %arg17[%swap3A_53, %swap3A_54], %broadcast_in_dim3A_0 {strides = array<i32>} : memref<40x32xf32, #tpu.memory_space<vmem>>, vector<16xf32>,
    %swap3A_56 = arith.constant 7 : i32
    %swap3A_57 = arith.index_cast %swap3A_56 : i32 to index
    %swap3A_58 = arith.constant 0 : index
    %swap3A_59 = tpu.vector_load %arg17[%swap3A_57, %swap3A_58] {strides = array<i32>} : memref<40x32xf32, #tpu.memory_space<vmem>>, vector<16xf32>,
    tpu.vector_store %arg17[%swap3A_57, %swap3A_58], %broadcast_in_dim3A_0 {strides = array<i32>} : memref<40x32xf32, #tpu.memory_space<vmem>>, vector<16xf32>,
    %swap3A_60 = arith.constant 7 : i32
    %swap3A_61 = arith.index_cast %swap3A_60 : i32 to index
    %swap3A_62 = arith.constant 16 : index
    %swap3A_63 = tpu.vector_load %arg17[%swap3A_61, %swap3A_62] {strides = array<i32>} : memref<40x32xf32, #tpu.memory_space<vmem>>, vector<16xf32>,
    tpu.vector_store %arg17[%swap3A_61, %swap3A_62], %broadcast_in_dim3A_0 {strides = array<i32>} : memref<40x32xf32, #tpu.memory_space<vmem>>, vector<16xf32>,
    %swap3A_64 = arith.constant 8 : i32
    %swap3A_65 = arith.index_cast %swap3A_64 : i32 to index
    %swap3A_66 = arith.constant 0 : index
    %swap3A_67 = tpu.vector_load %arg17[%swap3A_65, %swap3A_66] {strides = array<i32>} : memref<40x32xf32, #tpu.memory_space<vmem>>, vector<16xf32>,
    tpu.vector_store %arg17[%swap3A_65, %swap3A_66], %broadcast_in_dim3A_0 {strides = array<i32>} : memref<40x32xf32, #tpu.memory_space<vmem>>, vector<16xf32>,
    %swap3A_68 = arith.constant 8 : i32
    %swap3A_69 = arith.index_cast %swap3A_68 : i32 to index
    %swap3A_70 = arith.constant 16 : index
    %swap3A_71 = tpu.vector_load %arg17[%swap3A_69, %swap3A_70] {strides = array<i32>} : memref<40x32xf32, #tpu.memory_space<vmem>>, vector<16xf32>,
    tpu.vector_store %arg17[%swap3A_69, %swap3A_70], %broadcast_in_dim3A_0 {strides = array<i32>} : memref<40x32xf32, #tpu.memory_space<vmem>>, vector<16xf32>,
    %swap3A_72 = arith.constant 9 : i32
    %swap3A_73 = arith.index_cast %swap3A_72 : i32 to index
    %swap3A_74 = arith.constant 0 : index
    %swap3A_75 = tpu.vector_load %arg17[%swap3A_73, %swap3A_74] {strides = array<i32>} : memref<40x32xf32, #tpu.memory_space<vmem>>, vector<16xf32>,
    tpu.vector_store %arg17[%swap3A_73, %swap3A_74], %broadcast_in_dim3A_0 {strides = array<i32>} : memref<40x32xf32, #tpu.memory_space<vmem>>, vector<16xf32>,
    %swap3A_76 = arith.constant 9 : i32
    %swap3A_77 = arith.index_cast %swap3A_76 : i32 to index
    %swap3A_78 = arith.constant 16 : index
    %swap3A_79 = tpu.vector_load %arg17[%swap3A_77, %swap3A_78] {strides = array<i32>} : memref<40x32xf32, #tpu.memory_space<vmem>>, vector<16xf32>,
    tpu.vector_store %arg17[%swap3A_77, %swap3A_78], %broadcast_in_dim3A_0 {strides = array<i32>} : memref<40x32xf32, #tpu.memory_space<vmem>>, vector<16xf32>,
    %swap3A_80 = arith.constant 10 : i32
    %swap3A_81 = arith.index_cast %swap3A_80 : i32 to index
    %swap3A_82 = arith.constant 0 : index
    %swap3A_83 = tpu.vector_load %arg17[%swap3A_81, %swap3A_82] {strides = array<i32>} : memref<40x32xf32, #tpu.memory_space<vmem>>, vector<16xf32>,
    tpu.vector_store %arg17[%swap3A_81, %swap3A_82], %broadcast_in_dim3A_0 {strides = array<i32>} : memref<40x32xf32, #tpu.memory_space<vmem>>, vector<16xf32>,
    %swap3A_84 = arith.constant 10 : i32
    %swap3A_85 = arith.index_cast %swap3A_84 : i32 to index
    %swap3A_86 = arith.constant 16 : index
    %swap3A_87 = tpu.vector_load %arg17[%swap3A_85, %swap3A_86] {strides = array<i32>} : memref<40x32xf32, #tpu.memory_space<vmem>>, vector<16xf32>,
    tpu.vector_store %arg17[%swap3A_85, %swap3A_86], %broadcast_in_dim3A_0 {strides = array<i32>} : memref<40x32xf32, #tpu.memory_space<vmem>>, vector<16xf32>,
    %swap3A_88 = arith.constant 11 : i32
    %swap3A_89 = arith.index_cast %swap3A_88 : i32 to index
    %swap3A_90 = arith.constant 0 : index
    %swap3A_91 = tpu.vector_load %arg17[%swap3A_89, %swap3A_90] {strides = array<i32>} : memref<40x32xf32, #tpu.memory_space<vmem>>, vector<16xf32>,
    tpu.vector_store %arg17[%swap3A_89, %swap3A_90], %broadcast_in_dim3A_0 {strides = array<i32>} : memref<40x32xf32, #tpu.memory_space<vmem>>, vector<16xf32>,
    %swap3A_92 = arith.constant 11 : i32
    %swap3A_93 = arith.index_cast %swap3A_92 : i32 to index
    %swap3A_94 = arith.constant 16 : index
    %swap3A_95 = tpu.vector_load %arg17[%swap3A_93, %swap3A_94] {strides = array<i32>} : memref<40x32xf32, #tpu.memory_space<vmem>>, vector<16xf32>,
    tpu.vector_store %arg17[%swap3A_93, %swap3A_94], %broadcast_in_dim3A_0 {strides = array<i32>} : memref<40x32xf32, #tpu.memory_space<vmem>>, vector<16xf32>,
    %swap3A_96 = arith.constant 12 : i32
    %swap3A_97 = arith.index_cast %swap3A_96 : i32 to index
    %swap3A_98 = arith.constant 0 : index
    %swap3A_99 = tpu.vector_load %arg17[%swap3A_97, %swap3A_98] {strides = array<i32>} : memref<40x32xf32, #tpu.memory_space<vmem>>, vector<16xf32>,
    tpu.vector_store %arg17[%swap3A_97, %swap3A_98], %broadcast_in_dim3A_0 {strides = array<i32>} : memref<40x32xf32, #tpu.memory_space<vmem>>, vector<16xf32>,
    %swap3A_100 = arith.constant 12 : i32
    %swap3A_101 = arith.index_cast %swap3A_100 : i32 to index
    %swap3A_102 = arith.constant 16 : index
    %swap3A_103 = tpu.vector_load %arg17[%swap3A_101, %swap3A_102] {strides = array<i32>} : memref<40x32xf32, #tpu.memory_space<vmem>>, vector<16xf32>,
    tpu.vector_store %arg17[%swap3A_101, %swap3A_102], %broadcast_in_dim3A_0 {strides = array<i32>} : memref<40x32xf32, #tpu.memory_space<vmem>>, vector<16xf32>,
    %swap3A_104 = arith.constant 13 : i32
    %swap3A_105 = arith.index_cast %swap3A_104 : i32 to index
    %swap3A_106 = arith.constant 0 : index
    %swap3A_107 = tpu.vector_load %arg17[%swap3A_105, %swap3A_106] {strides = array<i32>} : memref<40x32xf32, #tpu.memory_space<vmem>>, vector<16xf32>,
    tpu.vector_store %arg17[%swap3A_105, %swap3A_106], %broadcast_in_dim3A_0 {strides = array<i32>} : memref<40x32xf32, #tpu.memory_space<vmem>>, vector<16xf32>,
    %swap3A_108 = arith.constant 13 : i32
    %swap3A_109 = arith.index_cast %swap3A_108 : i32 to index
    %swap3A_110 = arith.constant 16 : index
    %swap3A_111 = tpu.vector_load %arg17[%swap3A_109, %swap3A_110] {strides = array<i32>} : memref<40x32xf32, #tpu.memory_space<vmem>>, vector<16xf32>,
    tpu.vector_store %arg17[%swap3A_109, %swap3A_110], %broadcast_in_dim3A_0 {strides = array<i32>} : memref<40x32xf32, #tpu.memory_space<vmem>>, vector<16xf32>,
    %swap3A_112 = arith.constant 14 : i32
    %swap3A_113 = arith.index_cast %swap3A_112 : i32 to index
    %swap3A_114 = arith.constant 0 : index
    %swap3A_115 = tpu.vector_load %arg17[%swap3A_113, %swap3A_114] {strides = array<i32>} : memref<40x32xf32, #tpu.memory_space<vmem>>, vector<16xf32>,
    tpu.vector_store %arg17[%swap3A_113, %swap3A_114], %broadcast_in_dim3A_0 {strides = array<i32>} : memref<40x32xf32, #tpu.memory_space<vmem>>, vector<16xf32>,
    %swap3A_116 = arith.constant 14 : i32
    %swap3A_117 = arith.index_cast %swap3A_116 : i32 to index
    %swap3A_118 = arith.constant 16 : index
    %swap3A_119 = tpu.vector_load %arg17[%swap3A_117, %swap3A_118] {strides = array<i32>} : memref<40x32xf32, #tpu.memory_space<vmem>>, vector<16xf32>,
    tpu.vector_store %arg17[%swap3A_117, %swap3A_118], %broadcast_in_dim3A_0 {strides = array<i32>} : memref<40x32xf32, #tpu.memory_space<vmem>>, vector<16xf32>,
    %swap3A_120 = arith.constant 15 : i32
    %swap3A_121 = arith.index_cast %swap3A_120 : i32 to index
    %swap3A_122 = arith.constant 0 : index
    %swap3A_123 = tpu.vector_load %arg17[%swap3A_121, %swap3A_122] {strides = array<i32>} : memref<40x32xf32, #tpu.memory_space<vmem>>, vector<16xf32>,
    tpu.vector_store %arg17[%swap3A_121, %swap3A_122], %broadcast_in_dim3A_0 {strides = array<i32>} : memref<40x32xf32, #tpu.memory_space<vmem>>, vector<16xf32>,
    %swap3A_124 = arith.constant 15 : i32
    %swap3A_125 = arith.index_cast %swap3A_124 : i32 to index
    %swap3A_126 = arith.constant 16 : index
    %swap3A_127 = tpu.vector_load %arg17[%swap3A_125, %swap3A_126] {strides = array<i32>} : memref<40x32xf32, #tpu.memory_space<vmem>>, vector<16xf32>,
    tpu.vector_store %arg17[%swap3A_125, %swap3A_126], %broadcast_in_dim3A_0 {strides = array<i32>} : memref<40x32xf32, #tpu.memory_space<vmem>>, vector<16xf32>,
    %swap3A_128 = arith.constant 16 : i32
    %swap3A_129 = arith.index_cast %swap3A_128 : i32 to index
    %swap3A_130 = arith.constant 0 : index
    %swap3A_131 = tpu.vector_load %arg17[%swap3A_129, %swap3A_130] {strides = array<i32>} : memref<40x32xf32, #tpu.memory_space<vmem>>, vector<16xf32>,
    tpu.vector_store %arg17[%swap3A_129, %swap3A_130], %broadcast_in_dim3A_0 {strides = array<i32>} : memref<40x32xf32, #tpu.memory_space<vmem>>, vector<16xf32>,
    %swap3A_132 = arith.constant 16 : i32
    %swap3A_133 = arith.index_cast %swap3A_132 : i32 to index
    %swap3A_134 = arith.constant 16 : index
    %swap3A_135 = tpu.vector_load %arg17[%swap3A_133, %swap3A_134] {strides = array<i32>} : memref<40x32xf32, #tpu.memory_space<vmem>>, vector<16xf32>,
    tpu.vector_store %arg17[%swap3A_133, %swap3A_134], %broadcast_in_dim3A_0 {strides = array<i32>} : memref<40x32xf32, #tpu.memory_space<vmem>>, vector<16xf32>,
    %swap3A_136 = arith.constant 17 : i32
    %swap3A_137 = arith.index_cast %swap3A_136 : i32 to index
    %swap3A_138 = arith.constant 0 : index
    %swap3A_139 = tpu.vector_load %arg17[%swap3A_137, %swap3A_138] {strides = array<i32>} : memref<40x32xf32, #tpu.memory_space<vmem>>, vector<16xf32>,
    tpu.vector_store %arg17[%swap3A_137, %swap3A_138], %broadcast_in_dim3A_0 {strides = array<i32>} : memref<40x32xf32, #tpu.memory_space<vmem>>, vector<16xf32>,
    %swap3A_140 = arith.constant 17 : i32
    %swap3A_141 = arith.index_cast %swap3A_140 : i32 to index
    %swap3A_142 = arith.constant 16 : index
    %swap3A_143 = tpu.vector_load %arg17[%swap3A_141, %swap3A_142] {strides = array<i32>} : memref<40x32xf32, #tpu.memory_space<vmem>>, vector<16xf32>,
    tpu.vector_store %arg17[%swap3A_141, %swap3A_142], %broadcast_in_dim3A_0 {strides = array<i32>} : memref<40x32xf32, #tpu.memory_space<vmem>>, vector<16xf32>,
    %swap3A_144 = arith.constant 18 : i32
    %swap3A_145 = arith.index_cast %swap3A_144 : i32 to index
    %swap3A_146 = arith.constant 0 : index
    %swap3A_147 = tpu.vector_load %arg17[%swap3A_145, %swap3A_146] {strides = array<i32>} : memref<40x32xf32, #tpu.memory_space<vmem>>, vector<16xf32>,
    tpu.vector_store %arg17[%swap3A_145, %swap3A_146], %broadcast_in_dim3A_0 {strides = array<i32>} : memref<40x32xf32, #tpu.memory_space<vmem>>, vector<16xf32>,
    %swap3A_148 = arith.constant 18 : i32
    %swap3A_149 = arith.index_cast %swap3A_148 : i32 to index
    %swap3A_150 = arith.constant 16 : index
    %swap3A_151 = tpu.vector_load %arg17[%swap3A_149, %swap3A_150] {strides = array<i32>} : memref<40x32xf32, #tpu.memory_space<vmem>>, vector<16xf32>,
    tpu.vector_store %arg17[%swap3A_149, %swap3A_150], %broadcast_in_dim3A_0 {strides = array<i32>} : memref<40x32xf32, #tpu.memory_space<vmem>>, vector<16xf32>,
    %swap3A_152 = arith.constant 19 : i32
    %swap3A_153 = arith.index_cast %swap3A_152 : i32 to index
    %swap3A_154 = arith.constant 0 : index
    %swap3A_155 = tpu.vector_load %arg17[%swap3A_153, %swap3A_154] {strides = array<i32>} : memref<40x32xf32, #tpu.memory_space<vmem>>, vector<16xf32>,
    tpu.vector_store %arg17[%swap3A_153, %swap3A_154], %broadcast_in_dim3A_0 {strides = array<i32>} : memref<40x32xf32, #tpu.memory_space<vmem>>, vector<16xf32>,
    %swap3A_156 = arith.constant 19 : i32
    %swap3A_157 = arith.index_cast %swap3A_156 : i32 to index
    %swap3A_158 = arith.constant 16 : index
    %swap3A_159 = tpu.vector_load %arg17[%swap3A_157, %swap3A_158] {strides = array<i32>} : memref<40x32xf32, #tpu.memory_space<vmem>>, vector<16xf32>,
    tpu.vector_store %arg17[%swap3A_157, %swap3A_158], %broadcast_in_dim3A_0 {strides = array<i32>} : memref<40x32xf32, #tpu.memory_space<vmem>>, vector<16xf32>,
    %swap3A_160 = arith.constant 20 : i32
    %swap3A_161 = arith.index_cast %swap3A_160 : i32 to index
    %swap3A_162 = arith.constant 0 : index
    %swap3A_163 = tpu.vector_load %arg17[%swap3A_161, %swap3A_162] {strides = array<i32>} : memref<40x32xf32, #tpu.memory_space<vmem>>, vector<16xf32>,
    tpu.vector_store %arg17[%swap3A_161, %swap3A_162], %broadcast_in_dim3A_0 {strides = array<i32>} : memref<40x32xf32, #tpu.memory_space<vmem>>, vector<16xf32>,
    %swap3A_164 = arith.constant 20 : i32
    %swap3A_165 = arith.index_cast %swap3A_164 : i32 to index
    %swap3A_166 = arith.constant 16 : index
    %swap3A_167 = tpu.vector_load %arg17[%swap3A_165, %swap3A_166] {strides = array<i32>} : memref<40x32xf32, #tpu.memory_space<vmem>>, vector<16xf32>,
    tpu.vector_store %arg17[%swap3A_165, %swap3A_166], %broadcast_in_dim3A_0 {strides = array<i32>} : memref<40x32xf32, #tpu.memory_space<vmem>>, vector<16xf32>,
    %swap3A_168 = arith.constant 21 : i32
    %swap3A_169 = arith.index_cast %swap3A_168 : i32 to index
    %swap3A_170 = arith.constant 0 : index
    %swap3A_171 = tpu.vector_load %arg17[%swap3A_169, %swap3A_170] {strides = array<i32>} : memref<40x32xf32, #tpu.memory_space<vmem>>, vector<16xf32>,
    tpu.vector_store %arg17[%swap3A_169, %swap3A_170], %broadcast_in_dim3A_0 {strides = array<i32>} : memref<40x32xf32, #tpu.memory_space<vmem>>, vector<16xf32>,
    %swap3A_172 = arith.constant 21 : i32
    %swap3A_173 = arith.index_cast %swap3A_172 : i32 to index
    %swap3A_174 = arith.constant 16 : index
    %swap3A_175 = tpu.vector_load %arg17[%swap3A_173, %swap3A_174] {strides = array<i32>} : memref<40x32xf32, #tpu.memory_space<vmem>>, vector<16xf32>,
    tpu.vector_store %arg17[%swap3A_173, %swap3A_174], %broadcast_in_dim3A_0 {strides = array<i32>} : memref<40x32xf32, #tpu.memory_space<vmem>>, vector<16xf32>,
    %swap3A_176 = arith.constant 22 : i32
    %swap3A_177 = arith.index_cast %swap3A_176 : i32 to index
    %swap3A_178 = arith.constant 0 : index
    %swap3A_179 = tpu.vector_load %arg17[%swap3A_177, %swap3A_178] {strides = array<i32>} : memref<40x32xf32, #tpu.memory_space<vmem>>, vector<16xf32>,
    tpu.vector_store %arg17[%swap3A_177, %swap3A_178], %broadcast_in_dim3A_0 {strides = array<i32>} : memref<40x32xf32, #tpu.memory_space<vmem>>, vector<16xf32>,
    %swap3A_180 = arith.constant 22 : i32
    %swap3A_181 = arith.index_cast %swap3A_180 : i32 to index
    %swap3A_182 = arith.constant 16 : index
    %swap3A_183 = tpu.vector_load %arg17[%swap3A_181, %swap3A_182] {strides = array<i32>} : memref<40x32xf32, #tpu.memory_space<vmem>>, vector<16xf32>,
    tpu.vector_store %arg17[%swap3A_181, %swap3A_182], %broadcast_in_dim3A_0 {strides = array<i32>} : memref<40x32xf32, #tpu.memory_space<vmem>>, vector<16xf32>,
    %swap3A_184 = arith.constant 23 : i32
    %swap3A_185 = arith.index_cast %swap3A_184 : i32 to index
    %swap3A_186 = arith.constant 0 : index
    %swap3A_187 = tpu.vector_load %arg17[%swap3A_185, %swap3A_186] {strides = array<i32>} : memref<40x32xf32, #tpu.memory_space<vmem>>, vector<16xf32>,
    tpu.vector_store %arg17[%swap3A_185, %swap3A_186], %broadcast_in_dim3A_0 {strides = array<i32>} : memref<40x32xf32, #tpu.memory_space<vmem>>, vector<16xf32>,
    %swap3A_188 = arith.constant 23 : i32
    %swap3A_189 = arith.index_cast %swap3A_188 : i32 to index
    %swap3A_190 = arith.constant 16 : index
    %swap3A_191 = tpu.vector_load %arg17[%swap3A_189, %swap3A_190] {strides = array<i32>} : memref<40x32xf32, #tpu.memory_space<vmem>>, vector<16xf32>,
    tpu.vector_store %arg17[%swap3A_189, %swap3A_190], %broadcast_in_dim3A_0 {strides = array<i32>} : memref<40x32xf32, #tpu.memory_space<vmem>>, vector<16xf32>,
    %swap3A_192 = arith.constant 24 : i32
    %swap3A_193 = arith.index_cast %swap3A_192 : i32 to index
    %swap3A_194 = arith.constant 0 : index
    %swap3A_195 = tpu.vector_load %arg17[%swap3A_193, %swap3A_194] {strides = array<i32>} : memref<40x32xf32, #tpu.memory_space<vmem>>, vector<16xf32>,
    tpu.vector_store %arg17[%swap3A_193, %swap3A_194], %broadcast_in_dim3A_0 {strides = array<i32>} : memref<40x32xf32, #tpu.memory_space<vmem>>, vector<16xf32>,
    %swap3A_196 = arith.constant 24 : i32
    %swap3A_197 = arith.index_cast %swap3A_196 : i32 to index
    %swap3A_198 = arith.constant 16 : index
    %swap3A_199 = tpu.vector_load %arg17[%swap3A_197, %swap3A_198] {strides = array<i32>} : memref<40x32xf32, #tpu.memory_space<vmem>>, vector<16xf32>,
    tpu.vector_store %arg17[%swap3A_197, %swap3A_198], %broadcast_in_dim3A_0 {strides = array<i32>} : memref<40x32xf32, #tpu.memory_space<vmem>>, vector<16xf32>,
    %swap3A_200 = arith.constant 25 : i32
    %swap3A_201 = arith.index_cast %swap3A_200 : i32 to index
    %swap3A_202 = arith.constant 0 : index
    %swap3A_203 = tpu.vector_load %arg17[%swap3A_201, %swap3A_202] {strides = array<i32>} : memref<40x32xf32, #tpu.memory_space<vmem>>, vector<16xf32>,
    tpu.vector_store %arg17[%swap3A_201, %swap3A_202], %broadcast_in_dim3A_0 {strides = array<i32>} : memref<40x32xf32, #tpu.memory_space<vmem>>, vector<16xf32>,
    %swap3A_204 = arith.constant 25 : i32
    %swap3A_205 = arith.index_cast %swap3A_204 : i32 to index
    %swap3A_206 = arith.constant 16 : index
    %swap3A_207 = tpu.vector_load %arg17[%swap3A_205, %swap3A_206] {strides = array<i32>} : memref<40x32xf32, #tpu.memory_space<vmem>>, vector<16xf32>,
    tpu.vector_store %arg17[%swap3A_205, %swap3A_206], %broadcast_in_dim3A_0 {strides = array<i32>} : memref<40x32xf32, #tpu.memory_space<vmem>>, vector<16xf32>,
    %swap3A_208 = arith.constant 26 : i32
    %swap3A_209 = arith.index_cast %swap3A_208 : i32 to index
    %swap3A_210 = arith.constant 0 : index
    %swap3A_211 = tpu.vector_load %arg17[%swap3A_209, %swap3A_210] {strides = array<i32>} : memref<40x32xf32, #tpu.memory_space<vmem>>, vector<16xf32>,
    tpu.vector_store %arg17[%swap3A_209, %swap3A_210], %broadcast_in_dim3A_0 {strides = array<i32>} : memref<40x32xf32, #tpu.memory_space<vmem>>, vector<16xf32>,
    %swap3A_212 = arith.constant 26 : i32
    %swap3A_213 = arith.index_cast %swap3A_212 : i32 to index
    %swap3A_214 = arith.constant 16 : index
    %swap3A_215 = tpu.vector_load %arg17[%swap3A_213, %swap3A_214] {strides = array<i32>} : memref<40x32xf32, #tpu.memory_space<vmem>>, vector<16xf32>,
    tpu.vector_store %arg17[%swap3A_213, %swap3A_214], %broadcast_in_dim3A_0 {strides = array<i32>} : memref<40x32xf32, #tpu.memory_space<vmem>>, vector<16xf32>,
    %swap3A_216 = arith.constant 27 : i32
    %swap3A_217 = arith.index_cast %swap3A_216 : i32 to index
    %swap3A_218 = arith.constant 0 : index
    %swap3A_219 = tpu.vector_load %arg17[%swap3A_217, %swap3A_218] {strides = array<i32>} : memref<40x32xf32, #tpu.memory_space<vmem>>, vector<16xf32>,
    tpu.vector_store %arg17[%swap3A_217, %swap3A_218], %broadcast_in_dim3A_0 {strides = array<i32>} : memref<40x32xf32, #tpu.memory_space<vmem>>, vector<16xf32>,
    %swap3A_220 = arith.constant 27 : i32
    %swap3A_221 = arith.index_cast %swap3A_220 : i32 to index
    %swap3A_222 = arith.constant 16 : index
    %swap3A_223 = tpu.vector_load %arg17[%swap3A_221, %swap3A_222] {strides = array<i32>} : memref<40x32xf32, #tpu.memory_space<vmem>>, vector<16xf32>,
    tpu.vector_store %arg17[%swap3A_221, %swap3A_222], %broadcast_in_dim3A_0 {strides = array<i32>} : memref<40x32xf32, #tpu.memory_space<vmem>>, vector<16xf32>,
    %swap3A_224 = arith.constant 28 : i32
    %swap3A_225 = arith.index_cast %swap3A_224 : i32 to index
    %swap3A_226 = arith.constant 0 : index
    %swap3A_227 = tpu.vector_load %arg17[%swap3A_225, %swap3A_226] {strides = array<i32>} : memref<40x32xf32, #tpu.memory_space<vmem>>, vector<16xf32>,
    tpu.vector_store %arg17[%swap3A_225, %swap3A_226], %broadcast_in_dim3A_0 {strides = array<i32>} : memref<40x32xf32, #tpu.memory_space<vmem>>, vector<16xf32>,
    %swap3A_228 = arith.constant 28 : i32
    %swap3A_229 = arith.index_cast %swap3A_228 : i32 to index
    %swap3A_230 = arith.constant 16 : index
    %swap3A_231 = tpu.vector_load %arg17[%swap3A_229, %swap3A_230] {strides = array<i32>} : memref<40x32xf32, #tpu.memory_space<vmem>>, vector<16xf32>,
    tpu.vector_store %arg17[%swap3A_229, %swap3A_230], %broadcast_in_dim3A_0 {strides = array<i32>} : memref<40x32xf32, #tpu.memory_space<vmem>>, vector<16xf32>,
    %swap3A_232 = arith.constant 29 : i32
    %swap3A_233 = arith.index_cast %swap3A_232 : i32 to index
    %swap3A_234 = arith.constant 0 : index
    %swap3A_235 = tpu.vector_load %arg17[%swap3A_233, %swap3A_234] {strides = array<i32>} : memref<40x32xf32, #tpu.memory_space<vmem>>, vector<16xf32>,
    tpu.vector_store %arg17[%swap3A_233, %swap3A_234], %broadcast_in_dim3A_0 {strides = array<i32>} : memref<40x32xf32, #tpu.memory_space<vmem>>, vector<16xf32>,
    %swap3A_236 = arith.constant 29 : i32
    %swap3A_237 = arith.index_cast %swap3A_236 : i32 to index
    %swap3A_238 = arith.constant 16 : index
    %swap3A_239 = tpu.vector_load %arg17[%swap3A_237, %swap3A_238] {strides = array<i32>} : memref<40x32xf32, #tpu.memory_space<vmem>>, vector<16xf32>,
    tpu.vector_store %arg17[%swap3A_237, %swap3A_238], %broadcast_in_dim3A_0 {strides = array<i32>} : memref<40x32xf32, #tpu.memory_space<vmem>>, vector<16xf32>,
    %swap3A_240 = arith.constant 30 : i32
    %swap3A_241 = arith.index_cast %swap3A_240 : i32 to index
    %swap3A_242 = arith.constant 0 : index
    %swap3A_243 = tpu.vector_load %arg17[%swap3A_241, %swap3A_242] {strides = array<i32>} : memref<40x32xf32, #tpu.memory_space<vmem>>, vector<16xf32>,
    tpu.vector_store %arg17[%swap3A_241, %swap3A_242], %broadcast_in_dim3A_0 {strides = array<i32>} : memref<40x32xf32, #tpu.memory_space<vmem>>, vector<16xf32>,
    %swap3A_244 = arith.constant 30 : i32
    %swap3A_245 = arith.index_cast %swap3A_244 : i32 to index
    %swap3A_246 = arith.constant 16 : index
    %swap3A_247 = tpu.vector_load %arg17[%swap3A_245, %swap3A_246] {strides = array<i32>} : memref<40x32xf32, #tpu.memory_space<vmem>>, vector<16xf32>,
    tpu.vector_store %arg17[%swap3A_245, %swap3A_246], %broadcast_in_dim3A_0 {strides = array<i32>} : memref<40x32xf32, #tpu.memory_space<vmem>>, vector<16xf32>,
    %swap3A_248 = arith.constant 31 : i32
    %swap3A_249 = arith.index_cast %swap3A_248 : i32 to index
    %swap3A_250 = arith.constant 0 : index
    %swap3A_251 = tpu.vector_load %arg17[%swap3A_249, %swap3A_250] {strides = array<i32>} : memref<40x32xf32, #tpu.memory_space<vmem>>, vector<16xf32>,
    tpu.vector_store %arg17[%swap3A_249, %swap3A_250], %broadcast_in_dim3A_0 {strides = array<i32>} : memref<40x32xf32, #tpu.memory_space<vmem>>, vector<16xf32>,
    %swap3A_252 = arith.constant 31 : i32
    %swap3A_253 = arith.index_cast %swap3A_252 : i32 to index
    %swap3A_254 = arith.constant 16 : index
    %swap3A_255 = tpu.vector_load %arg17[%swap3A_253, %swap3A_254] {strides = array<i32>} : memref<40x32xf32, #tpu.memory_space<vmem>>, vector<16xf32>,
    tpu.vector_store %arg17[%swap3A_253, %swap3A_254], %broadcast_in_dim3A_0 {strides = array<i32>} : memref<40x32xf32, #tpu.memory_space<vmem>>, vector<16xf32>,
    %swap3A_256 = arith.constant 32 : i32
    %swap3A_257 = arith.index_cast %swap3A_256 : i32 to index
    %swap3A_258 = arith.constant 0 : index
    %swap3A_259 = tpu.vector_load %arg17[%swap3A_257, %swap3A_258] {strides = array<i32>} : memref<40x32xf32, #tpu.memory_space<vmem>>, vector<16xf32>,
    tpu.vector_store %arg17[%swap3A_257, %swap3A_258], %broadcast_in_dim3A_0 {strides = array<i32>} : memref<40x32xf32, #tpu.memory_space<vmem>>, vector<16xf32>,
    %swap3A_260 = arith.constant 32 : i32
    %swap3A_261 = arith.index_cast %swap3A_260 : i32 to index
    %swap3A_262 = arith.constant 16 : index
    %swap3A_263 = tpu.vector_load %arg17[%swap3A_261, %swap3A_262] {strides = array<i32>} : memref<40x32xf32, #tpu.memory_space<vmem>>, vector<16xf32>,
    tpu.vector_store %arg17[%swap3A_261, %swap3A_262], %broadcast_in_dim3A_0 {strides = array<i32>} : memref<40x32xf32, #tpu.memory_space<vmem>>, vector<16xf32>,
    %swap3A_264 = arith.constant 33 : i32
    %swap3A_265 = arith.index_cast %swap3A_264 : i32 to index
    %swap3A_266 = arith.constant 0 : index
    %swap3A_267 = tpu.vector_load %arg17[%swap3A_265, %swap3A_266] {strides = array<i32>} : memref<40x32xf32, #tpu.memory_space<vmem>>, vector<16xf32>,
    tpu.vector_store %arg17[%swap3A_265, %swap3A_266], %broadcast_in_dim3A_0 {strides = array<i32>} : memref<40x32xf32, #tpu.memory_space<vmem>>, vector<16xf32>,
    %swap3A_268 = arith.constant 33 : i32
    %swap3A_269 = arith.index_cast %swap3A_268 : i32 to index
    %swap3A_270 = arith.constant 16 : index
    %swap3A_271 = tpu.vector_load %arg17[%swap3A_269, %swap3A_270] {strides = array<i32>} : memref<40x32xf32, #tpu.memory_space<vmem>>, vector<16xf32>,
    tpu.vector_store %arg17[%swap3A_269, %swap3A_270], %broadcast_in_dim3A_0 {strides = array<i32>} : memref<40x32xf32, #tpu.memory_space<vmem>>, vector<16xf32>,
    %swap3A_272 = arith.constant 34 : i32
    %swap3A_273 = arith.index_cast %swap3A_272 : i32 to index
    %swap3A_274 = arith.constant 0 : index
    %swap3A_275 = tpu.vector_load %arg17[%swap3A_273, %swap3A_274] {strides = array<i32>} : memref<40x32xf32, #tpu.memory_space<vmem>>, vector<16xf32>,
    tpu.vector_store %arg17[%swap3A_273, %swap3A_274], %broadcast_in_dim3A_0 {strides = array<i32>} : memref<40x32xf32, #tpu.memory_space<vmem>>, vector<16xf32>,
    %swap3A_276 = arith.constant 34 : i32
    %swap3A_277 = arith.index_cast %swap3A_276 : i32 to index
    %swap3A_278 = arith.constant 16 : index
    %swap3A_279 = tpu.vector_load %arg17[%swap3A_277, %swap3A_278] {strides = array<i32>} : memref<40x32xf32, #tpu.memory_space<vmem>>, vector<16xf32>,
    tpu.vector_store %arg17[%swap3A_277, %swap3A_278], %broadcast_in_dim3A_0 {strides = array<i32>} : memref<40x32xf32, #tpu.memory_space<vmem>>, vector<16xf32>,
    %swap3A_280 = arith.constant 35 : i32
    %swap3A_281 = arith.index_cast %swap3A_280 : i32 to index
    %swap3A_282 = arith.constant 0 : index
    %swap3A_283 = tpu.vector_load %arg17[%swap3A_281, %swap3A_282] {strides = array<i32>} : memref<40x32xf32, #tpu.memory_space<vmem>>, vector<16xf32>,
    tpu.vector_store %arg17[%swap3A_281, %swap3A_282], %broadcast_in_dim3A_0 {strides = array<i32>} : memref<40x32xf32, #tpu.memory_space<vmem>>, vector<16xf32>,
    %swap3A_284 = arith.constant 35 : i32
    %swap3A_285 = arith.index_cast %swap3A_284 : i32 to index
    %swap3A_286 = arith.constant 16 : index
    %swap3A_287 = tpu.vector_load %arg17[%swap3A_285, %swap3A_286] {strides = array<i32>} : memref<40x32xf32, #tpu.memory_space<vmem>>, vector<16xf32>,
    tpu.vector_store %arg17[%swap3A_285, %swap3A_286], %broadcast_in_dim3A_0 {strides = array<i32>} : memref<40x32xf32, #tpu.memory_space<vmem>>, vector<16xf32>,
    %swap3A_288 = arith.constant 36 : i32
    %swap3A_289 = arith.index_cast %swap3A_288 : i32 to index
    %swap3A_290 = arith.constant 0 : index
    %swap3A_291 = tpu.vector_load %arg17[%swap3A_289, %swap3A_290] {strides = array<i32>} : memref<40x32xf32, #tpu.memory_space<vmem>>, vector<16xf32>,
    tpu.vector_store %arg17[%swap3A_289, %swap3A_290], %broadcast_in_dim3A_0 {strides = array<i32>} : memref<40x32xf32, #tpu.memory_space<vmem>>, vector<16xf32>,
    %swap3A_292 = arith.constant 36 : i32
    %swap3A_293 = arith.index_cast %swap3A_292 : i32 to index
    %swap3A_294 = arith.constant 16 : index
    %swap3A_295 = tpu.vector_load %arg17[%swap3A_293, %swap3A_294] {strides = array<i32>} : memref<40x32xf32, #tpu.memory_space<vmem>>, vector<16xf32>,
    tpu.vector_store %arg17[%swap3A_293, %swap3A_294], %broadcast_in_dim3A_0 {strides = array<i32>} : memref<40x32xf32, #tpu.memory_space<vmem>>, vector<16xf32>,
    %swap3A_296 = arith.constant 37 : i32
    %swap3A_297 = arith.index_cast %swap3A_296 : i32 to index
    %swap3A_298 = arith.constant 0 : index
    %swap3A_299 = tpu.vector_load %arg17[%swap3A_297, %swap3A_298] {strides = array<i32>} : memref<40x32xf32, #tpu.memory_space<vmem>>, vector<16xf32>,
    tpu.vector_store %arg17[%swap3A_297, %swap3A_298], %broadcast_in_dim3A_0 {strides = array<i32>} : memref<40x32xf32, #tpu.memory_space<vmem>>, vector<16xf32>,
    %swap3A_300 = arith.constant 37 : i32
    %swap3A_301 = arith.index_cast %swap3A_300 : i32 to index
    %swap3A_302 = arith.constant 16 : index
    %swap3A_303 = tpu.vector_load %arg17[%swap3A_301, %swap3A_302] {strides = array<i32>} : memref<40x32xf32, #tpu.memory_space<vmem>>, vector<16xf32>,
    tpu.vector_store %arg17[%swap3A_301, %swap3A_302], %broadcast_in_dim3A_0 {strides = array<i32>} : memref<40x32xf32, #tpu.memory_space<vmem>>, vector<16xf32>,
    %swap3A_304 = arith.constant 38 : i32
    %swap3A_305 = arith.index_cast %swap3A_304 : i32 to index
    %swap3A_306 = arith.constant 0 : index
    %swap3A_307 = tpu.vector_load %arg17[%swap3A_305, %swap3A_306] {strides = array<i32>} : memref<40x32xf32, #tpu.memory_space<vmem>>, vector<16xf32>,
    tpu.vector_store %arg17[%swap3A_305, %swap3A_306], %broadcast_in_dim3A_0 {strides = array<i32>} : memref<40x32xf32, #tpu.memory_space<vmem>>, vector<16xf32>,
    %swap3A_308 = arith.constant 38 : i32
    %swap3A_309 = arith.index_cast %swap3A_308 : i32 to index
    %swap3A_310 = arith.constant 16 : index
    %swap3A_311 = tpu.vector_load %arg17[%swap3A_309, %swap3A_310] {strides = array<i32>} : memref<40x32xf32, #tpu.memory_space<vmem>>, vector<16xf32>,
    tpu.vector_store %arg17[%swap3A_309, %swap3A_310], %broadcast_in_dim3A_0 {strides = array<i32>} : memref<40x32xf32, #tpu.memory_space<vmem>>, vector<16xf32>,
    %swap3A_312 = arith.constant 39 : i32
    %swap3A_313 = arith.index_cast %swap3A_312 : i32 to index
    %swap3A_314 = arith.constant 0 : index
    %swap3A_315 = tpu.vector_load %arg17[%swap3A_313, %swap3A_314] {strides = array<i32>} : memref<40x32xf32, #tpu.memory_space<vmem>>, vector<16xf32>,
    tpu.vector_store %arg17[%swap3A_313, %swap3A_314], %broadcast_in_dim3A_0 {strides = array<i32>} : memref<40x32xf32, #tpu.memory_space<vmem>>, vector<16xf32>,
    %swap3A_316 = arith.constant 39 : i32
    %swap3A_317 = arith.index_cast %swap3A_316 : i32 to index
    %swap3A_318 = arith.constant 16 : index
    %swap3A_319 = tpu.vector_load %arg17[%swap3A_317, %swap3A_318] {strides = array<i32>} : memref<40x32xf32, #tpu.memory_space<vmem>>, vector<16xf32>,
    tpu.vector_store %arg17[%swap3A_317, %swap3A_318], %broadcast_in_dim3A_0 {strides = array<i32>} : memref<40x32xf32, #tpu.memory_space<vmem>>, vector<16xf32>,
    %swap3A_320 = arith.constant 0 : index
    %swap3A_321 = tpu.vector_load %arg18[%swap3A_320] {strides = array<i32>} : memref<48xf32, #tpu.memory_space<vmem>>, vector<16xf32>,
    tpu.vector_store %arg18[%swap3A_320], %broadcast_in_dim3A_0 {strides = array<i32>} : memref<48xf32, #tpu.memory_space<vmem>>, vector<16xf32>,
    %swap3A_322 = arith.constant 16 : index
    %swap3A_323 = tpu.vector_load %arg18[%swap3A_322] {strides = array<i32>} : memref<48xf32, #tpu.memory_space<vmem>>, vector<16xf32>,
    tpu.vector_store %arg18[%swap3A_322], %broadcast_in_dim3A_0 {strides = array<i32>} : memref<48xf32, #tpu.memory_space<vmem>>, vector<16xf32>,
    %swap3A_324 = arith.constant 32 : index
    %swap3A_325 = tpu.vector_load %arg18[%swap3A_324] {strides = array<i32>} : memref<48xf32, #tpu.memory_space<vmem>>, vector<16xf32>,
    tpu.vector_store %arg18[%swap3A_324], %broadcast_in_dim3A_0 {strides = array<i32>} : memref<48xf32, #tpu.memory_space<vmem>>, vector<16xf32>,
    "tpu.region"() ({
      %run_scoped3A_689 = tpu.sem_alloc : memref<!tpu.dma_semaphore, #tpu.memory_space<semaphore_mem>>
      %dma_start3A_690 = arith.constant 0 : i32
      %dma_start3A_691 = tpu.memref_slice %arg6[%arg0, %dma_start3A_690] : memref<2x32xf32, #tpu.memory_space<hbm>> -> memref<1x32xf32, #tpu.memory_space<hbm>>
      %dma_start3A_692 = tpu.memref_squeeze %dma_start3A_691 : memref<1x32xf32, #tpu.memory_space<hbm>> -> memref<32xf32, #tpu.memory_space<hbm>>
      %dma_start3A_693 = arith.constant 0 : i32
      %dma_start3A_694 = tpu.memref_slice %arg6[%arg0, %dma_start3A_693] : memref<2x32xf32, #tpu.memory_space<hbm>> -> memref<1x32xf32, #tpu.memory_space<hbm>>
      %dma_start3A_695 = tpu.memref_squeeze %dma_start3A_694 : memref<1x32xf32, #tpu.memory_space<hbm>> -> memref<32xf32, #tpu.memory_space<hbm>>
      tpu.enqueue_dma source(%dma_start3A_695 : memref<32xf32, #tpu.memory_space<hbm>>) target(%arg16 : memref<32xf32, #tpu.memory_space<vmem>>) target_semaphore(%run_scoped3A_689 : memref<!tpu.dma_semaphore, #tpu.memory_space<semaphore_mem>>)
      %dma_wait3A_696 = arith.constant 0 : i32
      %dma_wait3A_697 = tpu.memref_slice %arg6[%arg0, %dma_wait3A_696] : memref<2x32xf32, #tpu.memory_space<hbm>> -> memref<1x32xf32, #tpu.memory_space<hbm>>
      %dma_wait3A_698 = tpu.memref_squeeze %dma_wait3A_697 : memref<1x32xf32, #tpu.memory_space<hbm>> -> memref<32xf32, #tpu.memory_space<hbm>>
      %dma_wait3A_699 = arith.constant 0 : i32
      %dma_wait3A_700 = tpu.memref_slice %arg6[%arg0, %dma_wait3A_699] : memref<2x32xf32, #tpu.memory_space<hbm>> -> memref<1x32xf32, #tpu.memory_space<hbm>>
      %dma_wait3A_701 = tpu.memref_squeeze %dma_wait3A_700 : memref<1x32xf32, #tpu.memory_space<hbm>> -> memref<32xf32, #tpu.memory_space<hbm>>
      tpu.wait_dma2 semaphore(%run_scoped3A_689 : memref<!tpu.dma_semaphore, #tpu.memory_space<semaphore_mem>>) src(%dma_wait3A_701 : memref<32xf32, #tpu.memory_space<hbm>>) dst(%arg16 : memref<32xf32, #tpu.memory_space<vmem>>)
      tpu.yield
    }) : () -> ()
    %iota3A = tpu.iota {dimensions = array<i32: 0>} : vector<16xi32>
    %mul3A = arith.constant 3120 : i32
    %mul3A_326 = arith.muli %mul3A, %arg1 : i32
    %get3A = arith.constant 0 : index
    %get3A_327 = tpu.vector_load %arg16[%get3A] {strides = array<i32>} : memref<32xf32, #tpu.memory_space<vmem>>, vector<16xf32>,
    %get3A_328 = arith.constant 16 : index
    %get3A_329 = tpu.vector_load %arg16[%get3A_328] {strides = array<i32>} : memref<32xf32, #tpu.memory_space<vmem>>, vector<16xf32>,
    %broadcast_in_dim3A_330 = arith.constant 15 : i32
    %broadcast_in_dim3A_331 = vector.broadcast %broadcast_in_dim3A_330 : i32 to vector<16xi32>
    %eq3A = arith.constant 0 : i32
    %eq3A_332 = vector.broadcast %eq3A : i32 to vector<16xi32>
    %eq3A_333 = arith.cmpi eq, %iota3A, %eq3A_332 : vector<16xi32>
    %scan3A = arith.constant 0 : i32
    %scan3A_334 = arith.constant 0 : i32
    %scan3A_335 = arith.constant 80 : i32
    %scan3A_336 = arith.addi %scan3A_334, %scan3A_335 : i32
    %scan3A_337 = arith.constant 1 : i32
    %scan3A_338 = scf.for %scan3A_689 = %scan3A_334 to %scan3A_336 step %scan3A_337 iter_args(%scan3A_690 = %scan3A) -> (i32)  : i32 {
      %mul3A_691 = arith.constant 40 : i32
      %mul3A_692 = arith.muli %scan3A_689, %mul3A_691 : i32
      %add3A_693 = arith.addi %mul3A_326, %mul3A_692 : i32
      "tpu.region"() ({
        %run_scoped3A_698 = tpu.sem_alloc : memref<!tpu.dma_semaphore, #tpu.memory_space<semaphore_mem>>
        %dma_start3A_699 = arith.constant 0 : i32
        %dma_start3A_700 = tpu.memref_slice %arg19[%add3A_693, %dma_start3A_699] : memref<50056x32xf32, #tpu.memory_space<vmem_shared>> -> memref<40x32xf32, #tpu.memory_space<vmem_shared>>
        %dma_start3A_701 = arith.constant 0 : i32
        %dma_start3A_702 = tpu.memref_slice %arg19[%add3A_693, %dma_start3A_701] : memref<50056x32xf32, #tpu.memory_space<vmem_shared>> -> memref<40x32xf32, #tpu.memory_space<vmem_shared>>
        tpu.enqueue_dma source(%arg17 : memref<40x32xf32, #tpu.memory_space<vmem>>) target(%dma_start3A_702 : memref<40x32xf32, #tpu.memory_space<vmem_shared>>) target_semaphore(%run_scoped3A_698 : memref<!tpu.dma_semaphore, #tpu.memory_space<semaphore_mem>>)
        %dma_wait3A_703 = arith.constant 0 : i32
        %dma_wait3A_704 = tpu.memref_slice %arg19[%add3A_693, %dma_wait3A_703] : memref<50056x32xf32, #tpu.memory_space<vmem_shared>> -> memref<40x32xf32, #tpu.memory_space<vmem_shared>>
        %dma_wait3A_705 = arith.constant 0 : i32
        %dma_wait3A_706 = tpu.memref_slice %arg19[%add3A_693, %dma_wait3A_705] : memref<50056x32xf32, #tpu.memory_space<vmem_shared>> -> memref<40x32xf32, #tpu.memory_space<vmem_shared>>
        tpu.wait_dma2 semaphore(%run_scoped3A_698 : memref<!tpu.dma_semaphore, #tpu.memory_space<semaphore_mem>>) src(%arg17 : memref<40x32xf32, #tpu.memory_space<vmem>>) dst(%dma_wait3A_706 : memref<40x32xf32, #tpu.memory_space<vmem_shared>>)
        tpu.yield
      }) : () -> ()
      %mul3A_694 = arith.constant 40 : i32
      %mul3A_695 = arith.muli %scan3A_689, %mul3A_694 : i32
      %add3A_696 = arith.addi %mul3A_326, %mul3A_695 : i32
      "tpu.region"() ({
        %run_scoped3A_698 = tpu.sem_alloc : memref<!tpu.dma_semaphore, #tpu.memory_space<semaphore_mem>>
        %dma_start3A_699 = arith.constant 0 : i32
        %dma_start3A_700 = tpu.memref_slice %arg18[%dma_start3A_699] : memref<48xf32, #tpu.memory_space<vmem>> -> memref<40xf32, #tpu.memory_space<vmem>>
        %dma_start3A_701 = tpu.memref_slice %arg20[%add3A_696] : memref<50056xf32, #tpu.memory_space<vmem_shared>> -> memref<40xf32, #tpu.memory_space<vmem_shared>>
        %dma_start3A_702 = tpu.memref_slice %arg20[%add3A_696] : memref<50056xf32, #tpu.memory_space<vmem_shared>> -> memref<40xf32, #tpu.memory_space<vmem_shared>>
        %dma_start3A_703 = arith.constant 0 : i32
        %dma_start3A_704 = tpu.memref_slice %arg18[%dma_start3A_703] : memref<48xf32, #tpu.memory_space<vmem>> -> memref<40xf32, #tpu.memory_space<vmem>>
        tpu.enqueue_dma source(%dma_start3A_704 : memref<40xf32, #tpu.memory_space<vmem>>) target(%dma_start3A_702 : memref<40xf32, #tpu.memory_space<vmem_shared>>) target_semaphore(%run_scoped3A_698 : memref<!tpu.dma_semaphore, #tpu.memory_space<semaphore_mem>>)
        %dma_wait3A_705 = arith.constant 0 : i32
        %dma_wait3A_706 = tpu.memref_slice %arg18[%dma_wait3A_705] : memref<48xf32, #tpu.memory_space<vmem>> -> memref<40xf32, #tpu.memory_space<vmem>>
        %dma_wait3A_707 = tpu.memref_slice %arg20[%add3A_696] : memref<50056xf32, #tpu.memory_space<vmem_shared>> -> memref<40xf32, #tpu.memory_space<vmem_shared>>
        %dma_wait3A_708 = tpu.memref_slice %arg20[%add3A_696] : memref<50056xf32, #tpu.memory_space<vmem_shared>> -> memref<40xf32, #tpu.memory_space<vmem_shared>>
        %dma_wait3A_709 = arith.constant 0 : i32
        %dma_wait3A_710 = tpu.memref_slice %arg18[%dma_wait3A_709] : memref<48xf32, #tpu.memory_space<vmem>> -> memref<40xf32, #tpu.memory_space<vmem>>
        tpu.wait_dma2 semaphore(%run_scoped3A_698 : memref<!tpu.dma_semaphore, #tpu.memory_space<semaphore_mem>>) src(%dma_wait3A_710 : memref<40xf32, #tpu.memory_space<vmem>>) dst(%dma_wait3A_708 : memref<40xf32, #tpu.memory_space<vmem_shared>>)
        tpu.yield
      }) : () -> ()
      %scan3A_697 = arith.constant 0 : i32
      scf.yield %scan3A_697 : i32
    }
    %scan3A_339 = arith.constant 80 : i32
    %barrier3A = arith.constant 0 : index
    tpu.barrier barrier_id(%barrier3A)
    %broadcast_in_dim3A_340 = arith.constant 0 : i32
    %broadcast_in_dim3A_341 = vector.broadcast %broadcast_in_dim3A_340 : i32 to vector<16xi32>
    %mul3A_342 = arith.constant 50000 : i32
    %mul3A_343 = arith.muli %arg0, %mul3A_342 : i32
    %add3A = vector.broadcast %mul3A_343 : i32 to vector<16xi32>
    %add3A_344 = arith.addi %broadcast_in_dim3A_341, %add3A : vector<16xi32>
    %get3A_345 = arith.constant 0 : index
    %get3A_346 = tpu.vector_load %arg16[%get3A_345] {strides = array<i32>} : memref<32xf32, #tpu.memory_space<vmem>>, vector<16xf32>,
    %get3A_347 = arith.constant 16 : index
    %get3A_348 = tpu.vector_load %arg16[%get3A_347] {strides = array<i32>} : memref<32xf32, #tpu.memory_space<vmem>>, vector<16xf32>,
    %mul3A_349 = arith.constant 391 : i32
    %mul3A_350 = arith.muli %arg1, %mul3A_349 : i32
    %run_scoped3A = arith.constant 0 : i32
    %run_scoped3A_351 = arith.constant 0 : i32
    "tpu.region"() ({
      %run_scoped3A_689 = tpu.sem_alloc : memref<!tpu.dma_semaphore, #tpu.memory_space<semaphore_mem>>
      %dma_start3A_690 = arith.constant 0 : i32
      %dma_start3A_691 = tpu.memref_slice %arg9[%run_scoped3A_351, %dma_start3A_690] : memref<2x128xi32, #tpu.memory_space<vmem>> -> memref<1x128xi32, #tpu.memory_space<vmem>>
      %dma_start3A_692 = tpu.memref_squeeze %dma_start3A_691 : memref<1x128xi32, #tpu.memory_space<vmem>> -> memref<128xi32, #tpu.memory_space<vmem>>
      %dma_start3A_693 = arith.constant 0 : i32
      %dma_start3A_694 = tpu.memref_slice %arg4[%run_scoped3A, %arg0, %mul3A_350, %dma_start3A_693] : memref<3x2x6256x128xi32, #tpu.memory_space<hbm>> -> memref<1x1x1x128xi32, #tpu.memory_space<hbm>>
      %dma_start3A_695 = tpu.memref_squeeze %dma_start3A_694 : memref<1x1x1x128xi32, #tpu.memory_space<hbm>> -> memref<128xi32, #tpu.memory_space<hbm>>
      %dma_start3A_696 = arith.constant 0 : i32
      %dma_start3A_697 = tpu.memref_slice %arg9[%run_scoped3A_351, %dma_start3A_696] : memref<2x128xi32, #tpu.memory_space<vmem>> -> memref<1x128xi32, #tpu.memory_space<vmem>>
      %dma_start3A_698 = tpu.memref_squeeze %dma_start3A_697 : memref<1x128xi32, #tpu.memory_space<vmem>> -> memref<128xi32, #tpu.memory_space<vmem>>
      %dma_start3A_699 = arith.constant 0 : i32
      %dma_start3A_700 = tpu.memref_slice %arg4[%run_scoped3A, %arg0, %mul3A_350, %dma_start3A_699] : memref<3x2x6256x128xi32, #tpu.memory_space<hbm>> -> memref<1x1x1x128xi32, #tpu.memory_space<hbm>>
      %dma_start3A_701 = tpu.memref_squeeze %dma_start3A_700 : memref<1x1x1x128xi32, #tpu.memory_space<hbm>> -> memref<128xi32, #tpu.memory_space<hbm>>
      tpu.enqueue_dma source(%dma_start3A_701 : memref<128xi32, #tpu.memory_space<hbm>>) target(%dma_start3A_698 : memref<128xi32, #tpu.memory_space<vmem>>) target_semaphore(%run_scoped3A_689 : memref<!tpu.dma_semaphore, #tpu.memory_space<semaphore_mem>>)
      %dma_wait3A_702 = arith.constant 0 : i32
      %dma_wait3A_703 = tpu.memref_slice %arg9[%run_scoped3A_351, %dma_wait3A_702] : memref<2x128xi32, #tpu.memory_space<vmem>> -> memref<1x128xi32, #tpu.memory_space<vmem>>
      %dma_wait3A_704 = tpu.memref_squeeze %dma_wait3A_703 : memref<1x128xi32, #tpu.memory_space<vmem>> -> memref<128xi32, #tpu.memory_space<vmem>>
      %dma_wait3A_705 = arith.constant 0 : i32
      %dma_wait3A_706 = tpu.memref_slice %arg4[%run_scoped3A, %arg0, %mul3A_350, %dma_wait3A_705] : memref<3x2x6256x128xi32, #tpu.memory_space<hbm>> -> memref<1x1x1x128xi32, #tpu.memory_space<hbm>>
      %dma_wait3A_707 = tpu.memref_squeeze %dma_wait3A_706 : memref<1x1x1x128xi32, #tpu.memory_space<hbm>> -> memref<128xi32, #tpu.memory_space<hbm>>
      %dma_wait3A_708 = arith.constant 0 : i32
      %dma_wait3A_709 = tpu.memref_slice %arg9[%run_scoped3A_351, %dma_wait3A_708] : memref<2x128xi32, #tpu.memory_space<vmem>> -> memref<1x128xi32, #tpu.memory_space<vmem>>
      %dma_wait3A_710 = tpu.memref_squeeze %dma_wait3A_709 : memref<1x128xi32, #tpu.memory_space<vmem>> -> memref<128xi32, #tpu.memory_space<vmem>>
      %dma_wait3A_711 = arith.constant 0 : i32
      %dma_wait3A_712 = tpu.memref_slice %arg4[%run_scoped3A, %arg0, %mul3A_350, %dma_wait3A_711] : memref<3x2x6256x128xi32, #tpu.memory_space<hbm>> -> memref<1x1x1x128xi32, #tpu.memory_space<hbm>>
      %dma_wait3A_713 = tpu.memref_squeeze %dma_wait3A_712 : memref<1x1x1x128xi32, #tpu.memory_space<hbm>> -> memref<128xi32, #tpu.memory_space<hbm>>
      tpu.wait_dma2 semaphore(%run_scoped3A_689 : memref<!tpu.dma_semaphore, #tpu.memory_space<semaphore_mem>>) src(%dma_wait3A_713 : memref<128xi32, #tpu.memory_space<hbm>>) dst(%dma_wait3A_710 : memref<128xi32, #tpu.memory_space<vmem>>)
      tpu.yield
    }) : () -> ()
    %run_scoped3A_352 = arith.constant 0 : i32
    %run_scoped3A_353 = arith.constant 0 : i32
    "tpu.region"() ({
      %run_scoped3A_689 = tpu.sem_alloc : memref<!tpu.dma_semaphore, #tpu.memory_space<semaphore_mem>>
      %dma_start3A_690 = arith.constant 0 : i32
      %dma_start3A_691 = tpu.memref_slice %arg10[%run_scoped3A_353, %dma_start3A_690] : memref<2x128xi32, #tpu.memory_space<vmem>> -> memref<1x128xi32, #tpu.memory_space<vmem>>
      %dma_start3A_692 = tpu.memref_squeeze %dma_start3A_691 : memref<1x128xi32, #tpu.memory_space<vmem>> -> memref<128xi32, #tpu.memory_space<vmem>>
      %dma_start3A_693 = arith.constant 0 : i32
      %dma_start3A_694 = tpu.memref_slice %arg5[%run_scoped3A_352, %arg0, %mul3A_350, %dma_start3A_693] : memref<3x2x6256x128xi32, #tpu.memory_space<hbm>> -> memref<1x1x1x128xi32, #tpu.memory_space<hbm>>
      %dma_start3A_695 = tpu.memref_squeeze %dma_start3A_694 : memref<1x1x1x128xi32, #tpu.memory_space<hbm>> -> memref<128xi32, #tpu.memory_space<hbm>>
      %dma_start3A_696 = arith.constant 0 : i32
      %dma_start3A_697 = tpu.memref_slice %arg10[%run_scoped3A_353, %dma_start3A_696] : memref<2x128xi32, #tpu.memory_space<vmem>> -> memref<1x128xi32, #tpu.memory_space<vmem>>
      %dma_start3A_698 = tpu.memref_squeeze %dma_start3A_697 : memref<1x128xi32, #tpu.memory_space<vmem>> -> memref<128xi32, #tpu.memory_space<vmem>>
      %dma_start3A_699 = arith.constant 0 : i32
      %dma_start3A_700 = tpu.memref_slice %arg5[%run_scoped3A_352, %arg0, %mul3A_350, %dma_start3A_699] : memref<3x2x6256x128xi32, #tpu.memory_space<hbm>> -> memref<1x1x1x128xi32, #tpu.memory_space<hbm>>
      %dma_start3A_701 = tpu.memref_squeeze %dma_start3A_700 : memref<1x1x1x128xi32, #tpu.memory_space<hbm>> -> memref<128xi32, #tpu.memory_space<hbm>>
      tpu.enqueue_dma source(%dma_start3A_701 : memref<128xi32, #tpu.memory_space<hbm>>) target(%dma_start3A_698 : memref<128xi32, #tpu.memory_space<vmem>>) target_semaphore(%run_scoped3A_689 : memref<!tpu.dma_semaphore, #tpu.memory_space<semaphore_mem>>)
      %dma_wait3A_702 = arith.constant 0 : i32
      %dma_wait3A_703 = tpu.memref_slice %arg10[%run_scoped3A_353, %dma_wait3A_702] : memref<2x128xi32, #tpu.memory_space<vmem>> -> memref<1x128xi32, #tpu.memory_space<vmem>>
      %dma_wait3A_704 = tpu.memref_squeeze %dma_wait3A_703 : memref<1x128xi32, #tpu.memory_space<vmem>> -> memref<128xi32, #tpu.memory_space<vmem>>
      %dma_wait3A_705 = arith.constant 0 : i32
      %dma_wait3A_706 = tpu.memref_slice %arg5[%run_scoped3A_352, %arg0, %mul3A_350, %dma_wait3A_705] : memref<3x2x6256x128xi32, #tpu.memory_space<hbm>> -> memref<1x1x1x128xi32, #tpu.memory_space<hbm>>
      %dma_wait3A_707 = tpu.memref_squeeze %dma_wait3A_706 : memref<1x1x1x128xi32, #tpu.memory_space<hbm>> -> memref<128xi32, #tpu.memory_space<hbm>>
      %dma_wait3A_708 = arith.constant 0 : i32
      %dma_wait3A_709 = tpu.memref_slice %arg10[%run_scoped3A_353, %dma_wait3A_708] : memref<2x128xi32, #tpu.memory_space<vmem>> -> memref<1x128xi32, #tpu.memory_space<vmem>>
      %dma_wait3A_710 = tpu.memref_squeeze %dma_wait3A_709 : memref<1x128xi32, #tpu.memory_space<vmem>> -> memref<128xi32, #tpu.memory_space<vmem>>
      %dma_wait3A_711 = arith.constant 0 : i32
      %dma_wait3A_712 = tpu.memref_slice %arg5[%run_scoped3A_352, %arg0, %mul3A_350, %dma_wait3A_711] : memref<3x2x6256x128xi32, #tpu.memory_space<hbm>> -> memref<1x1x1x128xi32, #tpu.memory_space<hbm>>
      %dma_wait3A_713 = tpu.memref_squeeze %dma_wait3A_712 : memref<1x1x1x128xi32, #tpu.memory_space<hbm>> -> memref<128xi32, #tpu.memory_space<hbm>>
      tpu.wait_dma2 semaphore(%run_scoped3A_689 : memref<!tpu.dma_semaphore, #tpu.memory_space<semaphore_mem>>) src(%dma_wait3A_713 : memref<128xi32, #tpu.memory_space<hbm>>) dst(%dma_wait3A_710 : memref<128xi32, #tpu.memory_space<vmem>>)
      tpu.yield
    }) : () -> ()
    %add3A_354 = arith.constant 1 : i32
    %add3A_355 = arith.addi %mul3A_350, %add3A_354 : i32
    %run_scoped3A_356 = arith.constant 0 : i32
    %run_scoped3A_357 = arith.constant 1 : i32
    "tpu.region"() ({
      %run_scoped3A_689 = tpu.sem_alloc : memref<!tpu.dma_semaphore, #tpu.memory_space<semaphore_mem>>
      %dma_start3A_690 = arith.constant 0 : i32
      %dma_start3A_691 = tpu.memref_slice %arg9[%run_scoped3A_357, %dma_start3A_690] : memref<2x128xi32, #tpu.memory_space<vmem>> -> memref<1x128xi32, #tpu.memory_space<vmem>>
      %dma_start3A_692 = tpu.memref_squeeze %dma_start3A_691 : memref<1x128xi32, #tpu.memory_space<vmem>> -> memref<128xi32, #tpu.memory_space<vmem>>
      %dma_start3A_693 = arith.constant 0 : i32
      %dma_start3A_694 = tpu.memref_slice %arg4[%run_scoped3A_356, %arg0, %add3A_355, %dma_start3A_693] : memref<3x2x6256x128xi32, #tpu.memory_space<hbm>> -> memref<1x1x1x128xi32, #tpu.memory_space<hbm>>
      %dma_start3A_695 = tpu.memref_squeeze %dma_start3A_694 : memref<1x1x1x128xi32, #tpu.memory_space<hbm>> -> memref<128xi32, #tpu.memory_space<hbm>>
      %dma_start3A_696 = arith.constant 0 : i32
      %dma_start3A_697 = tpu.memref_slice %arg9[%run_scoped3A_357, %dma_start3A_696] : memref<2x128xi32, #tpu.memory_space<vmem>> -> memref<1x128xi32, #tpu.memory_space<vmem>>
      %dma_start3A_698 = tpu.memref_squeeze %dma_start3A_697 : memref<1x128xi32, #tpu.memory_space<vmem>> -> memref<128xi32, #tpu.memory_space<vmem>>
      %dma_start3A_699 = arith.constant 0 : i32
      %dma_start3A_700 = tpu.memref_slice %arg4[%run_scoped3A_356, %arg0, %add3A_355, %dma_start3A_699] : memref<3x2x6256x128xi32, #tpu.memory_space<hbm>> -> memref<1x1x1x128xi32, #tpu.memory_space<hbm>>
      %dma_start3A_701 = tpu.memref_squeeze %dma_start3A_700 : memref<1x1x1x128xi32, #tpu.memory_space<hbm>> -> memref<128xi32, #tpu.memory_space<hbm>>
      tpu.enqueue_dma source(%dma_start3A_701 : memref<128xi32, #tpu.memory_space<hbm>>) target(%dma_start3A_698 : memref<128xi32, #tpu.memory_space<vmem>>) target_semaphore(%run_scoped3A_689 : memref<!tpu.dma_semaphore, #tpu.memory_space<semaphore_mem>>)
      %dma_wait3A_702 = arith.constant 0 : i32
      %dma_wait3A_703 = tpu.memref_slice %arg9[%run_scoped3A_357, %dma_wait3A_702] : memref<2x128xi32, #tpu.memory_space<vmem>> -> memref<1x128xi32, #tpu.memory_space<vmem>>
      %dma_wait3A_704 = tpu.memref_squeeze %dma_wait3A_703 : memref<1x128xi32, #tpu.memory_space<vmem>> -> memref<128xi32, #tpu.memory_space<vmem>>
      %dma_wait3A_705 = arith.constant 0 : i32
      %dma_wait3A_706 = tpu.memref_slice %arg4[%run_scoped3A_356, %arg0, %add3A_355, %dma_wait3A_705] : memref<3x2x6256x128xi32, #tpu.memory_space<hbm>> -> memref<1x1x1x128xi32, #tpu.memory_space<hbm>>
      %dma_wait3A_707 = tpu.memref_squeeze %dma_wait3A_706 : memref<1x1x1x128xi32, #tpu.memory_space<hbm>> -> memref<128xi32, #tpu.memory_space<hbm>>
      %dma_wait3A_708 = arith.constant 0 : i32
      %dma_wait3A_709 = tpu.memref_slice %arg9[%run_scoped3A_357, %dma_wait3A_708] : memref<2x128xi32, #tpu.memory_space<vmem>> -> memref<1x128xi32, #tpu.memory_space<vmem>>
      %dma_wait3A_710 = tpu.memref_squeeze %dma_wait3A_709 : memref<1x128xi32, #tpu.memory_space<vmem>> -> memref<128xi32, #tpu.memory_space<vmem>>
      %dma_wait3A_711 = arith.constant 0 : i32
      %dma_wait3A_712 = tpu.memref_slice %arg4[%run_scoped3A_356, %arg0, %add3A_355, %dma_wait3A_711] : memref<3x2x6256x128xi32, #tpu.memory_space<hbm>> -> memref<1x1x1x128xi32, #tpu.memory_space<hbm>>
      %dma_wait3A_713 = tpu.memref_squeeze %dma_wait3A_712 : memref<1x1x1x128xi32, #tpu.memory_space<hbm>> -> memref<128xi32, #tpu.memory_space<hbm>>
      tpu.wait_dma2 semaphore(%run_scoped3A_689 : memref<!tpu.dma_semaphore, #tpu.memory_space<semaphore_mem>>) src(%dma_wait3A_713 : memref<128xi32, #tpu.memory_space<hbm>>) dst(%dma_wait3A_710 : memref<128xi32, #tpu.memory_space<vmem>>)
      tpu.yield
    }) : () -> ()
    %add3A_358 = arith.constant 1 : i32
    %add3A_359 = arith.addi %mul3A_350, %add3A_358 : i32
    %run_scoped3A_360 = arith.constant 0 : i32
    %run_scoped3A_361 = arith.constant 1 : i32
    "tpu.region"() ({
      %run_scoped3A_689 = tpu.sem_alloc : memref<!tpu.dma_semaphore, #tpu.memory_space<semaphore_mem>>
      %dma_start3A_690 = arith.constant 0 : i32
      %dma_start3A_691 = tpu.memref_slice %arg10[%run_scoped3A_361, %dma_start3A_690] : memref<2x128xi32, #tpu.memory_space<vmem>> -> memref<1x128xi32, #tpu.memory_space<vmem>>
      %dma_start3A_692 = tpu.memref_squeeze %dma_start3A_691 : memref<1x128xi32, #tpu.memory_space<vmem>> -> memref<128xi32, #tpu.memory_space<vmem>>
      %dma_start3A_693 = arith.constant 0 : i32
      %dma_start3A_694 = tpu.memref_slice %arg5[%run_scoped3A_360, %arg0, %add3A_359, %dma_start3A_693] : memref<3x2x6256x128xi32, #tpu.memory_space<hbm>> -> memref<1x1x1x128xi32, #tpu.memory_space<hbm>>
      %dma_start3A_695 = tpu.memref_squeeze %dma_start3A_694 : memref<1x1x1x128xi32, #tpu.memory_space<hbm>> -> memref<128xi32, #tpu.memory_space<hbm>>
      %dma_start3A_696 = arith.constant 0 : i32
      %dma_start3A_697 = tpu.memref_slice %arg10[%run_scoped3A_361, %dma_start3A_696] : memref<2x128xi32, #tpu.memory_space<vmem>> -> memref<1x128xi32, #tpu.memory_space<vmem>>
      %dma_start3A_698 = tpu.memref_squeeze %dma_start3A_697 : memref<1x128xi32, #tpu.memory_space<vmem>> -> memref<128xi32, #tpu.memory_space<vmem>>
      %dma_start3A_699 = arith.constant 0 : i32
      %dma_start3A_700 = tpu.memref_slice %arg5[%run_scoped3A_360, %arg0, %add3A_359, %dma_start3A_699] : memref<3x2x6256x128xi32, #tpu.memory_space<hbm>> -> memref<1x1x1x128xi32, #tpu.memory_space<hbm>>
      %dma_start3A_701 = tpu.memref_squeeze %dma_start3A_700 : memref<1x1x1x128xi32, #tpu.memory_space<hbm>> -> memref<128xi32, #tpu.memory_space<hbm>>
      tpu.enqueue_dma source(%dma_start3A_701 : memref<128xi32, #tpu.memory_space<hbm>>) target(%dma_start3A_698 : memref<128xi32, #tpu.memory_space<vmem>>) target_semaphore(%run_scoped3A_689 : memref<!tpu.dma_semaphore, #tpu.memory_space<semaphore_mem>>)
      %dma_wait3A_702 = arith.constant 0 : i32
      %dma_wait3A_703 = tpu.memref_slice %arg10[%run_scoped3A_361, %dma_wait3A_702] : memref<2x128xi32, #tpu.memory_space<vmem>> -> memref<1x128xi32, #tpu.memory_space<vmem>>
      %dma_wait3A_704 = tpu.memref_squeeze %dma_wait3A_703 : memref<1x128xi32, #tpu.memory_space<vmem>> -> memref<128xi32, #tpu.memory_space<vmem>>
      %dma_wait3A_705 = arith.constant 0 : i32
      %dma_wait3A_706 = tpu.memref_slice %arg5[%run_scoped3A_360, %arg0, %add3A_359, %dma_wait3A_705] : memref<3x2x6256x128xi32, #tpu.memory_space<hbm>> -> memref<1x1x1x128xi32, #tpu.memory_space<hbm>>
      %dma_wait3A_707 = tpu.memref_squeeze %dma_wait3A_706 : memref<1x1x1x128xi32, #tpu.memory_space<hbm>> -> memref<128xi32, #tpu.memory_space<hbm>>
      %dma_wait3A_708 = arith.constant 0 : i32
      %dma_wait3A_709 = tpu.memref_slice %arg10[%run_scoped3A_361, %dma_wait3A_708] : memref<2x128xi32, #tpu.memory_space<vmem>> -> memref<1x128xi32, #tpu.memory_space<vmem>>
      %dma_wait3A_710 = tpu.memref_squeeze %dma_wait3A_709 : memref<1x128xi32, #tpu.memory_space<vmem>> -> memref<128xi32, #tpu.memory_space<vmem>>
      %dma_wait3A_711 = arith.constant 0 : i32
      %dma_wait3A_712 = tpu.memref_slice %arg5[%run_scoped3A_360, %arg0, %add3A_359, %dma_wait3A_711] : memref<3x2x6256x128xi32, #tpu.memory_space<hbm>> -> memref<1x1x1x128xi32, #tpu.memory_space<hbm>>
      %dma_wait3A_713 = tpu.memref_squeeze %dma_wait3A_712 : memref<1x1x1x128xi32, #tpu.memory_space<hbm>> -> memref<128xi32, #tpu.memory_space<hbm>>
      tpu.wait_dma2 semaphore(%run_scoped3A_689 : memref<!tpu.dma_semaphore, #tpu.memory_space<semaphore_mem>>) src(%dma_wait3A_713 : memref<128xi32, #tpu.memory_space<hbm>>) dst(%dma_wait3A_710 : memref<128xi32, #tpu.memory_space<vmem>>)
      tpu.yield
    }) : () -> ()
    %dma_start3A = arith.constant 0 : i32
    %dma_start3A_362 = arith.constant 0 : i32
    %dma_start3A_363 = arith.constant 0 : i32
    %dma_start3A_364 = arith.constant 0 : i32
    %dma_start3A_365 = tpu.memref_slice %arg12[%dma_start3A_362, %dma_start3A_363, %dma_start3A_364] : memref<2x128x32xf32, #tpu.memory_space<vmem>> -> memref<1x128x32xf32, #tpu.memory_space<vmem>>
    %dma_start3A_366 = tpu.memref_squeeze %dma_start3A_365 : memref<1x128x32xf32, #tpu.memory_space<vmem>> -> memref<128x32xf32, #tpu.memory_space<vmem>>
    %dma_start3A_367 = arith.constant 0 : i32
    %dma_start3A_368 = tpu.memref_slice %arg9[%dma_start3A, %dma_start3A_367] : memref<2x128xi32, #tpu.memory_space<vmem>> -> memref<1x128xi32, #tpu.memory_space<vmem>>
    %dma_start3A_369 = tpu.memref_squeeze %dma_start3A_368 : memref<1x128xi32, #tpu.memory_space<vmem>> -> memref<128xi32, #tpu.memory_space<vmem>>
    %dma_start3A_370 = arith.constant 0 : i32
    %dma_start3A_371 = arith.constant 0 : i32
    %dma_start3A_372 = tpu.memref_slice %arg2[%dma_start3A_370, %dma_start3A_371] : memref<300008x32xf32, #tpu.memory_space<hbm>> -> memref<300008x32xf32, #tpu.memory_space<hbm>>
    tpu.enqueue_indirect_dma source(%dma_start3A_372 : memref<300008x32xf32, #tpu.memory_space<hbm>>) target(%dma_start3A_366 : memref<128x32xf32, #tpu.memory_space<vmem>>) offsets(%dma_start3A_369 : memref<128xi32, #tpu.memory_space<vmem>>) semaphore(%arg21 : memref<!tpu.dma_semaphore, #tpu.memory_space<semaphore_mem>>)
    %dma_start3A_373 = arith.constant 0 : i32
    %dma_start3A_374 = arith.constant 0 : i32
    %dma_start3A_375 = arith.constant 0 : i32
    %dma_start3A_376 = arith.constant 0 : i32
    %dma_start3A_377 = tpu.memref_slice %arg13[%dma_start3A_374, %dma_start3A_375, %dma_start3A_376] : memref<2x128x32xf32, #tpu.memory_space<vmem>> -> memref<1x128x32xf32, #tpu.memory_space<vmem>>
    %dma_start3A_378 = tpu.memref_squeeze %dma_start3A_377 : memref<1x128x32xf32, #tpu.memory_space<vmem>> -> memref<128x32xf32, #tpu.memory_space<vmem>>
    %dma_start3A_379 = arith.constant 0 : i32
    %dma_start3A_380 = tpu.memref_slice %arg10[%dma_start3A_373, %dma_start3A_379] : memref<2x128xi32, #tpu.memory_space<vmem>> -> memref<1x128xi32, #tpu.memory_space<vmem>>
    %dma_start3A_381 = tpu.memref_squeeze %dma_start3A_380 : memref<1x128xi32, #tpu.memory_space<vmem>> -> memref<128xi32, #tpu.memory_space<vmem>>
    %dma_start3A_382 = arith.constant 0 : i32
    %dma_start3A_383 = arith.constant 0 : i32
    %dma_start3A_384 = tpu.memref_slice %arg3[%dma_start3A_382, %dma_start3A_383] : memref<300008x32xf32, #tpu.memory_space<hbm>> -> memref<300008x32xf32, #tpu.memory_space<hbm>>
    tpu.enqueue_indirect_dma source(%dma_start3A_384 : memref<300008x32xf32, #tpu.memory_space<hbm>>) target(%dma_start3A_378 : memref<128x32xf32, #tpu.memory_space<vmem>>) offsets(%dma_start3A_381 : memref<128xi32, #tpu.memory_space<vmem>>) semaphore(%arg22 : memref<!tpu.dma_semaphore, #tpu.memory_space<semaphore_mem>>)
    %scan3A_385 = arith.constant 0 : i32
    %scan3A_386 = arith.constant 0 : i32
    %scan3A_387 = arith.constant 391 : i32
    %scan3A_388 = arith.addi %scan3A_386, %scan3A_387 : i32
    %scan3A_389 = arith.constant 1 : i32
    %scan3A_390 = scf.for %scan3A_689 = %scan3A_386 to %scan3A_388 step %scan3A_389 iter_args(%scan3A_690 = %scan3A_385) -> (i32)  : i32 {
      %and3A = arith.constant 1 : i32
      %and3A_691 = arith.andi %scan3A_689, %and3A : i32
      %sub3A = arith.constant 1 : i32
      %sub3A_692 = arith.subi %sub3A, %and3A_691 : i32
      %dma_wait3A_693 = arith.constant 0 : i32
      %dma_wait3A_694 = arith.constant 0 : i32
      %dma_wait3A_695 = tpu.memref_slice %arg12[%and3A_691, %dma_wait3A_693, %dma_wait3A_694] : memref<2x128x32xf32, #tpu.memory_space<vmem>> -> memref<1x128x32xf32, #tpu.memory_space<vmem>>
      %dma_wait3A_696 = tpu.memref_squeeze %dma_wait3A_695 : memref<1x128x32xf32, #tpu.memory_space<vmem>> -> memref<128x32xf32, #tpu.memory_space<vmem>>
      %dma_wait3A_697 = arith.constant 0 : i32
      %dma_wait3A_698 = tpu.memref_slice %arg9[%and3A_691, %dma_wait3A_697] : memref<2x128xi32, #tpu.memory_space<vmem>> -> memref<1x128xi32, #tpu.memory_space<vmem>>
      %dma_wait3A_699 = tpu.memref_squeeze %dma_wait3A_698 : memref<1x128xi32, #tpu.memory_space<vmem>> -> memref<128xi32, #tpu.memory_space<vmem>>
      %dma_wait3A_700 = arith.constant 0 : i32
      %dma_wait3A_701 = arith.constant 0 : i32
      %dma_wait3A_702 = tpu.memref_slice %arg2[%dma_wait3A_700, %dma_wait3A_701] : memref<300008x32xf32, #tpu.memory_space<hbm>> -> memref<300008x32xf32, #tpu.memory_space<hbm>>
      tpu.wait_indirect_dma semaphore(%arg21 : memref<!tpu.dma_semaphore, #tpu.memory_space<semaphore_mem>>) src(%dma_wait3A_702 : memref<300008x32xf32, #tpu.memory_space<hbm>>) dst(%dma_wait3A_696 : memref<128x32xf32, #tpu.memory_space<vmem>>)
      %dma_wait3A_703 = arith.constant 0 : i32
      %dma_wait3A_704 = arith.constant 0 : i32
      %dma_wait3A_705 = tpu.memref_slice %arg13[%and3A_691, %dma_wait3A_703, %dma_wait3A_704] : memref<2x128x32xf32, #tpu.memory_space<vmem>> -> memref<1x128x32xf32, #tpu.memory_space<vmem>>
      %dma_wait3A_706 = tpu.memref_squeeze %dma_wait3A_705 : memref<1x128x32xf32, #tpu.memory_space<vmem>> -> memref<128x32xf32, #tpu.memory_space<vmem>>
      %dma_wait3A_707 = arith.constant 0 : i32
      %dma_wait3A_708 = tpu.memref_slice %arg10[%and3A_691, %dma_wait3A_707] : memref<2x128xi32, #tpu.memory_space<vmem>> -> memref<1x128xi32, #tpu.memory_space<vmem>>
      %dma_wait3A_709 = tpu.memref_squeeze %dma_wait3A_708 : memref<1x128xi32, #tpu.memory_space<vmem>> -> memref<128xi32, #tpu.memory_space<vmem>>
      %dma_wait3A_710 = arith.constant 0 : i32
      %dma_wait3A_711 = arith.constant 0 : i32
      %dma_wait3A_712 = tpu.memref_slice %arg3[%dma_wait3A_710, %dma_wait3A_711] : memref<300008x32xf32, #tpu.memory_space<hbm>> -> memref<300008x32xf32, #tpu.memory_space<hbm>>
      tpu.wait_indirect_dma semaphore(%arg22 : memref<!tpu.dma_semaphore, #tpu.memory_space<semaphore_mem>>) src(%dma_wait3A_712 : memref<300008x32xf32, #tpu.memory_space<hbm>>) dst(%dma_wait3A_706 : memref<128x32xf32, #tpu.memory_space<vmem>>)
      %ge3A = arith.constant 2 : i32
      %ge3A_713 = arith.cmpi sge, %scan3A_689, %ge3A : i32
      %convert_element_type3A_714 = arith.extui %ge3A_713 : i1 to i32
      %cond3A_715 = arith.constant 0 : i32
      %cond3A_716 = arith.cmpi ne, %convert_element_type3A_714, %cond3A_715 : i32
      scf.if %cond3A_716 {
        %dma_wait3A_762 = arith.constant 0 : i32
        %dma_wait3A_763 = arith.constant 0 : i32
        %dma_wait3A_764 = tpu.memref_slice %arg14[%and3A_691, %dma_wait3A_762, %dma_wait3A_763] : memref<2x128x32xf32, #tpu.memory_space<vmem>> -> memref<1x128x32xf32, #tpu.memory_space<vmem>>
        %dma_wait3A_765 = tpu.memref_squeeze %dma_wait3A_764 : memref<1x128x32xf32, #tpu.memory_space<vmem>> -> memref<128x32xf32, #tpu.memory_space<vmem>>
        %dma_wait3A_766 = arith.constant 0 : i32
        %dma_wait3A_767 = tpu.memref_slice %arg11[%and3A_691, %dma_wait3A_766] : memref<2x128xi32, #tpu.memory_space<vmem>> -> memref<1x128xi32, #tpu.memory_space<vmem>>
        %dma_wait3A_768 = tpu.memref_squeeze %dma_wait3A_767 : memref<1x128xi32, #tpu.memory_space<vmem>> -> memref<128xi32, #tpu.memory_space<vmem>>
        %dma_wait3A_769 = arith.constant 0 : i32
        %dma_wait3A_770 = arith.constant 0 : i32
        %dma_wait3A_771 = tpu.memref_slice %arg19[%dma_wait3A_769, %dma_wait3A_770] : memref<50056x32xf32, #tpu.memory_space<vmem_shared>> -> memref<50056x32xf32, #tpu.memory_space<vmem_shared>>
        tpu.wait_indirect_dma semaphore(%arg23 : memref<!tpu.dma_semaphore, #tpu.memory_space<semaphore_mem>>) src(%dma_wait3A_765 : memref<128x32xf32, #tpu.memory_space<vmem>>) dst(%dma_wait3A_771 : memref<50056x32xf32, #tpu.memory_space<vmem_shared>>)
        %dma_wait3A_772 = arith.constant 0 : i32
        %dma_wait3A_773 = tpu.memref_slice %arg15[%and3A_691, %dma_wait3A_772] : memref<2x128xf32, #tpu.memory_space<vmem>> -> memref<1x128xf32, #tpu.memory_space<vmem>>
        %dma_wait3A_774 = tpu.memref_squeeze %dma_wait3A_773 : memref<1x128xf32, #tpu.memory_space<vmem>> -> memref<128xf32, #tpu.memory_space<vmem>>
        %dma_wait3A_775 = arith.constant 0 : i32
        %dma_wait3A_776 = tpu.memref_slice %arg11[%and3A_691, %dma_wait3A_775] : memref<2x128xi32, #tpu.memory_space<vmem>> -> memref<1x128xi32, #tpu.memory_space<vmem>>
        %dma_wait3A_777 = tpu.memref_squeeze %dma_wait3A_776 : memref<1x128xi32, #tpu.memory_space<vmem>> -> memref<128xi32, #tpu.memory_space<vmem>>
        %dma_wait3A_778 = arith.constant 0 : i32
        %dma_wait3A_779 = tpu.memref_slice %arg20[%dma_wait3A_778] : memref<50056xf32, #tpu.memory_space<vmem_shared>> -> memref<50056xf32, #tpu.memory_space<vmem_shared>>
        tpu.wait_indirect_dma semaphore(%arg24 : memref<!tpu.dma_semaphore, #tpu.memory_space<semaphore_mem>>) src(%dma_wait3A_774 : memref<128xf32, #tpu.memory_space<vmem>>) dst(%dma_wait3A_779 : memref<50056xf32, #tpu.memory_space<vmem_shared>>)
      } else {
      }
      %scan3A_717 = arith.constant 0 : i32
      %scan3A_718 = arith.constant 0 : i32
      %scan3A_719 = arith.constant 8 : i32
      %scan3A_720 = arith.addi %scan3A_718, %scan3A_719 : i32
      %scan3A_721 = arith.constant 1 : i32
      %scan3A_722 = scf.for %scan3A_762 = %scan3A_718 to %scan3A_720 step %scan3A_721 iter_args(%scan3A_763 = %scan3A_717) -> (i32)  : i32 {
        %mul3A_764 = arith.constant 16 : i32
        %mul3A_765 = arith.muli %scan3A_762, %mul3A_764 : i32
        %get3A_766 = arith.index_cast %and3A_691 : i32 to index
        %get3A_767 = arith.index_cast %mul3A_765 : i32 to index
        %get3A_768 = tpu.vector_load %arg10[%get3A_766, %get3A_767] {strides = array<i32>} : memref<2x128xi32, #tpu.memory_space<vmem>>, vector<16xi32>,
        %sub3A_769 = arith.subi %get3A_768, %add3A_344 : vector<16xi32>
        %swap3A_770 = arith.index_cast %and3A_691 : i32 to index
        %swap3A_771 = arith.index_cast %mul3A_765 : i32 to index
        %swap3A_772 = tpu.vector_load %arg11[%swap3A_770, %swap3A_771] {strides = array<i32>} : memref<2x128xi32, #tpu.memory_space<vmem>>, vector<16xi32>,
        tpu.vector_store %arg11[%swap3A_770, %swap3A_771], %sub3A_769 {strides = array<i32>} : memref<2x128xi32, #tpu.memory_space<vmem>>, vector<16xi32>,
        %scan3A_773 = arith.constant 0 : i32
        scf.yield %scan3A_773 : i32
      }
      %scan3A_723 = arith.constant 8 : i32
      %add3A_724 = arith.constant 2 : i32
      %add3A_725 = arith.addi %scan3A_689, %add3A_724 : i32
      %lt3A = arith.constant 391 : i32
      %lt3A_726 = arith.cmpi slt, %add3A_725, %lt3A : i32
      %convert_element_type3A_727 = arith.extui %lt3A_726 : i1 to i32
      %cond3A_728 = arith.constant 0 : i32
      %cond3A_729 = arith.cmpi ne, %convert_element_type3A_727, %cond3A_728 : i32
      scf.if %cond3A_729 {
        %add3A_762 = arith.addi %mul3A_350, %scan3A_689 : i32
        %add3A_763 = arith.constant 2 : i32
        %add3A_764 = arith.addi %add3A_762, %add3A_763 : i32
        %dma_start3A_765 = arith.constant 0 : i32
        %dma_start3A_766 = arith.constant 0 : i32
        %dma_start3A_767 = tpu.memref_slice %arg9[%and3A_691, %dma_start3A_766] : memref<2x128xi32, #tpu.memory_space<vmem>> -> memref<1x128xi32, #tpu.memory_space<vmem>>
        %dma_start3A_768 = tpu.memref_squeeze %dma_start3A_767 : memref<1x128xi32, #tpu.memory_space<vmem>> -> memref<128xi32, #tpu.memory_space<vmem>>
        %dma_start3A_769 = arith.constant 0 : i32
        %dma_start3A_770 = tpu.memref_slice %arg4[%dma_start3A_765, %arg0, %add3A_764, %dma_start3A_769] : memref<3x2x6256x128xi32, #tpu.memory_space<hbm>> -> memref<1x1x1x128xi32, #tpu.memory_space<hbm>>
        %dma_start3A_771 = tpu.memref_squeeze %dma_start3A_770 : memref<1x1x1x128xi32, #tpu.memory_space<hbm>> -> memref<128xi32, #tpu.memory_space<hbm>>
        %dma_start3A_772 = arith.constant 0 : i32
        %dma_start3A_773 = tpu.memref_slice %arg9[%and3A_691, %dma_start3A_772] : memref<2x128xi32, #tpu.memory_space<vmem>> -> memref<1x128xi32, #tpu.memory_space<vmem>>
        %dma_start3A_774 = tpu.memref_squeeze %dma_start3A_773 : memref<1x128xi32, #tpu.memory_space<vmem>> -> memref<128xi32, #tpu.memory_space<vmem>>
        %dma_start3A_775 = arith.constant 0 : i32
        %dma_start3A_776 = tpu.memref_slice %arg4[%dma_start3A_765, %arg0, %add3A_764, %dma_start3A_775] : memref<3x2x6256x128xi32, #tpu.memory_space<hbm>> -> memref<1x1x1x128xi32, #tpu.memory_space<hbm>>
        %dma_start3A_777 = tpu.memref_squeeze %dma_start3A_776 : memref<1x1x1x128xi32, #tpu.memory_space<hbm>> -> memref<128xi32, #tpu.memory_space<hbm>>
        tpu.enqueue_dma source(%dma_start3A_777 : memref<128xi32, #tpu.memory_space<hbm>>) target(%dma_start3A_774 : memref<128xi32, #tpu.memory_space<vmem>>) target_semaphore(%arg25 : memref<!tpu.dma_semaphore, #tpu.memory_space<semaphore_mem>>)
        %add3A_778 = arith.addi %mul3A_350, %scan3A_689 : i32
        %add3A_779 = arith.constant 2 : i32
        %add3A_780 = arith.addi %add3A_778, %add3A_779 : i32
        %dma_start3A_781 = arith.constant 0 : i32
        %dma_start3A_782 = arith.constant 0 : i32
        %dma_start3A_783 = tpu.memref_slice %arg10[%and3A_691, %dma_start3A_782] : memref<2x128xi32, #tpu.memory_space<vmem>> -> memref<1x128xi32, #tpu.memory_space<vmem>>
        %dma_start3A_784 = tpu.memref_squeeze %dma_start3A_783 : memref<1x128xi32, #tpu.memory_space<vmem>> -> memref<128xi32, #tpu.memory_space<vmem>>
        %dma_start3A_785 = arith.constant 0 : i32
        %dma_start3A_786 = tpu.memref_slice %arg5[%dma_start3A_781, %arg0, %add3A_780, %dma_start3A_785] : memref<3x2x6256x128xi32, #tpu.memory_space<hbm>> -> memref<1x1x1x128xi32, #tpu.memory_space<hbm>>
        %dma_start3A_787 = tpu.memref_squeeze %dma_start3A_786 : memref<1x1x1x128xi32, #tpu.memory_space<hbm>> -> memref<128xi32, #tpu.memory_space<hbm>>
        %dma_start3A_788 = arith.constant 0 : i32
        %dma_start3A_789 = tpu.memref_slice %arg10[%and3A_691, %dma_start3A_788] : memref<2x128xi32, #tpu.memory_space<vmem>> -> memref<1x128xi32, #tpu.memory_space<vmem>>
        %dma_start3A_790 = tpu.memref_squeeze %dma_start3A_789 : memref<1x128xi32, #tpu.memory_space<vmem>> -> memref<128xi32, #tpu.memory_space<vmem>>
        %dma_start3A_791 = arith.constant 0 : i32
        %dma_start3A_792 = tpu.memref_slice %arg5[%dma_start3A_781, %arg0, %add3A_780, %dma_start3A_791] : memref<3x2x6256x128xi32, #tpu.memory_space<hbm>> -> memref<1x1x1x128xi32, #tpu.memory_space<hbm>>
        %dma_start3A_793 = tpu.memref_squeeze %dma_start3A_792 : memref<1x1x1x128xi32, #tpu.memory_space<hbm>> -> memref<128xi32, #tpu.memory_space<hbm>>
        tpu.enqueue_dma source(%dma_start3A_793 : memref<128xi32, #tpu.memory_space<hbm>>) target(%dma_start3A_790 : memref<128xi32, #tpu.memory_space<vmem>>) target_semaphore(%arg25 : memref<!tpu.dma_semaphore, #tpu.memory_space<semaphore_mem>>)
      } else {
      }
      %add3A_730 = arith.constant 1 : i32
      %add3A_731 = arith.addi %scan3A_689, %add3A_730 : i32
      %lt3A_732 = arith.constant 391 : i32
      %lt3A_733 = arith.cmpi slt, %add3A_731, %lt3A_732 : i32
      %convert_element_type3A_734 = arith.extui %lt3A_733 : i1 to i32
      %cond3A_735 = arith.constant 0 : i32
      %cond3A_736 = arith.cmpi ne, %convert_element_type3A_734, %cond3A_735 : i32
      scf.if %cond3A_736 {
        %ge3A_762 = arith.constant 1 : i32
        %ge3A_763 = arith.cmpi sge, %scan3A_689, %ge3A_762 : i32
        %convert_element_type3A_764 = arith.extui %ge3A_763 : i1 to i32
        %cond3A_765 = arith.constant 0 : i32
        %cond3A_766 = arith.cmpi ne, %convert_element_type3A_764, %cond3A_765 : i32
        scf.if %cond3A_766 {
          %add3A_787 = arith.addi %mul3A_350, %scan3A_689 : i32
          %add3A_788 = arith.constant 1 : i32
          %add3A_789 = arith.addi %add3A_787, %add3A_788 : i32
          %dma_wait3A_790 = arith.constant 0 : i32
          %dma_wait3A_791 = arith.constant 0 : i32
          %dma_wait3A_792 = tpu.memref_slice %arg9[%sub3A_692, %dma_wait3A_791] : memref<2x128xi32, #tpu.memory_space<vmem>> -> memref<1x128xi32, #tpu.memory_space<vmem>>
          %dma_wait3A_793 = tpu.memref_squeeze %dma_wait3A_792 : memref<1x128xi32, #tpu.memory_space<vmem>> -> memref<128xi32, #tpu.memory_space<vmem>>
          %dma_wait3A_794 = arith.constant 0 : i32
          %dma_wait3A_795 = tpu.memref_slice %arg4[%dma_wait3A_790, %arg0, %add3A_789, %dma_wait3A_794] : memref<3x2x6256x128xi32, #tpu.memory_space<hbm>> -> memref<1x1x1x128xi32, #tpu.memory_space<hbm>>
          %dma_wait3A_796 = tpu.memref_squeeze %dma_wait3A_795 : memref<1x1x1x128xi32, #tpu.memory_space<hbm>> -> memref<128xi32, #tpu.memory_space<hbm>>
          %dma_wait3A_797 = arith.constant 0 : i32
          %dma_wait3A_798 = tpu.memref_slice %arg9[%sub3A_692, %dma_wait3A_797] : memref<2x128xi32, #tpu.memory_space<vmem>> -> memref<1x128xi32, #tpu.memory_space<vmem>>
          %dma_wait3A_799 = tpu.memref_squeeze %dma_wait3A_798 : memref<1x128xi32, #tpu.memory_space<vmem>> -> memref<128xi32, #tpu.memory_space<vmem>>
          %dma_wait3A_800 = arith.constant 0 : i32
          %dma_wait3A_801 = tpu.memref_slice %arg4[%dma_wait3A_790, %arg0, %add3A_789, %dma_wait3A_800] : memref<3x2x6256x128xi32, #tpu.memory_space<hbm>> -> memref<1x1x1x128xi32, #tpu.memory_space<hbm>>
          %dma_wait3A_802 = tpu.memref_squeeze %dma_wait3A_801 : memref<1x1x1x128xi32, #tpu.memory_space<hbm>> -> memref<128xi32, #tpu.memory_space<hbm>>
          tpu.wait_dma2 semaphore(%arg25 : memref<!tpu.dma_semaphore, #tpu.memory_space<semaphore_mem>>) src(%dma_wait3A_802 : memref<128xi32, #tpu.memory_space<hbm>>) dst(%dma_wait3A_799 : memref<128xi32, #tpu.memory_space<vmem>>)
          %add3A_803 = arith.addi %mul3A_350, %scan3A_689 : i32
          %add3A_804 = arith.constant 1 : i32
          %add3A_805 = arith.addi %add3A_803, %add3A_804 : i32
          %dma_wait3A_806 = arith.constant 0 : i32
          %dma_wait3A_807 = arith.constant 0 : i32
          %dma_wait3A_808 = tpu.memref_slice %arg10[%sub3A_692, %dma_wait3A_807] : memref<2x128xi32, #tpu.memory_space<vmem>> -> memref<1x128xi32, #tpu.memory_space<vmem>>
          %dma_wait3A_809 = tpu.memref_squeeze %dma_wait3A_808 : memref<1x128xi32, #tpu.memory_space<vmem>> -> memref<128xi32, #tpu.memory_space<vmem>>
          %dma_wait3A_810 = arith.constant 0 : i32
          %dma_wait3A_811 = tpu.memref_slice %arg5[%dma_wait3A_806, %arg0, %add3A_805, %dma_wait3A_810] : memref<3x2x6256x128xi32, #tpu.memory_space<hbm>> -> memref<1x1x1x128xi32, #tpu.memory_space<hbm>>
          %dma_wait3A_812 = tpu.memref_squeeze %dma_wait3A_811 : memref<1x1x1x128xi32, #tpu.memory_space<hbm>> -> memref<128xi32, #tpu.memory_space<hbm>>
          %dma_wait3A_813 = arith.constant 0 : i32
          %dma_wait3A_814 = tpu.memref_slice %arg10[%sub3A_692, %dma_wait3A_813] : memref<2x128xi32, #tpu.memory_space<vmem>> -> memref<1x128xi32, #tpu.memory_space<vmem>>
          %dma_wait3A_815 = tpu.memref_squeeze %dma_wait3A_814 : memref<1x128xi32, #tpu.memory_space<vmem>> -> memref<128xi32, #tpu.memory_space<vmem>>
          %dma_wait3A_816 = arith.constant 0 : i32
          %dma_wait3A_817 = tpu.memref_slice %arg5[%dma_wait3A_806, %arg0, %add3A_805, %dma_wait3A_816] : memref<3x2x6256x128xi32, #tpu.memory_space<hbm>> -> memref<1x1x1x128xi32, #tpu.memory_space<hbm>>
          %dma_wait3A_818 = tpu.memref_squeeze %dma_wait3A_817 : memref<1x1x1x128xi32, #tpu.memory_space<hbm>> -> memref<128xi32, #tpu.memory_space<hbm>>
          tpu.wait_dma2 semaphore(%arg25 : memref<!tpu.dma_semaphore, #tpu.memory_space<semaphore_mem>>) src(%dma_wait3A_818 : memref<128xi32, #tpu.memory_space<hbm>>) dst(%dma_wait3A_815 : memref<128xi32, #tpu.memory_space<vmem>>)
        } else {
        }
        %dma_start3A_767 = arith.constant 0 : i32
        %dma_start3A_768 = arith.constant 0 : i32
        %dma_start3A_769 = tpu.memref_slice %arg12[%sub3A_692, %dma_start3A_767, %dma_start3A_768] : memref<2x128x32xf32, #tpu.memory_space<vmem>> -> memref<1x128x32xf32, #tpu.memory_space<vmem>>
        %dma_start3A_770 = tpu.memref_squeeze %dma_start3A_769 : memref<1x128x32xf32, #tpu.memory_space<vmem>> -> memref<128x32xf32, #tpu.memory_space<vmem>>
        %dma_start3A_771 = arith.constant 0 : i32
        %dma_start3A_772 = tpu.memref_slice %arg9[%sub3A_692, %dma_start3A_771] : memref<2x128xi32, #tpu.memory_space<vmem>> -> memref<1x128xi32, #tpu.memory_space<vmem>>
        %dma_start3A_773 = tpu.memref_squeeze %dma_start3A_772 : memref<1x128xi32, #tpu.memory_space<vmem>> -> memref<128xi32, #tpu.memory_space<vmem>>
        %dma_start3A_774 = arith.constant 0 : i32
        %dma_start3A_775 = arith.constant 0 : i32
        %dma_start3A_776 = tpu.memref_slice %arg2[%dma_start3A_774, %dma_start3A_775] : memref<300008x32xf32, #tpu.memory_space<hbm>> -> memref<300008x32xf32, #tpu.memory_space<hbm>>
        tpu.enqueue_indirect_dma source(%dma_start3A_776 : memref<300008x32xf32, #tpu.memory_space<hbm>>) target(%dma_start3A_770 : memref<128x32xf32, #tpu.memory_space<vmem>>) offsets(%dma_start3A_773 : memref<128xi32, #tpu.memory_space<vmem>>) semaphore(%arg21 : memref<!tpu.dma_semaphore, #tpu.memory_space<semaphore_mem>>)
        %dma_start3A_777 = arith.constant 0 : i32
        %dma_start3A_778 = arith.constant 0 : i32
        %dma_start3A_779 = tpu.memref_slice %arg13[%sub3A_692, %dma_start3A_777, %dma_start3A_778] : memref<2x128x32xf32, #tpu.memory_space<vmem>> -> memref<1x128x32xf32, #tpu.memory_space<vmem>>
        %dma_start3A_780 = tpu.memref_squeeze %dma_start3A_779 : memref<1x128x32xf32, #tpu.memory_space<vmem>> -> memref<128x32xf32, #tpu.memory_space<vmem>>
        %dma_start3A_781 = arith.constant 0 : i32
        %dma_start3A_782 = tpu.memref_slice %arg10[%sub3A_692, %dma_start3A_781] : memref<2x128xi32, #tpu.memory_space<vmem>> -> memref<1x128xi32, #tpu.memory_space<vmem>>
        %dma_start3A_783 = tpu.memref_squeeze %dma_start3A_782 : memref<1x128xi32, #tpu.memory_space<vmem>> -> memref<128xi32, #tpu.memory_space<vmem>>
        %dma_start3A_784 = arith.constant 0 : i32
        %dma_start3A_785 = arith.constant 0 : i32
        %dma_start3A_786 = tpu.memref_slice %arg3[%dma_start3A_784, %dma_start3A_785] : memref<300008x32xf32, #tpu.memory_space<hbm>> -> memref<300008x32xf32, #tpu.memory_space<hbm>>
        tpu.enqueue_indirect_dma source(%dma_start3A_786 : memref<300008x32xf32, #tpu.memory_space<hbm>>) target(%dma_start3A_780 : memref<128x32xf32, #tpu.memory_space<vmem>>) offsets(%dma_start3A_783 : memref<128xi32, #tpu.memory_space<vmem>>) semaphore(%arg22 : memref<!tpu.dma_semaphore, #tpu.memory_space<semaphore_mem>>)
      } else {
      }
      %broadcast_in_dim3A_737 = arith.constant 0 : i32
      %broadcast_in_dim3A_738 = vector.broadcast %broadcast_in_dim3A_737 : i32 to vector<16xi32>
      %add3A_739 = vector.broadcast %and3A_691 : i32 to vector<16xi32>
      %add3A_740 = arith.addi %broadcast_in_dim3A_738, %add3A_739 : vector<16xi32>
      %parallel_loop3A = arith.constant 0 : i32
      %parallel_loop3A_741 = arith.constant 128 : i32
      %parallel_loop3A_742 = arith.constant 1 : i32
      scf.for %parallel_loop3A_762 = %parallel_loop3A to %parallel_loop3A_741 step %parallel_loop3A_742  : i32 {
        %parallel_loop3A_763 = arith.index_cast %and3A_691 : i32 to index
        %parallel_loop3A_764 = arith.index_cast %parallel_loop3A_762 : i32 to index
        %parallel_loop3A_765 = arith.constant 0 : index
        %parallel_loop3A_766 = tpu.vector_load %arg12[%parallel_loop3A_763, %parallel_loop3A_764, %parallel_loop3A_765] {strides = array<i32>} : memref<2x128x32xf32, #tpu.memory_space<vmem>>, vector<16xf32>,
        %parallel_loop3A_767 = arith.index_cast %and3A_691 : i32 to index
        %parallel_loop3A_768 = arith.index_cast %parallel_loop3A_762 : i32 to index
        %parallel_loop3A_769 = arith.constant 16 : index
        %parallel_loop3A_770 = tpu.vector_load %arg12[%parallel_loop3A_767, %parallel_loop3A_768, %parallel_loop3A_769] {strides = array<i32>} : memref<2x128x32xf32, #tpu.memory_space<vmem>>, vector<16xf32>,
        %parallel_loop3A_771 = arith.index_cast %and3A_691 : i32 to index
        %parallel_loop3A_772 = arith.index_cast %parallel_loop3A_762 : i32 to index
        %parallel_loop3A_773 = arith.constant 0 : index
        %parallel_loop3A_774 = tpu.vector_load %arg13[%parallel_loop3A_771, %parallel_loop3A_772, %parallel_loop3A_773] {strides = array<i32>} : memref<2x128x32xf32, #tpu.memory_space<vmem>>, vector<16xf32>,
        %parallel_loop3A_775 = arith.index_cast %and3A_691 : i32 to index
        %parallel_loop3A_776 = arith.index_cast %parallel_loop3A_762 : i32 to index
        %parallel_loop3A_777 = arith.constant 16 : index
        %parallel_loop3A_778 = tpu.vector_load %arg13[%parallel_loop3A_775, %parallel_loop3A_776, %parallel_loop3A_777] {strides = array<i32>} : memref<2x128x32xf32, #tpu.memory_space<vmem>>, vector<16xf32>,
        %parallel_loop3A_779 = arith.addf %parallel_loop3A_766, %parallel_loop3A_774 : vector<16xf32>
        %parallel_loop3A_780 = arith.addf %parallel_loop3A_770, %parallel_loop3A_778 : vector<16xf32>
        %parallel_loop3A_781 = arith.constant 2.000000e-01 : f32
        %parallel_loop3A_782 = vector.broadcast %parallel_loop3A_781 : f32 to vector<16xf32>
        %parallel_loop3A_783 = arith.mulf %parallel_loop3A_782, %parallel_loop3A_779 : vector<16xf32>
        %parallel_loop3A_784 = arith.maximumf %parallel_loop3A_779, %parallel_loop3A_783 : vector<16xf32>
        %parallel_loop3A_785 = arith.mulf %parallel_loop3A_784, %get3A_346 : vector<16xf32>
        %parallel_loop3A_786 = arith.constant 2.000000e-01 : f32
        %parallel_loop3A_787 = vector.broadcast %parallel_loop3A_786 : f32 to vector<16xf32>
        %parallel_loop3A_788 = arith.mulf %parallel_loop3A_787, %parallel_loop3A_780 : vector<16xf32>
        %parallel_loop3A_789 = arith.maximumf %parallel_loop3A_780, %parallel_loop3A_788 : vector<16xf32>
        %parallel_loop3A_790 = arith.mulf %parallel_loop3A_789, %get3A_348 : vector<16xf32>
        %parallel_loop3A_791 = arith.addf %parallel_loop3A_785, %parallel_loop3A_790 : vector<16xf32>
        %parallel_loop3A_792 = arith.constant true
        %parallel_loop3A_793 = vector.broadcast %parallel_loop3A_792 : i1 to vector<16xi1>
        %parallel_loop3A_794 = tpu.scan <sum>, %parallel_loop3A_791 masked %parallel_loop3A_793 : vector<16xf32>, vector<16xi1> -> vector<16xf32>
        %parallel_loop3A_795 = arith.constant 0 : i32
        %parallel_loop3A_796 = vector.broadcast %parallel_loop3A_795 : i32 to vector<16xi32>
        %parallel_loop3A_797 = arith.cmpi slt, %broadcast_in_dim3A_331, %parallel_loop3A_796 : vector<16xi32>
        %parallel_loop3A_798 = arith.constant 16 : i32
        %parallel_loop3A_799 = vector.broadcast %parallel_loop3A_798 : i32 to vector<16xi32>
        %parallel_loop3A_800 = arith.addi %broadcast_in_dim3A_331, %parallel_loop3A_799 : vector<16xi32>
        %parallel_loop3A_801 = arith.select %parallel_loop3A_797, %parallel_loop3A_800, %broadcast_in_dim3A_331 : vector<16xi1>, vector<16xi32>
        %parallel_loop3A_802 = vector.shape_cast %parallel_loop3A_801 : vector<16xi32> to vector<16x1xi32>
        %parallel_loop3A_803 = vector.shape_cast %parallel_loop3A_802 : vector<16x1xi32> to vector<16xi32>
        %parallel_loop3A_804 = tpu.dynamic_gather %parallel_loop3A_794[%parallel_loop3A_803] in [0] : vector<16xf32>, vector<16xi32> -> vector<16xf32>
        %parallel_loop3A_805 = math.exp %parallel_loop3A_804 : vector<16xf32>
        %parallel_loop3A_806 = arith.mulf %parallel_loop3A_766, %parallel_loop3A_805 : vector<16xf32>
        %parallel_loop3A_807 = arith.index_cast %and3A_691 : i32 to index
        %parallel_loop3A_808 = arith.index_cast %parallel_loop3A_762 : i32 to index
        %parallel_loop3A_809 = arith.constant 0 : index
        %parallel_loop3A_810 = tpu.vector_load %arg14[%parallel_loop3A_807, %parallel_loop3A_808, %parallel_loop3A_809] {strides = array<i32>} : memref<2x128x32xf32, #tpu.memory_space<vmem>>, vector<16xf32>,
        tpu.vector_store %arg14[%parallel_loop3A_807, %parallel_loop3A_808, %parallel_loop3A_809], %parallel_loop3A_806 {strides = array<i32>} : memref<2x128x32xf32, #tpu.memory_space<vmem>>, vector<16xf32>,
        %parallel_loop3A_811 = arith.mulf %parallel_loop3A_770, %parallel_loop3A_805 : vector<16xf32>
        %parallel_loop3A_812 = arith.index_cast %and3A_691 : i32 to index
        %parallel_loop3A_813 = arith.index_cast %parallel_loop3A_762 : i32 to index
        %parallel_loop3A_814 = arith.constant 16 : index
        %parallel_loop3A_815 = tpu.vector_load %arg14[%parallel_loop3A_812, %parallel_loop3A_813, %parallel_loop3A_814] {strides = array<i32>} : memref<2x128x32xf32, #tpu.memory_space<vmem>>, vector<16xf32>,
        tpu.vector_store %arg14[%parallel_loop3A_812, %parallel_loop3A_813, %parallel_loop3A_814], %parallel_loop3A_811 {strides = array<i32>} : memref<2x128x32xf32, #tpu.memory_space<vmem>>, vector<16xf32>,
        %parallel_loop3A_816 = vector.broadcast %parallel_loop3A_762 : i32 to vector<16xi32>
        tpu.vector_store_idx %arg15[%add3A_740, %parallel_loop3A_816], %parallel_loop3A_805 masked %eq3A_333 : memref<2x128xf32, #tpu.memory_space<vmem>>[vector<16xi32>, vector<16xi32>], vector<16xf32>, vector<16xi1>
      } {sc.loop_unroll_factor = 8 : i64, sc.parallel_access}
      %dma_start3A_743 = arith.constant 0 : i32
      %dma_start3A_744 = arith.constant 0 : i32
      %dma_start3A_745 = tpu.memref_slice %arg14[%and3A_691, %dma_start3A_743, %dma_start3A_744] : memref<2x128x32xf32, #tpu.memory_space<vmem>> -> memref<1x128x32xf32, #tpu.memory_space<vmem>>
      %dma_start3A_746 = tpu.memref_squeeze %dma_start3A_745 : memref<1x128x32xf32, #tpu.memory_space<vmem>> -> memref<128x32xf32, #tpu.memory_space<vmem>>
      %dma_start3A_747 = arith.constant 0 : i32
      %dma_start3A_748 = tpu.memref_slice %arg11[%and3A_691, %dma_start3A_747] : memref<2x128xi32, #tpu.memory_space<vmem>> -> memref<1x128xi32, #tpu.memory_space<vmem>>
      %dma_start3A_749 = tpu.memref_squeeze %dma_start3A_748 : memref<1x128xi32, #tpu.memory_space<vmem>> -> memref<128xi32, #tpu.memory_space<vmem>>
      %dma_start3A_750 = arith.constant 0 : i32
      %dma_start3A_751 = arith.constant 0 : i32
      %dma_start3A_752 = tpu.memref_slice %arg19[%dma_start3A_750, %dma_start3A_751] : memref<50056x32xf32, #tpu.memory_space<vmem_shared>> -> memref<50056x32xf32, #tpu.memory_space<vmem_shared>>
      tpu.enqueue_indirect_dma source(%dma_start3A_746 : memref<128x32xf32, #tpu.memory_space<vmem>>) target(%dma_start3A_752 : memref<50056x32xf32, #tpu.memory_space<vmem_shared>>) offsets(%dma_start3A_749 : memref<128xi32, #tpu.memory_space<vmem>>) semaphore(%arg23 : memref<!tpu.dma_semaphore, #tpu.memory_space<semaphore_mem>>) {add = true}
      %dma_start3A_753 = arith.constant 0 : i32
      %dma_start3A_754 = tpu.memref_slice %arg15[%and3A_691, %dma_start3A_753] : memref<2x128xf32, #tpu.memory_space<vmem>> -> memref<1x128xf32, #tpu.memory_space<vmem>>
      %dma_start3A_755 = tpu.memref_squeeze %dma_start3A_754 : memref<1x128xf32, #tpu.memory_space<vmem>> -> memref<128xf32, #tpu.memory_space<vmem>>
      %dma_start3A_756 = arith.constant 0 : i32
      %dma_start3A_757 = tpu.memref_slice %arg11[%and3A_691, %dma_start3A_756] : memref<2x128xi32, #tpu.memory_space<vmem>> -> memref<1x128xi32, #tpu.memory_space<vmem>>
      %dma_start3A_758 = tpu.memref_squeeze %dma_start3A_757 : memref<1x128xi32, #tpu.memory_space<vmem>> -> memref<128xi32, #tpu.memory_space<vmem>>
      %dma_start3A_759 = arith.constant 0 : i32
      %dma_start3A_760 = tpu.memref_slice %arg20[%dma_start3A_759] : memref<50056xf32, #tpu.memory_space<vmem_shared>> -> memref<50056xf32, #tpu.memory_space<vmem_shared>>
      tpu.enqueue_indirect_dma source(%dma_start3A_755 : memref<128xf32, #tpu.memory_space<vmem>>) target(%dma_start3A_760 : memref<50056xf32, #tpu.memory_space<vmem_shared>>) offsets(%dma_start3A_758 : memref<128xi32, #tpu.memory_space<vmem>>) semaphore(%arg24 : memref<!tpu.dma_semaphore, #tpu.memory_space<semaphore_mem>>) {add = true}
      %scan3A_761 = arith.constant 0 : i32
      scf.yield %scan3A_761 : i32
    }
    %scan3A_391 = arith.constant 391 : i32
    %dma_wait3A = arith.constant 1 : i32
    %dma_wait3A_392 = arith.constant 1 : i32
    %dma_wait3A_393 = arith.constant 0 : i32
    %dma_wait3A_394 = arith.constant 0 : i32
    %dma_wait3A_395 = tpu.memref_slice %arg14[%dma_wait3A, %dma_wait3A_393, %dma_wait3A_394] : memref<2x128x32xf32, #tpu.memory_space<vmem>> -> memref<1x128x32xf32, #tpu.memory_space<vmem>>
    %dma_wait3A_396 = tpu.memref_squeeze %dma_wait3A_395 : memref<1x128x32xf32, #tpu.memory_space<vmem>> -> memref<128x32xf32, #tpu.memory_space<vmem>>
    %dma_wait3A_397 = arith.constant 0 : i32
    %dma_wait3A_398 = tpu.memref_slice %arg11[%dma_wait3A_392, %dma_wait3A_397] : memref<2x128xi32, #tpu.memory_space<vmem>> -> memref<1x128xi32, #tpu.memory_space<vmem>>
    %dma_wait3A_399 = tpu.memref_squeeze %dma_wait3A_398 : memref<1x128xi32, #tpu.memory_space<vmem>> -> memref<128xi32, #tpu.memory_space<vmem>>
    %dma_wait3A_400 = arith.constant 0 : i32
    %dma_wait3A_401 = arith.constant 0 : i32
    %dma_wait3A_402 = tpu.memref_slice %arg19[%dma_wait3A_400, %dma_wait3A_401] : memref<50056x32xf32, #tpu.memory_space<vmem_shared>> -> memref<50056x32xf32, #tpu.memory_space<vmem_shared>>
    tpu.wait_indirect_dma semaphore(%arg23 : memref<!tpu.dma_semaphore, #tpu.memory_space<semaphore_mem>>) src(%dma_wait3A_396 : memref<128x32xf32, #tpu.memory_space<vmem>>) dst(%dma_wait3A_402 : memref<50056x32xf32, #tpu.memory_space<vmem_shared>>)
    %dma_wait3A_403 = arith.constant 1 : i32
    %dma_wait3A_404 = arith.constant 1 : i32
    %dma_wait3A_405 = arith.constant 0 : i32
    %dma_wait3A_406 = tpu.memref_slice %arg15[%dma_wait3A_403, %dma_wait3A_405] : memref<2x128xf32, #tpu.memory_space<vmem>> -> memref<1x128xf32, #tpu.memory_space<vmem>>
    %dma_wait3A_407 = tpu.memref_squeeze %dma_wait3A_406 : memref<1x128xf32, #tpu.memory_space<vmem>> -> memref<128xf32, #tpu.memory_space<vmem>>
    %dma_wait3A_408 = arith.constant 0 : i32
    %dma_wait3A_409 = tpu.memref_slice %arg11[%dma_wait3A_404, %dma_wait3A_408] : memref<2x128xi32, #tpu.memory_space<vmem>> -> memref<1x128xi32, #tpu.memory_space<vmem>>
    %dma_wait3A_410 = tpu.memref_squeeze %dma_wait3A_409 : memref<1x128xi32, #tpu.memory_space<vmem>> -> memref<128xi32, #tpu.memory_space<vmem>>
    %dma_wait3A_411 = arith.constant 0 : i32
    %dma_wait3A_412 = tpu.memref_slice %arg20[%dma_wait3A_411] : memref<50056xf32, #tpu.memory_space<vmem_shared>> -> memref<50056xf32, #tpu.memory_space<vmem_shared>>
    tpu.wait_indirect_dma semaphore(%arg24 : memref<!tpu.dma_semaphore, #tpu.memory_space<semaphore_mem>>) src(%dma_wait3A_407 : memref<128xf32, #tpu.memory_space<vmem>>) dst(%dma_wait3A_412 : memref<50056xf32, #tpu.memory_space<vmem_shared>>)
    %dma_wait3A_413 = arith.constant 0 : i32
    %dma_wait3A_414 = arith.constant 0 : i32
    %dma_wait3A_415 = arith.constant 0 : i32
    %dma_wait3A_416 = arith.constant 0 : i32
    %dma_wait3A_417 = tpu.memref_slice %arg14[%dma_wait3A_413, %dma_wait3A_415, %dma_wait3A_416] : memref<2x128x32xf32, #tpu.memory_space<vmem>> -> memref<1x128x32xf32, #tpu.memory_space<vmem>>
    %dma_wait3A_418 = tpu.memref_squeeze %dma_wait3A_417 : memref<1x128x32xf32, #tpu.memory_space<vmem>> -> memref<128x32xf32, #tpu.memory_space<vmem>>
    %dma_wait3A_419 = arith.constant 0 : i32
    %dma_wait3A_420 = tpu.memref_slice %arg11[%dma_wait3A_414, %dma_wait3A_419] : memref<2x128xi32, #tpu.memory_space<vmem>> -> memref<1x128xi32, #tpu.memory_space<vmem>>
    %dma_wait3A_421 = tpu.memref_squeeze %dma_wait3A_420 : memref<1x128xi32, #tpu.memory_space<vmem>> -> memref<128xi32, #tpu.memory_space<vmem>>
    %dma_wait3A_422 = arith.constant 0 : i32
    %dma_wait3A_423 = arith.constant 0 : i32
    %dma_wait3A_424 = tpu.memref_slice %arg19[%dma_wait3A_422, %dma_wait3A_423] : memref<50056x32xf32, #tpu.memory_space<vmem_shared>> -> memref<50056x32xf32, #tpu.memory_space<vmem_shared>>
    tpu.wait_indirect_dma semaphore(%arg23 : memref<!tpu.dma_semaphore, #tpu.memory_space<semaphore_mem>>) src(%dma_wait3A_418 : memref<128x32xf32, #tpu.memory_space<vmem>>) dst(%dma_wait3A_424 : memref<50056x32xf32, #tpu.memory_space<vmem_shared>>)
    %dma_wait3A_425 = arith.constant 0 : i32
    %dma_wait3A_426 = arith.constant 0 : i32
    %dma_wait3A_427 = arith.constant 0 : i32
    %dma_wait3A_428 = tpu.memref_slice %arg15[%dma_wait3A_425, %dma_wait3A_427] : memref<2x128xf32, #tpu.memory_space<vmem>> -> memref<1x128xf32, #tpu.memory_space<vmem>>
    %dma_wait3A_429 = tpu.memref_squeeze %dma_wait3A_428 : memref<1x128xf32, #tpu.memory_space<vmem>> -> memref<128xf32, #tpu.memory_space<vmem>>
    %dma_wait3A_430 = arith.constant 0 : i32
    %dma_wait3A_431 = tpu.memref_slice %arg11[%dma_wait3A_426, %dma_wait3A_430] : memref<2x128xi32, #tpu.memory_space<vmem>> -> memref<1x128xi32, #tpu.memory_space<vmem>>
    %dma_wait3A_432 = tpu.memref_squeeze %dma_wait3A_431 : memref<1x128xi32, #tpu.memory_space<vmem>> -> memref<128xi32, #tpu.memory_space<vmem>>
    %dma_wait3A_433 = arith.constant 0 : i32
    %dma_wait3A_434 = tpu.memref_slice %arg20[%dma_wait3A_433] : memref<50056xf32, #tpu.memory_space<vmem_shared>> -> memref<50056xf32, #tpu.memory_space<vmem_shared>>
    tpu.wait_indirect_dma semaphore(%arg24 : memref<!tpu.dma_semaphore, #tpu.memory_space<semaphore_mem>>) src(%dma_wait3A_429 : memref<128xf32, #tpu.memory_space<vmem>>) dst(%dma_wait3A_434 : memref<50056xf32, #tpu.memory_space<vmem_shared>>)
    %barrier3A_435 = arith.constant 0 : index
    tpu.barrier barrier_id(%barrier3A_435)
    %add3A_436 = arith.constant 0 : i32
    %add3A_437 = arith.addi %add3A_436, %arg0 : i32
    %mul3A_438 = arith.constant 50000 : i32
    %mul3A_439 = arith.muli %add3A_437, %mul3A_438 : i32
    %mul3A_440 = arith.constant 3120 : i32
    %mul3A_441 = arith.muli %mul3A_440, %arg1 : i32
    %add3A_442 = arith.addi %mul3A_439, %mul3A_441 : i32
    "tpu.region"() ({
      %run_scoped3A_689 = tpu.sem_alloc : memref<!tpu.dma_semaphore, #tpu.memory_space<semaphore_mem>>
      %dma_start3A_690 = arith.constant 0 : i32
      %dma_start3A_691 = tpu.memref_slice %arg7[%add3A_442, %dma_start3A_690] : memref<300000x32xf32, #tpu.memory_space<hbm>> -> memref<3120x32xf32, #tpu.memory_space<hbm>>
      %dma_start3A_692 = arith.constant 0 : i32
      %dma_start3A_693 = tpu.memref_slice %arg19[%mul3A_441, %dma_start3A_692] : memref<50056x32xf32, #tpu.memory_space<vmem_shared>> -> memref<3120x32xf32, #tpu.memory_space<vmem_shared>>
      tpu.enqueue_dma source(%dma_start3A_693 : memref<3120x32xf32, #tpu.memory_space<vmem_shared>>) target(%dma_start3A_691 : memref<3120x32xf32, #tpu.memory_space<hbm>>) target_semaphore(%run_scoped3A_689 : memref<!tpu.dma_semaphore, #tpu.memory_space<semaphore_mem>>)
      %dma_wait3A_694 = arith.constant 0 : i32
      %dma_wait3A_695 = tpu.memref_slice %arg7[%add3A_442, %dma_wait3A_694] : memref<300000x32xf32, #tpu.memory_space<hbm>> -> memref<3120x32xf32, #tpu.memory_space<hbm>>
      %dma_wait3A_696 = arith.constant 0 : i32
      %dma_wait3A_697 = tpu.memref_slice %arg19[%mul3A_441, %dma_wait3A_696] : memref<50056x32xf32, #tpu.memory_space<vmem_shared>> -> memref<3120x32xf32, #tpu.memory_space<vmem_shared>>
      tpu.wait_dma2 semaphore(%run_scoped3A_689 : memref<!tpu.dma_semaphore, #tpu.memory_space<semaphore_mem>>) src(%dma_wait3A_697 : memref<3120x32xf32, #tpu.memory_space<vmem_shared>>) dst(%dma_wait3A_695 : memref<3120x32xf32, #tpu.memory_space<hbm>>)
      tpu.yield
    }) : () -> ()
    %add3A_443 = arith.addi %mul3A_439, %mul3A_441 : i32
    "tpu.region"() ({
      %run_scoped3A_689 = tpu.sem_alloc : memref<!tpu.dma_semaphore, #tpu.memory_space<semaphore_mem>>
      %dma_start3A_690 = tpu.memref_slice %arg8[%add3A_443] : memref<300000xf32, #tpu.memory_space<hbm>> -> memref<3120xf32, #tpu.memory_space<hbm>>
      %dma_start3A_691 = tpu.memref_slice %arg20[%mul3A_441] : memref<50056xf32, #tpu.memory_space<vmem_shared>> -> memref<3120xf32, #tpu.memory_space<vmem_shared>>
      tpu.enqueue_dma source(%dma_start3A_691 : memref<3120xf32, #tpu.memory_space<vmem_shared>>) target(%dma_start3A_690 : memref<3120xf32, #tpu.memory_space<hbm>>) target_semaphore(%run_scoped3A_689 : memref<!tpu.dma_semaphore, #tpu.memory_space<semaphore_mem>>)
      %dma_wait3A_692 = tpu.memref_slice %arg8[%add3A_443] : memref<300000xf32, #tpu.memory_space<hbm>> -> memref<3120xf32, #tpu.memory_space<hbm>>
      %dma_wait3A_693 = tpu.memref_slice %arg20[%mul3A_441] : memref<50056xf32, #tpu.memory_space<vmem_shared>> -> memref<3120xf32, #tpu.memory_space<vmem_shared>>
      tpu.wait_dma2 semaphore(%run_scoped3A_689 : memref<!tpu.dma_semaphore, #tpu.memory_space<semaphore_mem>>) src(%dma_wait3A_693 : memref<3120xf32, #tpu.memory_space<vmem_shared>>) dst(%dma_wait3A_692 : memref<3120xf32, #tpu.memory_space<hbm>>)
      tpu.yield
    }) : () -> ()
    %eq3A_444 = arith.constant 15 : i32
    %eq3A_445 = arith.cmpi eq, %arg1, %eq3A_444 : i32
    %convert_element_type3A = arith.extui %eq3A_445 : i1 to i32
    %cond3A = arith.constant 0 : i32
    %cond3A_446 = arith.cmpi ne, %convert_element_type3A, %cond3A : i32
    scf.if %cond3A_446 {
      %add3A_689 = arith.constant 49920 : i32
      %add3A_690 = arith.addi %mul3A_439, %add3A_689 : i32
      "tpu.region"() ({
        %run_scoped3A_693 = tpu.sem_alloc : memref<!tpu.dma_semaphore, #tpu.memory_space<semaphore_mem>>
        %dma_start3A_694 = arith.constant 0 : i32
        %dma_start3A_695 = tpu.memref_slice %arg7[%add3A_690, %dma_start3A_694] : memref<300000x32xf32, #tpu.memory_space<hbm>> -> memref<80x32xf32, #tpu.memory_space<hbm>>
        %dma_start3A_696 = arith.constant 49920 : i32
        %dma_start3A_697 = arith.constant 0 : i32
        %dma_start3A_698 = tpu.memref_slice %arg19[%dma_start3A_696, %dma_start3A_697] : memref<50056x32xf32, #tpu.memory_space<vmem_shared>> -> memref<80x32xf32, #tpu.memory_space<vmem_shared>>
        tpu.enqueue_dma source(%dma_start3A_698 : memref<80x32xf32, #tpu.memory_space<vmem_shared>>) target(%dma_start3A_695 : memref<80x32xf32, #tpu.memory_space<hbm>>) target_semaphore(%run_scoped3A_693 : memref<!tpu.dma_semaphore, #tpu.memory_space<semaphore_mem>>)
        %dma_wait3A_699 = arith.constant 0 : i32
        %dma_wait3A_700 = tpu.memref_slice %arg7[%add3A_690, %dma_wait3A_699] : memref<300000x32xf32, #tpu.memory_space<hbm>> -> memref<80x32xf32, #tpu.memory_space<hbm>>
        %dma_wait3A_701 = arith.constant 49920 : i32
        %dma_wait3A_702 = arith.constant 0 : i32
        %dma_wait3A_703 = tpu.memref_slice %arg19[%dma_wait3A_701, %dma_wait3A_702] : memref<50056x32xf32, #tpu.memory_space<vmem_shared>> -> memref<80x32xf32, #tpu.memory_space<vmem_shared>>
        tpu.wait_dma2 semaphore(%run_scoped3A_693 : memref<!tpu.dma_semaphore, #tpu.memory_space<semaphore_mem>>) src(%dma_wait3A_703 : memref<80x32xf32, #tpu.memory_space<vmem_shared>>) dst(%dma_wait3A_700 : memref<80x32xf32, #tpu.memory_space<hbm>>)
        tpu.yield
      }) : () -> ()
      %add3A_691 = arith.constant 49920 : i32
      %add3A_692 = arith.addi %mul3A_439, %add3A_691 : i32
      "tpu.region"() ({
        %run_scoped3A_693 = tpu.sem_alloc : memref<!tpu.dma_semaphore, #tpu.memory_space<semaphore_mem>>
        %dma_start3A_694 = tpu.memref_slice %arg8[%add3A_692] : memref<300000xf32, #tpu.memory_space<hbm>> -> memref<80xf32, #tpu.memory_space<hbm>>
        %dma_start3A_695 = arith.constant 49920 : i32
        %dma_start3A_696 = tpu.memref_slice %arg20[%dma_start3A_695] : memref<50056xf32, #tpu.memory_space<vmem_shared>> -> memref<80xf32, #tpu.memory_space<vmem_shared>>
        tpu.enqueue_dma source(%dma_start3A_696 : memref<80xf32, #tpu.memory_space<vmem_shared>>) target(%dma_start3A_694 : memref<80xf32, #tpu.memory_space<hbm>>) target_semaphore(%run_scoped3A_693 : memref<!tpu.dma_semaphore, #tpu.memory_space<semaphore_mem>>)
        %dma_wait3A_697 = tpu.memref_slice %arg8[%add3A_692] : memref<300000xf32, #tpu.memory_space<hbm>> -> memref<80xf32, #tpu.memory_space<hbm>>
        %dma_wait3A_698 = arith.constant 49920 : i32
        %dma_wait3A_699 = tpu.memref_slice %arg20[%dma_wait3A_698] : memref<50056xf32, #tpu.memory_space<vmem_shared>> -> memref<80xf32, #tpu.memory_space<vmem_shared>>
        tpu.wait_dma2 semaphore(%run_scoped3A_693 : memref<!tpu.dma_semaphore, #tpu.memory_space<semaphore_mem>>) src(%dma_wait3A_699 : memref<80xf32, #tpu.memory_space<vmem_shared>>) dst(%dma_wait3A_697 : memref<80xf32, #tpu.memory_space<hbm>>)
        tpu.yield
      }) : () -> ()
    } else {
    }
    %scan3A_447 = arith.constant 0 : i32
    %scan3A_448 = arith.constant 0 : i32
    %scan3A_449 = arith.constant 80 : i32
    %scan3A_450 = arith.addi %scan3A_448, %scan3A_449 : i32
    %scan3A_451 = arith.constant 1 : i32
    %scan3A_452 = scf.for %scan3A_689 = %scan3A_448 to %scan3A_450 step %scan3A_451 iter_args(%scan3A_690 = %scan3A_447) -> (i32)  : i32 {
      %mul3A_691 = arith.constant 40 : i32
      %mul3A_692 = arith.muli %scan3A_689, %mul3A_691 : i32
      %add3A_693 = arith.addi %mul3A_326, %mul3A_692 : i32
      "tpu.region"() ({
        %run_scoped3A_698 = tpu.sem_alloc : memref<!tpu.dma_semaphore, #tpu.memory_space<semaphore_mem>>
        %dma_start3A_699 = arith.constant 0 : i32
        %dma_start3A_700 = tpu.memref_slice %arg19[%add3A_693, %dma_start3A_699] : memref<50056x32xf32, #tpu.memory_space<vmem_shared>> -> memref<40x32xf32, #tpu.memory_space<vmem_shared>>
        %dma_start3A_701 = arith.constant 0 : i32
        %dma_start3A_702 = tpu.memref_slice %arg19[%add3A_693, %dma_start3A_701] : memref<50056x32xf32, #tpu.memory_space<vmem_shared>> -> memref<40x32xf32, #tpu.memory_space<vmem_shared>>
        tpu.enqueue_dma source(%arg17 : memref<40x32xf32, #tpu.memory_space<vmem>>) target(%dma_start3A_702 : memref<40x32xf32, #tpu.memory_space<vmem_shared>>) target_semaphore(%run_scoped3A_698 : memref<!tpu.dma_semaphore, #tpu.memory_space<semaphore_mem>>)
        %dma_wait3A_703 = arith.constant 0 : i32
        %dma_wait3A_704 = tpu.memref_slice %arg19[%add3A_693, %dma_wait3A_703] : memref<50056x32xf32, #tpu.memory_space<vmem_shared>> -> memref<40x32xf32, #tpu.memory_space<vmem_shared>>
        %dma_wait3A_705 = arith.constant 0 : i32
        %dma_wait3A_706 = tpu.memref_slice %arg19[%add3A_693, %dma_wait3A_705] : memref<50056x32xf32, #tpu.memory_space<vmem_shared>> -> memref<40x32xf32, #tpu.memory_space<vmem_shared>>
        tpu.wait_dma2 semaphore(%run_scoped3A_698 : memref<!tpu.dma_semaphore, #tpu.memory_space<semaphore_mem>>) src(%arg17 : memref<40x32xf32, #tpu.memory_space<vmem>>) dst(%dma_wait3A_706 : memref<40x32xf32, #tpu.memory_space<vmem_shared>>)
        tpu.yield
      }) : () -> ()
      %mul3A_694 = arith.constant 40 : i32
      %mul3A_695 = arith.muli %scan3A_689, %mul3A_694 : i32
      %add3A_696 = arith.addi %mul3A_326, %mul3A_695 : i32
      "tpu.region"() ({
        %run_scoped3A_698 = tpu.sem_alloc : memref<!tpu.dma_semaphore, #tpu.memory_space<semaphore_mem>>
        %dma_start3A_699 = arith.constant 0 : i32
        %dma_start3A_700 = tpu.memref_slice %arg18[%dma_start3A_699] : memref<48xf32, #tpu.memory_space<vmem>> -> memref<40xf32, #tpu.memory_space<vmem>>
        %dma_start3A_701 = tpu.memref_slice %arg20[%add3A_696] : memref<50056xf32, #tpu.memory_space<vmem_shared>> -> memref<40xf32, #tpu.memory_space<vmem_shared>>
        %dma_start3A_702 = tpu.memref_slice %arg20[%add3A_696] : memref<50056xf32, #tpu.memory_space<vmem_shared>> -> memref<40xf32, #tpu.memory_space<vmem_shared>>
        %dma_start3A_703 = arith.constant 0 : i32
        %dma_start3A_704 = tpu.memref_slice %arg18[%dma_start3A_703] : memref<48xf32, #tpu.memory_space<vmem>> -> memref<40xf32, #tpu.memory_space<vmem>>
        tpu.enqueue_dma source(%dma_start3A_704 : memref<40xf32, #tpu.memory_space<vmem>>) target(%dma_start3A_702 : memref<40xf32, #tpu.memory_space<vmem_shared>>) target_semaphore(%run_scoped3A_698 : memref<!tpu.dma_semaphore, #tpu.memory_space<semaphore_mem>>)
        %dma_wait3A_705 = arith.constant 0 : i32
        %dma_wait3A_706 = tpu.memref_slice %arg18[%dma_wait3A_705] : memref<48xf32, #tpu.memory_space<vmem>> -> memref<40xf32, #tpu.memory_space<vmem>>
        %dma_wait3A_707 = tpu.memref_slice %arg20[%add3A_696] : memref<50056xf32, #tpu.memory_space<vmem_shared>> -> memref<40xf32, #tpu.memory_space<vmem_shared>>
        %dma_wait3A_708 = tpu.memref_slice %arg20[%add3A_696] : memref<50056xf32, #tpu.memory_space<vmem_shared>> -> memref<40xf32, #tpu.memory_space<vmem_shared>>
        %dma_wait3A_709 = arith.constant 0 : i32
        %dma_wait3A_710 = tpu.memref_slice %arg18[%dma_wait3A_709] : memref<48xf32, #tpu.memory_space<vmem>> -> memref<40xf32, #tpu.memory_space<vmem>>
        tpu.wait_dma2 semaphore(%run_scoped3A_698 : memref<!tpu.dma_semaphore, #tpu.memory_space<semaphore_mem>>) src(%dma_wait3A_710 : memref<40xf32, #tpu.memory_space<vmem>>) dst(%dma_wait3A_708 : memref<40xf32, #tpu.memory_space<vmem_shared>>)
        tpu.yield
      }) : () -> ()
      %scan3A_697 = arith.constant 0 : i32
      scf.yield %scan3A_697 : i32
    }
    %scan3A_453 = arith.constant 80 : i32
    %barrier3A_454 = arith.constant 0 : index
    tpu.barrier barrier_id(%barrier3A_454)
    %broadcast_in_dim3A_455 = arith.constant 100000 : i32
    %broadcast_in_dim3A_456 = vector.broadcast %broadcast_in_dim3A_455 : i32 to vector<16xi32>
    %mul3A_457 = arith.constant 50000 : i32
    %mul3A_458 = arith.muli %arg0, %mul3A_457 : i32
    %add3A_459 = vector.broadcast %mul3A_458 : i32 to vector<16xi32>
    %add3A_460 = arith.addi %broadcast_in_dim3A_456, %add3A_459 : vector<16xi32>
    %get3A_461 = arith.constant 0 : index
    %get3A_462 = tpu.vector_load %arg16[%get3A_461] {strides = array<i32>} : memref<32xf32, #tpu.memory_space<vmem>>, vector<16xf32>,
    %get3A_463 = arith.constant 16 : index
    %get3A_464 = tpu.vector_load %arg16[%get3A_463] {strides = array<i32>} : memref<32xf32, #tpu.memory_space<vmem>>, vector<16xf32>,
    %mul3A_465 = arith.constant 391 : i32
    %mul3A_466 = arith.muli %arg1, %mul3A_465 : i32
    %run_scoped3A_467 = arith.constant 1 : i32
    %run_scoped3A_468 = arith.constant 0 : i32
    "tpu.region"() ({
      %run_scoped3A_689 = tpu.sem_alloc : memref<!tpu.dma_semaphore, #tpu.memory_space<semaphore_mem>>
      %dma_start3A_690 = arith.constant 0 : i32
      %dma_start3A_691 = tpu.memref_slice %arg9[%run_scoped3A_468, %dma_start3A_690] : memref<2x128xi32, #tpu.memory_space<vmem>> -> memref<1x128xi32, #tpu.memory_space<vmem>>
      %dma_start3A_692 = tpu.memref_squeeze %dma_start3A_691 : memref<1x128xi32, #tpu.memory_space<vmem>> -> memref<128xi32, #tpu.memory_space<vmem>>
      %dma_start3A_693 = arith.constant 0 : i32
      %dma_start3A_694 = tpu.memref_slice %arg4[%run_scoped3A_467, %arg0, %mul3A_466, %dma_start3A_693] : memref<3x2x6256x128xi32, #tpu.memory_space<hbm>> -> memref<1x1x1x128xi32, #tpu.memory_space<hbm>>
      %dma_start3A_695 = tpu.memref_squeeze %dma_start3A_694 : memref<1x1x1x128xi32, #tpu.memory_space<hbm>> -> memref<128xi32, #tpu.memory_space<hbm>>
      %dma_start3A_696 = arith.constant 0 : i32
      %dma_start3A_697 = tpu.memref_slice %arg9[%run_scoped3A_468, %dma_start3A_696] : memref<2x128xi32, #tpu.memory_space<vmem>> -> memref<1x128xi32, #tpu.memory_space<vmem>>
      %dma_start3A_698 = tpu.memref_squeeze %dma_start3A_697 : memref<1x128xi32, #tpu.memory_space<vmem>> -> memref<128xi32, #tpu.memory_space<vmem>>
      %dma_start3A_699 = arith.constant 0 : i32
      %dma_start3A_700 = tpu.memref_slice %arg4[%run_scoped3A_467, %arg0, %mul3A_466, %dma_start3A_699] : memref<3x2x6256x128xi32, #tpu.memory_space<hbm>> -> memref<1x1x1x128xi32, #tpu.memory_space<hbm>>
      %dma_start3A_701 = tpu.memref_squeeze %dma_start3A_700 : memref<1x1x1x128xi32, #tpu.memory_space<hbm>> -> memref<128xi32, #tpu.memory_space<hbm>>
      tpu.enqueue_dma source(%dma_start3A_701 : memref<128xi32, #tpu.memory_space<hbm>>) target(%dma_start3A_698 : memref<128xi32, #tpu.memory_space<vmem>>) target_semaphore(%run_scoped3A_689 : memref<!tpu.dma_semaphore, #tpu.memory_space<semaphore_mem>>)
      %dma_wait3A_702 = arith.constant 0 : i32
      %dma_wait3A_703 = tpu.memref_slice %arg9[%run_scoped3A_468, %dma_wait3A_702] : memref<2x128xi32, #tpu.memory_space<vmem>> -> memref<1x128xi32, #tpu.memory_space<vmem>>
      %dma_wait3A_704 = tpu.memref_squeeze %dma_wait3A_703 : memref<1x128xi32, #tpu.memory_space<vmem>> -> memref<128xi32, #tpu.memory_space<vmem>>
      %dma_wait3A_705 = arith.constant 0 : i32
      %dma_wait3A_706 = tpu.memref_slice %arg4[%run_scoped3A_467, %arg0, %mul3A_466, %dma_wait3A_705] : memref<3x2x6256x128xi32, #tpu.memory_space<hbm>> -> memref<1x1x1x128xi32, #tpu.memory_space<hbm>>
      %dma_wait3A_707 = tpu.memref_squeeze %dma_wait3A_706 : memref<1x1x1x128xi32, #tpu.memory_space<hbm>> -> memref<128xi32, #tpu.memory_space<hbm>>
      %dma_wait3A_708 = arith.constant 0 : i32
      %dma_wait3A_709 = tpu.memref_slice %arg9[%run_scoped3A_468, %dma_wait3A_708] : memref<2x128xi32, #tpu.memory_space<vmem>> -> memref<1x128xi32, #tpu.memory_space<vmem>>
      %dma_wait3A_710 = tpu.memref_squeeze %dma_wait3A_709 : memref<1x128xi32, #tpu.memory_space<vmem>> -> memref<128xi32, #tpu.memory_space<vmem>>
      %dma_wait3A_711 = arith.constant 0 : i32
      %dma_wait3A_712 = tpu.memref_slice %arg4[%run_scoped3A_467, %arg0, %mul3A_466, %dma_wait3A_711] : memref<3x2x6256x128xi32, #tpu.memory_space<hbm>> -> memref<1x1x1x128xi32, #tpu.memory_space<hbm>>
      %dma_wait3A_713 = tpu.memref_squeeze %dma_wait3A_712 : memref<1x1x1x128xi32, #tpu.memory_space<hbm>> -> memref<128xi32, #tpu.memory_space<hbm>>
      tpu.wait_dma2 semaphore(%run_scoped3A_689 : memref<!tpu.dma_semaphore, #tpu.memory_space<semaphore_mem>>) src(%dma_wait3A_713 : memref<128xi32, #tpu.memory_space<hbm>>) dst(%dma_wait3A_710 : memref<128xi32, #tpu.memory_space<vmem>>)
      tpu.yield
    }) : () -> ()
    %run_scoped3A_469 = arith.constant 1 : i32
    %run_scoped3A_470 = arith.constant 0 : i32
    "tpu.region"() ({
      %run_scoped3A_689 = tpu.sem_alloc : memref<!tpu.dma_semaphore, #tpu.memory_space<semaphore_mem>>
      %dma_start3A_690 = arith.constant 0 : i32
      %dma_start3A_691 = tpu.memref_slice %arg10[%run_scoped3A_470, %dma_start3A_690] : memref<2x128xi32, #tpu.memory_space<vmem>> -> memref<1x128xi32, #tpu.memory_space<vmem>>
      %dma_start3A_692 = tpu.memref_squeeze %dma_start3A_691 : memref<1x128xi32, #tpu.memory_space<vmem>> -> memref<128xi32, #tpu.memory_space<vmem>>
      %dma_start3A_693 = arith.constant 0 : i32
      %dma_start3A_694 = tpu.memref_slice %arg5[%run_scoped3A_469, %arg0, %mul3A_466, %dma_start3A_693] : memref<3x2x6256x128xi32, #tpu.memory_space<hbm>> -> memref<1x1x1x128xi32, #tpu.memory_space<hbm>>
      %dma_start3A_695 = tpu.memref_squeeze %dma_start3A_694 : memref<1x1x1x128xi32, #tpu.memory_space<hbm>> -> memref<128xi32, #tpu.memory_space<hbm>>
      %dma_start3A_696 = arith.constant 0 : i32
      %dma_start3A_697 = tpu.memref_slice %arg10[%run_scoped3A_470, %dma_start3A_696] : memref<2x128xi32, #tpu.memory_space<vmem>> -> memref<1x128xi32, #tpu.memory_space<vmem>>
      %dma_start3A_698 = tpu.memref_squeeze %dma_start3A_697 : memref<1x128xi32, #tpu.memory_space<vmem>> -> memref<128xi32, #tpu.memory_space<vmem>>
      %dma_start3A_699 = arith.constant 0 : i32
      %dma_start3A_700 = tpu.memref_slice %arg5[%run_scoped3A_469, %arg0, %mul3A_466, %dma_start3A_699] : memref<3x2x6256x128xi32, #tpu.memory_space<hbm>> -> memref<1x1x1x128xi32, #tpu.memory_space<hbm>>
      %dma_start3A_701 = tpu.memref_squeeze %dma_start3A_700 : memref<1x1x1x128xi32, #tpu.memory_space<hbm>> -> memref<128xi32, #tpu.memory_space<hbm>>
      tpu.enqueue_dma source(%dma_start3A_701 : memref<128xi32, #tpu.memory_space<hbm>>) target(%dma_start3A_698 : memref<128xi32, #tpu.memory_space<vmem>>) target_semaphore(%run_scoped3A_689 : memref<!tpu.dma_semaphore, #tpu.memory_space<semaphore_mem>>)
      %dma_wait3A_702 = arith.constant 0 : i32
      %dma_wait3A_703 = tpu.memref_slice %arg10[%run_scoped3A_470, %dma_wait3A_702] : memref<2x128xi32, #tpu.memory_space<vmem>> -> memref<1x128xi32, #tpu.memory_space<vmem>>
      %dma_wait3A_704 = tpu.memref_squeeze %dma_wait3A_703 : memref<1x128xi32, #tpu.memory_space<vmem>> -> memref<128xi32, #tpu.memory_space<vmem>>
      %dma_wait3A_705 = arith.constant 0 : i32
      %dma_wait3A_706 = tpu.memref_slice %arg5[%run_scoped3A_469, %arg0, %mul3A_466, %dma_wait3A_705] : memref<3x2x6256x128xi32, #tpu.memory_space<hbm>> -> memref<1x1x1x128xi32, #tpu.memory_space<hbm>>
      %dma_wait3A_707 = tpu.memref_squeeze %dma_wait3A_706 : memref<1x1x1x128xi32, #tpu.memory_space<hbm>> -> memref<128xi32, #tpu.memory_space<hbm>>
      %dma_wait3A_708 = arith.constant 0 : i32
      %dma_wait3A_709 = tpu.memref_slice %arg10[%run_scoped3A_470, %dma_wait3A_708] : memref<2x128xi32, #tpu.memory_space<vmem>> -> memref<1x128xi32, #tpu.memory_space<vmem>>
      %dma_wait3A_710 = tpu.memref_squeeze %dma_wait3A_709 : memref<1x128xi32, #tpu.memory_space<vmem>> -> memref<128xi32, #tpu.memory_space<vmem>>
      %dma_wait3A_711 = arith.constant 0 : i32
      %dma_wait3A_712 = tpu.memref_slice %arg5[%run_scoped3A_469, %arg0, %mul3A_466, %dma_wait3A_711] : memref<3x2x6256x128xi32, #tpu.memory_space<hbm>> -> memref<1x1x1x128xi32, #tpu.memory_space<hbm>>
      %dma_wait3A_713 = tpu.memref_squeeze %dma_wait3A_712 : memref<1x1x1x128xi32, #tpu.memory_space<hbm>> -> memref<128xi32, #tpu.memory_space<hbm>>
      tpu.wait_dma2 semaphore(%run_scoped3A_689 : memref<!tpu.dma_semaphore, #tpu.memory_space<semaphore_mem>>) src(%dma_wait3A_713 : memref<128xi32, #tpu.memory_space<hbm>>) dst(%dma_wait3A_710 : memref<128xi32, #tpu.memory_space<vmem>>)
      tpu.yield
    }) : () -> ()
    %add3A_471 = arith.constant 1 : i32
    %add3A_472 = arith.addi %mul3A_466, %add3A_471 : i32
    %run_scoped3A_473 = arith.constant 1 : i32
    %run_scoped3A_474 = arith.constant 1 : i32
    "tpu.region"() ({
      %run_scoped3A_689 = tpu.sem_alloc : memref<!tpu.dma_semaphore, #tpu.memory_space<semaphore_mem>>
      %dma_start3A_690 = arith.constant 0 : i32
      %dma_start3A_691 = tpu.memref_slice %arg9[%run_scoped3A_474, %dma_start3A_690] : memref<2x128xi32, #tpu.memory_space<vmem>> -> memref<1x128xi32, #tpu.memory_space<vmem>>
      %dma_start3A_692 = tpu.memref_squeeze %dma_start3A_691 : memref<1x128xi32, #tpu.memory_space<vmem>> -> memref<128xi32, #tpu.memory_space<vmem>>
      %dma_start3A_693 = arith.constant 0 : i32
      %dma_start3A_694 = tpu.memref_slice %arg4[%run_scoped3A_473, %arg0, %add3A_472, %dma_start3A_693] : memref<3x2x6256x128xi32, #tpu.memory_space<hbm>> -> memref<1x1x1x128xi32, #tpu.memory_space<hbm>>
      %dma_start3A_695 = tpu.memref_squeeze %dma_start3A_694 : memref<1x1x1x128xi32, #tpu.memory_space<hbm>> -> memref<128xi32, #tpu.memory_space<hbm>>
      %dma_start3A_696 = arith.constant 0 : i32
      %dma_start3A_697 = tpu.memref_slice %arg9[%run_scoped3A_474, %dma_start3A_696] : memref<2x128xi32, #tpu.memory_space<vmem>> -> memref<1x128xi32, #tpu.memory_space<vmem>>
      %dma_start3A_698 = tpu.memref_squeeze %dma_start3A_697 : memref<1x128xi32, #tpu.memory_space<vmem>> -> memref<128xi32, #tpu.memory_space<vmem>>
      %dma_start3A_699 = arith.constant 0 : i32
      %dma_start3A_700 = tpu.memref_slice %arg4[%run_scoped3A_473, %arg0, %add3A_472, %dma_start3A_699] : memref<3x2x6256x128xi32, #tpu.memory_space<hbm>> -> memref<1x1x1x128xi32, #tpu.memory_space<hbm>>
      %dma_start3A_701 = tpu.memref_squeeze %dma_start3A_700 : memref<1x1x1x128xi32, #tpu.memory_space<hbm>> -> memref<128xi32, #tpu.memory_space<hbm>>
      tpu.enqueue_dma source(%dma_start3A_701 : memref<128xi32, #tpu.memory_space<hbm>>) target(%dma_start3A_698 : memref<128xi32, #tpu.memory_space<vmem>>) target_semaphore(%run_scoped3A_689 : memref<!tpu.dma_semaphore, #tpu.memory_space<semaphore_mem>>)
      %dma_wait3A_702 = arith.constant 0 : i32
      %dma_wait3A_703 = tpu.memref_slice %arg9[%run_scoped3A_474, %dma_wait3A_702] : memref<2x128xi32, #tpu.memory_space<vmem>> -> memref<1x128xi32, #tpu.memory_space<vmem>>
      %dma_wait3A_704 = tpu.memref_squeeze %dma_wait3A_703 : memref<1x128xi32, #tpu.memory_space<vmem>> -> memref<128xi32, #tpu.memory_space<vmem>>
      %dma_wait3A_705 = arith.constant 0 : i32
      %dma_wait3A_706 = tpu.memref_slice %arg4[%run_scoped3A_473, %arg0, %add3A_472, %dma_wait3A_705] : memref<3x2x6256x128xi32, #tpu.memory_space<hbm>> -> memref<1x1x1x128xi32, #tpu.memory_space<hbm>>
      %dma_wait3A_707 = tpu.memref_squeeze %dma_wait3A_706 : memref<1x1x1x128xi32, #tpu.memory_space<hbm>> -> memref<128xi32, #tpu.memory_space<hbm>>
      %dma_wait3A_708 = arith.constant 0 : i32
      %dma_wait3A_709 = tpu.memref_slice %arg9[%run_scoped3A_474, %dma_wait3A_708] : memref<2x128xi32, #tpu.memory_space<vmem>> -> memref<1x128xi32, #tpu.memory_space<vmem>>
      %dma_wait3A_710 = tpu.memref_squeeze %dma_wait3A_709 : memref<1x128xi32, #tpu.memory_space<vmem>> -> memref<128xi32, #tpu.memory_space<vmem>>
      %dma_wait3A_711 = arith.constant 0 : i32
      %dma_wait3A_712 = tpu.memref_slice %arg4[%run_scoped3A_473, %arg0, %add3A_472, %dma_wait3A_711] : memref<3x2x6256x128xi32, #tpu.memory_space<hbm>> -> memref<1x1x1x128xi32, #tpu.memory_space<hbm>>
      %dma_wait3A_713 = tpu.memref_squeeze %dma_wait3A_712 : memref<1x1x1x128xi32, #tpu.memory_space<hbm>> -> memref<128xi32, #tpu.memory_space<hbm>>
      tpu.wait_dma2 semaphore(%run_scoped3A_689 : memref<!tpu.dma_semaphore, #tpu.memory_space<semaphore_mem>>) src(%dma_wait3A_713 : memref<128xi32, #tpu.memory_space<hbm>>) dst(%dma_wait3A_710 : memref<128xi32, #tpu.memory_space<vmem>>)
      tpu.yield
    }) : () -> ()
    %add3A_475 = arith.constant 1 : i32
    %add3A_476 = arith.addi %mul3A_466, %add3A_475 : i32
    %run_scoped3A_477 = arith.constant 1 : i32
    %run_scoped3A_478 = arith.constant 1 : i32
    "tpu.region"() ({
      %run_scoped3A_689 = tpu.sem_alloc : memref<!tpu.dma_semaphore, #tpu.memory_space<semaphore_mem>>
      %dma_start3A_690 = arith.constant 0 : i32
      %dma_start3A_691 = tpu.memref_slice %arg10[%run_scoped3A_478, %dma_start3A_690] : memref<2x128xi32, #tpu.memory_space<vmem>> -> memref<1x128xi32, #tpu.memory_space<vmem>>
      %dma_start3A_692 = tpu.memref_squeeze %dma_start3A_691 : memref<1x128xi32, #tpu.memory_space<vmem>> -> memref<128xi32, #tpu.memory_space<vmem>>
      %dma_start3A_693 = arith.constant 0 : i32
      %dma_start3A_694 = tpu.memref_slice %arg5[%run_scoped3A_477, %arg0, %add3A_476, %dma_start3A_693] : memref<3x2x6256x128xi32, #tpu.memory_space<hbm>> -> memref<1x1x1x128xi32, #tpu.memory_space<hbm>>
      %dma_start3A_695 = tpu.memref_squeeze %dma_start3A_694 : memref<1x1x1x128xi32, #tpu.memory_space<hbm>> -> memref<128xi32, #tpu.memory_space<hbm>>
      %dma_start3A_696 = arith.constant 0 : i32
      %dma_start3A_697 = tpu.memref_slice %arg10[%run_scoped3A_478, %dma_start3A_696] : memref<2x128xi32, #tpu.memory_space<vmem>> -> memref<1x128xi32, #tpu.memory_space<vmem>>
      %dma_start3A_698 = tpu.memref_squeeze %dma_start3A_697 : memref<1x128xi32, #tpu.memory_space<vmem>> -> memref<128xi32, #tpu.memory_space<vmem>>
      %dma_start3A_699 = arith.constant 0 : i32
      %dma_start3A_700 = tpu.memref_slice %arg5[%run_scoped3A_477, %arg0, %add3A_476, %dma_start3A_699] : memref<3x2x6256x128xi32, #tpu.memory_space<hbm>> -> memref<1x1x1x128xi32, #tpu.memory_space<hbm>>
      %dma_start3A_701 = tpu.memref_squeeze %dma_start3A_700 : memref<1x1x1x128xi32, #tpu.memory_space<hbm>> -> memref<128xi32, #tpu.memory_space<hbm>>
      tpu.enqueue_dma source(%dma_start3A_701 : memref<128xi32, #tpu.memory_space<hbm>>) target(%dma_start3A_698 : memref<128xi32, #tpu.memory_space<vmem>>) target_semaphore(%run_scoped3A_689 : memref<!tpu.dma_semaphore, #tpu.memory_space<semaphore_mem>>)
      %dma_wait3A_702 = arith.constant 0 : i32
      %dma_wait3A_703 = tpu.memref_slice %arg10[%run_scoped3A_478, %dma_wait3A_702] : memref<2x128xi32, #tpu.memory_space<vmem>> -> memref<1x128xi32, #tpu.memory_space<vmem>>
      %dma_wait3A_704 = tpu.memref_squeeze %dma_wait3A_703 : memref<1x128xi32, #tpu.memory_space<vmem>> -> memref<128xi32, #tpu.memory_space<vmem>>
      %dma_wait3A_705 = arith.constant 0 : i32
      %dma_wait3A_706 = tpu.memref_slice %arg5[%run_scoped3A_477, %arg0, %add3A_476, %dma_wait3A_705] : memref<3x2x6256x128xi32, #tpu.memory_space<hbm>> -> memref<1x1x1x128xi32, #tpu.memory_space<hbm>>
      %dma_wait3A_707 = tpu.memref_squeeze %dma_wait3A_706 : memref<1x1x1x128xi32, #tpu.memory_space<hbm>> -> memref<128xi32, #tpu.memory_space<hbm>>
      %dma_wait3A_708 = arith.constant 0 : i32
      %dma_wait3A_709 = tpu.memref_slice %arg10[%run_scoped3A_478, %dma_wait3A_708] : memref<2x128xi32, #tpu.memory_space<vmem>> -> memref<1x128xi32, #tpu.memory_space<vmem>>
      %dma_wait3A_710 = tpu.memref_squeeze %dma_wait3A_709 : memref<1x128xi32, #tpu.memory_space<vmem>> -> memref<128xi32, #tpu.memory_space<vmem>>
      %dma_wait3A_711 = arith.constant 0 : i32
      %dma_wait3A_712 = tpu.memref_slice %arg5[%run_scoped3A_477, %arg0, %add3A_476, %dma_wait3A_711] : memref<3x2x6256x128xi32, #tpu.memory_space<hbm>> -> memref<1x1x1x128xi32, #tpu.memory_space<hbm>>
      %dma_wait3A_713 = tpu.memref_squeeze %dma_wait3A_712 : memref<1x1x1x128xi32, #tpu.memory_space<hbm>> -> memref<128xi32, #tpu.memory_space<hbm>>
      tpu.wait_dma2 semaphore(%run_scoped3A_689 : memref<!tpu.dma_semaphore, #tpu.memory_space<semaphore_mem>>) src(%dma_wait3A_713 : memref<128xi32, #tpu.memory_space<hbm>>) dst(%dma_wait3A_710 : memref<128xi32, #tpu.memory_space<vmem>>)
      tpu.yield
    }) : () -> ()
    %dma_start3A_479 = arith.constant 0 : i32
    %dma_start3A_480 = arith.constant 0 : i32
    %dma_start3A_481 = arith.constant 0 : i32
    %dma_start3A_482 = arith.constant 0 : i32
    %dma_start3A_483 = tpu.memref_slice %arg12[%dma_start3A_480, %dma_start3A_481, %dma_start3A_482] : memref<2x128x32xf32, #tpu.memory_space<vmem>> -> memref<1x128x32xf32, #tpu.memory_space<vmem>>
    %dma_start3A_484 = tpu.memref_squeeze %dma_start3A_483 : memref<1x128x32xf32, #tpu.memory_space<vmem>> -> memref<128x32xf32, #tpu.memory_space<vmem>>
    %dma_start3A_485 = arith.constant 0 : i32
    %dma_start3A_486 = tpu.memref_slice %arg9[%dma_start3A_479, %dma_start3A_485] : memref<2x128xi32, #tpu.memory_space<vmem>> -> memref<1x128xi32, #tpu.memory_space<vmem>>
    %dma_start3A_487 = tpu.memref_squeeze %dma_start3A_486 : memref<1x128xi32, #tpu.memory_space<vmem>> -> memref<128xi32, #tpu.memory_space<vmem>>
    %dma_start3A_488 = arith.constant 0 : i32
    %dma_start3A_489 = arith.constant 0 : i32
    %dma_start3A_490 = tpu.memref_slice %arg2[%dma_start3A_488, %dma_start3A_489] : memref<300008x32xf32, #tpu.memory_space<hbm>> -> memref<300008x32xf32, #tpu.memory_space<hbm>>
    tpu.enqueue_indirect_dma source(%dma_start3A_490 : memref<300008x32xf32, #tpu.memory_space<hbm>>) target(%dma_start3A_484 : memref<128x32xf32, #tpu.memory_space<vmem>>) offsets(%dma_start3A_487 : memref<128xi32, #tpu.memory_space<vmem>>) semaphore(%arg21 : memref<!tpu.dma_semaphore, #tpu.memory_space<semaphore_mem>>)
    %dma_start3A_491 = arith.constant 0 : i32
    %dma_start3A_492 = arith.constant 0 : i32
    %dma_start3A_493 = arith.constant 0 : i32
    %dma_start3A_494 = arith.constant 0 : i32
    %dma_start3A_495 = tpu.memref_slice %arg13[%dma_start3A_492, %dma_start3A_493, %dma_start3A_494] : memref<2x128x32xf32, #tpu.memory_space<vmem>> -> memref<1x128x32xf32, #tpu.memory_space<vmem>>
    %dma_start3A_496 = tpu.memref_squeeze %dma_start3A_495 : memref<1x128x32xf32, #tpu.memory_space<vmem>> -> memref<128x32xf32, #tpu.memory_space<vmem>>
    %dma_start3A_497 = arith.constant 0 : i32
    %dma_start3A_498 = tpu.memref_slice %arg10[%dma_start3A_491, %dma_start3A_497] : memref<2x128xi32, #tpu.memory_space<vmem>> -> memref<1x128xi32, #tpu.memory_space<vmem>>
    %dma_start3A_499 = tpu.memref_squeeze %dma_start3A_498 : memref<1x128xi32, #tpu.memory_space<vmem>> -> memref<128xi32, #tpu.memory_space<vmem>>
    %dma_start3A_500 = arith.constant 0 : i32
    %dma_start3A_501 = arith.constant 0 : i32
    %dma_start3A_502 = tpu.memref_slice %arg3[%dma_start3A_500, %dma_start3A_501] : memref<300008x32xf32, #tpu.memory_space<hbm>> -> memref<300008x32xf32, #tpu.memory_space<hbm>>
    tpu.enqueue_indirect_dma source(%dma_start3A_502 : memref<300008x32xf32, #tpu.memory_space<hbm>>) target(%dma_start3A_496 : memref<128x32xf32, #tpu.memory_space<vmem>>) offsets(%dma_start3A_499 : memref<128xi32, #tpu.memory_space<vmem>>) semaphore(%arg22 : memref<!tpu.dma_semaphore, #tpu.memory_space<semaphore_mem>>)
    %scan3A_503 = arith.constant 0 : i32
    %scan3A_504 = arith.constant 0 : i32
    %scan3A_505 = arith.constant 391 : i32
    %scan3A_506 = arith.addi %scan3A_504, %scan3A_505 : i32
    %scan3A_507 = arith.constant 1 : i32
    %scan3A_508 = scf.for %scan3A_689 = %scan3A_504 to %scan3A_506 step %scan3A_507 iter_args(%scan3A_690 = %scan3A_503) -> (i32)  : i32 {
      %and3A = arith.constant 1 : i32
      %and3A_691 = arith.andi %scan3A_689, %and3A : i32
      %sub3A = arith.constant 1 : i32
      %sub3A_692 = arith.subi %sub3A, %and3A_691 : i32
      %dma_wait3A_693 = arith.constant 0 : i32
      %dma_wait3A_694 = arith.constant 0 : i32
      %dma_wait3A_695 = tpu.memref_slice %arg12[%and3A_691, %dma_wait3A_693, %dma_wait3A_694] : memref<2x128x32xf32, #tpu.memory_space<vmem>> -> memref<1x128x32xf32, #tpu.memory_space<vmem>>
      %dma_wait3A_696 = tpu.memref_squeeze %dma_wait3A_695 : memref<1x128x32xf32, #tpu.memory_space<vmem>> -> memref<128x32xf32, #tpu.memory_space<vmem>>
      %dma_wait3A_697 = arith.constant 0 : i32
      %dma_wait3A_698 = tpu.memref_slice %arg9[%and3A_691, %dma_wait3A_697] : memref<2x128xi32, #tpu.memory_space<vmem>> -> memref<1x128xi32, #tpu.memory_space<vmem>>
      %dma_wait3A_699 = tpu.memref_squeeze %dma_wait3A_698 : memref<1x128xi32, #tpu.memory_space<vmem>> -> memref<128xi32, #tpu.memory_space<vmem>>
      %dma_wait3A_700 = arith.constant 0 : i32
      %dma_wait3A_701 = arith.constant 0 : i32
      %dma_wait3A_702 = tpu.memref_slice %arg2[%dma_wait3A_700, %dma_wait3A_701] : memref<300008x32xf32, #tpu.memory_space<hbm>> -> memref<300008x32xf32, #tpu.memory_space<hbm>>
      tpu.wait_indirect_dma semaphore(%arg21 : memref<!tpu.dma_semaphore, #tpu.memory_space<semaphore_mem>>) src(%dma_wait3A_702 : memref<300008x32xf32, #tpu.memory_space<hbm>>) dst(%dma_wait3A_696 : memref<128x32xf32, #tpu.memory_space<vmem>>)
      %dma_wait3A_703 = arith.constant 0 : i32
      %dma_wait3A_704 = arith.constant 0 : i32
      %dma_wait3A_705 = tpu.memref_slice %arg13[%and3A_691, %dma_wait3A_703, %dma_wait3A_704] : memref<2x128x32xf32, #tpu.memory_space<vmem>> -> memref<1x128x32xf32, #tpu.memory_space<vmem>>
      %dma_wait3A_706 = tpu.memref_squeeze %dma_wait3A_705 : memref<1x128x32xf32, #tpu.memory_space<vmem>> -> memref<128x32xf32, #tpu.memory_space<vmem>>
      %dma_wait3A_707 = arith.constant 0 : i32
      %dma_wait3A_708 = tpu.memref_slice %arg10[%and3A_691, %dma_wait3A_707] : memref<2x128xi32, #tpu.memory_space<vmem>> -> memref<1x128xi32, #tpu.memory_space<vmem>>
      %dma_wait3A_709 = tpu.memref_squeeze %dma_wait3A_708 : memref<1x128xi32, #tpu.memory_space<vmem>> -> memref<128xi32, #tpu.memory_space<vmem>>
      %dma_wait3A_710 = arith.constant 0 : i32
      %dma_wait3A_711 = arith.constant 0 : i32
      %dma_wait3A_712 = tpu.memref_slice %arg3[%dma_wait3A_710, %dma_wait3A_711] : memref<300008x32xf32, #tpu.memory_space<hbm>> -> memref<300008x32xf32, #tpu.memory_space<hbm>>
      tpu.wait_indirect_dma semaphore(%arg22 : memref<!tpu.dma_semaphore, #tpu.memory_space<semaphore_mem>>) src(%dma_wait3A_712 : memref<300008x32xf32, #tpu.memory_space<hbm>>) dst(%dma_wait3A_706 : memref<128x32xf32, #tpu.memory_space<vmem>>)
      %ge3A = arith.constant 2 : i32
      %ge3A_713 = arith.cmpi sge, %scan3A_689, %ge3A : i32
      %convert_element_type3A_714 = arith.extui %ge3A_713 : i1 to i32
      %cond3A_715 = arith.constant 0 : i32
      %cond3A_716 = arith.cmpi ne, %convert_element_type3A_714, %cond3A_715 : i32
      scf.if %cond3A_716 {
        %dma_wait3A_762 = arith.constant 0 : i32
        %dma_wait3A_763 = arith.constant 0 : i32
        %dma_wait3A_764 = tpu.memref_slice %arg14[%and3A_691, %dma_wait3A_762, %dma_wait3A_763] : memref<2x128x32xf32, #tpu.memory_space<vmem>> -> memref<1x128x32xf32, #tpu.memory_space<vmem>>
        %dma_wait3A_765 = tpu.memref_squeeze %dma_wait3A_764 : memref<1x128x32xf32, #tpu.memory_space<vmem>> -> memref<128x32xf32, #tpu.memory_space<vmem>>
        %dma_wait3A_766 = arith.constant 0 : i32
        %dma_wait3A_767 = tpu.memref_slice %arg11[%and3A_691, %dma_wait3A_766] : memref<2x128xi32, #tpu.memory_space<vmem>> -> memref<1x128xi32, #tpu.memory_space<vmem>>
        %dma_wait3A_768 = tpu.memref_squeeze %dma_wait3A_767 : memref<1x128xi32, #tpu.memory_space<vmem>> -> memref<128xi32, #tpu.memory_space<vmem>>
        %dma_wait3A_769 = arith.constant 0 : i32
        %dma_wait3A_770 = arith.constant 0 : i32
        %dma_wait3A_771 = tpu.memref_slice %arg19[%dma_wait3A_769, %dma_wait3A_770] : memref<50056x32xf32, #tpu.memory_space<vmem_shared>> -> memref<50056x32xf32, #tpu.memory_space<vmem_shared>>
        tpu.wait_indirect_dma semaphore(%arg23 : memref<!tpu.dma_semaphore, #tpu.memory_space<semaphore_mem>>) src(%dma_wait3A_765 : memref<128x32xf32, #tpu.memory_space<vmem>>) dst(%dma_wait3A_771 : memref<50056x32xf32, #tpu.memory_space<vmem_shared>>)
        %dma_wait3A_772 = arith.constant 0 : i32
        %dma_wait3A_773 = tpu.memref_slice %arg15[%and3A_691, %dma_wait3A_772] : memref<2x128xf32, #tpu.memory_space<vmem>> -> memref<1x128xf32, #tpu.memory_space<vmem>>
        %dma_wait3A_774 = tpu.memref_squeeze %dma_wait3A_773 : memref<1x128xf32, #tpu.memory_space<vmem>> -> memref<128xf32, #tpu.memory_space<vmem>>
        %dma_wait3A_775 = arith.constant 0 : i32
        %dma_wait3A_776 = tpu.memref_slice %arg11[%and3A_691, %dma_wait3A_775] : memref<2x128xi32, #tpu.memory_space<vmem>> -> memref<1x128xi32, #tpu.memory_space<vmem>>
        %dma_wait3A_777 = tpu.memref_squeeze %dma_wait3A_776 : memref<1x128xi32, #tpu.memory_space<vmem>> -> memref<128xi32, #tpu.memory_space<vmem>>
        %dma_wait3A_778 = arith.constant 0 : i32
        %dma_wait3A_779 = tpu.memref_slice %arg20[%dma_wait3A_778] : memref<50056xf32, #tpu.memory_space<vmem_shared>> -> memref<50056xf32, #tpu.memory_space<vmem_shared>>
        tpu.wait_indirect_dma semaphore(%arg24 : memref<!tpu.dma_semaphore, #tpu.memory_space<semaphore_mem>>) src(%dma_wait3A_774 : memref<128xf32, #tpu.memory_space<vmem>>) dst(%dma_wait3A_779 : memref<50056xf32, #tpu.memory_space<vmem_shared>>)
      } else {
      }
      %scan3A_717 = arith.constant 0 : i32
      %scan3A_718 = arith.constant 0 : i32
      %scan3A_719 = arith.constant 8 : i32
      %scan3A_720 = arith.addi %scan3A_718, %scan3A_719 : i32
      %scan3A_721 = arith.constant 1 : i32
      %scan3A_722 = scf.for %scan3A_762 = %scan3A_718 to %scan3A_720 step %scan3A_721 iter_args(%scan3A_763 = %scan3A_717) -> (i32)  : i32 {
        %mul3A_764 = arith.constant 16 : i32
        %mul3A_765 = arith.muli %scan3A_762, %mul3A_764 : i32
        %get3A_766 = arith.index_cast %and3A_691 : i32 to index
        %get3A_767 = arith.index_cast %mul3A_765 : i32 to index
        %get3A_768 = tpu.vector_load %arg10[%get3A_766, %get3A_767] {strides = array<i32>} : memref<2x128xi32, #tpu.memory_space<vmem>>, vector<16xi32>,
        %sub3A_769 = arith.subi %get3A_768, %add3A_460 : vector<16xi32>
        %swap3A_770 = arith.index_cast %and3A_691 : i32 to index
        %swap3A_771 = arith.index_cast %mul3A_765 : i32 to index
        %swap3A_772 = tpu.vector_load %arg11[%swap3A_770, %swap3A_771] {strides = array<i32>} : memref<2x128xi32, #tpu.memory_space<vmem>>, vector<16xi32>,
        tpu.vector_store %arg11[%swap3A_770, %swap3A_771], %sub3A_769 {strides = array<i32>} : memref<2x128xi32, #tpu.memory_space<vmem>>, vector<16xi32>,
        %scan3A_773 = arith.constant 0 : i32
        scf.yield %scan3A_773 : i32
      }
      %scan3A_723 = arith.constant 8 : i32
      %add3A_724 = arith.constant 2 : i32
      %add3A_725 = arith.addi %scan3A_689, %add3A_724 : i32
      %lt3A = arith.constant 391 : i32
      %lt3A_726 = arith.cmpi slt, %add3A_725, %lt3A : i32
      %convert_element_type3A_727 = arith.extui %lt3A_726 : i1 to i32
      %cond3A_728 = arith.constant 0 : i32
      %cond3A_729 = arith.cmpi ne, %convert_element_type3A_727, %cond3A_728 : i32
      scf.if %cond3A_729 {
        %add3A_762 = arith.addi %mul3A_466, %scan3A_689 : i32
        %add3A_763 = arith.constant 2 : i32
        %add3A_764 = arith.addi %add3A_762, %add3A_763 : i32
        %dma_start3A_765 = arith.constant 1 : i32
        %dma_start3A_766 = arith.constant 0 : i32
        %dma_start3A_767 = tpu.memref_slice %arg9[%and3A_691, %dma_start3A_766] : memref<2x128xi32, #tpu.memory_space<vmem>> -> memref<1x128xi32, #tpu.memory_space<vmem>>
        %dma_start3A_768 = tpu.memref_squeeze %dma_start3A_767 : memref<1x128xi32, #tpu.memory_space<vmem>> -> memref<128xi32, #tpu.memory_space<vmem>>
        %dma_start3A_769 = arith.constant 0 : i32
        %dma_start3A_770 = tpu.memref_slice %arg4[%dma_start3A_765, %arg0, %add3A_764, %dma_start3A_769] : memref<3x2x6256x128xi32, #tpu.memory_space<hbm>> -> memref<1x1x1x128xi32, #tpu.memory_space<hbm>>
        %dma_start3A_771 = tpu.memref_squeeze %dma_start3A_770 : memref<1x1x1x128xi32, #tpu.memory_space<hbm>> -> memref<128xi32, #tpu.memory_space<hbm>>
        %dma_start3A_772 = arith.constant 0 : i32
        %dma_start3A_773 = tpu.memref_slice %arg9[%and3A_691, %dma_start3A_772] : memref<2x128xi32, #tpu.memory_space<vmem>> -> memref<1x128xi32, #tpu.memory_space<vmem>>
        %dma_start3A_774 = tpu.memref_squeeze %dma_start3A_773 : memref<1x128xi32, #tpu.memory_space<vmem>> -> memref<128xi32, #tpu.memory_space<vmem>>
        %dma_start3A_775 = arith.constant 0 : i32
        %dma_start3A_776 = tpu.memref_slice %arg4[%dma_start3A_765, %arg0, %add3A_764, %dma_start3A_775] : memref<3x2x6256x128xi32, #tpu.memory_space<hbm>> -> memref<1x1x1x128xi32, #tpu.memory_space<hbm>>
        %dma_start3A_777 = tpu.memref_squeeze %dma_start3A_776 : memref<1x1x1x128xi32, #tpu.memory_space<hbm>> -> memref<128xi32, #tpu.memory_space<hbm>>
        tpu.enqueue_dma source(%dma_start3A_777 : memref<128xi32, #tpu.memory_space<hbm>>) target(%dma_start3A_774 : memref<128xi32, #tpu.memory_space<vmem>>) target_semaphore(%arg25 : memref<!tpu.dma_semaphore, #tpu.memory_space<semaphore_mem>>)
        %add3A_778 = arith.addi %mul3A_466, %scan3A_689 : i32
        %add3A_779 = arith.constant 2 : i32
        %add3A_780 = arith.addi %add3A_778, %add3A_779 : i32
        %dma_start3A_781 = arith.constant 1 : i32
        %dma_start3A_782 = arith.constant 0 : i32
        %dma_start3A_783 = tpu.memref_slice %arg10[%and3A_691, %dma_start3A_782] : memref<2x128xi32, #tpu.memory_space<vmem>> -> memref<1x128xi32, #tpu.memory_space<vmem>>
        %dma_start3A_784 = tpu.memref_squeeze %dma_start3A_783 : memref<1x128xi32, #tpu.memory_space<vmem>> -> memref<128xi32, #tpu.memory_space<vmem>>
        %dma_start3A_785 = arith.constant 0 : i32
        %dma_start3A_786 = tpu.memref_slice %arg5[%dma_start3A_781, %arg0, %add3A_780, %dma_start3A_785] : memref<3x2x6256x128xi32, #tpu.memory_space<hbm>> -> memref<1x1x1x128xi32, #tpu.memory_space<hbm>>
        %dma_start3A_787 = tpu.memref_squeeze %dma_start3A_786 : memref<1x1x1x128xi32, #tpu.memory_space<hbm>> -> memref<128xi32, #tpu.memory_space<hbm>>
        %dma_start3A_788 = arith.constant 0 : i32
        %dma_start3A_789 = tpu.memref_slice %arg10[%and3A_691, %dma_start3A_788] : memref<2x128xi32, #tpu.memory_space<vmem>> -> memref<1x128xi32, #tpu.memory_space<vmem>>
        %dma_start3A_790 = tpu.memref_squeeze %dma_start3A_789 : memref<1x128xi32, #tpu.memory_space<vmem>> -> memref<128xi32, #tpu.memory_space<vmem>>
        %dma_start3A_791 = arith.constant 0 : i32
        %dma_start3A_792 = tpu.memref_slice %arg5[%dma_start3A_781, %arg0, %add3A_780, %dma_start3A_791] : memref<3x2x6256x128xi32, #tpu.memory_space<hbm>> -> memref<1x1x1x128xi32, #tpu.memory_space<hbm>>
        %dma_start3A_793 = tpu.memref_squeeze %dma_start3A_792 : memref<1x1x1x128xi32, #tpu.memory_space<hbm>> -> memref<128xi32, #tpu.memory_space<hbm>>
        tpu.enqueue_dma source(%dma_start3A_793 : memref<128xi32, #tpu.memory_space<hbm>>) target(%dma_start3A_790 : memref<128xi32, #tpu.memory_space<vmem>>) target_semaphore(%arg25 : memref<!tpu.dma_semaphore, #tpu.memory_space<semaphore_mem>>)
      } else {
      }
      %add3A_730 = arith.constant 1 : i32
      %add3A_731 = arith.addi %scan3A_689, %add3A_730 : i32
      %lt3A_732 = arith.constant 391 : i32
      %lt3A_733 = arith.cmpi slt, %add3A_731, %lt3A_732 : i32
      %convert_element_type3A_734 = arith.extui %lt3A_733 : i1 to i32
      %cond3A_735 = arith.constant 0 : i32
      %cond3A_736 = arith.cmpi ne, %convert_element_type3A_734, %cond3A_735 : i32
      scf.if %cond3A_736 {
        %ge3A_762 = arith.constant 1 : i32
        %ge3A_763 = arith.cmpi sge, %scan3A_689, %ge3A_762 : i32
        %convert_element_type3A_764 = arith.extui %ge3A_763 : i1 to i32
        %cond3A_765 = arith.constant 0 : i32
        %cond3A_766 = arith.cmpi ne, %convert_element_type3A_764, %cond3A_765 : i32
        scf.if %cond3A_766 {
          %add3A_787 = arith.addi %mul3A_466, %scan3A_689 : i32
          %add3A_788 = arith.constant 1 : i32
          %add3A_789 = arith.addi %add3A_787, %add3A_788 : i32
          %dma_wait3A_790 = arith.constant 1 : i32
          %dma_wait3A_791 = arith.constant 0 : i32
          %dma_wait3A_792 = tpu.memref_slice %arg9[%sub3A_692, %dma_wait3A_791] : memref<2x128xi32, #tpu.memory_space<vmem>> -> memref<1x128xi32, #tpu.memory_space<vmem>>
          %dma_wait3A_793 = tpu.memref_squeeze %dma_wait3A_792 : memref<1x128xi32, #tpu.memory_space<vmem>> -> memref<128xi32, #tpu.memory_space<vmem>>
          %dma_wait3A_794 = arith.constant 0 : i32
          %dma_wait3A_795 = tpu.memref_slice %arg4[%dma_wait3A_790, %arg0, %add3A_789, %dma_wait3A_794] : memref<3x2x6256x128xi32, #tpu.memory_space<hbm>> -> memref<1x1x1x128xi32, #tpu.memory_space<hbm>>
          %dma_wait3A_796 = tpu.memref_squeeze %dma_wait3A_795 : memref<1x1x1x128xi32, #tpu.memory_space<hbm>> -> memref<128xi32, #tpu.memory_space<hbm>>
          %dma_wait3A_797 = arith.constant 0 : i32
          %dma_wait3A_798 = tpu.memref_slice %arg9[%sub3A_692, %dma_wait3A_797] : memref<2x128xi32, #tpu.memory_space<vmem>> -> memref<1x128xi32, #tpu.memory_space<vmem>>
          %dma_wait3A_799 = tpu.memref_squeeze %dma_wait3A_798 : memref<1x128xi32, #tpu.memory_space<vmem>> -> memref<128xi32, #tpu.memory_space<vmem>>
          %dma_wait3A_800 = arith.constant 0 : i32
          %dma_wait3A_801 = tpu.memref_slice %arg4[%dma_wait3A_790, %arg0, %add3A_789, %dma_wait3A_800] : memref<3x2x6256x128xi32, #tpu.memory_space<hbm>> -> memref<1x1x1x128xi32, #tpu.memory_space<hbm>>
          %dma_wait3A_802 = tpu.memref_squeeze %dma_wait3A_801 : memref<1x1x1x128xi32, #tpu.memory_space<hbm>> -> memref<128xi32, #tpu.memory_space<hbm>>
          tpu.wait_dma2 semaphore(%arg25 : memref<!tpu.dma_semaphore, #tpu.memory_space<semaphore_mem>>) src(%dma_wait3A_802 : memref<128xi32, #tpu.memory_space<hbm>>) dst(%dma_wait3A_799 : memref<128xi32, #tpu.memory_space<vmem>>)
          %add3A_803 = arith.addi %mul3A_466, %scan3A_689 : i32
          %add3A_804 = arith.constant 1 : i32
          %add3A_805 = arith.addi %add3A_803, %add3A_804 : i32
          %dma_wait3A_806 = arith.constant 1 : i32
          %dma_wait3A_807 = arith.constant 0 : i32
          %dma_wait3A_808 = tpu.memref_slice %arg10[%sub3A_692, %dma_wait3A_807] : memref<2x128xi32, #tpu.memory_space<vmem>> -> memref<1x128xi32, #tpu.memory_space<vmem>>
          %dma_wait3A_809 = tpu.memref_squeeze %dma_wait3A_808 : memref<1x128xi32, #tpu.memory_space<vmem>> -> memref<128xi32, #tpu.memory_space<vmem>>
          %dma_wait3A_810 = arith.constant 0 : i32
          %dma_wait3A_811 = tpu.memref_slice %arg5[%dma_wait3A_806, %arg0, %add3A_805, %dma_wait3A_810] : memref<3x2x6256x128xi32, #tpu.memory_space<hbm>> -> memref<1x1x1x128xi32, #tpu.memory_space<hbm>>
          %dma_wait3A_812 = tpu.memref_squeeze %dma_wait3A_811 : memref<1x1x1x128xi32, #tpu.memory_space<hbm>> -> memref<128xi32, #tpu.memory_space<hbm>>
          %dma_wait3A_813 = arith.constant 0 : i32
          %dma_wait3A_814 = tpu.memref_slice %arg10[%sub3A_692, %dma_wait3A_813] : memref<2x128xi32, #tpu.memory_space<vmem>> -> memref<1x128xi32, #tpu.memory_space<vmem>>
          %dma_wait3A_815 = tpu.memref_squeeze %dma_wait3A_814 : memref<1x128xi32, #tpu.memory_space<vmem>> -> memref<128xi32, #tpu.memory_space<vmem>>
          %dma_wait3A_816 = arith.constant 0 : i32
          %dma_wait3A_817 = tpu.memref_slice %arg5[%dma_wait3A_806, %arg0, %add3A_805, %dma_wait3A_816] : memref<3x2x6256x128xi32, #tpu.memory_space<hbm>> -> memref<1x1x1x128xi32, #tpu.memory_space<hbm>>
          %dma_wait3A_818 = tpu.memref_squeeze %dma_wait3A_817 : memref<1x1x1x128xi32, #tpu.memory_space<hbm>> -> memref<128xi32, #tpu.memory_space<hbm>>
          tpu.wait_dma2 semaphore(%arg25 : memref<!tpu.dma_semaphore, #tpu.memory_space<semaphore_mem>>) src(%dma_wait3A_818 : memref<128xi32, #tpu.memory_space<hbm>>) dst(%dma_wait3A_815 : memref<128xi32, #tpu.memory_space<vmem>>)
        } else {
        }
        %dma_start3A_767 = arith.constant 0 : i32
        %dma_start3A_768 = arith.constant 0 : i32
        %dma_start3A_769 = tpu.memref_slice %arg12[%sub3A_692, %dma_start3A_767, %dma_start3A_768] : memref<2x128x32xf32, #tpu.memory_space<vmem>> -> memref<1x128x32xf32, #tpu.memory_space<vmem>>
        %dma_start3A_770 = tpu.memref_squeeze %dma_start3A_769 : memref<1x128x32xf32, #tpu.memory_space<vmem>> -> memref<128x32xf32, #tpu.memory_space<vmem>>
        %dma_start3A_771 = arith.constant 0 : i32
        %dma_start3A_772 = tpu.memref_slice %arg9[%sub3A_692, %dma_start3A_771] : memref<2x128xi32, #tpu.memory_space<vmem>> -> memref<1x128xi32, #tpu.memory_space<vmem>>
        %dma_start3A_773 = tpu.memref_squeeze %dma_start3A_772 : memref<1x128xi32, #tpu.memory_space<vmem>> -> memref<128xi32, #tpu.memory_space<vmem>>
        %dma_start3A_774 = arith.constant 0 : i32
        %dma_start3A_775 = arith.constant 0 : i32
        %dma_start3A_776 = tpu.memref_slice %arg2[%dma_start3A_774, %dma_start3A_775] : memref<300008x32xf32, #tpu.memory_space<hbm>> -> memref<300008x32xf32, #tpu.memory_space<hbm>>
        tpu.enqueue_indirect_dma source(%dma_start3A_776 : memref<300008x32xf32, #tpu.memory_space<hbm>>) target(%dma_start3A_770 : memref<128x32xf32, #tpu.memory_space<vmem>>) offsets(%dma_start3A_773 : memref<128xi32, #tpu.memory_space<vmem>>) semaphore(%arg21 : memref<!tpu.dma_semaphore, #tpu.memory_space<semaphore_mem>>)
        %dma_start3A_777 = arith.constant 0 : i32
        %dma_start3A_778 = arith.constant 0 : i32
        %dma_start3A_779 = tpu.memref_slice %arg13[%sub3A_692, %dma_start3A_777, %dma_start3A_778] : memref<2x128x32xf32, #tpu.memory_space<vmem>> -> memref<1x128x32xf32, #tpu.memory_space<vmem>>
        %dma_start3A_780 = tpu.memref_squeeze %dma_start3A_779 : memref<1x128x32xf32, #tpu.memory_space<vmem>> -> memref<128x32xf32, #tpu.memory_space<vmem>>
        %dma_start3A_781 = arith.constant 0 : i32
        %dma_start3A_782 = tpu.memref_slice %arg10[%sub3A_692, %dma_start3A_781] : memref<2x128xi32, #tpu.memory_space<vmem>> -> memref<1x128xi32, #tpu.memory_space<vmem>>
        %dma_start3A_783 = tpu.memref_squeeze %dma_start3A_782 : memref<1x128xi32, #tpu.memory_space<vmem>> -> memref<128xi32, #tpu.memory_space<vmem>>
        %dma_start3A_784 = arith.constant 0 : i32
        %dma_start3A_785 = arith.constant 0 : i32
        %dma_start3A_786 = tpu.memref_slice %arg3[%dma_start3A_784, %dma_start3A_785] : memref<300008x32xf32, #tpu.memory_space<hbm>> -> memref<300008x32xf32, #tpu.memory_space<hbm>>
        tpu.enqueue_indirect_dma source(%dma_start3A_786 : memref<300008x32xf32, #tpu.memory_space<hbm>>) target(%dma_start3A_780 : memref<128x32xf32, #tpu.memory_space<vmem>>) offsets(%dma_start3A_783 : memref<128xi32, #tpu.memory_space<vmem>>) semaphore(%arg22 : memref<!tpu.dma_semaphore, #tpu.memory_space<semaphore_mem>>)
      } else {
      }
      %broadcast_in_dim3A_737 = arith.constant 0 : i32
      %broadcast_in_dim3A_738 = vector.broadcast %broadcast_in_dim3A_737 : i32 to vector<16xi32>
      %add3A_739 = vector.broadcast %and3A_691 : i32 to vector<16xi32>
      %add3A_740 = arith.addi %broadcast_in_dim3A_738, %add3A_739 : vector<16xi32>
      %parallel_loop3A = arith.constant 0 : i32
      %parallel_loop3A_741 = arith.constant 128 : i32
      %parallel_loop3A_742 = arith.constant 1 : i32
      scf.for %parallel_loop3A_762 = %parallel_loop3A to %parallel_loop3A_741 step %parallel_loop3A_742  : i32 {
        %parallel_loop3A_763 = arith.index_cast %and3A_691 : i32 to index
        %parallel_loop3A_764 = arith.index_cast %parallel_loop3A_762 : i32 to index
        %parallel_loop3A_765 = arith.constant 0 : index
        %parallel_loop3A_766 = tpu.vector_load %arg12[%parallel_loop3A_763, %parallel_loop3A_764, %parallel_loop3A_765] {strides = array<i32>} : memref<2x128x32xf32, #tpu.memory_space<vmem>>, vector<16xf32>,
        %parallel_loop3A_767 = arith.index_cast %and3A_691 : i32 to index
        %parallel_loop3A_768 = arith.index_cast %parallel_loop3A_762 : i32 to index
        %parallel_loop3A_769 = arith.constant 16 : index
        %parallel_loop3A_770 = tpu.vector_load %arg12[%parallel_loop3A_767, %parallel_loop3A_768, %parallel_loop3A_769] {strides = array<i32>} : memref<2x128x32xf32, #tpu.memory_space<vmem>>, vector<16xf32>,
        %parallel_loop3A_771 = arith.index_cast %and3A_691 : i32 to index
        %parallel_loop3A_772 = arith.index_cast %parallel_loop3A_762 : i32 to index
        %parallel_loop3A_773 = arith.constant 0 : index
        %parallel_loop3A_774 = tpu.vector_load %arg13[%parallel_loop3A_771, %parallel_loop3A_772, %parallel_loop3A_773] {strides = array<i32>} : memref<2x128x32xf32, #tpu.memory_space<vmem>>, vector<16xf32>,
        %parallel_loop3A_775 = arith.index_cast %and3A_691 : i32 to index
        %parallel_loop3A_776 = arith.index_cast %parallel_loop3A_762 : i32 to index
        %parallel_loop3A_777 = arith.constant 16 : index
        %parallel_loop3A_778 = tpu.vector_load %arg13[%parallel_loop3A_775, %parallel_loop3A_776, %parallel_loop3A_777] {strides = array<i32>} : memref<2x128x32xf32, #tpu.memory_space<vmem>>, vector<16xf32>,
        %parallel_loop3A_779 = arith.addf %parallel_loop3A_766, %parallel_loop3A_774 : vector<16xf32>
        %parallel_loop3A_780 = arith.addf %parallel_loop3A_770, %parallel_loop3A_778 : vector<16xf32>
        %parallel_loop3A_781 = arith.constant 2.000000e-01 : f32
        %parallel_loop3A_782 = vector.broadcast %parallel_loop3A_781 : f32 to vector<16xf32>
        %parallel_loop3A_783 = arith.mulf %parallel_loop3A_782, %parallel_loop3A_779 : vector<16xf32>
        %parallel_loop3A_784 = arith.maximumf %parallel_loop3A_779, %parallel_loop3A_783 : vector<16xf32>
        %parallel_loop3A_785 = arith.mulf %parallel_loop3A_784, %get3A_462 : vector<16xf32>
        %parallel_loop3A_786 = arith.constant 2.000000e-01 : f32
        %parallel_loop3A_787 = vector.broadcast %parallel_loop3A_786 : f32 to vector<16xf32>
        %parallel_loop3A_788 = arith.mulf %parallel_loop3A_787, %parallel_loop3A_780 : vector<16xf32>
        %parallel_loop3A_789 = arith.maximumf %parallel_loop3A_780, %parallel_loop3A_788 : vector<16xf32>
        %parallel_loop3A_790 = arith.mulf %parallel_loop3A_789, %get3A_464 : vector<16xf32>
        %parallel_loop3A_791 = arith.addf %parallel_loop3A_785, %parallel_loop3A_790 : vector<16xf32>
        %parallel_loop3A_792 = arith.constant true
        %parallel_loop3A_793 = vector.broadcast %parallel_loop3A_792 : i1 to vector<16xi1>
        %parallel_loop3A_794 = tpu.scan <sum>, %parallel_loop3A_791 masked %parallel_loop3A_793 : vector<16xf32>, vector<16xi1> -> vector<16xf32>
        %parallel_loop3A_795 = arith.constant 0 : i32
        %parallel_loop3A_796 = vector.broadcast %parallel_loop3A_795 : i32 to vector<16xi32>
        %parallel_loop3A_797 = arith.cmpi slt, %broadcast_in_dim3A_331, %parallel_loop3A_796 : vector<16xi32>
        %parallel_loop3A_798 = arith.constant 16 : i32
        %parallel_loop3A_799 = vector.broadcast %parallel_loop3A_798 : i32 to vector<16xi32>
        %parallel_loop3A_800 = arith.addi %broadcast_in_dim3A_331, %parallel_loop3A_799 : vector<16xi32>
        %parallel_loop3A_801 = arith.select %parallel_loop3A_797, %parallel_loop3A_800, %broadcast_in_dim3A_331 : vector<16xi1>, vector<16xi32>
        %parallel_loop3A_802 = vector.shape_cast %parallel_loop3A_801 : vector<16xi32> to vector<16x1xi32>
        %parallel_loop3A_803 = vector.shape_cast %parallel_loop3A_802 : vector<16x1xi32> to vector<16xi32>
        %parallel_loop3A_804 = tpu.dynamic_gather %parallel_loop3A_794[%parallel_loop3A_803] in [0] : vector<16xf32>, vector<16xi32> -> vector<16xf32>
        %parallel_loop3A_805 = math.exp %parallel_loop3A_804 : vector<16xf32>
        %parallel_loop3A_806 = arith.mulf %parallel_loop3A_766, %parallel_loop3A_805 : vector<16xf32>
        %parallel_loop3A_807 = arith.index_cast %and3A_691 : i32 to index
        %parallel_loop3A_808 = arith.index_cast %parallel_loop3A_762 : i32 to index
        %parallel_loop3A_809 = arith.constant 0 : index
        %parallel_loop3A_810 = tpu.vector_load %arg14[%parallel_loop3A_807, %parallel_loop3A_808, %parallel_loop3A_809] {strides = array<i32>} : memref<2x128x32xf32, #tpu.memory_space<vmem>>, vector<16xf32>,
        tpu.vector_store %arg14[%parallel_loop3A_807, %parallel_loop3A_808, %parallel_loop3A_809], %parallel_loop3A_806 {strides = array<i32>} : memref<2x128x32xf32, #tpu.memory_space<vmem>>, vector<16xf32>,
        %parallel_loop3A_811 = arith.mulf %parallel_loop3A_770, %parallel_loop3A_805 : vector<16xf32>
        %parallel_loop3A_812 = arith.index_cast %and3A_691 : i32 to index
        %parallel_loop3A_813 = arith.index_cast %parallel_loop3A_762 : i32 to index
        %parallel_loop3A_814 = arith.constant 16 : index
        %parallel_loop3A_815 = tpu.vector_load %arg14[%parallel_loop3A_812, %parallel_loop3A_813, %parallel_loop3A_814] {strides = array<i32>} : memref<2x128x32xf32, #tpu.memory_space<vmem>>, vector<16xf32>,
        tpu.vector_store %arg14[%parallel_loop3A_812, %parallel_loop3A_813, %parallel_loop3A_814], %parallel_loop3A_811 {strides = array<i32>} : memref<2x128x32xf32, #tpu.memory_space<vmem>>, vector<16xf32>,
        %parallel_loop3A_816 = vector.broadcast %parallel_loop3A_762 : i32 to vector<16xi32>
        tpu.vector_store_idx %arg15[%add3A_740, %parallel_loop3A_816], %parallel_loop3A_805 masked %eq3A_333 : memref<2x128xf32, #tpu.memory_space<vmem>>[vector<16xi32>, vector<16xi32>], vector<16xf32>, vector<16xi1>
      } {sc.loop_unroll_factor = 8 : i64, sc.parallel_access}
      %dma_start3A_743 = arith.constant 0 : i32
      %dma_start3A_744 = arith.constant 0 : i32
      %dma_start3A_745 = tpu.memref_slice %arg14[%and3A_691, %dma_start3A_743, %dma_start3A_744] : memref<2x128x32xf32, #tpu.memory_space<vmem>> -> memref<1x128x32xf32, #tpu.memory_space<vmem>>
      %dma_start3A_746 = tpu.memref_squeeze %dma_start3A_745 : memref<1x128x32xf32, #tpu.memory_space<vmem>> -> memref<128x32xf32, #tpu.memory_space<vmem>>
      %dma_start3A_747 = arith.constant 0 : i32
      %dma_start3A_748 = tpu.memref_slice %arg11[%and3A_691, %dma_start3A_747] : memref<2x128xi32, #tpu.memory_space<vmem>> -> memref<1x128xi32, #tpu.memory_space<vmem>>
      %dma_start3A_749 = tpu.memref_squeeze %dma_start3A_748 : memref<1x128xi32, #tpu.memory_space<vmem>> -> memref<128xi32, #tpu.memory_space<vmem>>
      %dma_start3A_750 = arith.constant 0 : i32
      %dma_start3A_751 = arith.constant 0 : i32
      %dma_start3A_752 = tpu.memref_slice %arg19[%dma_start3A_750, %dma_start3A_751] : memref<50056x32xf32, #tpu.memory_space<vmem_shared>> -> memref<50056x32xf32, #tpu.memory_space<vmem_shared>>
      tpu.enqueue_indirect_dma source(%dma_start3A_746 : memref<128x32xf32, #tpu.memory_space<vmem>>) target(%dma_start3A_752 : memref<50056x32xf32, #tpu.memory_space<vmem_shared>>) offsets(%dma_start3A_749 : memref<128xi32, #tpu.memory_space<vmem>>) semaphore(%arg23 : memref<!tpu.dma_semaphore, #tpu.memory_space<semaphore_mem>>) {add = true}
      %dma_start3A_753 = arith.constant 0 : i32
      %dma_start3A_754 = tpu.memref_slice %arg15[%and3A_691, %dma_start3A_753] : memref<2x128xf32, #tpu.memory_space<vmem>> -> memref<1x128xf32, #tpu.memory_space<vmem>>
      %dma_start3A_755 = tpu.memref_squeeze %dma_start3A_754 : memref<1x128xf32, #tpu.memory_space<vmem>> -> memref<128xf32, #tpu.memory_space<vmem>>
      %dma_start3A_756 = arith.constant 0 : i32
      %dma_start3A_757 = tpu.memref_slice %arg11[%and3A_691, %dma_start3A_756] : memref<2x128xi32, #tpu.memory_space<vmem>> -> memref<1x128xi32, #tpu.memory_space<vmem>>
      %dma_start3A_758 = tpu.memref_squeeze %dma_start3A_757 : memref<1x128xi32, #tpu.memory_space<vmem>> -> memref<128xi32, #tpu.memory_space<vmem>>
      %dma_start3A_759 = arith.constant 0 : i32
      %dma_start3A_760 = tpu.memref_slice %arg20[%dma_start3A_759] : memref<50056xf32, #tpu.memory_space<vmem_shared>> -> memref<50056xf32, #tpu.memory_space<vmem_shared>>
      tpu.enqueue_indirect_dma source(%dma_start3A_755 : memref<128xf32, #tpu.memory_space<vmem>>) target(%dma_start3A_760 : memref<50056xf32, #tpu.memory_space<vmem_shared>>) offsets(%dma_start3A_758 : memref<128xi32, #tpu.memory_space<vmem>>) semaphore(%arg24 : memref<!tpu.dma_semaphore, #tpu.memory_space<semaphore_mem>>) {add = true}
      %scan3A_761 = arith.constant 0 : i32
      scf.yield %scan3A_761 : i32
    }
    %scan3A_509 = arith.constant 391 : i32
    %dma_wait3A_510 = arith.constant 1 : i32
    %dma_wait3A_511 = arith.constant 1 : i32
    %dma_wait3A_512 = arith.constant 0 : i32
    %dma_wait3A_513 = arith.constant 0 : i32
    %dma_wait3A_514 = tpu.memref_slice %arg14[%dma_wait3A_510, %dma_wait3A_512, %dma_wait3A_513] : memref<2x128x32xf32, #tpu.memory_space<vmem>> -> memref<1x128x32xf32, #tpu.memory_space<vmem>>
    %dma_wait3A_515 = tpu.memref_squeeze %dma_wait3A_514 : memref<1x128x32xf32, #tpu.memory_space<vmem>> -> memref<128x32xf32, #tpu.memory_space<vmem>>
    %dma_wait3A_516 = arith.constant 0 : i32
    %dma_wait3A_517 = tpu.memref_slice %arg11[%dma_wait3A_511, %dma_wait3A_516] : memref<2x128xi32, #tpu.memory_space<vmem>> -> memref<1x128xi32, #tpu.memory_space<vmem>>
    %dma_wait3A_518 = tpu.memref_squeeze %dma_wait3A_517 : memref<1x128xi32, #tpu.memory_space<vmem>> -> memref<128xi32, #tpu.memory_space<vmem>>
    %dma_wait3A_519 = arith.constant 0 : i32
    %dma_wait3A_520 = arith.constant 0 : i32
    %dma_wait3A_521 = tpu.memref_slice %arg19[%dma_wait3A_519, %dma_wait3A_520] : memref<50056x32xf32, #tpu.memory_space<vmem_shared>> -> memref<50056x32xf32, #tpu.memory_space<vmem_shared>>
    tpu.wait_indirect_dma semaphore(%arg23 : memref<!tpu.dma_semaphore, #tpu.memory_space<semaphore_mem>>) src(%dma_wait3A_515 : memref<128x32xf32, #tpu.memory_space<vmem>>) dst(%dma_wait3A_521 : memref<50056x32xf32, #tpu.memory_space<vmem_shared>>)
    %dma_wait3A_522 = arith.constant 1 : i32
    %dma_wait3A_523 = arith.constant 1 : i32
    %dma_wait3A_524 = arith.constant 0 : i32
    %dma_wait3A_525 = tpu.memref_slice %arg15[%dma_wait3A_522, %dma_wait3A_524] : memref<2x128xf32, #tpu.memory_space<vmem>> -> memref<1x128xf32, #tpu.memory_space<vmem>>
    %dma_wait3A_526 = tpu.memref_squeeze %dma_wait3A_525 : memref<1x128xf32, #tpu.memory_space<vmem>> -> memref<128xf32, #tpu.memory_space<vmem>>
    %dma_wait3A_527 = arith.constant 0 : i32
    %dma_wait3A_528 = tpu.memref_slice %arg11[%dma_wait3A_523, %dma_wait3A_527] : memref<2x128xi32, #tpu.memory_space<vmem>> -> memref<1x128xi32, #tpu.memory_space<vmem>>
    %dma_wait3A_529 = tpu.memref_squeeze %dma_wait3A_528 : memref<1x128xi32, #tpu.memory_space<vmem>> -> memref<128xi32, #tpu.memory_space<vmem>>
    %dma_wait3A_530 = arith.constant 0 : i32
    %dma_wait3A_531 = tpu.memref_slice %arg20[%dma_wait3A_530] : memref<50056xf32, #tpu.memory_space<vmem_shared>> -> memref<50056xf32, #tpu.memory_space<vmem_shared>>
    tpu.wait_indirect_dma semaphore(%arg24 : memref<!tpu.dma_semaphore, #tpu.memory_space<semaphore_mem>>) src(%dma_wait3A_526 : memref<128xf32, #tpu.memory_space<vmem>>) dst(%dma_wait3A_531 : memref<50056xf32, #tpu.memory_space<vmem_shared>>)
    %dma_wait3A_532 = arith.constant 0 : i32
    %dma_wait3A_533 = arith.constant 0 : i32
    %dma_wait3A_534 = arith.constant 0 : i32
    %dma_wait3A_535 = arith.constant 0 : i32
    %dma_wait3A_536 = tpu.memref_slice %arg14[%dma_wait3A_532, %dma_wait3A_534, %dma_wait3A_535] : memref<2x128x32xf32, #tpu.memory_space<vmem>> -> memref<1x128x32xf32, #tpu.memory_space<vmem>>
    %dma_wait3A_537 = tpu.memref_squeeze %dma_wait3A_536 : memref<1x128x32xf32, #tpu.memory_space<vmem>> -> memref<128x32xf32, #tpu.memory_space<vmem>>
    %dma_wait3A_538 = arith.constant 0 : i32
    %dma_wait3A_539 = tpu.memref_slice %arg11[%dma_wait3A_533, %dma_wait3A_538] : memref<2x128xi32, #tpu.memory_space<vmem>> -> memref<1x128xi32, #tpu.memory_space<vmem>>
    %dma_wait3A_540 = tpu.memref_squeeze %dma_wait3A_539 : memref<1x128xi32, #tpu.memory_space<vmem>> -> memref<128xi32, #tpu.memory_space<vmem>>
    %dma_wait3A_541 = arith.constant 0 : i32
    %dma_wait3A_542 = arith.constant 0 : i32
    %dma_wait3A_543 = tpu.memref_slice %arg19[%dma_wait3A_541, %dma_wait3A_542] : memref<50056x32xf32, #tpu.memory_space<vmem_shared>> -> memref<50056x32xf32, #tpu.memory_space<vmem_shared>>
    tpu.wait_indirect_dma semaphore(%arg23 : memref<!tpu.dma_semaphore, #tpu.memory_space<semaphore_mem>>) src(%dma_wait3A_537 : memref<128x32xf32, #tpu.memory_space<vmem>>) dst(%dma_wait3A_543 : memref<50056x32xf32, #tpu.memory_space<vmem_shared>>)
    %dma_wait3A_544 = arith.constant 0 : i32
    %dma_wait3A_545 = arith.constant 0 : i32
    %dma_wait3A_546 = arith.constant 0 : i32
    %dma_wait3A_547 = tpu.memref_slice %arg15[%dma_wait3A_544, %dma_wait3A_546] : memref<2x128xf32, #tpu.memory_space<vmem>> -> memref<1x128xf32, #tpu.memory_space<vmem>>
    %dma_wait3A_548 = tpu.memref_squeeze %dma_wait3A_547 : memref<1x128xf32, #tpu.memory_space<vmem>> -> memref<128xf32, #tpu.memory_space<vmem>>
    %dma_wait3A_549 = arith.constant 0 : i32
    %dma_wait3A_550 = tpu.memref_slice %arg11[%dma_wait3A_545, %dma_wait3A_549] : memref<2x128xi32, #tpu.memory_space<vmem>> -> memref<1x128xi32, #tpu.memory_space<vmem>>
    %dma_wait3A_551 = tpu.memref_squeeze %dma_wait3A_550 : memref<1x128xi32, #tpu.memory_space<vmem>> -> memref<128xi32, #tpu.memory_space<vmem>>
    %dma_wait3A_552 = arith.constant 0 : i32
    %dma_wait3A_553 = tpu.memref_slice %arg20[%dma_wait3A_552] : memref<50056xf32, #tpu.memory_space<vmem_shared>> -> memref<50056xf32, #tpu.memory_space<vmem_shared>>
    tpu.wait_indirect_dma semaphore(%arg24 : memref<!tpu.dma_semaphore, #tpu.memory_space<semaphore_mem>>) src(%dma_wait3A_548 : memref<128xf32, #tpu.memory_space<vmem>>) dst(%dma_wait3A_553 : memref<50056xf32, #tpu.memory_space<vmem_shared>>)
    %barrier3A_554 = arith.constant 0 : index
    tpu.barrier barrier_id(%barrier3A_554)
    %add3A_555 = arith.constant 2 : i32
    %add3A_556 = arith.addi %add3A_555, %arg0 : i32
    %mul3A_557 = arith.constant 50000 : i32
    %mul3A_558 = arith.muli %add3A_556, %mul3A_557 : i32
    %mul3A_559 = arith.constant 3120 : i32
    %mul3A_560 = arith.muli %mul3A_559, %arg1 : i32
    %add3A_561 = arith.addi %mul3A_558, %mul3A_560 : i32
    "tpu.region"() ({
      %run_scoped3A_689 = tpu.sem_alloc : memref<!tpu.dma_semaphore, #tpu.memory_space<semaphore_mem>>
      %dma_start3A_690 = arith.constant 0 : i32
      %dma_start3A_691 = tpu.memref_slice %arg7[%add3A_561, %dma_start3A_690] : memref<300000x32xf32, #tpu.memory_space<hbm>> -> memref<3120x32xf32, #tpu.memory_space<hbm>>
      %dma_start3A_692 = arith.constant 0 : i32
      %dma_start3A_693 = tpu.memref_slice %arg19[%mul3A_560, %dma_start3A_692] : memref<50056x32xf32, #tpu.memory_space<vmem_shared>> -> memref<3120x32xf32, #tpu.memory_space<vmem_shared>>
      tpu.enqueue_dma source(%dma_start3A_693 : memref<3120x32xf32, #tpu.memory_space<vmem_shared>>) target(%dma_start3A_691 : memref<3120x32xf32, #tpu.memory_space<hbm>>) target_semaphore(%run_scoped3A_689 : memref<!tpu.dma_semaphore, #tpu.memory_space<semaphore_mem>>)
      %dma_wait3A_694 = arith.constant 0 : i32
      %dma_wait3A_695 = tpu.memref_slice %arg7[%add3A_561, %dma_wait3A_694] : memref<300000x32xf32, #tpu.memory_space<hbm>> -> memref<3120x32xf32, #tpu.memory_space<hbm>>
      %dma_wait3A_696 = arith.constant 0 : i32
      %dma_wait3A_697 = tpu.memref_slice %arg19[%mul3A_560, %dma_wait3A_696] : memref<50056x32xf32, #tpu.memory_space<vmem_shared>> -> memref<3120x32xf32, #tpu.memory_space<vmem_shared>>
      tpu.wait_dma2 semaphore(%run_scoped3A_689 : memref<!tpu.dma_semaphore, #tpu.memory_space<semaphore_mem>>) src(%dma_wait3A_697 : memref<3120x32xf32, #tpu.memory_space<vmem_shared>>) dst(%dma_wait3A_695 : memref<3120x32xf32, #tpu.memory_space<hbm>>)
      tpu.yield
    }) : () -> ()
    %add3A_562 = arith.addi %mul3A_558, %mul3A_560 : i32
    "tpu.region"() ({
      %run_scoped3A_689 = tpu.sem_alloc : memref<!tpu.dma_semaphore, #tpu.memory_space<semaphore_mem>>
      %dma_start3A_690 = tpu.memref_slice %arg8[%add3A_562] : memref<300000xf32, #tpu.memory_space<hbm>> -> memref<3120xf32, #tpu.memory_space<hbm>>
      %dma_start3A_691 = tpu.memref_slice %arg20[%mul3A_560] : memref<50056xf32, #tpu.memory_space<vmem_shared>> -> memref<3120xf32, #tpu.memory_space<vmem_shared>>
      tpu.enqueue_dma source(%dma_start3A_691 : memref<3120xf32, #tpu.memory_space<vmem_shared>>) target(%dma_start3A_690 : memref<3120xf32, #tpu.memory_space<hbm>>) target_semaphore(%run_scoped3A_689 : memref<!tpu.dma_semaphore, #tpu.memory_space<semaphore_mem>>)
      %dma_wait3A_692 = tpu.memref_slice %arg8[%add3A_562] : memref<300000xf32, #tpu.memory_space<hbm>> -> memref<3120xf32, #tpu.memory_space<hbm>>
      %dma_wait3A_693 = tpu.memref_slice %arg20[%mul3A_560] : memref<50056xf32, #tpu.memory_space<vmem_shared>> -> memref<3120xf32, #tpu.memory_space<vmem_shared>>
      tpu.wait_dma2 semaphore(%run_scoped3A_689 : memref<!tpu.dma_semaphore, #tpu.memory_space<semaphore_mem>>) src(%dma_wait3A_693 : memref<3120xf32, #tpu.memory_space<vmem_shared>>) dst(%dma_wait3A_692 : memref<3120xf32, #tpu.memory_space<hbm>>)
      tpu.yield
    }) : () -> ()
    %eq3A_563 = arith.constant 15 : i32
    %eq3A_564 = arith.cmpi eq, %arg1, %eq3A_563 : i32
    %convert_element_type3A_565 = arith.extui %eq3A_564 : i1 to i32
    %cond3A_566 = arith.constant 0 : i32
    %cond3A_567 = arith.cmpi ne, %convert_element_type3A_565, %cond3A_566 : i32
    scf.if %cond3A_567 {
      %add3A_689 = arith.constant 49920 : i32
      %add3A_690 = arith.addi %mul3A_558, %add3A_689 : i32
      "tpu.region"() ({
        %run_scoped3A_693 = tpu.sem_alloc : memref<!tpu.dma_semaphore, #tpu.memory_space<semaphore_mem>>
        %dma_start3A_694 = arith.constant 0 : i32
        %dma_start3A_695 = tpu.memref_slice %arg7[%add3A_690, %dma_start3A_694] : memref<300000x32xf32, #tpu.memory_space<hbm>> -> memref<80x32xf32, #tpu.memory_space<hbm>>
        %dma_start3A_696 = arith.constant 49920 : i32
        %dma_start3A_697 = arith.constant 0 : i32
        %dma_start3A_698 = tpu.memref_slice %arg19[%dma_start3A_696, %dma_start3A_697] : memref<50056x32xf32, #tpu.memory_space<vmem_shared>> -> memref<80x32xf32, #tpu.memory_space<vmem_shared>>
        tpu.enqueue_dma source(%dma_start3A_698 : memref<80x32xf32, #tpu.memory_space<vmem_shared>>) target(%dma_start3A_695 : memref<80x32xf32, #tpu.memory_space<hbm>>) target_semaphore(%run_scoped3A_693 : memref<!tpu.dma_semaphore, #tpu.memory_space<semaphore_mem>>)
        %dma_wait3A_699 = arith.constant 0 : i32
        %dma_wait3A_700 = tpu.memref_slice %arg7[%add3A_690, %dma_wait3A_699] : memref<300000x32xf32, #tpu.memory_space<hbm>> -> memref<80x32xf32, #tpu.memory_space<hbm>>
        %dma_wait3A_701 = arith.constant 49920 : i32
        %dma_wait3A_702 = arith.constant 0 : i32
        %dma_wait3A_703 = tpu.memref_slice %arg19[%dma_wait3A_701, %dma_wait3A_702] : memref<50056x32xf32, #tpu.memory_space<vmem_shared>> -> memref<80x32xf32, #tpu.memory_space<vmem_shared>>
        tpu.wait_dma2 semaphore(%run_scoped3A_693 : memref<!tpu.dma_semaphore, #tpu.memory_space<semaphore_mem>>) src(%dma_wait3A_703 : memref<80x32xf32, #tpu.memory_space<vmem_shared>>) dst(%dma_wait3A_700 : memref<80x32xf32, #tpu.memory_space<hbm>>)
        tpu.yield
      }) : () -> ()
      %add3A_691 = arith.constant 49920 : i32
      %add3A_692 = arith.addi %mul3A_558, %add3A_691 : i32
      "tpu.region"() ({
        %run_scoped3A_693 = tpu.sem_alloc : memref<!tpu.dma_semaphore, #tpu.memory_space<semaphore_mem>>
        %dma_start3A_694 = tpu.memref_slice %arg8[%add3A_692] : memref<300000xf32, #tpu.memory_space<hbm>> -> memref<80xf32, #tpu.memory_space<hbm>>
        %dma_start3A_695 = arith.constant 49920 : i32
        %dma_start3A_696 = tpu.memref_slice %arg20[%dma_start3A_695] : memref<50056xf32, #tpu.memory_space<vmem_shared>> -> memref<80xf32, #tpu.memory_space<vmem_shared>>
        tpu.enqueue_dma source(%dma_start3A_696 : memref<80xf32, #tpu.memory_space<vmem_shared>>) target(%dma_start3A_694 : memref<80xf32, #tpu.memory_space<hbm>>) target_semaphore(%run_scoped3A_693 : memref<!tpu.dma_semaphore, #tpu.memory_space<semaphore_mem>>)
        %dma_wait3A_697 = tpu.memref_slice %arg8[%add3A_692] : memref<300000xf32, #tpu.memory_space<hbm>> -> memref<80xf32, #tpu.memory_space<hbm>>
        %dma_wait3A_698 = arith.constant 49920 : i32
        %dma_wait3A_699 = tpu.memref_slice %arg20[%dma_wait3A_698] : memref<50056xf32, #tpu.memory_space<vmem_shared>> -> memref<80xf32, #tpu.memory_space<vmem_shared>>
        tpu.wait_dma2 semaphore(%run_scoped3A_693 : memref<!tpu.dma_semaphore, #tpu.memory_space<semaphore_mem>>) src(%dma_wait3A_699 : memref<80xf32, #tpu.memory_space<vmem_shared>>) dst(%dma_wait3A_697 : memref<80xf32, #tpu.memory_space<hbm>>)
        tpu.yield
      }) : () -> ()
    } else {
    }
    %scan3A_568 = arith.constant 0 : i32
    %scan3A_569 = arith.constant 0 : i32
    %scan3A_570 = arith.constant 80 : i32
    %scan3A_571 = arith.addi %scan3A_569, %scan3A_570 : i32
    %scan3A_572 = arith.constant 1 : i32
    %scan3A_573 = scf.for %scan3A_689 = %scan3A_569 to %scan3A_571 step %scan3A_572 iter_args(%scan3A_690 = %scan3A_568) -> (i32)  : i32 {
      %mul3A_691 = arith.constant 40 : i32
      %mul3A_692 = arith.muli %scan3A_689, %mul3A_691 : i32
      %add3A_693 = arith.addi %mul3A_326, %mul3A_692 : i32
      "tpu.region"() ({
        %run_scoped3A_698 = tpu.sem_alloc : memref<!tpu.dma_semaphore, #tpu.memory_space<semaphore_mem>>
        %dma_start3A_699 = arith.constant 0 : i32
        %dma_start3A_700 = tpu.memref_slice %arg19[%add3A_693, %dma_start3A_699] : memref<50056x32xf32, #tpu.memory_space<vmem_shared>> -> memref<40x32xf32, #tpu.memory_space<vmem_shared>>
        %dma_start3A_701 = arith.constant 0 : i32
        %dma_start3A_702 = tpu.memref_slice %arg19[%add3A_693, %dma_start3A_701] : memref<50056x32xf32, #tpu.memory_space<vmem_shared>> -> memref<40x32xf32, #tpu.memory_space<vmem_shared>>
        tpu.enqueue_dma source(%arg17 : memref<40x32xf32, #tpu.memory_space<vmem>>) target(%dma_start3A_702 : memref<40x32xf32, #tpu.memory_space<vmem_shared>>) target_semaphore(%run_scoped3A_698 : memref<!tpu.dma_semaphore, #tpu.memory_space<semaphore_mem>>)
        %dma_wait3A_703 = arith.constant 0 : i32
        %dma_wait3A_704 = tpu.memref_slice %arg19[%add3A_693, %dma_wait3A_703] : memref<50056x32xf32, #tpu.memory_space<vmem_shared>> -> memref<40x32xf32, #tpu.memory_space<vmem_shared>>
        %dma_wait3A_705 = arith.constant 0 : i32
        %dma_wait3A_706 = tpu.memref_slice %arg19[%add3A_693, %dma_wait3A_705] : memref<50056x32xf32, #tpu.memory_space<vmem_shared>> -> memref<40x32xf32, #tpu.memory_space<vmem_shared>>
        tpu.wait_dma2 semaphore(%run_scoped3A_698 : memref<!tpu.dma_semaphore, #tpu.memory_space<semaphore_mem>>) src(%arg17 : memref<40x32xf32, #tpu.memory_space<vmem>>) dst(%dma_wait3A_706 : memref<40x32xf32, #tpu.memory_space<vmem_shared>>)
        tpu.yield
      }) : () -> ()
      %mul3A_694 = arith.constant 40 : i32
      %mul3A_695 = arith.muli %scan3A_689, %mul3A_694 : i32
      %add3A_696 = arith.addi %mul3A_326, %mul3A_695 : i32
      "tpu.region"() ({
        %run_scoped3A_698 = tpu.sem_alloc : memref<!tpu.dma_semaphore, #tpu.memory_space<semaphore_mem>>
        %dma_start3A_699 = arith.constant 0 : i32
        %dma_start3A_700 = tpu.memref_slice %arg18[%dma_start3A_699] : memref<48xf32, #tpu.memory_space<vmem>> -> memref<40xf32, #tpu.memory_space<vmem>>
        %dma_start3A_701 = tpu.memref_slice %arg20[%add3A_696] : memref<50056xf32, #tpu.memory_space<vmem_shared>> -> memref<40xf32, #tpu.memory_space<vmem_shared>>
        %dma_start3A_702 = tpu.memref_slice %arg20[%add3A_696] : memref<50056xf32, #tpu.memory_space<vmem_shared>> -> memref<40xf32, #tpu.memory_space<vmem_shared>>
        %dma_start3A_703 = arith.constant 0 : i32
        %dma_start3A_704 = tpu.memref_slice %arg18[%dma_start3A_703] : memref<48xf32, #tpu.memory_space<vmem>> -> memref<40xf32, #tpu.memory_space<vmem>>
        tpu.enqueue_dma source(%dma_start3A_704 : memref<40xf32, #tpu.memory_space<vmem>>) target(%dma_start3A_702 : memref<40xf32, #tpu.memory_space<vmem_shared>>) target_semaphore(%run_scoped3A_698 : memref<!tpu.dma_semaphore, #tpu.memory_space<semaphore_mem>>)
        %dma_wait3A_705 = arith.constant 0 : i32
        %dma_wait3A_706 = tpu.memref_slice %arg18[%dma_wait3A_705] : memref<48xf32, #tpu.memory_space<vmem>> -> memref<40xf32, #tpu.memory_space<vmem>>
        %dma_wait3A_707 = tpu.memref_slice %arg20[%add3A_696] : memref<50056xf32, #tpu.memory_space<vmem_shared>> -> memref<40xf32, #tpu.memory_space<vmem_shared>>
        %dma_wait3A_708 = tpu.memref_slice %arg20[%add3A_696] : memref<50056xf32, #tpu.memory_space<vmem_shared>> -> memref<40xf32, #tpu.memory_space<vmem_shared>>
        %dma_wait3A_709 = arith.constant 0 : i32
        %dma_wait3A_710 = tpu.memref_slice %arg18[%dma_wait3A_709] : memref<48xf32, #tpu.memory_space<vmem>> -> memref<40xf32, #tpu.memory_space<vmem>>
        tpu.wait_dma2 semaphore(%run_scoped3A_698 : memref<!tpu.dma_semaphore, #tpu.memory_space<semaphore_mem>>) src(%dma_wait3A_710 : memref<40xf32, #tpu.memory_space<vmem>>) dst(%dma_wait3A_708 : memref<40xf32, #tpu.memory_space<vmem_shared>>)
        tpu.yield
      }) : () -> ()
      %scan3A_697 = arith.constant 0 : i32
      scf.yield %scan3A_697 : i32
    }
    %scan3A_574 = arith.constant 80 : i32
    %barrier3A_575 = arith.constant 0 : index
    tpu.barrier barrier_id(%barrier3A_575)
    %broadcast_in_dim3A_576 = arith.constant 200000 : i32
    %broadcast_in_dim3A_577 = vector.broadcast %broadcast_in_dim3A_576 : i32 to vector<16xi32>
    %mul3A_578 = arith.constant 50000 : i32
    %mul3A_579 = arith.muli %arg0, %mul3A_578 : i32
    %add3A_580 = vector.broadcast %mul3A_579 : i32 to vector<16xi32>
    %add3A_581 = arith.addi %broadcast_in_dim3A_577, %add3A_580 : vector<16xi32>
    %get3A_582 = arith.constant 0 : index
    %get3A_583 = tpu.vector_load %arg16[%get3A_582] {strides = array<i32>} : memref<32xf32, #tpu.memory_space<vmem>>, vector<16xf32>,
    %get3A_584 = arith.constant 16 : index
    %get3A_585 = tpu.vector_load %arg16[%get3A_584] {strides = array<i32>} : memref<32xf32, #tpu.memory_space<vmem>>, vector<16xf32>,
    %mul3A_586 = arith.constant 391 : i32
    %mul3A_587 = arith.muli %arg1, %mul3A_586 : i32
    %run_scoped3A_588 = arith.constant 2 : i32
    %run_scoped3A_589 = arith.constant 0 : i32
    "tpu.region"() ({
      %run_scoped3A_689 = tpu.sem_alloc : memref<!tpu.dma_semaphore, #tpu.memory_space<semaphore_mem>>
      %dma_start3A_690 = arith.constant 0 : i32
      %dma_start3A_691 = tpu.memref_slice %arg9[%run_scoped3A_589, %dma_start3A_690] : memref<2x128xi32, #tpu.memory_space<vmem>> -> memref<1x128xi32, #tpu.memory_space<vmem>>
      %dma_start3A_692 = tpu.memref_squeeze %dma_start3A_691 : memref<1x128xi32, #tpu.memory_space<vmem>> -> memref<128xi32, #tpu.memory_space<vmem>>
      %dma_start3A_693 = arith.constant 0 : i32
      %dma_start3A_694 = tpu.memref_slice %arg4[%run_scoped3A_588, %arg0, %mul3A_587, %dma_start3A_693] : memref<3x2x6256x128xi32, #tpu.memory_space<hbm>> -> memref<1x1x1x128xi32, #tpu.memory_space<hbm>>
      %dma_start3A_695 = tpu.memref_squeeze %dma_start3A_694 : memref<1x1x1x128xi32, #tpu.memory_space<hbm>> -> memref<128xi32, #tpu.memory_space<hbm>>
      %dma_start3A_696 = arith.constant 0 : i32
      %dma_start3A_697 = tpu.memref_slice %arg9[%run_scoped3A_589, %dma_start3A_696] : memref<2x128xi32, #tpu.memory_space<vmem>> -> memref<1x128xi32, #tpu.memory_space<vmem>>
      %dma_start3A_698 = tpu.memref_squeeze %dma_start3A_697 : memref<1x128xi32, #tpu.memory_space<vmem>> -> memref<128xi32, #tpu.memory_space<vmem>>
      %dma_start3A_699 = arith.constant 0 : i32
      %dma_start3A_700 = tpu.memref_slice %arg4[%run_scoped3A_588, %arg0, %mul3A_587, %dma_start3A_699] : memref<3x2x6256x128xi32, #tpu.memory_space<hbm>> -> memref<1x1x1x128xi32, #tpu.memory_space<hbm>>
      %dma_start3A_701 = tpu.memref_squeeze %dma_start3A_700 : memref<1x1x1x128xi32, #tpu.memory_space<hbm>> -> memref<128xi32, #tpu.memory_space<hbm>>
      tpu.enqueue_dma source(%dma_start3A_701 : memref<128xi32, #tpu.memory_space<hbm>>) target(%dma_start3A_698 : memref<128xi32, #tpu.memory_space<vmem>>) target_semaphore(%run_scoped3A_689 : memref<!tpu.dma_semaphore, #tpu.memory_space<semaphore_mem>>)
      %dma_wait3A_702 = arith.constant 0 : i32
      %dma_wait3A_703 = tpu.memref_slice %arg9[%run_scoped3A_589, %dma_wait3A_702] : memref<2x128xi32, #tpu.memory_space<vmem>> -> memref<1x128xi32, #tpu.memory_space<vmem>>
      %dma_wait3A_704 = tpu.memref_squeeze %dma_wait3A_703 : memref<1x128xi32, #tpu.memory_space<vmem>> -> memref<128xi32, #tpu.memory_space<vmem>>
      %dma_wait3A_705 = arith.constant 0 : i32
      %dma_wait3A_706 = tpu.memref_slice %arg4[%run_scoped3A_588, %arg0, %mul3A_587, %dma_wait3A_705] : memref<3x2x6256x128xi32, #tpu.memory_space<hbm>> -> memref<1x1x1x128xi32, #tpu.memory_space<hbm>>
      %dma_wait3A_707 = tpu.memref_squeeze %dma_wait3A_706 : memref<1x1x1x128xi32, #tpu.memory_space<hbm>> -> memref<128xi32, #tpu.memory_space<hbm>>
      %dma_wait3A_708 = arith.constant 0 : i32
      %dma_wait3A_709 = tpu.memref_slice %arg9[%run_scoped3A_589, %dma_wait3A_708] : memref<2x128xi32, #tpu.memory_space<vmem>> -> memref<1x128xi32, #tpu.memory_space<vmem>>
      %dma_wait3A_710 = tpu.memref_squeeze %dma_wait3A_709 : memref<1x128xi32, #tpu.memory_space<vmem>> -> memref<128xi32, #tpu.memory_space<vmem>>
      %dma_wait3A_711 = arith.constant 0 : i32
      %dma_wait3A_712 = tpu.memref_slice %arg4[%run_scoped3A_588, %arg0, %mul3A_587, %dma_wait3A_711] : memref<3x2x6256x128xi32, #tpu.memory_space<hbm>> -> memref<1x1x1x128xi32, #tpu.memory_space<hbm>>
      %dma_wait3A_713 = tpu.memref_squeeze %dma_wait3A_712 : memref<1x1x1x128xi32, #tpu.memory_space<hbm>> -> memref<128xi32, #tpu.memory_space<hbm>>
      tpu.wait_dma2 semaphore(%run_scoped3A_689 : memref<!tpu.dma_semaphore, #tpu.memory_space<semaphore_mem>>) src(%dma_wait3A_713 : memref<128xi32, #tpu.memory_space<hbm>>) dst(%dma_wait3A_710 : memref<128xi32, #tpu.memory_space<vmem>>)
      tpu.yield
    }) : () -> ()
    %run_scoped3A_590 = arith.constant 2 : i32
    %run_scoped3A_591 = arith.constant 0 : i32
    "tpu.region"() ({
      %run_scoped3A_689 = tpu.sem_alloc : memref<!tpu.dma_semaphore, #tpu.memory_space<semaphore_mem>>
      %dma_start3A_690 = arith.constant 0 : i32
      %dma_start3A_691 = tpu.memref_slice %arg10[%run_scoped3A_591, %dma_start3A_690] : memref<2x128xi32, #tpu.memory_space<vmem>> -> memref<1x128xi32, #tpu.memory_space<vmem>>
      %dma_start3A_692 = tpu.memref_squeeze %dma_start3A_691 : memref<1x128xi32, #tpu.memory_space<vmem>> -> memref<128xi32, #tpu.memory_space<vmem>>
      %dma_start3A_693 = arith.constant 0 : i32
      %dma_start3A_694 = tpu.memref_slice %arg5[%run_scoped3A_590, %arg0, %mul3A_587, %dma_start3A_693] : memref<3x2x6256x128xi32, #tpu.memory_space<hbm>> -> memref<1x1x1x128xi32, #tpu.memory_space<hbm>>
      %dma_start3A_695 = tpu.memref_squeeze %dma_start3A_694 : memref<1x1x1x128xi32, #tpu.memory_space<hbm>> -> memref<128xi32, #tpu.memory_space<hbm>>
      %dma_start3A_696 = arith.constant 0 : i32
      %dma_start3A_697 = tpu.memref_slice %arg10[%run_scoped3A_591, %dma_start3A_696] : memref<2x128xi32, #tpu.memory_space<vmem>> -> memref<1x128xi32, #tpu.memory_space<vmem>>
      %dma_start3A_698 = tpu.memref_squeeze %dma_start3A_697 : memref<1x128xi32, #tpu.memory_space<vmem>> -> memref<128xi32, #tpu.memory_space<vmem>>
      %dma_start3A_699 = arith.constant 0 : i32
      %dma_start3A_700 = tpu.memref_slice %arg5[%run_scoped3A_590, %arg0, %mul3A_587, %dma_start3A_699] : memref<3x2x6256x128xi32, #tpu.memory_space<hbm>> -> memref<1x1x1x128xi32, #tpu.memory_space<hbm>>
      %dma_start3A_701 = tpu.memref_squeeze %dma_start3A_700 : memref<1x1x1x128xi32, #tpu.memory_space<hbm>> -> memref<128xi32, #tpu.memory_space<hbm>>
      tpu.enqueue_dma source(%dma_start3A_701 : memref<128xi32, #tpu.memory_space<hbm>>) target(%dma_start3A_698 : memref<128xi32, #tpu.memory_space<vmem>>) target_semaphore(%run_scoped3A_689 : memref<!tpu.dma_semaphore, #tpu.memory_space<semaphore_mem>>)
      %dma_wait3A_702 = arith.constant 0 : i32
      %dma_wait3A_703 = tpu.memref_slice %arg10[%run_scoped3A_591, %dma_wait3A_702] : memref<2x128xi32, #tpu.memory_space<vmem>> -> memref<1x128xi32, #tpu.memory_space<vmem>>
      %dma_wait3A_704 = tpu.memref_squeeze %dma_wait3A_703 : memref<1x128xi32, #tpu.memory_space<vmem>> -> memref<128xi32, #tpu.memory_space<vmem>>
      %dma_wait3A_705 = arith.constant 0 : i32
      %dma_wait3A_706 = tpu.memref_slice %arg5[%run_scoped3A_590, %arg0, %mul3A_587, %dma_wait3A_705] : memref<3x2x6256x128xi32, #tpu.memory_space<hbm>> -> memref<1x1x1x128xi32, #tpu.memory_space<hbm>>
      %dma_wait3A_707 = tpu.memref_squeeze %dma_wait3A_706 : memref<1x1x1x128xi32, #tpu.memory_space<hbm>> -> memref<128xi32, #tpu.memory_space<hbm>>
      %dma_wait3A_708 = arith.constant 0 : i32
      %dma_wait3A_709 = tpu.memref_slice %arg10[%run_scoped3A_591, %dma_wait3A_708] : memref<2x128xi32, #tpu.memory_space<vmem>> -> memref<1x128xi32, #tpu.memory_space<vmem>>
      %dma_wait3A_710 = tpu.memref_squeeze %dma_wait3A_709 : memref<1x128xi32, #tpu.memory_space<vmem>> -> memref<128xi32, #tpu.memory_space<vmem>>
      %dma_wait3A_711 = arith.constant 0 : i32
      %dma_wait3A_712 = tpu.memref_slice %arg5[%run_scoped3A_590, %arg0, %mul3A_587, %dma_wait3A_711] : memref<3x2x6256x128xi32, #tpu.memory_space<hbm>> -> memref<1x1x1x128xi32, #tpu.memory_space<hbm>>
      %dma_wait3A_713 = tpu.memref_squeeze %dma_wait3A_712 : memref<1x1x1x128xi32, #tpu.memory_space<hbm>> -> memref<128xi32, #tpu.memory_space<hbm>>
      tpu.wait_dma2 semaphore(%run_scoped3A_689 : memref<!tpu.dma_semaphore, #tpu.memory_space<semaphore_mem>>) src(%dma_wait3A_713 : memref<128xi32, #tpu.memory_space<hbm>>) dst(%dma_wait3A_710 : memref<128xi32, #tpu.memory_space<vmem>>)
      tpu.yield
    }) : () -> ()
    %add3A_592 = arith.constant 1 : i32
    %add3A_593 = arith.addi %mul3A_587, %add3A_592 : i32
    %run_scoped3A_594 = arith.constant 2 : i32
    %run_scoped3A_595 = arith.constant 1 : i32
    "tpu.region"() ({
      %run_scoped3A_689 = tpu.sem_alloc : memref<!tpu.dma_semaphore, #tpu.memory_space<semaphore_mem>>
      %dma_start3A_690 = arith.constant 0 : i32
      %dma_start3A_691 = tpu.memref_slice %arg9[%run_scoped3A_595, %dma_start3A_690] : memref<2x128xi32, #tpu.memory_space<vmem>> -> memref<1x128xi32, #tpu.memory_space<vmem>>
      %dma_start3A_692 = tpu.memref_squeeze %dma_start3A_691 : memref<1x128xi32, #tpu.memory_space<vmem>> -> memref<128xi32, #tpu.memory_space<vmem>>
      %dma_start3A_693 = arith.constant 0 : i32
      %dma_start3A_694 = tpu.memref_slice %arg4[%run_scoped3A_594, %arg0, %add3A_593, %dma_start3A_693] : memref<3x2x6256x128xi32, #tpu.memory_space<hbm>> -> memref<1x1x1x128xi32, #tpu.memory_space<hbm>>
      %dma_start3A_695 = tpu.memref_squeeze %dma_start3A_694 : memref<1x1x1x128xi32, #tpu.memory_space<hbm>> -> memref<128xi32, #tpu.memory_space<hbm>>
      %dma_start3A_696 = arith.constant 0 : i32
      %dma_start3A_697 = tpu.memref_slice %arg9[%run_scoped3A_595, %dma_start3A_696] : memref<2x128xi32, #tpu.memory_space<vmem>> -> memref<1x128xi32, #tpu.memory_space<vmem>>
      %dma_start3A_698 = tpu.memref_squeeze %dma_start3A_697 : memref<1x128xi32, #tpu.memory_space<vmem>> -> memref<128xi32, #tpu.memory_space<vmem>>
      %dma_start3A_699 = arith.constant 0 : i32
      %dma_start3A_700 = tpu.memref_slice %arg4[%run_scoped3A_594, %arg0, %add3A_593, %dma_start3A_699] : memref<3x2x6256x128xi32, #tpu.memory_space<hbm>> -> memref<1x1x1x128xi32, #tpu.memory_space<hbm>>
      %dma_start3A_701 = tpu.memref_squeeze %dma_start3A_700 : memref<1x1x1x128xi32, #tpu.memory_space<hbm>> -> memref<128xi32, #tpu.memory_space<hbm>>
      tpu.enqueue_dma source(%dma_start3A_701 : memref<128xi32, #tpu.memory_space<hbm>>) target(%dma_start3A_698 : memref<128xi32, #tpu.memory_space<vmem>>) target_semaphore(%run_scoped3A_689 : memref<!tpu.dma_semaphore, #tpu.memory_space<semaphore_mem>>)
      %dma_wait3A_702 = arith.constant 0 : i32
      %dma_wait3A_703 = tpu.memref_slice %arg9[%run_scoped3A_595, %dma_wait3A_702] : memref<2x128xi32, #tpu.memory_space<vmem>> -> memref<1x128xi32, #tpu.memory_space<vmem>>
      %dma_wait3A_704 = tpu.memref_squeeze %dma_wait3A_703 : memref<1x128xi32, #tpu.memory_space<vmem>> -> memref<128xi32, #tpu.memory_space<vmem>>
      %dma_wait3A_705 = arith.constant 0 : i32
      %dma_wait3A_706 = tpu.memref_slice %arg4[%run_scoped3A_594, %arg0, %add3A_593, %dma_wait3A_705] : memref<3x2x6256x128xi32, #tpu.memory_space<hbm>> -> memref<1x1x1x128xi32, #tpu.memory_space<hbm>>
      %dma_wait3A_707 = tpu.memref_squeeze %dma_wait3A_706 : memref<1x1x1x128xi32, #tpu.memory_space<hbm>> -> memref<128xi32, #tpu.memory_space<hbm>>
      %dma_wait3A_708 = arith.constant 0 : i32
      %dma_wait3A_709 = tpu.memref_slice %arg9[%run_scoped3A_595, %dma_wait3A_708] : memref<2x128xi32, #tpu.memory_space<vmem>> -> memref<1x128xi32, #tpu.memory_space<vmem>>
      %dma_wait3A_710 = tpu.memref_squeeze %dma_wait3A_709 : memref<1x128xi32, #tpu.memory_space<vmem>> -> memref<128xi32, #tpu.memory_space<vmem>>
      %dma_wait3A_711 = arith.constant 0 : i32
      %dma_wait3A_712 = tpu.memref_slice %arg4[%run_scoped3A_594, %arg0, %add3A_593, %dma_wait3A_711] : memref<3x2x6256x128xi32, #tpu.memory_space<hbm>> -> memref<1x1x1x128xi32, #tpu.memory_space<hbm>>
      %dma_wait3A_713 = tpu.memref_squeeze %dma_wait3A_712 : memref<1x1x1x128xi32, #tpu.memory_space<hbm>> -> memref<128xi32, #tpu.memory_space<hbm>>
      tpu.wait_dma2 semaphore(%run_scoped3A_689 : memref<!tpu.dma_semaphore, #tpu.memory_space<semaphore_mem>>) src(%dma_wait3A_713 : memref<128xi32, #tpu.memory_space<hbm>>) dst(%dma_wait3A_710 : memref<128xi32, #tpu.memory_space<vmem>>)
      tpu.yield
    }) : () -> ()
    %add3A_596 = arith.constant 1 : i32
    %add3A_597 = arith.addi %mul3A_587, %add3A_596 : i32
    %run_scoped3A_598 = arith.constant 2 : i32
    %run_scoped3A_599 = arith.constant 1 : i32
    "tpu.region"() ({
      %run_scoped3A_689 = tpu.sem_alloc : memref<!tpu.dma_semaphore, #tpu.memory_space<semaphore_mem>>
      %dma_start3A_690 = arith.constant 0 : i32
      %dma_start3A_691 = tpu.memref_slice %arg10[%run_scoped3A_599, %dma_start3A_690] : memref<2x128xi32, #tpu.memory_space<vmem>> -> memref<1x128xi32, #tpu.memory_space<vmem>>
      %dma_start3A_692 = tpu.memref_squeeze %dma_start3A_691 : memref<1x128xi32, #tpu.memory_space<vmem>> -> memref<128xi32, #tpu.memory_space<vmem>>
      %dma_start3A_693 = arith.constant 0 : i32
      %dma_start3A_694 = tpu.memref_slice %arg5[%run_scoped3A_598, %arg0, %add3A_597, %dma_start3A_693] : memref<3x2x6256x128xi32, #tpu.memory_space<hbm>> -> memref<1x1x1x128xi32, #tpu.memory_space<hbm>>
      %dma_start3A_695 = tpu.memref_squeeze %dma_start3A_694 : memref<1x1x1x128xi32, #tpu.memory_space<hbm>> -> memref<128xi32, #tpu.memory_space<hbm>>
      %dma_start3A_696 = arith.constant 0 : i32
      %dma_start3A_697 = tpu.memref_slice %arg10[%run_scoped3A_599, %dma_start3A_696] : memref<2x128xi32, #tpu.memory_space<vmem>> -> memref<1x128xi32, #tpu.memory_space<vmem>>
      %dma_start3A_698 = tpu.memref_squeeze %dma_start3A_697 : memref<1x128xi32, #tpu.memory_space<vmem>> -> memref<128xi32, #tpu.memory_space<vmem>>
      %dma_start3A_699 = arith.constant 0 : i32
      %dma_start3A_700 = tpu.memref_slice %arg5[%run_scoped3A_598, %arg0, %add3A_597, %dma_start3A_699] : memref<3x2x6256x128xi32, #tpu.memory_space<hbm>> -> memref<1x1x1x128xi32, #tpu.memory_space<hbm>>
      %dma_start3A_701 = tpu.memref_squeeze %dma_start3A_700 : memref<1x1x1x128xi32, #tpu.memory_space<hbm>> -> memref<128xi32, #tpu.memory_space<hbm>>
      tpu.enqueue_dma source(%dma_start3A_701 : memref<128xi32, #tpu.memory_space<hbm>>) target(%dma_start3A_698 : memref<128xi32, #tpu.memory_space<vmem>>) target_semaphore(%run_scoped3A_689 : memref<!tpu.dma_semaphore, #tpu.memory_space<semaphore_mem>>)
      %dma_wait3A_702 = arith.constant 0 : i32
      %dma_wait3A_703 = tpu.memref_slice %arg10[%run_scoped3A_599, %dma_wait3A_702] : memref<2x128xi32, #tpu.memory_space<vmem>> -> memref<1x128xi32, #tpu.memory_space<vmem>>
      %dma_wait3A_704 = tpu.memref_squeeze %dma_wait3A_703 : memref<1x128xi32, #tpu.memory_space<vmem>> -> memref<128xi32, #tpu.memory_space<vmem>>
      %dma_wait3A_705 = arith.constant 0 : i32
      %dma_wait3A_706 = tpu.memref_slice %arg5[%run_scoped3A_598, %arg0, %add3A_597, %dma_wait3A_705] : memref<3x2x6256x128xi32, #tpu.memory_space<hbm>> -> memref<1x1x1x128xi32, #tpu.memory_space<hbm>>
      %dma_wait3A_707 = tpu.memref_squeeze %dma_wait3A_706 : memref<1x1x1x128xi32, #tpu.memory_space<hbm>> -> memref<128xi32, #tpu.memory_space<hbm>>
      %dma_wait3A_708 = arith.constant 0 : i32
      %dma_wait3A_709 = tpu.memref_slice %arg10[%run_scoped3A_599, %dma_wait3A_708] : memref<2x128xi32, #tpu.memory_space<vmem>> -> memref<1x128xi32, #tpu.memory_space<vmem>>
      %dma_wait3A_710 = tpu.memref_squeeze %dma_wait3A_709 : memref<1x128xi32, #tpu.memory_space<vmem>> -> memref<128xi32, #tpu.memory_space<vmem>>
      %dma_wait3A_711 = arith.constant 0 : i32
      %dma_wait3A_712 = tpu.memref_slice %arg5[%run_scoped3A_598, %arg0, %add3A_597, %dma_wait3A_711] : memref<3x2x6256x128xi32, #tpu.memory_space<hbm>> -> memref<1x1x1x128xi32, #tpu.memory_space<hbm>>
      %dma_wait3A_713 = tpu.memref_squeeze %dma_wait3A_712 : memref<1x1x1x128xi32, #tpu.memory_space<hbm>> -> memref<128xi32, #tpu.memory_space<hbm>>
      tpu.wait_dma2 semaphore(%run_scoped3A_689 : memref<!tpu.dma_semaphore, #tpu.memory_space<semaphore_mem>>) src(%dma_wait3A_713 : memref<128xi32, #tpu.memory_space<hbm>>) dst(%dma_wait3A_710 : memref<128xi32, #tpu.memory_space<vmem>>)
      tpu.yield
    }) : () -> ()
    %dma_start3A_600 = arith.constant 0 : i32
    %dma_start3A_601 = arith.constant 0 : i32
    %dma_start3A_602 = arith.constant 0 : i32
    %dma_start3A_603 = arith.constant 0 : i32
    %dma_start3A_604 = tpu.memref_slice %arg12[%dma_start3A_601, %dma_start3A_602, %dma_start3A_603] : memref<2x128x32xf32, #tpu.memory_space<vmem>> -> memref<1x128x32xf32, #tpu.memory_space<vmem>>
    %dma_start3A_605 = tpu.memref_squeeze %dma_start3A_604 : memref<1x128x32xf32, #tpu.memory_space<vmem>> -> memref<128x32xf32, #tpu.memory_space<vmem>>
    %dma_start3A_606 = arith.constant 0 : i32
    %dma_start3A_607 = tpu.memref_slice %arg9[%dma_start3A_600, %dma_start3A_606] : memref<2x128xi32, #tpu.memory_space<vmem>> -> memref<1x128xi32, #tpu.memory_space<vmem>>
    %dma_start3A_608 = tpu.memref_squeeze %dma_start3A_607 : memref<1x128xi32, #tpu.memory_space<vmem>> -> memref<128xi32, #tpu.memory_space<vmem>>
    %dma_start3A_609 = arith.constant 0 : i32
    %dma_start3A_610 = arith.constant 0 : i32
    %dma_start3A_611 = tpu.memref_slice %arg2[%dma_start3A_609, %dma_start3A_610] : memref<300008x32xf32, #tpu.memory_space<hbm>> -> memref<300008x32xf32, #tpu.memory_space<hbm>>
    tpu.enqueue_indirect_dma source(%dma_start3A_611 : memref<300008x32xf32, #tpu.memory_space<hbm>>) target(%dma_start3A_605 : memref<128x32xf32, #tpu.memory_space<vmem>>) offsets(%dma_start3A_608 : memref<128xi32, #tpu.memory_space<vmem>>) semaphore(%arg21 : memref<!tpu.dma_semaphore, #tpu.memory_space<semaphore_mem>>)
    %dma_start3A_612 = arith.constant 0 : i32
    %dma_start3A_613 = arith.constant 0 : i32
    %dma_start3A_614 = arith.constant 0 : i32
    %dma_start3A_615 = arith.constant 0 : i32
    %dma_start3A_616 = tpu.memref_slice %arg13[%dma_start3A_613, %dma_start3A_614, %dma_start3A_615] : memref<2x128x32xf32, #tpu.memory_space<vmem>> -> memref<1x128x32xf32, #tpu.memory_space<vmem>>
    %dma_start3A_617 = tpu.memref_squeeze %dma_start3A_616 : memref<1x128x32xf32, #tpu.memory_space<vmem>> -> memref<128x32xf32, #tpu.memory_space<vmem>>
    %dma_start3A_618 = arith.constant 0 : i32
    %dma_start3A_619 = tpu.memref_slice %arg10[%dma_start3A_612, %dma_start3A_618] : memref<2x128xi32, #tpu.memory_space<vmem>> -> memref<1x128xi32, #tpu.memory_space<vmem>>
    %dma_start3A_620 = tpu.memref_squeeze %dma_start3A_619 : memref<1x128xi32, #tpu.memory_space<vmem>> -> memref<128xi32, #tpu.memory_space<vmem>>
    %dma_start3A_621 = arith.constant 0 : i32
    %dma_start3A_622 = arith.constant 0 : i32
    %dma_start3A_623 = tpu.memref_slice %arg3[%dma_start3A_621, %dma_start3A_622] : memref<300008x32xf32, #tpu.memory_space<hbm>> -> memref<300008x32xf32, #tpu.memory_space<hbm>>
    tpu.enqueue_indirect_dma source(%dma_start3A_623 : memref<300008x32xf32, #tpu.memory_space<hbm>>) target(%dma_start3A_617 : memref<128x32xf32, #tpu.memory_space<vmem>>) offsets(%dma_start3A_620 : memref<128xi32, #tpu.memory_space<vmem>>) semaphore(%arg22 : memref<!tpu.dma_semaphore, #tpu.memory_space<semaphore_mem>>)
    %scan3A_624 = arith.constant 0 : i32
    %scan3A_625 = arith.constant 0 : i32
    %scan3A_626 = arith.constant 391 : i32
    %scan3A_627 = arith.addi %scan3A_625, %scan3A_626 : i32
    %scan3A_628 = arith.constant 1 : i32
    %scan3A_629 = scf.for %scan3A_689 = %scan3A_625 to %scan3A_627 step %scan3A_628 iter_args(%scan3A_690 = %scan3A_624) -> (i32)  : i32 {
      %and3A = arith.constant 1 : i32
      %and3A_691 = arith.andi %scan3A_689, %and3A : i32
      %sub3A = arith.constant 1 : i32
      %sub3A_692 = arith.subi %sub3A, %and3A_691 : i32
      %dma_wait3A_693 = arith.constant 0 : i32
      %dma_wait3A_694 = arith.constant 0 : i32
      %dma_wait3A_695 = tpu.memref_slice %arg12[%and3A_691, %dma_wait3A_693, %dma_wait3A_694] : memref<2x128x32xf32, #tpu.memory_space<vmem>> -> memref<1x128x32xf32, #tpu.memory_space<vmem>>
      %dma_wait3A_696 = tpu.memref_squeeze %dma_wait3A_695 : memref<1x128x32xf32, #tpu.memory_space<vmem>> -> memref<128x32xf32, #tpu.memory_space<vmem>>
      %dma_wait3A_697 = arith.constant 0 : i32
      %dma_wait3A_698 = tpu.memref_slice %arg9[%and3A_691, %dma_wait3A_697] : memref<2x128xi32, #tpu.memory_space<vmem>> -> memref<1x128xi32, #tpu.memory_space<vmem>>
      %dma_wait3A_699 = tpu.memref_squeeze %dma_wait3A_698 : memref<1x128xi32, #tpu.memory_space<vmem>> -> memref<128xi32, #tpu.memory_space<vmem>>
      %dma_wait3A_700 = arith.constant 0 : i32
      %dma_wait3A_701 = arith.constant 0 : i32
      %dma_wait3A_702 = tpu.memref_slice %arg2[%dma_wait3A_700, %dma_wait3A_701] : memref<300008x32xf32, #tpu.memory_space<hbm>> -> memref<300008x32xf32, #tpu.memory_space<hbm>>
      tpu.wait_indirect_dma semaphore(%arg21 : memref<!tpu.dma_semaphore, #tpu.memory_space<semaphore_mem>>) src(%dma_wait3A_702 : memref<300008x32xf32, #tpu.memory_space<hbm>>) dst(%dma_wait3A_696 : memref<128x32xf32, #tpu.memory_space<vmem>>)
      %dma_wait3A_703 = arith.constant 0 : i32
      %dma_wait3A_704 = arith.constant 0 : i32
      %dma_wait3A_705 = tpu.memref_slice %arg13[%and3A_691, %dma_wait3A_703, %dma_wait3A_704] : memref<2x128x32xf32, #tpu.memory_space<vmem>> -> memref<1x128x32xf32, #tpu.memory_space<vmem>>
      %dma_wait3A_706 = tpu.memref_squeeze %dma_wait3A_705 : memref<1x128x32xf32, #tpu.memory_space<vmem>> -> memref<128x32xf32, #tpu.memory_space<vmem>>
      %dma_wait3A_707 = arith.constant 0 : i32
      %dma_wait3A_708 = tpu.memref_slice %arg10[%and3A_691, %dma_wait3A_707] : memref<2x128xi32, #tpu.memory_space<vmem>> -> memref<1x128xi32, #tpu.memory_space<vmem>>
      %dma_wait3A_709 = tpu.memref_squeeze %dma_wait3A_708 : memref<1x128xi32, #tpu.memory_space<vmem>> -> memref<128xi32, #tpu.memory_space<vmem>>
      %dma_wait3A_710 = arith.constant 0 : i32
      %dma_wait3A_711 = arith.constant 0 : i32
      %dma_wait3A_712 = tpu.memref_slice %arg3[%dma_wait3A_710, %dma_wait3A_711] : memref<300008x32xf32, #tpu.memory_space<hbm>> -> memref<300008x32xf32, #tpu.memory_space<hbm>>
      tpu.wait_indirect_dma semaphore(%arg22 : memref<!tpu.dma_semaphore, #tpu.memory_space<semaphore_mem>>) src(%dma_wait3A_712 : memref<300008x32xf32, #tpu.memory_space<hbm>>) dst(%dma_wait3A_706 : memref<128x32xf32, #tpu.memory_space<vmem>>)
      %ge3A = arith.constant 2 : i32
      %ge3A_713 = arith.cmpi sge, %scan3A_689, %ge3A : i32
      %convert_element_type3A_714 = arith.extui %ge3A_713 : i1 to i32
      %cond3A_715 = arith.constant 0 : i32
      %cond3A_716 = arith.cmpi ne, %convert_element_type3A_714, %cond3A_715 : i32
      scf.if %cond3A_716 {
        %dma_wait3A_762 = arith.constant 0 : i32
        %dma_wait3A_763 = arith.constant 0 : i32
        %dma_wait3A_764 = tpu.memref_slice %arg14[%and3A_691, %dma_wait3A_762, %dma_wait3A_763] : memref<2x128x32xf32, #tpu.memory_space<vmem>> -> memref<1x128x32xf32, #tpu.memory_space<vmem>>
        %dma_wait3A_765 = tpu.memref_squeeze %dma_wait3A_764 : memref<1x128x32xf32, #tpu.memory_space<vmem>> -> memref<128x32xf32, #tpu.memory_space<vmem>>
        %dma_wait3A_766 = arith.constant 0 : i32
        %dma_wait3A_767 = tpu.memref_slice %arg11[%and3A_691, %dma_wait3A_766] : memref<2x128xi32, #tpu.memory_space<vmem>> -> memref<1x128xi32, #tpu.memory_space<vmem>>
        %dma_wait3A_768 = tpu.memref_squeeze %dma_wait3A_767 : memref<1x128xi32, #tpu.memory_space<vmem>> -> memref<128xi32, #tpu.memory_space<vmem>>
        %dma_wait3A_769 = arith.constant 0 : i32
        %dma_wait3A_770 = arith.constant 0 : i32
        %dma_wait3A_771 = tpu.memref_slice %arg19[%dma_wait3A_769, %dma_wait3A_770] : memref<50056x32xf32, #tpu.memory_space<vmem_shared>> -> memref<50056x32xf32, #tpu.memory_space<vmem_shared>>
        tpu.wait_indirect_dma semaphore(%arg23 : memref<!tpu.dma_semaphore, #tpu.memory_space<semaphore_mem>>) src(%dma_wait3A_765 : memref<128x32xf32, #tpu.memory_space<vmem>>) dst(%dma_wait3A_771 : memref<50056x32xf32, #tpu.memory_space<vmem_shared>>)
        %dma_wait3A_772 = arith.constant 0 : i32
        %dma_wait3A_773 = tpu.memref_slice %arg15[%and3A_691, %dma_wait3A_772] : memref<2x128xf32, #tpu.memory_space<vmem>> -> memref<1x128xf32, #tpu.memory_space<vmem>>
        %dma_wait3A_774 = tpu.memref_squeeze %dma_wait3A_773 : memref<1x128xf32, #tpu.memory_space<vmem>> -> memref<128xf32, #tpu.memory_space<vmem>>
        %dma_wait3A_775 = arith.constant 0 : i32
        %dma_wait3A_776 = tpu.memref_slice %arg11[%and3A_691, %dma_wait3A_775] : memref<2x128xi32, #tpu.memory_space<vmem>> -> memref<1x128xi32, #tpu.memory_space<vmem>>
        %dma_wait3A_777 = tpu.memref_squeeze %dma_wait3A_776 : memref<1x128xi32, #tpu.memory_space<vmem>> -> memref<128xi32, #tpu.memory_space<vmem>>
        %dma_wait3A_778 = arith.constant 0 : i32
        %dma_wait3A_779 = tpu.memref_slice %arg20[%dma_wait3A_778] : memref<50056xf32, #tpu.memory_space<vmem_shared>> -> memref<50056xf32, #tpu.memory_space<vmem_shared>>
        tpu.wait_indirect_dma semaphore(%arg24 : memref<!tpu.dma_semaphore, #tpu.memory_space<semaphore_mem>>) src(%dma_wait3A_774 : memref<128xf32, #tpu.memory_space<vmem>>) dst(%dma_wait3A_779 : memref<50056xf32, #tpu.memory_space<vmem_shared>>)
      } else {
      }
      %scan3A_717 = arith.constant 0 : i32
      %scan3A_718 = arith.constant 0 : i32
      %scan3A_719 = arith.constant 8 : i32
      %scan3A_720 = arith.addi %scan3A_718, %scan3A_719 : i32
      %scan3A_721 = arith.constant 1 : i32
      %scan3A_722 = scf.for %scan3A_762 = %scan3A_718 to %scan3A_720 step %scan3A_721 iter_args(%scan3A_763 = %scan3A_717) -> (i32)  : i32 {
        %mul3A_764 = arith.constant 16 : i32
        %mul3A_765 = arith.muli %scan3A_762, %mul3A_764 : i32
        %get3A_766 = arith.index_cast %and3A_691 : i32 to index
        %get3A_767 = arith.index_cast %mul3A_765 : i32 to index
        %get3A_768 = tpu.vector_load %arg10[%get3A_766, %get3A_767] {strides = array<i32>} : memref<2x128xi32, #tpu.memory_space<vmem>>, vector<16xi32>,
        %sub3A_769 = arith.subi %get3A_768, %add3A_581 : vector<16xi32>
        %swap3A_770 = arith.index_cast %and3A_691 : i32 to index
        %swap3A_771 = arith.index_cast %mul3A_765 : i32 to index
        %swap3A_772 = tpu.vector_load %arg11[%swap3A_770, %swap3A_771] {strides = array<i32>} : memref<2x128xi32, #tpu.memory_space<vmem>>, vector<16xi32>,
        tpu.vector_store %arg11[%swap3A_770, %swap3A_771], %sub3A_769 {strides = array<i32>} : memref<2x128xi32, #tpu.memory_space<vmem>>, vector<16xi32>,
        %scan3A_773 = arith.constant 0 : i32
        scf.yield %scan3A_773 : i32
      }
      %scan3A_723 = arith.constant 8 : i32
      %add3A_724 = arith.constant 2 : i32
      %add3A_725 = arith.addi %scan3A_689, %add3A_724 : i32
      %lt3A = arith.constant 391 : i32
      %lt3A_726 = arith.cmpi slt, %add3A_725, %lt3A : i32
      %convert_element_type3A_727 = arith.extui %lt3A_726 : i1 to i32
      %cond3A_728 = arith.constant 0 : i32
      %cond3A_729 = arith.cmpi ne, %convert_element_type3A_727, %cond3A_728 : i32
      scf.if %cond3A_729 {
        %add3A_762 = arith.addi %mul3A_587, %scan3A_689 : i32
        %add3A_763 = arith.constant 2 : i32
        %add3A_764 = arith.addi %add3A_762, %add3A_763 : i32
        %dma_start3A_765 = arith.constant 2 : i32
        %dma_start3A_766 = arith.constant 0 : i32
        %dma_start3A_767 = tpu.memref_slice %arg9[%and3A_691, %dma_start3A_766] : memref<2x128xi32, #tpu.memory_space<vmem>> -> memref<1x128xi32, #tpu.memory_space<vmem>>
        %dma_start3A_768 = tpu.memref_squeeze %dma_start3A_767 : memref<1x128xi32, #tpu.memory_space<vmem>> -> memref<128xi32, #tpu.memory_space<vmem>>
        %dma_start3A_769 = arith.constant 0 : i32
        %dma_start3A_770 = tpu.memref_slice %arg4[%dma_start3A_765, %arg0, %add3A_764, %dma_start3A_769] : memref<3x2x6256x128xi32, #tpu.memory_space<hbm>> -> memref<1x1x1x128xi32, #tpu.memory_space<hbm>>
        %dma_start3A_771 = tpu.memref_squeeze %dma_start3A_770 : memref<1x1x1x128xi32, #tpu.memory_space<hbm>> -> memref<128xi32, #tpu.memory_space<hbm>>
        %dma_start3A_772 = arith.constant 0 : i32
        %dma_start3A_773 = tpu.memref_slice %arg9[%and3A_691, %dma_start3A_772] : memref<2x128xi32, #tpu.memory_space<vmem>> -> memref<1x128xi32, #tpu.memory_space<vmem>>
        %dma_start3A_774 = tpu.memref_squeeze %dma_start3A_773 : memref<1x128xi32, #tpu.memory_space<vmem>> -> memref<128xi32, #tpu.memory_space<vmem>>
        %dma_start3A_775 = arith.constant 0 : i32
        %dma_start3A_776 = tpu.memref_slice %arg4[%dma_start3A_765, %arg0, %add3A_764, %dma_start3A_775] : memref<3x2x6256x128xi32, #tpu.memory_space<hbm>> -> memref<1x1x1x128xi32, #tpu.memory_space<hbm>>
        %dma_start3A_777 = tpu.memref_squeeze %dma_start3A_776 : memref<1x1x1x128xi32, #tpu.memory_space<hbm>> -> memref<128xi32, #tpu.memory_space<hbm>>
        tpu.enqueue_dma source(%dma_start3A_777 : memref<128xi32, #tpu.memory_space<hbm>>) target(%dma_start3A_774 : memref<128xi32, #tpu.memory_space<vmem>>) target_semaphore(%arg25 : memref<!tpu.dma_semaphore, #tpu.memory_space<semaphore_mem>>)
        %add3A_778 = arith.addi %mul3A_587, %scan3A_689 : i32
        %add3A_779 = arith.constant 2 : i32
        %add3A_780 = arith.addi %add3A_778, %add3A_779 : i32
        %dma_start3A_781 = arith.constant 2 : i32
        %dma_start3A_782 = arith.constant 0 : i32
        %dma_start3A_783 = tpu.memref_slice %arg10[%and3A_691, %dma_start3A_782] : memref<2x128xi32, #tpu.memory_space<vmem>> -> memref<1x128xi32, #tpu.memory_space<vmem>>
        %dma_start3A_784 = tpu.memref_squeeze %dma_start3A_783 : memref<1x128xi32, #tpu.memory_space<vmem>> -> memref<128xi32, #tpu.memory_space<vmem>>
        %dma_start3A_785 = arith.constant 0 : i32
        %dma_start3A_786 = tpu.memref_slice %arg5[%dma_start3A_781, %arg0, %add3A_780, %dma_start3A_785] : memref<3x2x6256x128xi32, #tpu.memory_space<hbm>> -> memref<1x1x1x128xi32, #tpu.memory_space<hbm>>
        %dma_start3A_787 = tpu.memref_squeeze %dma_start3A_786 : memref<1x1x1x128xi32, #tpu.memory_space<hbm>> -> memref<128xi32, #tpu.memory_space<hbm>>
        %dma_start3A_788 = arith.constant 0 : i32
        %dma_start3A_789 = tpu.memref_slice %arg10[%and3A_691, %dma_start3A_788] : memref<2x128xi32, #tpu.memory_space<vmem>> -> memref<1x128xi32, #tpu.memory_space<vmem>>
        %dma_start3A_790 = tpu.memref_squeeze %dma_start3A_789 : memref<1x128xi32, #tpu.memory_space<vmem>> -> memref<128xi32, #tpu.memory_space<vmem>>
        %dma_start3A_791 = arith.constant 0 : i32
        %dma_start3A_792 = tpu.memref_slice %arg5[%dma_start3A_781, %arg0, %add3A_780, %dma_start3A_791] : memref<3x2x6256x128xi32, #tpu.memory_space<hbm>> -> memref<1x1x1x128xi32, #tpu.memory_space<hbm>>
        %dma_start3A_793 = tpu.memref_squeeze %dma_start3A_792 : memref<1x1x1x128xi32, #tpu.memory_space<hbm>> -> memref<128xi32, #tpu.memory_space<hbm>>
        tpu.enqueue_dma source(%dma_start3A_793 : memref<128xi32, #tpu.memory_space<hbm>>) target(%dma_start3A_790 : memref<128xi32, #tpu.memory_space<vmem>>) target_semaphore(%arg25 : memref<!tpu.dma_semaphore, #tpu.memory_space<semaphore_mem>>)
      } else {
      }
      %add3A_730 = arith.constant 1 : i32
      %add3A_731 = arith.addi %scan3A_689, %add3A_730 : i32
      %lt3A_732 = arith.constant 391 : i32
      %lt3A_733 = arith.cmpi slt, %add3A_731, %lt3A_732 : i32
      %convert_element_type3A_734 = arith.extui %lt3A_733 : i1 to i32
      %cond3A_735 = arith.constant 0 : i32
      %cond3A_736 = arith.cmpi ne, %convert_element_type3A_734, %cond3A_735 : i32
      scf.if %cond3A_736 {
        %ge3A_762 = arith.constant 1 : i32
        %ge3A_763 = arith.cmpi sge, %scan3A_689, %ge3A_762 : i32
        %convert_element_type3A_764 = arith.extui %ge3A_763 : i1 to i32
        %cond3A_765 = arith.constant 0 : i32
        %cond3A_766 = arith.cmpi ne, %convert_element_type3A_764, %cond3A_765 : i32
        scf.if %cond3A_766 {
          %add3A_787 = arith.addi %mul3A_587, %scan3A_689 : i32
          %add3A_788 = arith.constant 1 : i32
          %add3A_789 = arith.addi %add3A_787, %add3A_788 : i32
          %dma_wait3A_790 = arith.constant 2 : i32
          %dma_wait3A_791 = arith.constant 0 : i32
          %dma_wait3A_792 = tpu.memref_slice %arg9[%sub3A_692, %dma_wait3A_791] : memref<2x128xi32, #tpu.memory_space<vmem>> -> memref<1x128xi32, #tpu.memory_space<vmem>>
          %dma_wait3A_793 = tpu.memref_squeeze %dma_wait3A_792 : memref<1x128xi32, #tpu.memory_space<vmem>> -> memref<128xi32, #tpu.memory_space<vmem>>
          %dma_wait3A_794 = arith.constant 0 : i32
          %dma_wait3A_795 = tpu.memref_slice %arg4[%dma_wait3A_790, %arg0, %add3A_789, %dma_wait3A_794] : memref<3x2x6256x128xi32, #tpu.memory_space<hbm>> -> memref<1x1x1x128xi32, #tpu.memory_space<hbm>>
          %dma_wait3A_796 = tpu.memref_squeeze %dma_wait3A_795 : memref<1x1x1x128xi32, #tpu.memory_space<hbm>> -> memref<128xi32, #tpu.memory_space<hbm>>
          %dma_wait3A_797 = arith.constant 0 : i32
          %dma_wait3A_798 = tpu.memref_slice %arg9[%sub3A_692, %dma_wait3A_797] : memref<2x128xi32, #tpu.memory_space<vmem>> -> memref<1x128xi32, #tpu.memory_space<vmem>>
          %dma_wait3A_799 = tpu.memref_squeeze %dma_wait3A_798 : memref<1x128xi32, #tpu.memory_space<vmem>> -> memref<128xi32, #tpu.memory_space<vmem>>
          %dma_wait3A_800 = arith.constant 0 : i32
          %dma_wait3A_801 = tpu.memref_slice %arg4[%dma_wait3A_790, %arg0, %add3A_789, %dma_wait3A_800] : memref<3x2x6256x128xi32, #tpu.memory_space<hbm>> -> memref<1x1x1x128xi32, #tpu.memory_space<hbm>>
          %dma_wait3A_802 = tpu.memref_squeeze %dma_wait3A_801 : memref<1x1x1x128xi32, #tpu.memory_space<hbm>> -> memref<128xi32, #tpu.memory_space<hbm>>
          tpu.wait_dma2 semaphore(%arg25 : memref<!tpu.dma_semaphore, #tpu.memory_space<semaphore_mem>>) src(%dma_wait3A_802 : memref<128xi32, #tpu.memory_space<hbm>>) dst(%dma_wait3A_799 : memref<128xi32, #tpu.memory_space<vmem>>)
          %add3A_803 = arith.addi %mul3A_587, %scan3A_689 : i32
          %add3A_804 = arith.constant 1 : i32
          %add3A_805 = arith.addi %add3A_803, %add3A_804 : i32
          %dma_wait3A_806 = arith.constant 2 : i32
          %dma_wait3A_807 = arith.constant 0 : i32
          %dma_wait3A_808 = tpu.memref_slice %arg10[%sub3A_692, %dma_wait3A_807] : memref<2x128xi32, #tpu.memory_space<vmem>> -> memref<1x128xi32, #tpu.memory_space<vmem>>
          %dma_wait3A_809 = tpu.memref_squeeze %dma_wait3A_808 : memref<1x128xi32, #tpu.memory_space<vmem>> -> memref<128xi32, #tpu.memory_space<vmem>>
          %dma_wait3A_810 = arith.constant 0 : i32
          %dma_wait3A_811 = tpu.memref_slice %arg5[%dma_wait3A_806, %arg0, %add3A_805, %dma_wait3A_810] : memref<3x2x6256x128xi32, #tpu.memory_space<hbm>> -> memref<1x1x1x128xi32, #tpu.memory_space<hbm>>
          %dma_wait3A_812 = tpu.memref_squeeze %dma_wait3A_811 : memref<1x1x1x128xi32, #tpu.memory_space<hbm>> -> memref<128xi32, #tpu.memory_space<hbm>>
          %dma_wait3A_813 = arith.constant 0 : i32
          %dma_wait3A_814 = tpu.memref_slice %arg10[%sub3A_692, %dma_wait3A_813] : memref<2x128xi32, #tpu.memory_space<vmem>> -> memref<1x128xi32, #tpu.memory_space<vmem>>
          %dma_wait3A_815 = tpu.memref_squeeze %dma_wait3A_814 : memref<1x128xi32, #tpu.memory_space<vmem>> -> memref<128xi32, #tpu.memory_space<vmem>>
          %dma_wait3A_816 = arith.constant 0 : i32
          %dma_wait3A_817 = tpu.memref_slice %arg5[%dma_wait3A_806, %arg0, %add3A_805, %dma_wait3A_816] : memref<3x2x6256x128xi32, #tpu.memory_space<hbm>> -> memref<1x1x1x128xi32, #tpu.memory_space<hbm>>
          %dma_wait3A_818 = tpu.memref_squeeze %dma_wait3A_817 : memref<1x1x1x128xi32, #tpu.memory_space<hbm>> -> memref<128xi32, #tpu.memory_space<hbm>>
          tpu.wait_dma2 semaphore(%arg25 : memref<!tpu.dma_semaphore, #tpu.memory_space<semaphore_mem>>) src(%dma_wait3A_818 : memref<128xi32, #tpu.memory_space<hbm>>) dst(%dma_wait3A_815 : memref<128xi32, #tpu.memory_space<vmem>>)
        } else {
        }
        %dma_start3A_767 = arith.constant 0 : i32
        %dma_start3A_768 = arith.constant 0 : i32
        %dma_start3A_769 = tpu.memref_slice %arg12[%sub3A_692, %dma_start3A_767, %dma_start3A_768] : memref<2x128x32xf32, #tpu.memory_space<vmem>> -> memref<1x128x32xf32, #tpu.memory_space<vmem>>
        %dma_start3A_770 = tpu.memref_squeeze %dma_start3A_769 : memref<1x128x32xf32, #tpu.memory_space<vmem>> -> memref<128x32xf32, #tpu.memory_space<vmem>>
        %dma_start3A_771 = arith.constant 0 : i32
        %dma_start3A_772 = tpu.memref_slice %arg9[%sub3A_692, %dma_start3A_771] : memref<2x128xi32, #tpu.memory_space<vmem>> -> memref<1x128xi32, #tpu.memory_space<vmem>>
        %dma_start3A_773 = tpu.memref_squeeze %dma_start3A_772 : memref<1x128xi32, #tpu.memory_space<vmem>> -> memref<128xi32, #tpu.memory_space<vmem>>
        %dma_start3A_774 = arith.constant 0 : i32
        %dma_start3A_775 = arith.constant 0 : i32
        %dma_start3A_776 = tpu.memref_slice %arg2[%dma_start3A_774, %dma_start3A_775] : memref<300008x32xf32, #tpu.memory_space<hbm>> -> memref<300008x32xf32, #tpu.memory_space<hbm>>
        tpu.enqueue_indirect_dma source(%dma_start3A_776 : memref<300008x32xf32, #tpu.memory_space<hbm>>) target(%dma_start3A_770 : memref<128x32xf32, #tpu.memory_space<vmem>>) offsets(%dma_start3A_773 : memref<128xi32, #tpu.memory_space<vmem>>) semaphore(%arg21 : memref<!tpu.dma_semaphore, #tpu.memory_space<semaphore_mem>>)
        %dma_start3A_777 = arith.constant 0 : i32
        %dma_start3A_778 = arith.constant 0 : i32
        %dma_start3A_779 = tpu.memref_slice %arg13[%sub3A_692, %dma_start3A_777, %dma_start3A_778] : memref<2x128x32xf32, #tpu.memory_space<vmem>> -> memref<1x128x32xf32, #tpu.memory_space<vmem>>
        %dma_start3A_780 = tpu.memref_squeeze %dma_start3A_779 : memref<1x128x32xf32, #tpu.memory_space<vmem>> -> memref<128x32xf32, #tpu.memory_space<vmem>>
        %dma_start3A_781 = arith.constant 0 : i32
        %dma_start3A_782 = tpu.memref_slice %arg10[%sub3A_692, %dma_start3A_781] : memref<2x128xi32, #tpu.memory_space<vmem>> -> memref<1x128xi32, #tpu.memory_space<vmem>>
        %dma_start3A_783 = tpu.memref_squeeze %dma_start3A_782 : memref<1x128xi32, #tpu.memory_space<vmem>> -> memref<128xi32, #tpu.memory_space<vmem>>
        %dma_start3A_784 = arith.constant 0 : i32
        %dma_start3A_785 = arith.constant 0 : i32
        %dma_start3A_786 = tpu.memref_slice %arg3[%dma_start3A_784, %dma_start3A_785] : memref<300008x32xf32, #tpu.memory_space<hbm>> -> memref<300008x32xf32, #tpu.memory_space<hbm>>
        tpu.enqueue_indirect_dma source(%dma_start3A_786 : memref<300008x32xf32, #tpu.memory_space<hbm>>) target(%dma_start3A_780 : memref<128x32xf32, #tpu.memory_space<vmem>>) offsets(%dma_start3A_783 : memref<128xi32, #tpu.memory_space<vmem>>) semaphore(%arg22 : memref<!tpu.dma_semaphore, #tpu.memory_space<semaphore_mem>>)
      } else {
      }
      %broadcast_in_dim3A_737 = arith.constant 0 : i32
      %broadcast_in_dim3A_738 = vector.broadcast %broadcast_in_dim3A_737 : i32 to vector<16xi32>
      %add3A_739 = vector.broadcast %and3A_691 : i32 to vector<16xi32>
      %add3A_740 = arith.addi %broadcast_in_dim3A_738, %add3A_739 : vector<16xi32>
      %parallel_loop3A = arith.constant 0 : i32
      %parallel_loop3A_741 = arith.constant 128 : i32
      %parallel_loop3A_742 = arith.constant 1 : i32
      scf.for %parallel_loop3A_762 = %parallel_loop3A to %parallel_loop3A_741 step %parallel_loop3A_742  : i32 {
        %parallel_loop3A_763 = arith.index_cast %and3A_691 : i32 to index
        %parallel_loop3A_764 = arith.index_cast %parallel_loop3A_762 : i32 to index
        %parallel_loop3A_765 = arith.constant 0 : index
        %parallel_loop3A_766 = tpu.vector_load %arg12[%parallel_loop3A_763, %parallel_loop3A_764, %parallel_loop3A_765] {strides = array<i32>} : memref<2x128x32xf32, #tpu.memory_space<vmem>>, vector<16xf32>,
        %parallel_loop3A_767 = arith.index_cast %and3A_691 : i32 to index
        %parallel_loop3A_768 = arith.index_cast %parallel_loop3A_762 : i32 to index
        %parallel_loop3A_769 = arith.constant 16 : index
        %parallel_loop3A_770 = tpu.vector_load %arg12[%parallel_loop3A_767, %parallel_loop3A_768, %parallel_loop3A_769] {strides = array<i32>} : memref<2x128x32xf32, #tpu.memory_space<vmem>>, vector<16xf32>,
        %parallel_loop3A_771 = arith.index_cast %and3A_691 : i32 to index
        %parallel_loop3A_772 = arith.index_cast %parallel_loop3A_762 : i32 to index
        %parallel_loop3A_773 = arith.constant 0 : index
        %parallel_loop3A_774 = tpu.vector_load %arg13[%parallel_loop3A_771, %parallel_loop3A_772, %parallel_loop3A_773] {strides = array<i32>} : memref<2x128x32xf32, #tpu.memory_space<vmem>>, vector<16xf32>,
        %parallel_loop3A_775 = arith.index_cast %and3A_691 : i32 to index
        %parallel_loop3A_776 = arith.index_cast %parallel_loop3A_762 : i32 to index
        %parallel_loop3A_777 = arith.constant 16 : index
        %parallel_loop3A_778 = tpu.vector_load %arg13[%parallel_loop3A_775, %parallel_loop3A_776, %parallel_loop3A_777] {strides = array<i32>} : memref<2x128x32xf32, #tpu.memory_space<vmem>>, vector<16xf32>,
        %parallel_loop3A_779 = arith.addf %parallel_loop3A_766, %parallel_loop3A_774 : vector<16xf32>
        %parallel_loop3A_780 = arith.addf %parallel_loop3A_770, %parallel_loop3A_778 : vector<16xf32>
        %parallel_loop3A_781 = arith.constant 2.000000e-01 : f32
        %parallel_loop3A_782 = vector.broadcast %parallel_loop3A_781 : f32 to vector<16xf32>
        %parallel_loop3A_783 = arith.mulf %parallel_loop3A_782, %parallel_loop3A_779 : vector<16xf32>
        %parallel_loop3A_784 = arith.maximumf %parallel_loop3A_779, %parallel_loop3A_783 : vector<16xf32>
        %parallel_loop3A_785 = arith.mulf %parallel_loop3A_784, %get3A_583 : vector<16xf32>
        %parallel_loop3A_786 = arith.constant 2.000000e-01 : f32
        %parallel_loop3A_787 = vector.broadcast %parallel_loop3A_786 : f32 to vector<16xf32>
        %parallel_loop3A_788 = arith.mulf %parallel_loop3A_787, %parallel_loop3A_780 : vector<16xf32>
        %parallel_loop3A_789 = arith.maximumf %parallel_loop3A_780, %parallel_loop3A_788 : vector<16xf32>
        %parallel_loop3A_790 = arith.mulf %parallel_loop3A_789, %get3A_585 : vector<16xf32>
        %parallel_loop3A_791 = arith.addf %parallel_loop3A_785, %parallel_loop3A_790 : vector<16xf32>
        %parallel_loop3A_792 = arith.constant true
        %parallel_loop3A_793 = vector.broadcast %parallel_loop3A_792 : i1 to vector<16xi1>
        %parallel_loop3A_794 = tpu.scan <sum>, %parallel_loop3A_791 masked %parallel_loop3A_793 : vector<16xf32>, vector<16xi1> -> vector<16xf32>
        %parallel_loop3A_795 = arith.constant 0 : i32
        %parallel_loop3A_796 = vector.broadcast %parallel_loop3A_795 : i32 to vector<16xi32>
        %parallel_loop3A_797 = arith.cmpi slt, %broadcast_in_dim3A_331, %parallel_loop3A_796 : vector<16xi32>
        %parallel_loop3A_798 = arith.constant 16 : i32
        %parallel_loop3A_799 = vector.broadcast %parallel_loop3A_798 : i32 to vector<16xi32>
        %parallel_loop3A_800 = arith.addi %broadcast_in_dim3A_331, %parallel_loop3A_799 : vector<16xi32>
        %parallel_loop3A_801 = arith.select %parallel_loop3A_797, %parallel_loop3A_800, %broadcast_in_dim3A_331 : vector<16xi1>, vector<16xi32>
        %parallel_loop3A_802 = vector.shape_cast %parallel_loop3A_801 : vector<16xi32> to vector<16x1xi32>
        %parallel_loop3A_803 = vector.shape_cast %parallel_loop3A_802 : vector<16x1xi32> to vector<16xi32>
        %parallel_loop3A_804 = tpu.dynamic_gather %parallel_loop3A_794[%parallel_loop3A_803] in [0] : vector<16xf32>, vector<16xi32> -> vector<16xf32>
        %parallel_loop3A_805 = math.exp %parallel_loop3A_804 : vector<16xf32>
        %parallel_loop3A_806 = arith.mulf %parallel_loop3A_766, %parallel_loop3A_805 : vector<16xf32>
        %parallel_loop3A_807 = arith.index_cast %and3A_691 : i32 to index
        %parallel_loop3A_808 = arith.index_cast %parallel_loop3A_762 : i32 to index
        %parallel_loop3A_809 = arith.constant 0 : index
        %parallel_loop3A_810 = tpu.vector_load %arg14[%parallel_loop3A_807, %parallel_loop3A_808, %parallel_loop3A_809] {strides = array<i32>} : memref<2x128x32xf32, #tpu.memory_space<vmem>>, vector<16xf32>,
        tpu.vector_store %arg14[%parallel_loop3A_807, %parallel_loop3A_808, %parallel_loop3A_809], %parallel_loop3A_806 {strides = array<i32>} : memref<2x128x32xf32, #tpu.memory_space<vmem>>, vector<16xf32>,
        %parallel_loop3A_811 = arith.mulf %parallel_loop3A_770, %parallel_loop3A_805 : vector<16xf32>
        %parallel_loop3A_812 = arith.index_cast %and3A_691 : i32 to index
        %parallel_loop3A_813 = arith.index_cast %parallel_loop3A_762 : i32 to index
        %parallel_loop3A_814 = arith.constant 16 : index
        %parallel_loop3A_815 = tpu.vector_load %arg14[%parallel_loop3A_812, %parallel_loop3A_813, %parallel_loop3A_814] {strides = array<i32>} : memref<2x128x32xf32, #tpu.memory_space<vmem>>, vector<16xf32>,
        tpu.vector_store %arg14[%parallel_loop3A_812, %parallel_loop3A_813, %parallel_loop3A_814], %parallel_loop3A_811 {strides = array<i32>} : memref<2x128x32xf32, #tpu.memory_space<vmem>>, vector<16xf32>,
        %parallel_loop3A_816 = vector.broadcast %parallel_loop3A_762 : i32 to vector<16xi32>
        tpu.vector_store_idx %arg15[%add3A_740, %parallel_loop3A_816], %parallel_loop3A_805 masked %eq3A_333 : memref<2x128xf32, #tpu.memory_space<vmem>>[vector<16xi32>, vector<16xi32>], vector<16xf32>, vector<16xi1>
      } {sc.loop_unroll_factor = 8 : i64, sc.parallel_access}
      %dma_start3A_743 = arith.constant 0 : i32
      %dma_start3A_744 = arith.constant 0 : i32
      %dma_start3A_745 = tpu.memref_slice %arg14[%and3A_691, %dma_start3A_743, %dma_start3A_744] : memref<2x128x32xf32, #tpu.memory_space<vmem>> -> memref<1x128x32xf32, #tpu.memory_space<vmem>>
      %dma_start3A_746 = tpu.memref_squeeze %dma_start3A_745 : memref<1x128x32xf32, #tpu.memory_space<vmem>> -> memref<128x32xf32, #tpu.memory_space<vmem>>
      %dma_start3A_747 = arith.constant 0 : i32
      %dma_start3A_748 = tpu.memref_slice %arg11[%and3A_691, %dma_start3A_747] : memref<2x128xi32, #tpu.memory_space<vmem>> -> memref<1x128xi32, #tpu.memory_space<vmem>>
      %dma_start3A_749 = tpu.memref_squeeze %dma_start3A_748 : memref<1x128xi32, #tpu.memory_space<vmem>> -> memref<128xi32, #tpu.memory_space<vmem>>
      %dma_start3A_750 = arith.constant 0 : i32
      %dma_start3A_751 = arith.constant 0 : i32
      %dma_start3A_752 = tpu.memref_slice %arg19[%dma_start3A_750, %dma_start3A_751] : memref<50056x32xf32, #tpu.memory_space<vmem_shared>> -> memref<50056x32xf32, #tpu.memory_space<vmem_shared>>
      tpu.enqueue_indirect_dma source(%dma_start3A_746 : memref<128x32xf32, #tpu.memory_space<vmem>>) target(%dma_start3A_752 : memref<50056x32xf32, #tpu.memory_space<vmem_shared>>) offsets(%dma_start3A_749 : memref<128xi32, #tpu.memory_space<vmem>>) semaphore(%arg23 : memref<!tpu.dma_semaphore, #tpu.memory_space<semaphore_mem>>) {add = true}
      %dma_start3A_753 = arith.constant 0 : i32
      %dma_start3A_754 = tpu.memref_slice %arg15[%and3A_691, %dma_start3A_753] : memref<2x128xf32, #tpu.memory_space<vmem>> -> memref<1x128xf32, #tpu.memory_space<vmem>>
      %dma_start3A_755 = tpu.memref_squeeze %dma_start3A_754 : memref<1x128xf32, #tpu.memory_space<vmem>> -> memref<128xf32, #tpu.memory_space<vmem>>
      %dma_start3A_756 = arith.constant 0 : i32
      %dma_start3A_757 = tpu.memref_slice %arg11[%and3A_691, %dma_start3A_756] : memref<2x128xi32, #tpu.memory_space<vmem>> -> memref<1x128xi32, #tpu.memory_space<vmem>>
      %dma_start3A_758 = tpu.memref_squeeze %dma_start3A_757 : memref<1x128xi32, #tpu.memory_space<vmem>> -> memref<128xi32, #tpu.memory_space<vmem>>
      %dma_start3A_759 = arith.constant 0 : i32
      %dma_start3A_760 = tpu.memref_slice %arg20[%dma_start3A_759] : memref<50056xf32, #tpu.memory_space<vmem_shared>> -> memref<50056xf32, #tpu.memory_space<vmem_shared>>
      tpu.enqueue_indirect_dma source(%dma_start3A_755 : memref<128xf32, #tpu.memory_space<vmem>>) target(%dma_start3A_760 : memref<50056xf32, #tpu.memory_space<vmem_shared>>) offsets(%dma_start3A_758 : memref<128xi32, #tpu.memory_space<vmem>>) semaphore(%arg24 : memref<!tpu.dma_semaphore, #tpu.memory_space<semaphore_mem>>) {add = true}
      %scan3A_761 = arith.constant 0 : i32
      scf.yield %scan3A_761 : i32
    }
    %scan3A_630 = arith.constant 391 : i32
    %dma_wait3A_631 = arith.constant 1 : i32
    %dma_wait3A_632 = arith.constant 1 : i32
    %dma_wait3A_633 = arith.constant 0 : i32
    %dma_wait3A_634 = arith.constant 0 : i32
    %dma_wait3A_635 = tpu.memref_slice %arg14[%dma_wait3A_631, %dma_wait3A_633, %dma_wait3A_634] : memref<2x128x32xf32, #tpu.memory_space<vmem>> -> memref<1x128x32xf32, #tpu.memory_space<vmem>>
    %dma_wait3A_636 = tpu.memref_squeeze %dma_wait3A_635 : memref<1x128x32xf32, #tpu.memory_space<vmem>> -> memref<128x32xf32, #tpu.memory_space<vmem>>
    %dma_wait3A_637 = arith.constant 0 : i32
    %dma_wait3A_638 = tpu.memref_slice %arg11[%dma_wait3A_632, %dma_wait3A_637] : memref<2x128xi32, #tpu.memory_space<vmem>> -> memref<1x128xi32, #tpu.memory_space<vmem>>
    %dma_wait3A_639 = tpu.memref_squeeze %dma_wait3A_638 : memref<1x128xi32, #tpu.memory_space<vmem>> -> memref<128xi32, #tpu.memory_space<vmem>>
    %dma_wait3A_640 = arith.constant 0 : i32
    %dma_wait3A_641 = arith.constant 0 : i32
    %dma_wait3A_642 = tpu.memref_slice %arg19[%dma_wait3A_640, %dma_wait3A_641] : memref<50056x32xf32, #tpu.memory_space<vmem_shared>> -> memref<50056x32xf32, #tpu.memory_space<vmem_shared>>
    tpu.wait_indirect_dma semaphore(%arg23 : memref<!tpu.dma_semaphore, #tpu.memory_space<semaphore_mem>>) src(%dma_wait3A_636 : memref<128x32xf32, #tpu.memory_space<vmem>>) dst(%dma_wait3A_642 : memref<50056x32xf32, #tpu.memory_space<vmem_shared>>)
    %dma_wait3A_643 = arith.constant 1 : i32
    %dma_wait3A_644 = arith.constant 1 : i32
    %dma_wait3A_645 = arith.constant 0 : i32
    %dma_wait3A_646 = tpu.memref_slice %arg15[%dma_wait3A_643, %dma_wait3A_645] : memref<2x128xf32, #tpu.memory_space<vmem>> -> memref<1x128xf32, #tpu.memory_space<vmem>>
    %dma_wait3A_647 = tpu.memref_squeeze %dma_wait3A_646 : memref<1x128xf32, #tpu.memory_space<vmem>> -> memref<128xf32, #tpu.memory_space<vmem>>
    %dma_wait3A_648 = arith.constant 0 : i32
    %dma_wait3A_649 = tpu.memref_slice %arg11[%dma_wait3A_644, %dma_wait3A_648] : memref<2x128xi32, #tpu.memory_space<vmem>> -> memref<1x128xi32, #tpu.memory_space<vmem>>
    %dma_wait3A_650 = tpu.memref_squeeze %dma_wait3A_649 : memref<1x128xi32, #tpu.memory_space<vmem>> -> memref<128xi32, #tpu.memory_space<vmem>>
    %dma_wait3A_651 = arith.constant 0 : i32
    %dma_wait3A_652 = tpu.memref_slice %arg20[%dma_wait3A_651] : memref<50056xf32, #tpu.memory_space<vmem_shared>> -> memref<50056xf32, #tpu.memory_space<vmem_shared>>
    tpu.wait_indirect_dma semaphore(%arg24 : memref<!tpu.dma_semaphore, #tpu.memory_space<semaphore_mem>>) src(%dma_wait3A_647 : memref<128xf32, #tpu.memory_space<vmem>>) dst(%dma_wait3A_652 : memref<50056xf32, #tpu.memory_space<vmem_shared>>)
    %dma_wait3A_653 = arith.constant 0 : i32
    %dma_wait3A_654 = arith.constant 0 : i32
    %dma_wait3A_655 = arith.constant 0 : i32
    %dma_wait3A_656 = arith.constant 0 : i32
    %dma_wait3A_657 = tpu.memref_slice %arg14[%dma_wait3A_653, %dma_wait3A_655, %dma_wait3A_656] : memref<2x128x32xf32, #tpu.memory_space<vmem>> -> memref<1x128x32xf32, #tpu.memory_space<vmem>>
    %dma_wait3A_658 = tpu.memref_squeeze %dma_wait3A_657 : memref<1x128x32xf32, #tpu.memory_space<vmem>> -> memref<128x32xf32, #tpu.memory_space<vmem>>
    %dma_wait3A_659 = arith.constant 0 : i32
    %dma_wait3A_660 = tpu.memref_slice %arg11[%dma_wait3A_654, %dma_wait3A_659] : memref<2x128xi32, #tpu.memory_space<vmem>> -> memref<1x128xi32, #tpu.memory_space<vmem>>
    %dma_wait3A_661 = tpu.memref_squeeze %dma_wait3A_660 : memref<1x128xi32, #tpu.memory_space<vmem>> -> memref<128xi32, #tpu.memory_space<vmem>>
    %dma_wait3A_662 = arith.constant 0 : i32
    %dma_wait3A_663 = arith.constant 0 : i32
    %dma_wait3A_664 = tpu.memref_slice %arg19[%dma_wait3A_662, %dma_wait3A_663] : memref<50056x32xf32, #tpu.memory_space<vmem_shared>> -> memref<50056x32xf32, #tpu.memory_space<vmem_shared>>
    tpu.wait_indirect_dma semaphore(%arg23 : memref<!tpu.dma_semaphore, #tpu.memory_space<semaphore_mem>>) src(%dma_wait3A_658 : memref<128x32xf32, #tpu.memory_space<vmem>>) dst(%dma_wait3A_664 : memref<50056x32xf32, #tpu.memory_space<vmem_shared>>)
    %dma_wait3A_665 = arith.constant 0 : i32
    %dma_wait3A_666 = arith.constant 0 : i32
    %dma_wait3A_667 = arith.constant 0 : i32
    %dma_wait3A_668 = tpu.memref_slice %arg15[%dma_wait3A_665, %dma_wait3A_667] : memref<2x128xf32, #tpu.memory_space<vmem>> -> memref<1x128xf32, #tpu.memory_space<vmem>>
    %dma_wait3A_669 = tpu.memref_squeeze %dma_wait3A_668 : memref<1x128xf32, #tpu.memory_space<vmem>> -> memref<128xf32, #tpu.memory_space<vmem>>
    %dma_wait3A_670 = arith.constant 0 : i32
    %dma_wait3A_671 = tpu.memref_slice %arg11[%dma_wait3A_666, %dma_wait3A_670] : memref<2x128xi32, #tpu.memory_space<vmem>> -> memref<1x128xi32, #tpu.memory_space<vmem>>
    %dma_wait3A_672 = tpu.memref_squeeze %dma_wait3A_671 : memref<1x128xi32, #tpu.memory_space<vmem>> -> memref<128xi32, #tpu.memory_space<vmem>>
    %dma_wait3A_673 = arith.constant 0 : i32
    %dma_wait3A_674 = tpu.memref_slice %arg20[%dma_wait3A_673] : memref<50056xf32, #tpu.memory_space<vmem_shared>> -> memref<50056xf32, #tpu.memory_space<vmem_shared>>
    tpu.wait_indirect_dma semaphore(%arg24 : memref<!tpu.dma_semaphore, #tpu.memory_space<semaphore_mem>>) src(%dma_wait3A_669 : memref<128xf32, #tpu.memory_space<vmem>>) dst(%dma_wait3A_674 : memref<50056xf32, #tpu.memory_space<vmem_shared>>)
    %barrier3A_675 = arith.constant 0 : index
    tpu.barrier barrier_id(%barrier3A_675)
    %add3A_676 = arith.constant 4 : i32
    %add3A_677 = arith.addi %add3A_676, %arg0 : i32
    %mul3A_678 = arith.constant 50000 : i32
    %mul3A_679 = arith.muli %add3A_677, %mul3A_678 : i32
    %mul3A_680 = arith.constant 3120 : i32
    %mul3A_681 = arith.muli %mul3A_680, %arg1 : i32
    %add3A_682 = arith.addi %mul3A_679, %mul3A_681 : i32
    "tpu.region"() ({
      %run_scoped3A_689 = tpu.sem_alloc : memref<!tpu.dma_semaphore, #tpu.memory_space<semaphore_mem>>
      %dma_start3A_690 = arith.constant 0 : i32
      %dma_start3A_691 = tpu.memref_slice %arg7[%add3A_682, %dma_start3A_690] : memref<300000x32xf32, #tpu.memory_space<hbm>> -> memref<3120x32xf32, #tpu.memory_space<hbm>>
      %dma_start3A_692 = arith.constant 0 : i32
      %dma_start3A_693 = tpu.memref_slice %arg19[%mul3A_681, %dma_start3A_692] : memref<50056x32xf32, #tpu.memory_space<vmem_shared>> -> memref<3120x32xf32, #tpu.memory_space<vmem_shared>>
      tpu.enqueue_dma source(%dma_start3A_693 : memref<3120x32xf32, #tpu.memory_space<vmem_shared>>) target(%dma_start3A_691 : memref<3120x32xf32, #tpu.memory_space<hbm>>) target_semaphore(%run_scoped3A_689 : memref<!tpu.dma_semaphore, #tpu.memory_space<semaphore_mem>>)
      %dma_wait3A_694 = arith.constant 0 : i32
      %dma_wait3A_695 = tpu.memref_slice %arg7[%add3A_682, %dma_wait3A_694] : memref<300000x32xf32, #tpu.memory_space<hbm>> -> memref<3120x32xf32, #tpu.memory_space<hbm>>
      %dma_wait3A_696 = arith.constant 0 : i32
      %dma_wait3A_697 = tpu.memref_slice %arg19[%mul3A_681, %dma_wait3A_696] : memref<50056x32xf32, #tpu.memory_space<vmem_shared>> -> memref<3120x32xf32, #tpu.memory_space<vmem_shared>>
      tpu.wait_dma2 semaphore(%run_scoped3A_689 : memref<!tpu.dma_semaphore, #tpu.memory_space<semaphore_mem>>) src(%dma_wait3A_697 : memref<3120x32xf32, #tpu.memory_space<vmem_shared>>) dst(%dma_wait3A_695 : memref<3120x32xf32, #tpu.memory_space<hbm>>)
      tpu.yield
    }) : () -> ()
    %add3A_683 = arith.addi %mul3A_679, %mul3A_681 : i32
    "tpu.region"() ({
      %run_scoped3A_689 = tpu.sem_alloc : memref<!tpu.dma_semaphore, #tpu.memory_space<semaphore_mem>>
      %dma_start3A_690 = tpu.memref_slice %arg8[%add3A_683] : memref<300000xf32, #tpu.memory_space<hbm>> -> memref<3120xf32, #tpu.memory_space<hbm>>
      %dma_start3A_691 = tpu.memref_slice %arg20[%mul3A_681] : memref<50056xf32, #tpu.memory_space<vmem_shared>> -> memref<3120xf32, #tpu.memory_space<vmem_shared>>
      tpu.enqueue_dma source(%dma_start3A_691 : memref<3120xf32, #tpu.memory_space<vmem_shared>>) target(%dma_start3A_690 : memref<3120xf32, #tpu.memory_space<hbm>>) target_semaphore(%run_scoped3A_689 : memref<!tpu.dma_semaphore, #tpu.memory_space<semaphore_mem>>)
      %dma_wait3A_692 = tpu.memref_slice %arg8[%add3A_683] : memref<300000xf32, #tpu.memory_space<hbm>> -> memref<3120xf32, #tpu.memory_space<hbm>>
      %dma_wait3A_693 = tpu.memref_slice %arg20[%mul3A_681] : memref<50056xf32, #tpu.memory_space<vmem_shared>> -> memref<3120xf32, #tpu.memory_space<vmem_shared>>
      tpu.wait_dma2 semaphore(%run_scoped3A_689 : memref<!tpu.dma_semaphore, #tpu.memory_space<semaphore_mem>>) src(%dma_wait3A_693 : memref<3120xf32, #tpu.memory_space<vmem_shared>>) dst(%dma_wait3A_692 : memref<3120xf32, #tpu.memory_space<hbm>>)
      tpu.yield
    }) : () -> ()
    %eq3A_684 = arith.constant 15 : i32
    %eq3A_685 = arith.cmpi eq, %arg1, %eq3A_684 : i32
    %convert_element_type3A_686 = arith.extui %eq3A_685 : i1 to i32
    %cond3A_687 = arith.constant 0 : i32
    %cond3A_688 = arith.cmpi ne, %convert_element_type3A_686, %cond3A_687 : i32
    scf.if %cond3A_688 {
      %add3A_689 = arith.constant 49920 : i32
      %add3A_690 = arith.addi %mul3A_679, %add3A_689 : i32
      "tpu.region"() ({
        %run_scoped3A_693 = tpu.sem_alloc : memref<!tpu.dma_semaphore, #tpu.memory_space<semaphore_mem>>
        %dma_start3A_694 = arith.constant 0 : i32
        %dma_start3A_695 = tpu.memref_slice %arg7[%add3A_690, %dma_start3A_694] : memref<300000x32xf32, #tpu.memory_space<hbm>> -> memref<80x32xf32, #tpu.memory_space<hbm>>
        %dma_start3A_696 = arith.constant 49920 : i32
        %dma_start3A_697 = arith.constant 0 : i32
        %dma_start3A_698 = tpu.memref_slice %arg19[%dma_start3A_696, %dma_start3A_697] : memref<50056x32xf32, #tpu.memory_space<vmem_shared>> -> memref<80x32xf32, #tpu.memory_space<vmem_shared>>
        tpu.enqueue_dma source(%dma_start3A_698 : memref<80x32xf32, #tpu.memory_space<vmem_shared>>) target(%dma_start3A_695 : memref<80x32xf32, #tpu.memory_space<hbm>>) target_semaphore(%run_scoped3A_693 : memref<!tpu.dma_semaphore, #tpu.memory_space<semaphore_mem>>)
        %dma_wait3A_699 = arith.constant 0 : i32
        %dma_wait3A_700 = tpu.memref_slice %arg7[%add3A_690, %dma_wait3A_699] : memref<300000x32xf32, #tpu.memory_space<hbm>> -> memref<80x32xf32, #tpu.memory_space<hbm>>
        %dma_wait3A_701 = arith.constant 49920 : i32
        %dma_wait3A_702 = arith.constant 0 : i32
        %dma_wait3A_703 = tpu.memref_slice %arg19[%dma_wait3A_701, %dma_wait3A_702] : memref<50056x32xf32, #tpu.memory_space<vmem_shared>> -> memref<80x32xf32, #tpu.memory_space<vmem_shared>>
        tpu.wait_dma2 semaphore(%run_scoped3A_693 : memref<!tpu.dma_semaphore, #tpu.memory_space<semaphore_mem>>) src(%dma_wait3A_703 : memref<80x32xf32, #tpu.memory_space<vmem_shared>>) dst(%dma_wait3A_700 : memref<80x32xf32, #tpu.memory_space<hbm>>)
        tpu.yield
      }) : () -> ()
      %add3A_691 = arith.constant 49920 : i32
      %add3A_692 = arith.addi %mul3A_679, %add3A_691 : i32
      "tpu.region"() ({
        %run_scoped3A_693 = tpu.sem_alloc : memref<!tpu.dma_semaphore, #tpu.memory_space<semaphore_mem>>
        %dma_start3A_694 = tpu.memref_slice %arg8[%add3A_692] : memref<300000xf32, #tpu.memory_space<hbm>> -> memref<80xf32, #tpu.memory_space<hbm>>
        %dma_start3A_695 = arith.constant 49920 : i32
        %dma_start3A_696 = tpu.memref_slice %arg20[%dma_start3A_695] : memref<50056xf32, #tpu.memory_space<vmem_shared>> -> memref<80xf32, #tpu.memory_space<vmem_shared>>
        tpu.enqueue_dma source(%dma_start3A_696 : memref<80xf32, #tpu.memory_space<vmem_shared>>) target(%dma_start3A_694 : memref<80xf32, #tpu.memory_space<hbm>>) target_semaphore(%run_scoped3A_693 : memref<!tpu.dma_semaphore, #tpu.memory_space<semaphore_mem>>)
        %dma_wait3A_697 = tpu.memref_slice %arg8[%add3A_692] : memref<300000xf32, #tpu.memory_space<hbm>> -> memref<80xf32, #tpu.memory_space<hbm>>
        %dma_wait3A_698 = arith.constant 49920 : i32
        %dma_wait3A_699 = tpu.memref_slice %arg20[%dma_wait3A_698] : memref<50056xf32, #tpu.memory_space<vmem_shared>> -> memref<80xf32, #tpu.memory_space<vmem_shared>>
        tpu.wait_dma2 semaphore(%run_scoped3A_693 : memref<!tpu.dma_semaphore, #tpu.memory_space<semaphore_mem>>) src(%dma_wait3A_699 : memref<80xf32, #tpu.memory_space<vmem_shared>>) dst(%dma_wait3A_697 : memref<80xf32, #tpu.memory_space<hbm>>)
        tpu.yield
      }) : () -> ()
    } else {
    }
    return
  }
}

module attributes {stable_mosaic.version = 14 : i64} {
  func.func @_prepass_body(%arg0: i32, %arg1: memref<1000x1xf32, #tpu.memory_space<vmem>>, %arg2: memref<1000x1xf32, #tpu.memory_space<vmem>>, %arg3: memref<1000x1xf32, #tpu.memory_space<vmem>>, %arg4: memref<1000x1xf32, #tpu.memory_space<vmem>>, %arg5: memref<2x64xf32, #tpu.memory_space<vmem>>, %arg6: memref<1x64xf32, #tpu.memory_space<vmem>>, %arg7: memref<64x32xf32, #tpu.memory_space<vmem>>, %arg8: memref<1x32xf32, #tpu.memory_space<vmem>>, %arg9: memref<2x64xf32, #tpu.memory_space<vmem>>, %arg10: memref<1x64xf32, #tpu.memory_space<vmem>>, %arg11: memref<64x32xf32, #tpu.memory_space<vmem>>, %arg12: memref<1x32xf32, #tpu.memory_space<vmem>>, %arg13: memref<3x64xf32, #tpu.memory_space<vmem>>, %arg14: memref<1x64xf32, #tpu.memory_space<vmem>>, %arg15: memref<64x32xf32, #tpu.memory_space<vmem>>, %arg16: memref<1x32xf32, #tpu.memory_space<vmem>>, %arg17: memref<32x64xf32, #tpu.memory_space<vmem>>, %arg18: memref<32x64xf32, #tpu.memory_space<vmem>>, %arg19: memref<1000x32xf32, #tpu.memory_space<vmem>>, %arg20: memref<1000x32xf32, #tpu.memory_space<vmem>>, %arg21: memref<1000x32xf32, #tpu.memory_space<vmem>>, %arg22: memref<6x1000x32xf32, #tpu.memory_space<vmem>>, %arg23: memref<6x1000x32xf32, #tpu.memory_space<vmem>>) attributes {dimension_semantics = [#tpu.dimension_semantics<arbitrary>], iteration_bounds = array<i64: 50>, scalar_prefetch = 0 : i64, scratch_operands = 0 : i64, tpu.core_type = #tpu.core_type<tc>, window_params = [{transform_indices = @transform_0, window_bounds = array<i64: 1000, 1>}, {transform_indices = @transform_1, window_bounds = array<i64: 1000, 1>}, {transform_indices = @transform_2, window_bounds = array<i64: 1000, 1>}, {transform_indices = @transform_3, window_bounds = array<i64: 1000, 1>}, {pipeline_mode = #tpu.pipeline_mode<synchronous>, transform_indices = @transform_4, window_bounds = array<i64: 2, 64>}, {pipeline_mode = #tpu.pipeline_mode<synchronous>, transform_indices = @transform_5, window_bounds = array<i64: 1, 64>}, {pipeline_mode = #tpu.pipeline_mode<synchronous>, transform_indices = @transform_6, window_bounds = array<i64: 64, 32>}, {pipeline_mode = #tpu.pipeline_mode<synchronous>, transform_indices = @transform_7, window_bounds = array<i64: 1, 32>}, {pipeline_mode = #tpu.pipeline_mode<synchronous>, transform_indices = @transform_8, window_bounds = array<i64: 2, 64>}, {pipeline_mode = #tpu.pipeline_mode<synchronous>, transform_indices = @transform_9, window_bounds = array<i64: 1, 64>}, {pipeline_mode = #tpu.pipeline_mode<synchronous>, transform_indices = @transform_10, window_bounds = array<i64: 64, 32>}, {pipeline_mode = #tpu.pipeline_mode<synchronous>, transform_indices = @transform_11, window_bounds = array<i64: 1, 32>}, {pipeline_mode = #tpu.pipeline_mode<synchronous>, transform_indices = @transform_12, window_bounds = array<i64: 3, 64>}, {pipeline_mode = #tpu.pipeline_mode<synchronous>, transform_indices = @transform_13, window_bounds = array<i64: 1, 64>}, {pipeline_mode = #tpu.pipeline_mode<synchronous>, transform_indices = @transform_14, window_bounds = array<i64: 64, 32>}, {pipeline_mode = #tpu.pipeline_mode<synchronous>, transform_indices = @transform_15, window_bounds = array<i64: 1, 32>}, {pipeline_mode = #tpu.pipeline_mode<synchronous>, transform_indices = @transform_16, window_bounds = array<i64: 32, 64>}, {pipeline_mode = #tpu.pipeline_mode<synchronous>, transform_indices = @transform_17, window_bounds = array<i64: 32, 64>}, {transform_indices = @transform_18, window_bounds = array<i64: 1000, 32>}, {transform_indices = @transform_19, window_bounds = array<i64: 1000, 32>}, {transform_indices = @transform_20, window_bounds = array<i64: 1000, 32>}, {transform_indices = @transform_21, window_bounds = array<i64: 6, 1000, 32>}, {transform_indices = @transform_22, window_bounds = array<i64: 6, 1000, 32>}]} {
    %get3A = arith.constant 0 : index
    %get3A_0 = arith.constant 0 : index
    %get3A_1 = vector.load %arg1[%get3A, %get3A_0] : memref<1000x1xf32, #tpu.memory_space<vmem>>, vector<1000x1xf32>
    %get3A_2 = arith.constant 0 : index
    %get3A_3 = arith.constant 0 : index
    %get3A_4 = vector.load %arg2[%get3A_2, %get3A_3] : memref<1000x1xf32, #tpu.memory_space<vmem>>, vector<1000x1xf32>
    %get3A_5 = arith.constant 0 : index
    %get3A_6 = arith.constant 0 : index
    %get3A_7 = vector.load %arg3[%get3A_5, %get3A_6] : memref<1000x1xf32, #tpu.memory_space<vmem>>, vector<1000x1xf32>
    %get3A_8 = arith.constant 0 : index
    %get3A_9 = arith.constant 0 : index
    %get3A_10 = vector.load %arg4[%get3A_8, %get3A_9] : memref<1000x1xf32, #tpu.memory_space<vmem>>, vector<1000x1xf32>
    %get3A_11 = arith.constant 0 : index
    %get3A_12 = arith.constant 0 : index
    %get3A_13 = vector.load %arg6[%get3A_11, %get3A_12] : memref<1x64xf32, #tpu.memory_space<vmem>>, vector<1x64xf32>
    %get3A_14 = arith.constant 0 : index
    %get3A_15 = arith.constant 0 : index
    %get3A_16 = vector.load %arg5[%get3A_14, %get3A_15] : memref<2x64xf32, #tpu.memory_space<vmem>>, vector<1x64xf32>
    %mul3A = vector.broadcast %get3A_1 : vector<1000x1xf32> to vector<1000x64xf32>
    %mul3A_17 = vector.broadcast %get3A_16 : vector<1x64xf32> to vector<1000x64xf32>
    %mul3A_18 = arith.mulf %mul3A, %mul3A_17 : vector<1000x64xf32>
    %add3A = vector.broadcast %get3A_13 : vector<1x64xf32> to vector<1000x64xf32>
    %add3A_19 = arith.addf %add3A, %mul3A_18 : vector<1000x64xf32>
    %get3A_20 = arith.constant 1 : index
    %get3A_21 = arith.constant 0 : index
    %get3A_22 = vector.load %arg5[%get3A_20, %get3A_21] : memref<2x64xf32, #tpu.memory_space<vmem>>, vector<1x64xf32>
    %mul3A_23 = vector.broadcast %get3A_4 : vector<1000x1xf32> to vector<1000x64xf32>
    %mul3A_24 = vector.broadcast %get3A_22 : vector<1x64xf32> to vector<1000x64xf32>
    %mul3A_25 = arith.mulf %mul3A_23, %mul3A_24 : vector<1000x64xf32>
    %add3A_26 = arith.addf %add3A_19, %mul3A_25 : vector<1000x64xf32>
    %mul3A_27 = arith.constant 5.000000e-01 : f32
    %mul3A_28 = vector.broadcast %mul3A_27 : f32 to vector<1000x64xf32>
    %mul3A_29 = arith.mulf %mul3A_28, %add3A_26 : vector<1000x64xf32>
    %mul3A_30 = arith.constant 0.707106769 : f32
    %mul3A_31 = vector.broadcast %mul3A_30 : f32 to vector<1000x64xf32>
    %mul3A_32 = arith.mulf %add3A_26, %mul3A_31 : vector<1000x64xf32>
    %erf3A = math.erf %mul3A_32 : vector<1000x64xf32>
    %add3A_33 = arith.constant 1.000000e+00 : f32
    %add3A_34 = vector.broadcast %add3A_33 : f32 to vector<1000x64xf32>
    %add3A_35 = arith.addf %add3A_34, %erf3A : vector<1000x64xf32>
    %mul3A_36 = arith.mulf %mul3A_29, %add3A_35 : vector<1000x64xf32>
    %get3A_37 = arith.constant 0 : index
    %get3A_38 = arith.constant 0 : index
    %get3A_39 = vector.load %arg7[%get3A_37, %get3A_38] : memref<64x32xf32, #tpu.memory_space<vmem>>, vector<64x32xf32>
    %dot_general3A = arith.constant dense<0.000000e+00> : vector<1000x32xf32>
    %dot_general3A_40 = tpu.matmul %mul3A_36, %get3A_39, %dot_general3A {dimension_numbers = #tpu.dot_dimension_numbers<[1], [0], [0], [1], [0, 0, 1, 1], [], []>, transpose_lhs_hint = false} : vector<1000x64xf32>, vector<64x32xf32>, vector<1000x32xf32> -> vector<1000x32xf32>
    %get3A_41 = arith.constant 0 : index
    %get3A_42 = arith.constant 0 : index
    %get3A_43 = vector.load %arg8[%get3A_41, %get3A_42] : memref<1x32xf32, #tpu.memory_space<vmem>>, vector<1x32xf32>
    %add3A_44 = vector.broadcast %get3A_43 : vector<1x32xf32> to vector<1000x32xf32>
    %add3A_45 = arith.addf %dot_general3A_40, %add3A_44 : vector<1000x32xf32>
    %swap3A = arith.constant 0 : index
    %swap3A_46 = arith.constant 0 : index
    %swap3A_47 = vector.load %arg19[%swap3A, %swap3A_46] : memref<1000x32xf32, #tpu.memory_space<vmem>>, vector<1000x32xf32>
    tpu.vector_store %arg19[%swap3A, %swap3A_46], %add3A_45 {strides = array<i32>} : memref<1000x32xf32, #tpu.memory_space<vmem>>, vector<1000x32xf32>,
    %get3A_48 = arith.constant 0 : index
    %get3A_49 = arith.constant 0 : index
    %get3A_50 = vector.load %arg17[%get3A_48, %get3A_49] : memref<32x64xf32, #tpu.memory_space<vmem>>, vector<32x64xf32>
    %dot_general3A_51 = arith.constant dense<0.000000e+00> : vector<1000x64xf32>
    %dot_general3A_52 = tpu.matmul %add3A_45, %get3A_50, %dot_general3A_51 {dimension_numbers = #tpu.dot_dimension_numbers<[1], [0], [0], [1], [0, 0, 1, 1], [], []>, transpose_lhs_hint = false} : vector<1000x32xf32>, vector<32x64xf32>, vector<1000x64xf32> -> vector<1000x64xf32>
    %get3A_53 = arith.constant 0 : index
    %get3A_54 = arith.constant 0 : index
    %get3A_55 = vector.load %arg18[%get3A_53, %get3A_54] : memref<32x64xf32, #tpu.memory_space<vmem>>, vector<32x64xf32>
    %dot_general3A_56 = arith.constant dense<0.000000e+00> : vector<1000x64xf32>
    %dot_general3A_57 = tpu.matmul %add3A_45, %get3A_55, %dot_general3A_56 {dimension_numbers = #tpu.dot_dimension_numbers<[1], [0], [0], [1], [0, 0, 1, 1], [], []>, transpose_lhs_hint = false} : vector<1000x32xf32>, vector<32x64xf32>, vector<1000x64xf32> -> vector<1000x64xf32>
    %slice3A = vector.extract_strided_slice %dot_general3A_52 {offsets = [0, 0], sizes = [1000, 32], strides = [1, 1]} : vector<1000x64xf32> to vector<1000x32xf32>
    %swap3A_58 = arith.constant 0 : index
    %swap3A_59 = arith.constant 0 : index
    %swap3A_60 = arith.constant 0 : index
    %swap3A_61 = vector.load %arg22[%swap3A_58, %swap3A_59, %swap3A_60] : memref<6x1000x32xf32, #tpu.memory_space<vmem>>, vector<1x1000x32xf32>
    %swap3A_62 = vector.shape_cast %swap3A_61 : vector<1x1000x32xf32> to vector<1000x32xf32>
    %swap3A_63 = vector.shape_cast %slice3A : vector<1000x32xf32> to vector<1x1000x32xf32>
    tpu.vector_store %arg22[%swap3A_58, %swap3A_59, %swap3A_60], %swap3A_63 {strides = array<i32>} : memref<6x1000x32xf32, #tpu.memory_space<vmem>>, vector<1x1000x32xf32>,
    %slice3A_64 = vector.extract_strided_slice %dot_general3A_52 {offsets = [0, 32], sizes = [1000, 32], strides = [1, 1]} : vector<1000x64xf32> to vector<1000x32xf32>
    %swap3A_65 = arith.constant 1 : index
    %swap3A_66 = arith.constant 0 : index
    %swap3A_67 = arith.constant 0 : index
    %swap3A_68 = vector.load %arg22[%swap3A_65, %swap3A_66, %swap3A_67] : memref<6x1000x32xf32, #tpu.memory_space<vmem>>, vector<1x1000x32xf32>
    %swap3A_69 = vector.shape_cast %swap3A_68 : vector<1x1000x32xf32> to vector<1000x32xf32>
    %swap3A_70 = vector.shape_cast %slice3A_64 : vector<1000x32xf32> to vector<1x1000x32xf32>
    tpu.vector_store %arg22[%swap3A_65, %swap3A_66, %swap3A_67], %swap3A_70 {strides = array<i32>} : memref<6x1000x32xf32, #tpu.memory_space<vmem>>, vector<1x1000x32xf32>,
    %slice3A_71 = vector.extract_strided_slice %dot_general3A_57 {offsets = [0, 0], sizes = [1000, 32], strides = [1, 1]} : vector<1000x64xf32> to vector<1000x32xf32>
    %swap3A_72 = arith.constant 0 : index
    %swap3A_73 = arith.constant 0 : index
    %swap3A_74 = arith.constant 0 : index
    %swap3A_75 = vector.load %arg23[%swap3A_72, %swap3A_73, %swap3A_74] : memref<6x1000x32xf32, #tpu.memory_space<vmem>>, vector<1x1000x32xf32>
    %swap3A_76 = vector.shape_cast %swap3A_75 : vector<1x1000x32xf32> to vector<1000x32xf32>
    %swap3A_77 = vector.shape_cast %slice3A_71 : vector<1000x32xf32> to vector<1x1000x32xf32>
    tpu.vector_store %arg23[%swap3A_72, %swap3A_73, %swap3A_74], %swap3A_77 {strides = array<i32>} : memref<6x1000x32xf32, #tpu.memory_space<vmem>>, vector<1x1000x32xf32>,
    %slice3A_78 = vector.extract_strided_slice %dot_general3A_57 {offsets = [0, 32], sizes = [1000, 32], strides = [1, 1]} : vector<1000x64xf32> to vector<1000x32xf32>
    %swap3A_79 = arith.constant 1 : index
    %swap3A_80 = arith.constant 0 : index
    %swap3A_81 = arith.constant 0 : index
    %swap3A_82 = vector.load %arg23[%swap3A_79, %swap3A_80, %swap3A_81] : memref<6x1000x32xf32, #tpu.memory_space<vmem>>, vector<1x1000x32xf32>
    %swap3A_83 = vector.shape_cast %swap3A_82 : vector<1x1000x32xf32> to vector<1000x32xf32>
    %swap3A_84 = vector.shape_cast %slice3A_78 : vector<1000x32xf32> to vector<1x1000x32xf32>
    tpu.vector_store %arg23[%swap3A_79, %swap3A_80, %swap3A_81], %swap3A_84 {strides = array<i32>} : memref<6x1000x32xf32, #tpu.memory_space<vmem>>, vector<1x1000x32xf32>,
    %get3A_85 = arith.constant 0 : index
    %get3A_86 = arith.constant 0 : index
    %get3A_87 = vector.load %arg10[%get3A_85, %get3A_86] : memref<1x64xf32, #tpu.memory_space<vmem>>, vector<1x64xf32>
    %get3A_88 = arith.constant 0 : index
    %get3A_89 = arith.constant 0 : index
    %get3A_90 = vector.load %arg9[%get3A_88, %get3A_89] : memref<2x64xf32, #tpu.memory_space<vmem>>, vector<1x64xf32>
    %mul3A_91 = vector.broadcast %get3A_4 : vector<1000x1xf32> to vector<1000x64xf32>
    %mul3A_92 = vector.broadcast %get3A_90 : vector<1x64xf32> to vector<1000x64xf32>
    %mul3A_93 = arith.mulf %mul3A_91, %mul3A_92 : vector<1000x64xf32>
    %add3A_94 = vector.broadcast %get3A_87 : vector<1x64xf32> to vector<1000x64xf32>
    %add3A_95 = arith.addf %add3A_94, %mul3A_93 : vector<1000x64xf32>
    %get3A_96 = arith.constant 1 : index
    %get3A_97 = arith.constant 0 : index
    %get3A_98 = vector.load %arg9[%get3A_96, %get3A_97] : memref<2x64xf32, #tpu.memory_space<vmem>>, vector<1x64xf32>
    %mul3A_99 = vector.broadcast %get3A_7 : vector<1000x1xf32> to vector<1000x64xf32>
    %mul3A_100 = vector.broadcast %get3A_98 : vector<1x64xf32> to vector<1000x64xf32>
    %mul3A_101 = arith.mulf %mul3A_99, %mul3A_100 : vector<1000x64xf32>
    %add3A_102 = arith.addf %add3A_95, %mul3A_101 : vector<1000x64xf32>
    %mul3A_103 = arith.constant 5.000000e-01 : f32
    %mul3A_104 = vector.broadcast %mul3A_103 : f32 to vector<1000x64xf32>
    %mul3A_105 = arith.mulf %mul3A_104, %add3A_102 : vector<1000x64xf32>
    %mul3A_106 = arith.constant 0.707106769 : f32
    %mul3A_107 = vector.broadcast %mul3A_106 : f32 to vector<1000x64xf32>
    %mul3A_108 = arith.mulf %add3A_102, %mul3A_107 : vector<1000x64xf32>
    %erf3A_109 = math.erf %mul3A_108 : vector<1000x64xf32>
    %add3A_110 = arith.constant 1.000000e+00 : f32
    %add3A_111 = vector.broadcast %add3A_110 : f32 to vector<1000x64xf32>
    %add3A_112 = arith.addf %add3A_111, %erf3A_109 : vector<1000x64xf32>
    %mul3A_113 = arith.mulf %mul3A_105, %add3A_112 : vector<1000x64xf32>
    %get3A_114 = arith.constant 0 : index
    %get3A_115 = arith.constant 0 : index
    %get3A_116 = vector.load %arg11[%get3A_114, %get3A_115] : memref<64x32xf32, #tpu.memory_space<vmem>>, vector<64x32xf32>
    %dot_general3A_117 = arith.constant dense<0.000000e+00> : vector<1000x32xf32>
    %dot_general3A_118 = tpu.matmul %mul3A_113, %get3A_116, %dot_general3A_117 {dimension_numbers = #tpu.dot_dimension_numbers<[1], [0], [0], [1], [0, 0, 1, 1], [], []>, transpose_lhs_hint = false} : vector<1000x64xf32>, vector<64x32xf32>, vector<1000x32xf32> -> vector<1000x32xf32>
    %get3A_119 = arith.constant 0 : index
    %get3A_120 = arith.constant 0 : index
    %get3A_121 = vector.load %arg12[%get3A_119, %get3A_120] : memref<1x32xf32, #tpu.memory_space<vmem>>, vector<1x32xf32>
    %add3A_122 = vector.broadcast %get3A_121 : vector<1x32xf32> to vector<1000x32xf32>
    %add3A_123 = arith.addf %dot_general3A_118, %add3A_122 : vector<1000x32xf32>
    %swap3A_124 = arith.constant 0 : index
    %swap3A_125 = arith.constant 0 : index
    %swap3A_126 = vector.load %arg20[%swap3A_124, %swap3A_125] : memref<1000x32xf32, #tpu.memory_space<vmem>>, vector<1000x32xf32>
    tpu.vector_store %arg20[%swap3A_124, %swap3A_125], %add3A_123 {strides = array<i32>} : memref<1000x32xf32, #tpu.memory_space<vmem>>, vector<1000x32xf32>,
    %get3A_127 = arith.constant 0 : index
    %get3A_128 = arith.constant 0 : index
    %get3A_129 = vector.load %arg17[%get3A_127, %get3A_128] : memref<32x64xf32, #tpu.memory_space<vmem>>, vector<32x64xf32>
    %dot_general3A_130 = arith.constant dense<0.000000e+00> : vector<1000x64xf32>
    %dot_general3A_131 = tpu.matmul %add3A_123, %get3A_129, %dot_general3A_130 {dimension_numbers = #tpu.dot_dimension_numbers<[1], [0], [0], [1], [0, 0, 1, 1], [], []>, transpose_lhs_hint = false} : vector<1000x32xf32>, vector<32x64xf32>, vector<1000x64xf32> -> vector<1000x64xf32>
    %get3A_132 = arith.constant 0 : index
    %get3A_133 = arith.constant 0 : index
    %get3A_134 = vector.load %arg18[%get3A_132, %get3A_133] : memref<32x64xf32, #tpu.memory_space<vmem>>, vector<32x64xf32>
    %dot_general3A_135 = arith.constant dense<0.000000e+00> : vector<1000x64xf32>
    %dot_general3A_136 = tpu.matmul %add3A_123, %get3A_134, %dot_general3A_135 {dimension_numbers = #tpu.dot_dimension_numbers<[1], [0], [0], [1], [0, 0, 1, 1], [], []>, transpose_lhs_hint = false} : vector<1000x32xf32>, vector<32x64xf32>, vector<1000x64xf32> -> vector<1000x64xf32>
    %slice3A_137 = vector.extract_strided_slice %dot_general3A_131 {offsets = [0, 0], sizes = [1000, 32], strides = [1, 1]} : vector<1000x64xf32> to vector<1000x32xf32>
    %swap3A_138 = arith.constant 2 : index
    %swap3A_139 = arith.constant 0 : index
    %swap3A_140 = arith.constant 0 : index
    %swap3A_141 = vector.load %arg22[%swap3A_138, %swap3A_139, %swap3A_140] : memref<6x1000x32xf32, #tpu.memory_space<vmem>>, vector<1x1000x32xf32>
    %swap3A_142 = vector.shape_cast %swap3A_141 : vector<1x1000x32xf32> to vector<1000x32xf32>
    %swap3A_143 = vector.shape_cast %slice3A_137 : vector<1000x32xf32> to vector<1x1000x32xf32>
    tpu.vector_store %arg22[%swap3A_138, %swap3A_139, %swap3A_140], %swap3A_143 {strides = array<i32>} : memref<6x1000x32xf32, #tpu.memory_space<vmem>>, vector<1x1000x32xf32>,
    %slice3A_144 = vector.extract_strided_slice %dot_general3A_131 {offsets = [0, 32], sizes = [1000, 32], strides = [1, 1]} : vector<1000x64xf32> to vector<1000x32xf32>
    %swap3A_145 = arith.constant 3 : index
    %swap3A_146 = arith.constant 0 : index
    %swap3A_147 = arith.constant 0 : index
    %swap3A_148 = vector.load %arg22[%swap3A_145, %swap3A_146, %swap3A_147] : memref<6x1000x32xf32, #tpu.memory_space<vmem>>, vector<1x1000x32xf32>
    %swap3A_149 = vector.shape_cast %swap3A_148 : vector<1x1000x32xf32> to vector<1000x32xf32>
    %swap3A_150 = vector.shape_cast %slice3A_144 : vector<1000x32xf32> to vector<1x1000x32xf32>
    tpu.vector_store %arg22[%swap3A_145, %swap3A_146, %swap3A_147], %swap3A_150 {strides = array<i32>} : memref<6x1000x32xf32, #tpu.memory_space<vmem>>, vector<1x1000x32xf32>,
    %slice3A_151 = vector.extract_strided_slice %dot_general3A_136 {offsets = [0, 0], sizes = [1000, 32], strides = [1, 1]} : vector<1000x64xf32> to vector<1000x32xf32>
    %swap3A_152 = arith.constant 2 : index
    %swap3A_153 = arith.constant 0 : index
    %swap3A_154 = arith.constant 0 : index
    %swap3A_155 = vector.load %arg23[%swap3A_152, %swap3A_153, %swap3A_154] : memref<6x1000x32xf32, #tpu.memory_space<vmem>>, vector<1x1000x32xf32>
    %swap3A_156 = vector.shape_cast %swap3A_155 : vector<1x1000x32xf32> to vector<1000x32xf32>
    %swap3A_157 = vector.shape_cast %slice3A_151 : vector<1000x32xf32> to vector<1x1000x32xf32>
    tpu.vector_store %arg23[%swap3A_152, %swap3A_153, %swap3A_154], %swap3A_157 {strides = array<i32>} : memref<6x1000x32xf32, #tpu.memory_space<vmem>>, vector<1x1000x32xf32>,
    %slice3A_158 = vector.extract_strided_slice %dot_general3A_136 {offsets = [0, 32], sizes = [1000, 32], strides = [1, 1]} : vector<1000x64xf32> to vector<1000x32xf32>
    %swap3A_159 = arith.constant 3 : index
    %swap3A_160 = arith.constant 0 : index
    %swap3A_161 = arith.constant 0 : index
    %swap3A_162 = vector.load %arg23[%swap3A_159, %swap3A_160, %swap3A_161] : memref<6x1000x32xf32, #tpu.memory_space<vmem>>, vector<1x1000x32xf32>
    %swap3A_163 = vector.shape_cast %swap3A_162 : vector<1x1000x32xf32> to vector<1000x32xf32>
    %swap3A_164 = vector.shape_cast %slice3A_158 : vector<1000x32xf32> to vector<1x1000x32xf32>
    tpu.vector_store %arg23[%swap3A_159, %swap3A_160, %swap3A_161], %swap3A_164 {strides = array<i32>} : memref<6x1000x32xf32, #tpu.memory_space<vmem>>, vector<1x1000x32xf32>,
    %get3A_165 = arith.constant 0 : index
    %get3A_166 = arith.constant 0 : index
    %get3A_167 = vector.load %arg14[%get3A_165, %get3A_166] : memref<1x64xf32, #tpu.memory_space<vmem>>, vector<1x64xf32>
    %get3A_168 = arith.constant 0 : index
    %get3A_169 = arith.constant 0 : index
    %get3A_170 = vector.load %arg13[%get3A_168, %get3A_169] : memref<3x64xf32, #tpu.memory_space<vmem>>, vector<1x64xf32>
    %mul3A_171 = vector.broadcast %get3A_1 : vector<1000x1xf32> to vector<1000x64xf32>
    %mul3A_172 = vector.broadcast %get3A_170 : vector<1x64xf32> to vector<1000x64xf32>
    %mul3A_173 = arith.mulf %mul3A_171, %mul3A_172 : vector<1000x64xf32>
    %add3A_174 = vector.broadcast %get3A_167 : vector<1x64xf32> to vector<1000x64xf32>
    %add3A_175 = arith.addf %add3A_174, %mul3A_173 : vector<1000x64xf32>
    %get3A_176 = arith.constant 1 : index
    %get3A_177 = arith.constant 0 : index
    %get3A_178 = vector.load %arg13[%get3A_176, %get3A_177] : memref<3x64xf32, #tpu.memory_space<vmem>>, vector<1x64xf32>
    %mul3A_179 = vector.broadcast %get3A_7 : vector<1000x1xf32> to vector<1000x64xf32>
    %mul3A_180 = vector.broadcast %get3A_178 : vector<1x64xf32> to vector<1000x64xf32>
    %mul3A_181 = arith.mulf %mul3A_179, %mul3A_180 : vector<1000x64xf32>
    %add3A_182 = arith.addf %add3A_175, %mul3A_181 : vector<1000x64xf32>
    %get3A_183 = arith.constant 2 : index
    %get3A_184 = arith.constant 0 : index
    %get3A_185 = vector.load %arg13[%get3A_183, %get3A_184] : memref<3x64xf32, #tpu.memory_space<vmem>>, vector<1x64xf32>
    %mul3A_186 = vector.broadcast %get3A_10 : vector<1000x1xf32> to vector<1000x64xf32>
    %mul3A_187 = vector.broadcast %get3A_185 : vector<1x64xf32> to vector<1000x64xf32>
    %mul3A_188 = arith.mulf %mul3A_186, %mul3A_187 : vector<1000x64xf32>
    %add3A_189 = arith.addf %add3A_182, %mul3A_188 : vector<1000x64xf32>
    %mul3A_190 = arith.constant 5.000000e-01 : f32
    %mul3A_191 = vector.broadcast %mul3A_190 : f32 to vector<1000x64xf32>
    %mul3A_192 = arith.mulf %mul3A_191, %add3A_189 : vector<1000x64xf32>
    %mul3A_193 = arith.constant 0.707106769 : f32
    %mul3A_194 = vector.broadcast %mul3A_193 : f32 to vector<1000x64xf32>
    %mul3A_195 = arith.mulf %add3A_189, %mul3A_194 : vector<1000x64xf32>
    %erf3A_196 = math.erf %mul3A_195 : vector<1000x64xf32>
    %add3A_197 = arith.constant 1.000000e+00 : f32
    %add3A_198 = vector.broadcast %add3A_197 : f32 to vector<1000x64xf32>
    %add3A_199 = arith.addf %add3A_198, %erf3A_196 : vector<1000x64xf32>
    %mul3A_200 = arith.mulf %mul3A_192, %add3A_199 : vector<1000x64xf32>
    %get3A_201 = arith.constant 0 : index
    %get3A_202 = arith.constant 0 : index
    %get3A_203 = vector.load %arg15[%get3A_201, %get3A_202] : memref<64x32xf32, #tpu.memory_space<vmem>>, vector<64x32xf32>
    %dot_general3A_204 = arith.constant dense<0.000000e+00> : vector<1000x32xf32>
    %dot_general3A_205 = tpu.matmul %mul3A_200, %get3A_203, %dot_general3A_204 {dimension_numbers = #tpu.dot_dimension_numbers<[1], [0], [0], [1], [0, 0, 1, 1], [], []>, transpose_lhs_hint = false} : vector<1000x64xf32>, vector<64x32xf32>, vector<1000x32xf32> -> vector<1000x32xf32>
    %get3A_206 = arith.constant 0 : index
    %get3A_207 = arith.constant 0 : index
    %get3A_208 = vector.load %arg16[%get3A_206, %get3A_207] : memref<1x32xf32, #tpu.memory_space<vmem>>, vector<1x32xf32>
    %add3A_209 = vector.broadcast %get3A_208 : vector<1x32xf32> to vector<1000x32xf32>
    %add3A_210 = arith.addf %dot_general3A_205, %add3A_209 : vector<1000x32xf32>
    %swap3A_211 = arith.constant 0 : index
    %swap3A_212 = arith.constant 0 : index
    %swap3A_213 = vector.load %arg21[%swap3A_211, %swap3A_212] : memref<1000x32xf32, #tpu.memory_space<vmem>>, vector<1000x32xf32>
    tpu.vector_store %arg21[%swap3A_211, %swap3A_212], %add3A_210 {strides = array<i32>} : memref<1000x32xf32, #tpu.memory_space<vmem>>, vector<1000x32xf32>,
    %get3A_214 = arith.constant 0 : index
    %get3A_215 = arith.constant 0 : index
    %get3A_216 = vector.load %arg17[%get3A_214, %get3A_215] : memref<32x64xf32, #tpu.memory_space<vmem>>, vector<32x64xf32>
    %dot_general3A_217 = arith.constant dense<0.000000e+00> : vector<1000x64xf32>
    %dot_general3A_218 = tpu.matmul %add3A_210, %get3A_216, %dot_general3A_217 {dimension_numbers = #tpu.dot_dimension_numbers<[1], [0], [0], [1], [0, 0, 1, 1], [], []>, transpose_lhs_hint = false} : vector<1000x32xf32>, vector<32x64xf32>, vector<1000x64xf32> -> vector<1000x64xf32>
    %get3A_219 = arith.constant 0 : index
    %get3A_220 = arith.constant 0 : index
    %get3A_221 = vector.load %arg18[%get3A_219, %get3A_220] : memref<32x64xf32, #tpu.memory_space<vmem>>, vector<32x64xf32>
    %dot_general3A_222 = arith.constant dense<0.000000e+00> : vector<1000x64xf32>
    %dot_general3A_223 = tpu.matmul %add3A_210, %get3A_221, %dot_general3A_222 {dimension_numbers = #tpu.dot_dimension_numbers<[1], [0], [0], [1], [0, 0, 1, 1], [], []>, transpose_lhs_hint = false} : vector<1000x32xf32>, vector<32x64xf32>, vector<1000x64xf32> -> vector<1000x64xf32>
    %slice3A_224 = vector.extract_strided_slice %dot_general3A_218 {offsets = [0, 0], sizes = [1000, 32], strides = [1, 1]} : vector<1000x64xf32> to vector<1000x32xf32>
    %swap3A_225 = arith.constant 4 : index
    %swap3A_226 = arith.constant 0 : index
    %swap3A_227 = arith.constant 0 : index
    %swap3A_228 = vector.load %arg22[%swap3A_225, %swap3A_226, %swap3A_227] : memref<6x1000x32xf32, #tpu.memory_space<vmem>>, vector<1x1000x32xf32>
    %swap3A_229 = vector.shape_cast %swap3A_228 : vector<1x1000x32xf32> to vector<1000x32xf32>
    %swap3A_230 = vector.shape_cast %slice3A_224 : vector<1000x32xf32> to vector<1x1000x32xf32>
    tpu.vector_store %arg22[%swap3A_225, %swap3A_226, %swap3A_227], %swap3A_230 {strides = array<i32>} : memref<6x1000x32xf32, #tpu.memory_space<vmem>>, vector<1x1000x32xf32>,
    %slice3A_231 = vector.extract_strided_slice %dot_general3A_218 {offsets = [0, 32], sizes = [1000, 32], strides = [1, 1]} : vector<1000x64xf32> to vector<1000x32xf32>
    %swap3A_232 = arith.constant 5 : index
    %swap3A_233 = arith.constant 0 : index
    %swap3A_234 = arith.constant 0 : index
    %swap3A_235 = vector.load %arg22[%swap3A_232, %swap3A_233, %swap3A_234] : memref<6x1000x32xf32, #tpu.memory_space<vmem>>, vector<1x1000x32xf32>
    %swap3A_236 = vector.shape_cast %swap3A_235 : vector<1x1000x32xf32> to vector<1000x32xf32>
    %swap3A_237 = vector.shape_cast %slice3A_231 : vector<1000x32xf32> to vector<1x1000x32xf32>
    tpu.vector_store %arg22[%swap3A_232, %swap3A_233, %swap3A_234], %swap3A_237 {strides = array<i32>} : memref<6x1000x32xf32, #tpu.memory_space<vmem>>, vector<1x1000x32xf32>,
    %slice3A_238 = vector.extract_strided_slice %dot_general3A_223 {offsets = [0, 0], sizes = [1000, 32], strides = [1, 1]} : vector<1000x64xf32> to vector<1000x32xf32>
    %swap3A_239 = arith.constant 4 : index
    %swap3A_240 = arith.constant 0 : index
    %swap3A_241 = arith.constant 0 : index
    %swap3A_242 = vector.load %arg23[%swap3A_239, %swap3A_240, %swap3A_241] : memref<6x1000x32xf32, #tpu.memory_space<vmem>>, vector<1x1000x32xf32>
    %swap3A_243 = vector.shape_cast %swap3A_242 : vector<1x1000x32xf32> to vector<1000x32xf32>
    %swap3A_244 = vector.shape_cast %slice3A_238 : vector<1000x32xf32> to vector<1x1000x32xf32>
    tpu.vector_store %arg23[%swap3A_239, %swap3A_240, %swap3A_241], %swap3A_244 {strides = array<i32>} : memref<6x1000x32xf32, #tpu.memory_space<vmem>>, vector<1x1000x32xf32>,
    %slice3A_245 = vector.extract_strided_slice %dot_general3A_223 {offsets = [0, 32], sizes = [1000, 32], strides = [1, 1]} : vector<1000x64xf32> to vector<1000x32xf32>
    %swap3A_246 = arith.constant 5 : index
    %swap3A_247 = arith.constant 0 : index
    %swap3A_248 = arith.constant 0 : index
    %swap3A_249 = vector.load %arg23[%swap3A_246, %swap3A_247, %swap3A_248] : memref<6x1000x32xf32, #tpu.memory_space<vmem>>, vector<1x1000x32xf32>
    %swap3A_250 = vector.shape_cast %swap3A_249 : vector<1x1000x32xf32> to vector<1000x32xf32>
    %swap3A_251 = vector.shape_cast %slice3A_245 : vector<1000x32xf32> to vector<1x1000x32xf32>
    tpu.vector_store %arg23[%swap3A_246, %swap3A_247, %swap3A_248], %swap3A_251 {strides = array<i32>} : memref<6x1000x32xf32, #tpu.memory_space<vmem>>, vector<1x1000x32xf32>,
    return
  }
  func.func @transform_0(%arg0: i32) -> (i32, i32) {
    %c0_i32 = arith.constant 0 : i32
    %c0_i32_0 = arith.constant 0 : i32
    return %arg0, %c0_i32 : i32, i32
  }
  func.func @transform_1(%arg0: i32) -> (i32, i32) {
    %c0_i32 = arith.constant 0 : i32
    %c0_i32_0 = arith.constant 0 : i32
    return %arg0, %c0_i32 : i32, i32
  }
  func.func @transform_2(%arg0: i32) -> (i32, i32) {
    %c0_i32 = arith.constant 0 : i32
    %c0_i32_0 = arith.constant 0 : i32
    return %arg0, %c0_i32 : i32, i32
  }
  func.func @transform_3(%arg0: i32) -> (i32, i32) {
    %c0_i32 = arith.constant 0 : i32
    %c0_i32_0 = arith.constant 0 : i32
    return %arg0, %c0_i32 : i32, i32
  }
  func.func @transform_4(%arg0: i32) -> (i32, i32) {
    %c0_i32 = arith.constant 0 : i32
    %c0_i32_0 = arith.constant 0 : i32
    %c0_i32_1 = arith.constant 0 : i32
    return %c0_i32, %c0_i32_0 : i32, i32
  }
  func.func @transform_5(%arg0: i32) -> (i32, i32) {
    %c0_i32 = arith.constant 0 : i32
    %c0_i32_0 = arith.constant 0 : i32
    %c0_i32_1 = arith.constant 0 : i32
    return %c0_i32, %c0_i32_0 : i32, i32
  }
  func.func @transform_6(%arg0: i32) -> (i32, i32) {
    %c0_i32 = arith.constant 0 : i32
    %c0_i32_0 = arith.constant 0 : i32
    %c0_i32_1 = arith.constant 0 : i32
    return %c0_i32, %c0_i32_0 : i32, i32
  }
  func.func @transform_7(%arg0: i32) -> (i32, i32) {
    %c0_i32 = arith.constant 0 : i32
    %c0_i32_0 = arith.constant 0 : i32
    %c0_i32_1 = arith.constant 0 : i32
    return %c0_i32, %c0_i32_0 : i32, i32
  }
  func.func @transform_8(%arg0: i32) -> (i32, i32) {
    %c0_i32 = arith.constant 0 : i32
    %c0_i32_0 = arith.constant 0 : i32
    %c0_i32_1 = arith.constant 0 : i32
    return %c0_i32, %c0_i32_0 : i32, i32
  }
  func.func @transform_9(%arg0: i32) -> (i32, i32) {
    %c0_i32 = arith.constant 0 : i32
    %c0_i32_0 = arith.constant 0 : i32
    %c0_i32_1 = arith.constant 0 : i32
    return %c0_i32, %c0_i32_0 : i32, i32
  }
  func.func @transform_10(%arg0: i32) -> (i32, i32) {
    %c0_i32 = arith.constant 0 : i32
    %c0_i32_0 = arith.constant 0 : i32
    %c0_i32_1 = arith.constant 0 : i32
    return %c0_i32, %c0_i32_0 : i32, i32
  }
  func.func @transform_11(%arg0: i32) -> (i32, i32) {
    %c0_i32 = arith.constant 0 : i32
    %c0_i32_0 = arith.constant 0 : i32
    %c0_i32_1 = arith.constant 0 : i32
    return %c0_i32, %c0_i32_0 : i32, i32
  }
  func.func @transform_12(%arg0: i32) -> (i32, i32) {
    %c0_i32 = arith.constant 0 : i32
    %c0_i32_0 = arith.constant 0 : i32
    %c0_i32_1 = arith.constant 0 : i32
    return %c0_i32, %c0_i32_0 : i32, i32
  }
  func.func @transform_13(%arg0: i32) -> (i32, i32) {
    %c0_i32 = arith.constant 0 : i32
    %c0_i32_0 = arith.constant 0 : i32
    %c0_i32_1 = arith.constant 0 : i32
    return %c0_i32, %c0_i32_0 : i32, i32
  }
  func.func @transform_14(%arg0: i32) -> (i32, i32) {
    %c0_i32 = arith.constant 0 : i32
    %c0_i32_0 = arith.constant 0 : i32
    %c0_i32_1 = arith.constant 0 : i32
    return %c0_i32, %c0_i32_0 : i32, i32
  }
  func.func @transform_15(%arg0: i32) -> (i32, i32) {
    %c0_i32 = arith.constant 0 : i32
    %c0_i32_0 = arith.constant 0 : i32
    %c0_i32_1 = arith.constant 0 : i32
    return %c0_i32, %c0_i32_0 : i32, i32
  }
  func.func @transform_16(%arg0: i32) -> (i32, i32) {
    %c0_i32 = arith.constant 0 : i32
    %c0_i32_0 = arith.constant 0 : i32
    %c0_i32_1 = arith.constant 0 : i32
    return %c0_i32, %c0_i32_0 : i32, i32
  }
  func.func @transform_17(%arg0: i32) -> (i32, i32) {
    %c0_i32 = arith.constant 0 : i32
    %c0_i32_0 = arith.constant 0 : i32
    %c0_i32_1 = arith.constant 0 : i32
    return %c0_i32, %c0_i32_0 : i32, i32
  }
  func.func @transform_18(%arg0: i32) -> (i32, i32) {
    %c0_i32 = arith.constant 0 : i32
    %c0_i32_0 = arith.constant 0 : i32
    return %arg0, %c0_i32 : i32, i32
  }
  func.func @transform_19(%arg0: i32) -> (i32, i32) {
    %c0_i32 = arith.constant 0 : i32
    %c0_i32_0 = arith.constant 0 : i32
    return %arg0, %c0_i32 : i32, i32
  }
  func.func @transform_20(%arg0: i32) -> (i32, i32) {
    %c0_i32 = arith.constant 0 : i32
    %c0_i32_0 = arith.constant 0 : i32
    return %arg0, %c0_i32 : i32, i32
  }
  func.func @transform_21(%arg0: i32) -> (i32, i32, i32) {
    %c0_i32 = arith.constant 0 : i32
    %c0_i32_0 = arith.constant 0 : i32
    %c0_i32_1 = arith.constant 0 : i32
    return %c0_i32, %arg0, %c0_i32_0 : i32, i32, i32
  }
  func.func @transform_22(%arg0: i32) -> (i32, i32, i32) {
    %c0_i32 = arith.constant 0 : i32
    %c0_i32_0 = arith.constant 0 : i32
    %c0_i32_1 = arith.constant 0 : i32
    return %c0_i32, %arg0, %c0_i32_0 : i32, i32, i32
  }
}

module attributes {stable_mosaic.version = 14 : i64} {
  func.func @_finalize_body(%arg0: i32, %arg1: memref<6x1000x32xf32, #tpu.memory_space<vmem>>, %arg2: memref<6x1000x1xf32, #tpu.memory_space<vmem>>, %arg3: memref<6x1000x32xf32, #tpu.memory_space<vmem>>, %arg4: memref<6x1000x32xf32, #tpu.memory_space<vmem>>, %arg5: memref<1x64xf32, #tpu.memory_space<vmem>>, %arg6: memref<1x32xf32, #tpu.memory_space<vmem>>, %arg7: memref<32x32xf32, #tpu.memory_space<vmem>>, %arg8: memref<1x32xf32, #tpu.memory_space<vmem>>, %arg9: memref<32x1xf32, #tpu.memory_space<vmem>>, %arg10: memref<1x1xf32, #tpu.memory_space<vmem>>, %arg11: memref<32x32xf32, #tpu.memory_space<vmem>>, %arg12: memref<1x32xf32, #tpu.memory_space<vmem>>, %arg13: memref<32x1xf32, #tpu.memory_space<vmem>>, %arg14: memref<1x1xf32, #tpu.memory_space<vmem>>, %arg15: memref<32x32xf32, #tpu.memory_space<vmem>>, %arg16: memref<1x32xf32, #tpu.memory_space<vmem>>, %arg17: memref<32x1xf32, #tpu.memory_space<vmem>>, %arg18: memref<1x1xf32, #tpu.memory_space<vmem>>, %arg19: memref<1000x3xf32, #tpu.memory_space<vmem>>) attributes {dimension_semantics = [#tpu.dimension_semantics<arbitrary>], iteration_bounds = array<i64: 50>, scalar_prefetch = 0 : i64, scratch_operands = 0 : i64, tpu.core_type = #tpu.core_type<tc>, window_params = [{transform_indices = @transform_0, window_bounds = array<i64: 6, 1000, 32>}, {transform_indices = @transform_1, window_bounds = array<i64: 6, 1000, 1>}, {transform_indices = @transform_2, window_bounds = array<i64: 6, 1000, 32>}, {transform_indices = @transform_3, window_bounds = array<i64: 6, 1000, 32>}, {pipeline_mode = #tpu.pipeline_mode<synchronous>, transform_indices = @transform_4, window_bounds = array<i64: 1, 64>}, {pipeline_mode = #tpu.pipeline_mode<synchronous>, transform_indices = @transform_5, window_bounds = array<i64: 1, 32>}, {pipeline_mode = #tpu.pipeline_mode<synchronous>, transform_indices = @transform_6, window_bounds = array<i64: 32, 32>}, {pipeline_mode = #tpu.pipeline_mode<synchronous>, transform_indices = @transform_7, window_bounds = array<i64: 1, 32>}, {pipeline_mode = #tpu.pipeline_mode<synchronous>, transform_indices = @transform_8, window_bounds = array<i64: 32, 1>}, {pipeline_mode = #tpu.pipeline_mode<synchronous>, transform_indices = @transform_9, window_bounds = array<i64: 1, 1>}, {pipeline_mode = #tpu.pipeline_mode<synchronous>, transform_indices = @transform_10, window_bounds = array<i64: 32, 32>}, {pipeline_mode = #tpu.pipeline_mode<synchronous>, transform_indices = @transform_11, window_bounds = array<i64: 1, 32>}, {pipeline_mode = #tpu.pipeline_mode<synchronous>, transform_indices = @transform_12, window_bounds = array<i64: 32, 1>}, {pipeline_mode = #tpu.pipeline_mode<synchronous>, transform_indices = @transform_13, window_bounds = array<i64: 1, 1>}, {pipeline_mode = #tpu.pipeline_mode<synchronous>, transform_indices = @transform_14, window_bounds = array<i64: 32, 32>}, {pipeline_mode = #tpu.pipeline_mode<synchronous>, transform_indices = @transform_15, window_bounds = array<i64: 1, 32>}, {pipeline_mode = #tpu.pipeline_mode<synchronous>, transform_indices = @transform_16, window_bounds = array<i64: 32, 1>}, {pipeline_mode = #tpu.pipeline_mode<synchronous>, transform_indices = @transform_17, window_bounds = array<i64: 1, 1>}, {transform_indices = @transform_18, window_bounds = array<i64: 1000, 3>}]} {
    %get3A = arith.constant 0 : index
    %get3A_0 = arith.constant 0 : index
    %get3A_1 = arith.constant 0 : index
    %get3A_2 = vector.load %arg3[%get3A, %get3A_0, %get3A_1] : memref<6x1000x32xf32, #tpu.memory_space<vmem>>, vector<1x1000x32xf32>
    %get3A_3 = vector.shape_cast %get3A_2 : vector<1x1000x32xf32> to vector<1000x32xf32>
    %get3A_4 = arith.constant 0 : index
    %get3A_5 = arith.constant 0 : index
    %get3A_6 = arith.constant 0 : index
    %get3A_7 = vector.load %arg4[%get3A_4, %get3A_5, %get3A_6] : memref<6x1000x32xf32, #tpu.memory_space<vmem>>, vector<1x1000x32xf32>
    %get3A_8 = vector.shape_cast %get3A_7 : vector<1x1000x32xf32> to vector<1000x32xf32>
    %add3A = arith.addf %get3A_3, %get3A_8 : vector<1000x32xf32>
    %ge3A = arith.constant 0.000000e+00 : f32
    %ge3A_9 = vector.broadcast %ge3A : f32 to vector<1000x32xf32>
    %ge3A_10 = arith.cmpf oge, %add3A, %ge3A_9 : vector<1000x32xf32>
    %mul3A = arith.constant 2.000000e-01 : f32
    %mul3A_11 = vector.broadcast %mul3A : f32 to vector<1000x32xf32>
    %mul3A_12 = arith.mulf %mul3A_11, %add3A : vector<1000x32xf32>
    %select_n3A = arith.select %ge3A_10, %add3A, %mul3A_12 : vector<1000x32xi1>, vector<1000x32xf32>
    %get3A_13 = arith.constant 0 : index
    %get3A_14 = arith.constant 0 : index
    %get3A_15 = vector.load %arg5[%get3A_13, %get3A_14] : memref<1x64xf32, #tpu.memory_space<vmem>>, vector<1x32xf32>
    %mul3A_16 = vector.broadcast %get3A_15 : vector<1x32xf32> to vector<1000x32xf32>
    %mul3A_17 = arith.mulf %select_n3A, %mul3A_16 : vector<1000x32xf32>
    %reduce_sum3A = arith.constant dense<0.000000e+00> : vector<1000xf32>
    %reduce_sum3A_18 = vector.multi_reduction <add>, %mul3A_17, %reduce_sum3A [1] : vector<1000x32xf32> to vector<1000xf32>
    %broadcast_in_dim3A = vector.shape_cast %reduce_sum3A_18 : vector<1000xf32> to vector<1000x1xf32>
    %exp3A = math.exp %broadcast_in_dim3A : vector<1000x1xf32>
    %get3A_19 = arith.constant 0 : index
    %get3A_20 = arith.constant 0 : index
    %get3A_21 = arith.constant 0 : index
    %get3A_22 = vector.load %arg2[%get3A_19, %get3A_20, %get3A_21] : memref<6x1000x1xf32, #tpu.memory_space<vmem>>, vector<1x1000x1xf32>
    %get3A_23 = vector.shape_cast %get3A_22 : vector<1x1000x1xf32> to vector<1000x1xf32>
    %add3A_24 = arith.addf %get3A_23, %exp3A : vector<1000x1xf32>
    %get3A_25 = arith.constant 0 : index
    %get3A_26 = arith.constant 0 : index
    %get3A_27 = arith.constant 0 : index
    %get3A_28 = vector.load %arg1[%get3A_25, %get3A_26, %get3A_27] : memref<6x1000x32xf32, #tpu.memory_space<vmem>>, vector<1x1000x32xf32>
    %get3A_29 = vector.shape_cast %get3A_28 : vector<1x1000x32xf32> to vector<1000x32xf32>
    %mul3A_30 = vector.broadcast %exp3A : vector<1000x1xf32> to vector<1000x32xf32>
    %mul3A_31 = arith.mulf %get3A_3, %mul3A_30 : vector<1000x32xf32>
    %add3A_32 = arith.addf %get3A_29, %mul3A_31 : vector<1000x32xf32>
    %add3A_33 = arith.constant 1.000000e-16 : f32
    %add3A_34 = vector.broadcast %add3A_33 : f32 to vector<1000x1xf32>
    %add3A_35 = arith.addf %add3A_24, %add3A_34 : vector<1000x1xf32>
    %div3A = vector.broadcast %add3A_35 : vector<1000x1xf32> to vector<1000x32xf32>
    %div3A_36 = arith.divf %add3A_32, %div3A : vector<1000x32xf32>
    %get3A_37 = arith.constant 1 : index
    %get3A_38 = arith.constant 0 : index
    %get3A_39 = arith.constant 0 : index
    %get3A_40 = vector.load %arg3[%get3A_37, %get3A_38, %get3A_39] : memref<6x1000x32xf32, #tpu.memory_space<vmem>>, vector<1x1000x32xf32>
    %get3A_41 = vector.shape_cast %get3A_40 : vector<1x1000x32xf32> to vector<1000x32xf32>
    %get3A_42 = arith.constant 1 : index
    %get3A_43 = arith.constant 0 : index
    %get3A_44 = arith.constant 0 : index
    %get3A_45 = vector.load %arg4[%get3A_42, %get3A_43, %get3A_44] : memref<6x1000x32xf32, #tpu.memory_space<vmem>>, vector<1x1000x32xf32>
    %get3A_46 = vector.shape_cast %get3A_45 : vector<1x1000x32xf32> to vector<1000x32xf32>
    %add3A_47 = arith.addf %get3A_41, %get3A_46 : vector<1000x32xf32>
    %ge3A_48 = arith.constant 0.000000e+00 : f32
    %ge3A_49 = vector.broadcast %ge3A_48 : f32 to vector<1000x32xf32>
    %ge3A_50 = arith.cmpf oge, %add3A_47, %ge3A_49 : vector<1000x32xf32>
    %mul3A_51 = arith.constant 2.000000e-01 : f32
    %mul3A_52 = vector.broadcast %mul3A_51 : f32 to vector<1000x32xf32>
    %mul3A_53 = arith.mulf %mul3A_52, %add3A_47 : vector<1000x32xf32>
    %select_n3A_54 = arith.select %ge3A_50, %add3A_47, %mul3A_53 : vector<1000x32xi1>, vector<1000x32xf32>
    %get3A_55 = arith.constant 0 : index
    %get3A_56 = arith.constant 32 : index
    %get3A_57 = vector.load %arg5[%get3A_55, %get3A_56] : memref<1x64xf32, #tpu.memory_space<vmem>>, vector<1x32xf32>
    %mul3A_58 = vector.broadcast %get3A_57 : vector<1x32xf32> to vector<1000x32xf32>
    %mul3A_59 = arith.mulf %select_n3A_54, %mul3A_58 : vector<1000x32xf32>
    %reduce_sum3A_60 = arith.constant dense<0.000000e+00> : vector<1000xf32>
    %reduce_sum3A_61 = vector.multi_reduction <add>, %mul3A_59, %reduce_sum3A_60 [1] : vector<1000x32xf32> to vector<1000xf32>
    %broadcast_in_dim3A_62 = vector.shape_cast %reduce_sum3A_61 : vector<1000xf32> to vector<1000x1xf32>
    %exp3A_63 = math.exp %broadcast_in_dim3A_62 : vector<1000x1xf32>
    %get3A_64 = arith.constant 1 : index
    %get3A_65 = arith.constant 0 : index
    %get3A_66 = arith.constant 0 : index
    %get3A_67 = vector.load %arg2[%get3A_64, %get3A_65, %get3A_66] : memref<6x1000x1xf32, #tpu.memory_space<vmem>>, vector<1x1000x1xf32>
    %get3A_68 = vector.shape_cast %get3A_67 : vector<1x1000x1xf32> to vector<1000x1xf32>
    %add3A_69 = arith.addf %get3A_68, %exp3A_63 : vector<1000x1xf32>
    %get3A_70 = arith.constant 1 : index
    %get3A_71 = arith.constant 0 : index
    %get3A_72 = arith.constant 0 : index
    %get3A_73 = vector.load %arg1[%get3A_70, %get3A_71, %get3A_72] : memref<6x1000x32xf32, #tpu.memory_space<vmem>>, vector<1x1000x32xf32>
    %get3A_74 = vector.shape_cast %get3A_73 : vector<1x1000x32xf32> to vector<1000x32xf32>
    %mul3A_75 = vector.broadcast %exp3A_63 : vector<1000x1xf32> to vector<1000x32xf32>
    %mul3A_76 = arith.mulf %get3A_41, %mul3A_75 : vector<1000x32xf32>
    %add3A_77 = arith.addf %get3A_74, %mul3A_76 : vector<1000x32xf32>
    %add3A_78 = arith.constant 1.000000e-16 : f32
    %add3A_79 = vector.broadcast %add3A_78 : f32 to vector<1000x1xf32>
    %add3A_80 = arith.addf %add3A_69, %add3A_79 : vector<1000x1xf32>
    %div3A_81 = vector.broadcast %add3A_80 : vector<1000x1xf32> to vector<1000x32xf32>
    %div3A_82 = arith.divf %add3A_77, %div3A_81 : vector<1000x32xf32>
    %add3A_83 = arith.addf %div3A_36, %div3A_82 : vector<1000x32xf32>
    %mul3A_84 = arith.constant 5.000000e-01 : f32
    %mul3A_85 = vector.broadcast %mul3A_84 : f32 to vector<1000x32xf32>
    %mul3A_86 = arith.mulf %mul3A_85, %add3A_83 : vector<1000x32xf32>
    %get3A_87 = arith.constant 0 : index
    %get3A_88 = arith.constant 0 : index
    %get3A_89 = vector.load %arg6[%get3A_87, %get3A_88] : memref<1x32xf32, #tpu.memory_space<vmem>>, vector<1x32xf32>
    %add3A_90 = vector.broadcast %get3A_89 : vector<1x32xf32> to vector<1000x32xf32>
    %add3A_91 = arith.addf %mul3A_86, %add3A_90 : vector<1000x32xf32>
    %mul3A_92 = arith.constant 5.000000e-01 : f32
    %mul3A_93 = vector.broadcast %mul3A_92 : f32 to vector<1000x32xf32>
    %mul3A_94 = arith.mulf %mul3A_93, %add3A_91 : vector<1000x32xf32>
    %mul3A_95 = arith.constant 0.707106769 : f32
    %mul3A_96 = vector.broadcast %mul3A_95 : f32 to vector<1000x32xf32>
    %mul3A_97 = arith.mulf %add3A_91, %mul3A_96 : vector<1000x32xf32>
    %erf3A = math.erf %mul3A_97 : vector<1000x32xf32>
    %add3A_98 = arith.constant 1.000000e+00 : f32
    %add3A_99 = vector.broadcast %add3A_98 : f32 to vector<1000x32xf32>
    %add3A_100 = arith.addf %add3A_99, %erf3A : vector<1000x32xf32>
    %mul3A_101 = arith.mulf %mul3A_94, %add3A_100 : vector<1000x32xf32>
    %get3A_102 = arith.constant 0 : index
    %get3A_103 = arith.constant 0 : index
    %get3A_104 = vector.load %arg7[%get3A_102, %get3A_103] : memref<32x32xf32, #tpu.memory_space<vmem>>, vector<32x32xf32>
    %dot_general3A = arith.constant dense<0.000000e+00> : vector<1000x32xf32>
    %dot_general3A_105 = tpu.matmul %mul3A_101, %get3A_104, %dot_general3A {dimension_numbers = #tpu.dot_dimension_numbers<[1], [0], [0], [1], [0, 0, 1, 1], [], []>, transpose_lhs_hint = false} : vector<1000x32xf32>, vector<32x32xf32>, vector<1000x32xf32> -> vector<1000x32xf32>
    %get3A_106 = arith.constant 0 : index
    %get3A_107 = arith.constant 0 : index
    %get3A_108 = vector.load %arg8[%get3A_106, %get3A_107] : memref<1x32xf32, #tpu.memory_space<vmem>>, vector<1x32xf32>
    %add3A_109 = vector.broadcast %get3A_108 : vector<1x32xf32> to vector<1000x32xf32>
    %add3A_110 = arith.addf %dot_general3A_105, %add3A_109 : vector<1000x32xf32>
    %mul3A_111 = arith.constant 5.000000e-01 : f32
    %mul3A_112 = vector.broadcast %mul3A_111 : f32 to vector<1000x32xf32>
    %mul3A_113 = arith.mulf %mul3A_112, %add3A_110 : vector<1000x32xf32>
    %mul3A_114 = arith.constant 0.707106769 : f32
    %mul3A_115 = vector.broadcast %mul3A_114 : f32 to vector<1000x32xf32>
    %mul3A_116 = arith.mulf %add3A_110, %mul3A_115 : vector<1000x32xf32>
    %erf3A_117 = math.erf %mul3A_116 : vector<1000x32xf32>
    %add3A_118 = arith.constant 1.000000e+00 : f32
    %add3A_119 = vector.broadcast %add3A_118 : f32 to vector<1000x32xf32>
    %add3A_120 = arith.addf %add3A_119, %erf3A_117 : vector<1000x32xf32>
    %mul3A_121 = arith.mulf %mul3A_113, %add3A_120 : vector<1000x32xf32>
    %get3A_122 = arith.constant 0 : index
    %get3A_123 = arith.constant 0 : index
    %get3A_124 = vector.load %arg9[%get3A_122, %get3A_123] : memref<32x1xf32, #tpu.memory_space<vmem>>, vector<32x1xf32>
    %dot_general3A_125 = arith.constant dense<0.000000e+00> : vector<1000x1xf32>
    %dot_general3A_126 = tpu.matmul %mul3A_121, %get3A_124, %dot_general3A_125 {dimension_numbers = #tpu.dot_dimension_numbers<[1], [0], [0], [1], [0, 0, 1, 1], [], []>, transpose_lhs_hint = false} : vector<1000x32xf32>, vector<32x1xf32>, vector<1000x1xf32> -> vector<1000x1xf32>
    %get3A_127 = arith.constant 0 : index
    %get3A_128 = arith.constant 0 : index
    %get3A_129 = vector.load %arg10[%get3A_127, %get3A_128] : memref<1x1xf32, #tpu.memory_space<vmem>>, vector<1x1xf32>
    %add3A_130 = vector.broadcast %get3A_129 : vector<1x1xf32> to vector<1000x1xf32>
    %add3A_131 = arith.addf %dot_general3A_126, %add3A_130 : vector<1000x1xf32>
    %logistic3A = arith.negf %add3A_131 : vector<1000x1xf32>
    %logistic3A_132 = math.exp %logistic3A : vector<1000x1xf32>
    %logistic3A_133 = arith.constant 1.000000e+00 : f32
    %logistic3A_134 = vector.broadcast %logistic3A_133 : f32 to vector<1000x1xf32>
    %logistic3A_135 = arith.addf %logistic3A_134, %logistic3A_132 : vector<1000x1xf32>
    %logistic3A_136 = arith.divf %logistic3A_134, %logistic3A_135 : vector<1000x1xf32>
    %get3A_137 = arith.constant 2 : index
    %get3A_138 = arith.constant 0 : index
    %get3A_139 = arith.constant 0 : index
    %get3A_140 = vector.load %arg3[%get3A_137, %get3A_138, %get3A_139] : memref<6x1000x32xf32, #tpu.memory_space<vmem>>, vector<1x1000x32xf32>
    %get3A_141 = vector.shape_cast %get3A_140 : vector<1x1000x32xf32> to vector<1000x32xf32>
    %get3A_142 = arith.constant 2 : index
    %get3A_143 = arith.constant 0 : index
    %get3A_144 = arith.constant 0 : index
    %get3A_145 = vector.load %arg4[%get3A_142, %get3A_143, %get3A_144] : memref<6x1000x32xf32, #tpu.memory_space<vmem>>, vector<1x1000x32xf32>
    %get3A_146 = vector.shape_cast %get3A_145 : vector<1x1000x32xf32> to vector<1000x32xf32>
    %add3A_147 = arith.addf %get3A_141, %get3A_146 : vector<1000x32xf32>
    %ge3A_148 = arith.constant 0.000000e+00 : f32
    %ge3A_149 = vector.broadcast %ge3A_148 : f32 to vector<1000x32xf32>
    %ge3A_150 = arith.cmpf oge, %add3A_147, %ge3A_149 : vector<1000x32xf32>
    %mul3A_151 = arith.constant 2.000000e-01 : f32
    %mul3A_152 = vector.broadcast %mul3A_151 : f32 to vector<1000x32xf32>
    %mul3A_153 = arith.mulf %mul3A_152, %add3A_147 : vector<1000x32xf32>
    %select_n3A_154 = arith.select %ge3A_150, %add3A_147, %mul3A_153 : vector<1000x32xi1>, vector<1000x32xf32>
    %get3A_155 = arith.constant 0 : index
    %get3A_156 = arith.constant 0 : index
    %get3A_157 = vector.load %arg5[%get3A_155, %get3A_156] : memref<1x64xf32, #tpu.memory_space<vmem>>, vector<1x32xf32>
    %mul3A_158 = vector.broadcast %get3A_157 : vector<1x32xf32> to vector<1000x32xf32>
    %mul3A_159 = arith.mulf %select_n3A_154, %mul3A_158 : vector<1000x32xf32>
    %reduce_sum3A_160 = arith.constant dense<0.000000e+00> : vector<1000xf32>
    %reduce_sum3A_161 = vector.multi_reduction <add>, %mul3A_159, %reduce_sum3A_160 [1] : vector<1000x32xf32> to vector<1000xf32>
    %broadcast_in_dim3A_162 = vector.shape_cast %reduce_sum3A_161 : vector<1000xf32> to vector<1000x1xf32>
    %exp3A_163 = math.exp %broadcast_in_dim3A_162 : vector<1000x1xf32>
    %get3A_164 = arith.constant 2 : index
    %get3A_165 = arith.constant 0 : index
    %get3A_166 = arith.constant 0 : index
    %get3A_167 = vector.load %arg2[%get3A_164, %get3A_165, %get3A_166] : memref<6x1000x1xf32, #tpu.memory_space<vmem>>, vector<1x1000x1xf32>
    %get3A_168 = vector.shape_cast %get3A_167 : vector<1x1000x1xf32> to vector<1000x1xf32>
    %add3A_169 = arith.addf %get3A_168, %exp3A_163 : vector<1000x1xf32>
    %get3A_170 = arith.constant 2 : index
    %get3A_171 = arith.constant 0 : index
    %get3A_172 = arith.constant 0 : index
    %get3A_173 = vector.load %arg1[%get3A_170, %get3A_171, %get3A_172] : memref<6x1000x32xf32, #tpu.memory_space<vmem>>, vector<1x1000x32xf32>
    %get3A_174 = vector.shape_cast %get3A_173 : vector<1x1000x32xf32> to vector<1000x32xf32>
    %mul3A_175 = vector.broadcast %exp3A_163 : vector<1000x1xf32> to vector<1000x32xf32>
    %mul3A_176 = arith.mulf %get3A_141, %mul3A_175 : vector<1000x32xf32>
    %add3A_177 = arith.addf %get3A_174, %mul3A_176 : vector<1000x32xf32>
    %add3A_178 = arith.constant 1.000000e-16 : f32
    %add3A_179 = vector.broadcast %add3A_178 : f32 to vector<1000x1xf32>
    %add3A_180 = arith.addf %add3A_169, %add3A_179 : vector<1000x1xf32>
    %div3A_181 = vector.broadcast %add3A_180 : vector<1000x1xf32> to vector<1000x32xf32>
    %div3A_182 = arith.divf %add3A_177, %div3A_181 : vector<1000x32xf32>
    %get3A_183 = arith.constant 3 : index
    %get3A_184 = arith.constant 0 : index
    %get3A_185 = arith.constant 0 : index
    %get3A_186 = vector.load %arg3[%get3A_183, %get3A_184, %get3A_185] : memref<6x1000x32xf32, #tpu.memory_space<vmem>>, vector<1x1000x32xf32>
    %get3A_187 = vector.shape_cast %get3A_186 : vector<1x1000x32xf32> to vector<1000x32xf32>
    %get3A_188 = arith.constant 3 : index
    %get3A_189 = arith.constant 0 : index
    %get3A_190 = arith.constant 0 : index
    %get3A_191 = vector.load %arg4[%get3A_188, %get3A_189, %get3A_190] : memref<6x1000x32xf32, #tpu.memory_space<vmem>>, vector<1x1000x32xf32>
    %get3A_192 = vector.shape_cast %get3A_191 : vector<1x1000x32xf32> to vector<1000x32xf32>
    %add3A_193 = arith.addf %get3A_187, %get3A_192 : vector<1000x32xf32>
    %ge3A_194 = arith.constant 0.000000e+00 : f32
    %ge3A_195 = vector.broadcast %ge3A_194 : f32 to vector<1000x32xf32>
    %ge3A_196 = arith.cmpf oge, %add3A_193, %ge3A_195 : vector<1000x32xf32>
    %mul3A_197 = arith.constant 2.000000e-01 : f32
    %mul3A_198 = vector.broadcast %mul3A_197 : f32 to vector<1000x32xf32>
    %mul3A_199 = arith.mulf %mul3A_198, %add3A_193 : vector<1000x32xf32>
    %select_n3A_200 = arith.select %ge3A_196, %add3A_193, %mul3A_199 : vector<1000x32xi1>, vector<1000x32xf32>
    %get3A_201 = arith.constant 0 : index
    %get3A_202 = arith.constant 32 : index
    %get3A_203 = vector.load %arg5[%get3A_201, %get3A_202] : memref<1x64xf32, #tpu.memory_space<vmem>>, vector<1x32xf32>
    %mul3A_204 = vector.broadcast %get3A_203 : vector<1x32xf32> to vector<1000x32xf32>
    %mul3A_205 = arith.mulf %select_n3A_200, %mul3A_204 : vector<1000x32xf32>
    %reduce_sum3A_206 = arith.constant dense<0.000000e+00> : vector<1000xf32>
    %reduce_sum3A_207 = vector.multi_reduction <add>, %mul3A_205, %reduce_sum3A_206 [1] : vector<1000x32xf32> to vector<1000xf32>
    %broadcast_in_dim3A_208 = vector.shape_cast %reduce_sum3A_207 : vector<1000xf32> to vector<1000x1xf32>
    %exp3A_209 = math.exp %broadcast_in_dim3A_208 : vector<1000x1xf32>
    %get3A_210 = arith.constant 3 : index
    %get3A_211 = arith.constant 0 : index
    %get3A_212 = arith.constant 0 : index
    %get3A_213 = vector.load %arg2[%get3A_210, %get3A_211, %get3A_212] : memref<6x1000x1xf32, #tpu.memory_space<vmem>>, vector<1x1000x1xf32>
    %get3A_214 = vector.shape_cast %get3A_213 : vector<1x1000x1xf32> to vector<1000x1xf32>
    %add3A_215 = arith.addf %get3A_214, %exp3A_209 : vector<1000x1xf32>
    %get3A_216 = arith.constant 3 : index
    %get3A_217 = arith.constant 0 : index
    %get3A_218 = arith.constant 0 : index
    %get3A_219 = vector.load %arg1[%get3A_216, %get3A_217, %get3A_218] : memref<6x1000x32xf32, #tpu.memory_space<vmem>>, vector<1x1000x32xf32>
    %get3A_220 = vector.shape_cast %get3A_219 : vector<1x1000x32xf32> to vector<1000x32xf32>
    %mul3A_221 = vector.broadcast %exp3A_209 : vector<1000x1xf32> to vector<1000x32xf32>
    %mul3A_222 = arith.mulf %get3A_187, %mul3A_221 : vector<1000x32xf32>
    %add3A_223 = arith.addf %get3A_220, %mul3A_222 : vector<1000x32xf32>
    %add3A_224 = arith.constant 1.000000e-16 : f32
    %add3A_225 = vector.broadcast %add3A_224 : f32 to vector<1000x1xf32>
    %add3A_226 = arith.addf %add3A_215, %add3A_225 : vector<1000x1xf32>
    %div3A_227 = vector.broadcast %add3A_226 : vector<1000x1xf32> to vector<1000x32xf32>
    %div3A_228 = arith.divf %add3A_223, %div3A_227 : vector<1000x32xf32>
    %add3A_229 = arith.addf %div3A_182, %div3A_228 : vector<1000x32xf32>
    %mul3A_230 = arith.constant 5.000000e-01 : f32
    %mul3A_231 = vector.broadcast %mul3A_230 : f32 to vector<1000x32xf32>
    %mul3A_232 = arith.mulf %mul3A_231, %add3A_229 : vector<1000x32xf32>
    %get3A_233 = arith.constant 0 : index
    %get3A_234 = arith.constant 0 : index
    %get3A_235 = vector.load %arg6[%get3A_233, %get3A_234] : memref<1x32xf32, #tpu.memory_space<vmem>>, vector<1x32xf32>
    %add3A_236 = vector.broadcast %get3A_235 : vector<1x32xf32> to vector<1000x32xf32>
    %add3A_237 = arith.addf %mul3A_232, %add3A_236 : vector<1000x32xf32>
    %mul3A_238 = arith.constant 5.000000e-01 : f32
    %mul3A_239 = vector.broadcast %mul3A_238 : f32 to vector<1000x32xf32>
    %mul3A_240 = arith.mulf %mul3A_239, %add3A_237 : vector<1000x32xf32>
    %mul3A_241 = arith.constant 0.707106769 : f32
    %mul3A_242 = vector.broadcast %mul3A_241 : f32 to vector<1000x32xf32>
    %mul3A_243 = arith.mulf %add3A_237, %mul3A_242 : vector<1000x32xf32>
    %erf3A_244 = math.erf %mul3A_243 : vector<1000x32xf32>
    %add3A_245 = arith.constant 1.000000e+00 : f32
    %add3A_246 = vector.broadcast %add3A_245 : f32 to vector<1000x32xf32>
    %add3A_247 = arith.addf %add3A_246, %erf3A_244 : vector<1000x32xf32>
    %mul3A_248 = arith.mulf %mul3A_240, %add3A_247 : vector<1000x32xf32>
    %get3A_249 = arith.constant 0 : index
    %get3A_250 = arith.constant 0 : index
    %get3A_251 = vector.load %arg11[%get3A_249, %get3A_250] : memref<32x32xf32, #tpu.memory_space<vmem>>, vector<32x32xf32>
    %dot_general3A_252 = arith.constant dense<0.000000e+00> : vector<1000x32xf32>
    %dot_general3A_253 = tpu.matmul %mul3A_248, %get3A_251, %dot_general3A_252 {dimension_numbers = #tpu.dot_dimension_numbers<[1], [0], [0], [1], [0, 0, 1, 1], [], []>, transpose_lhs_hint = false} : vector<1000x32xf32>, vector<32x32xf32>, vector<1000x32xf32> -> vector<1000x32xf32>
    %get3A_254 = arith.constant 0 : index
    %get3A_255 = arith.constant 0 : index
    %get3A_256 = vector.load %arg12[%get3A_254, %get3A_255] : memref<1x32xf32, #tpu.memory_space<vmem>>, vector<1x32xf32>
    %add3A_257 = vector.broadcast %get3A_256 : vector<1x32xf32> to vector<1000x32xf32>
    %add3A_258 = arith.addf %dot_general3A_253, %add3A_257 : vector<1000x32xf32>
    %mul3A_259 = arith.constant 5.000000e-01 : f32
    %mul3A_260 = vector.broadcast %mul3A_259 : f32 to vector<1000x32xf32>
    %mul3A_261 = arith.mulf %mul3A_260, %add3A_258 : vector<1000x32xf32>
    %mul3A_262 = arith.constant 0.707106769 : f32
    %mul3A_263 = vector.broadcast %mul3A_262 : f32 to vector<1000x32xf32>
    %mul3A_264 = arith.mulf %add3A_258, %mul3A_263 : vector<1000x32xf32>
    %erf3A_265 = math.erf %mul3A_264 : vector<1000x32xf32>
    %add3A_266 = arith.constant 1.000000e+00 : f32
    %add3A_267 = vector.broadcast %add3A_266 : f32 to vector<1000x32xf32>
    %add3A_268 = arith.addf %add3A_267, %erf3A_265 : vector<1000x32xf32>
    %mul3A_269 = arith.mulf %mul3A_261, %add3A_268 : vector<1000x32xf32>
    %get3A_270 = arith.constant 0 : index
    %get3A_271 = arith.constant 0 : index
    %get3A_272 = vector.load %arg13[%get3A_270, %get3A_271] : memref<32x1xf32, #tpu.memory_space<vmem>>, vector<32x1xf32>
    %dot_general3A_273 = arith.constant dense<0.000000e+00> : vector<1000x1xf32>
    %dot_general3A_274 = tpu.matmul %mul3A_269, %get3A_272, %dot_general3A_273 {dimension_numbers = #tpu.dot_dimension_numbers<[1], [0], [0], [1], [0, 0, 1, 1], [], []>, transpose_lhs_hint = false} : vector<1000x32xf32>, vector<32x1xf32>, vector<1000x1xf32> -> vector<1000x1xf32>
    %get3A_275 = arith.constant 0 : index
    %get3A_276 = arith.constant 0 : index
    %get3A_277 = vector.load %arg14[%get3A_275, %get3A_276] : memref<1x1xf32, #tpu.memory_space<vmem>>, vector<1x1xf32>
    %add3A_278 = vector.broadcast %get3A_277 : vector<1x1xf32> to vector<1000x1xf32>
    %add3A_279 = arith.addf %dot_general3A_274, %add3A_278 : vector<1000x1xf32>
    %logistic3A_280 = arith.negf %add3A_279 : vector<1000x1xf32>
    %logistic3A_281 = math.exp %logistic3A_280 : vector<1000x1xf32>
    %logistic3A_282 = arith.constant 1.000000e+00 : f32
    %logistic3A_283 = vector.broadcast %logistic3A_282 : f32 to vector<1000x1xf32>
    %logistic3A_284 = arith.addf %logistic3A_283, %logistic3A_281 : vector<1000x1xf32>
    %logistic3A_285 = arith.divf %logistic3A_283, %logistic3A_284 : vector<1000x1xf32>
    %get3A_286 = arith.constant 4 : index
    %get3A_287 = arith.constant 0 : index
    %get3A_288 = arith.constant 0 : index
    %get3A_289 = vector.load %arg3[%get3A_286, %get3A_287, %get3A_288] : memref<6x1000x32xf32, #tpu.memory_space<vmem>>, vector<1x1000x32xf32>
    %get3A_290 = vector.shape_cast %get3A_289 : vector<1x1000x32xf32> to vector<1000x32xf32>
    %get3A_291 = arith.constant 4 : index
    %get3A_292 = arith.constant 0 : index
    %get3A_293 = arith.constant 0 : index
    %get3A_294 = vector.load %arg4[%get3A_291, %get3A_292, %get3A_293] : memref<6x1000x32xf32, #tpu.memory_space<vmem>>, vector<1x1000x32xf32>
    %get3A_295 = vector.shape_cast %get3A_294 : vector<1x1000x32xf32> to vector<1000x32xf32>
    %add3A_296 = arith.addf %get3A_290, %get3A_295 : vector<1000x32xf32>
    %ge3A_297 = arith.constant 0.000000e+00 : f32
    %ge3A_298 = vector.broadcast %ge3A_297 : f32 to vector<1000x32xf32>
    %ge3A_299 = arith.cmpf oge, %add3A_296, %ge3A_298 : vector<1000x32xf32>
    %mul3A_300 = arith.constant 2.000000e-01 : f32
    %mul3A_301 = vector.broadcast %mul3A_300 : f32 to vector<1000x32xf32>
    %mul3A_302 = arith.mulf %mul3A_301, %add3A_296 : vector<1000x32xf32>
    %select_n3A_303 = arith.select %ge3A_299, %add3A_296, %mul3A_302 : vector<1000x32xi1>, vector<1000x32xf32>
    %get3A_304 = arith.constant 0 : index
    %get3A_305 = arith.constant 0 : index
    %get3A_306 = vector.load %arg5[%get3A_304, %get3A_305] : memref<1x64xf32, #tpu.memory_space<vmem>>, vector<1x32xf32>
    %mul3A_307 = vector.broadcast %get3A_306 : vector<1x32xf32> to vector<1000x32xf32>
    %mul3A_308 = arith.mulf %select_n3A_303, %mul3A_307 : vector<1000x32xf32>
    %reduce_sum3A_309 = arith.constant dense<0.000000e+00> : vector<1000xf32>
    %reduce_sum3A_310 = vector.multi_reduction <add>, %mul3A_308, %reduce_sum3A_309 [1] : vector<1000x32xf32> to vector<1000xf32>
    %broadcast_in_dim3A_311 = vector.shape_cast %reduce_sum3A_310 : vector<1000xf32> to vector<1000x1xf32>
    %exp3A_312 = math.exp %broadcast_in_dim3A_311 : vector<1000x1xf32>
    %get3A_313 = arith.constant 4 : index
    %get3A_314 = arith.constant 0 : index
    %get3A_315 = arith.constant 0 : index
    %get3A_316 = vector.load %arg2[%get3A_313, %get3A_314, %get3A_315] : memref<6x1000x1xf32, #tpu.memory_space<vmem>>, vector<1x1000x1xf32>
    %get3A_317 = vector.shape_cast %get3A_316 : vector<1x1000x1xf32> to vector<1000x1xf32>
    %add3A_318 = arith.addf %get3A_317, %exp3A_312 : vector<1000x1xf32>
    %get3A_319 = arith.constant 4 : index
    %get3A_320 = arith.constant 0 : index
    %get3A_321 = arith.constant 0 : index
    %get3A_322 = vector.load %arg1[%get3A_319, %get3A_320, %get3A_321] : memref<6x1000x32xf32, #tpu.memory_space<vmem>>, vector<1x1000x32xf32>
    %get3A_323 = vector.shape_cast %get3A_322 : vector<1x1000x32xf32> to vector<1000x32xf32>
    %mul3A_324 = vector.broadcast %exp3A_312 : vector<1000x1xf32> to vector<1000x32xf32>
    %mul3A_325 = arith.mulf %get3A_290, %mul3A_324 : vector<1000x32xf32>
    %add3A_326 = arith.addf %get3A_323, %mul3A_325 : vector<1000x32xf32>
    %add3A_327 = arith.constant 1.000000e-16 : f32
    %add3A_328 = vector.broadcast %add3A_327 : f32 to vector<1000x1xf32>
    %add3A_329 = arith.addf %add3A_318, %add3A_328 : vector<1000x1xf32>
    %div3A_330 = vector.broadcast %add3A_329 : vector<1000x1xf32> to vector<1000x32xf32>
    %div3A_331 = arith.divf %add3A_326, %div3A_330 : vector<1000x32xf32>
    %get3A_332 = arith.constant 5 : index
    %get3A_333 = arith.constant 0 : index
    %get3A_334 = arith.constant 0 : index
    %get3A_335 = vector.load %arg3[%get3A_332, %get3A_333, %get3A_334] : memref<6x1000x32xf32, #tpu.memory_space<vmem>>, vector<1x1000x32xf32>
    %get3A_336 = vector.shape_cast %get3A_335 : vector<1x1000x32xf32> to vector<1000x32xf32>
    %get3A_337 = arith.constant 5 : index
    %get3A_338 = arith.constant 0 : index
    %get3A_339 = arith.constant 0 : index
    %get3A_340 = vector.load %arg4[%get3A_337, %get3A_338, %get3A_339] : memref<6x1000x32xf32, #tpu.memory_space<vmem>>, vector<1x1000x32xf32>
    %get3A_341 = vector.shape_cast %get3A_340 : vector<1x1000x32xf32> to vector<1000x32xf32>
    %add3A_342 = arith.addf %get3A_336, %get3A_341 : vector<1000x32xf32>
    %ge3A_343 = arith.constant 0.000000e+00 : f32
    %ge3A_344 = vector.broadcast %ge3A_343 : f32 to vector<1000x32xf32>
    %ge3A_345 = arith.cmpf oge, %add3A_342, %ge3A_344 : vector<1000x32xf32>
    %mul3A_346 = arith.constant 2.000000e-01 : f32
    %mul3A_347 = vector.broadcast %mul3A_346 : f32 to vector<1000x32xf32>
    %mul3A_348 = arith.mulf %mul3A_347, %add3A_342 : vector<1000x32xf32>
    %select_n3A_349 = arith.select %ge3A_345, %add3A_342, %mul3A_348 : vector<1000x32xi1>, vector<1000x32xf32>
    %get3A_350 = arith.constant 0 : index
    %get3A_351 = arith.constant 32 : index
    %get3A_352 = vector.load %arg5[%get3A_350, %get3A_351] : memref<1x64xf32, #tpu.memory_space<vmem>>, vector<1x32xf32>
    %mul3A_353 = vector.broadcast %get3A_352 : vector<1x32xf32> to vector<1000x32xf32>
    %mul3A_354 = arith.mulf %select_n3A_349, %mul3A_353 : vector<1000x32xf32>
    %reduce_sum3A_355 = arith.constant dense<0.000000e+00> : vector<1000xf32>
    %reduce_sum3A_356 = vector.multi_reduction <add>, %mul3A_354, %reduce_sum3A_355 [1] : vector<1000x32xf32> to vector<1000xf32>
    %broadcast_in_dim3A_357 = vector.shape_cast %reduce_sum3A_356 : vector<1000xf32> to vector<1000x1xf32>
    %exp3A_358 = math.exp %broadcast_in_dim3A_357 : vector<1000x1xf32>
    %get3A_359 = arith.constant 5 : index
    %get3A_360 = arith.constant 0 : index
    %get3A_361 = arith.constant 0 : index
    %get3A_362 = vector.load %arg2[%get3A_359, %get3A_360, %get3A_361] : memref<6x1000x1xf32, #tpu.memory_space<vmem>>, vector<1x1000x1xf32>
    %get3A_363 = vector.shape_cast %get3A_362 : vector<1x1000x1xf32> to vector<1000x1xf32>
    %add3A_364 = arith.addf %get3A_363, %exp3A_358 : vector<1000x1xf32>
    %get3A_365 = arith.constant 5 : index
    %get3A_366 = arith.constant 0 : index
    %get3A_367 = arith.constant 0 : index
    %get3A_368 = vector.load %arg1[%get3A_365, %get3A_366, %get3A_367] : memref<6x1000x32xf32, #tpu.memory_space<vmem>>, vector<1x1000x32xf32>
    %get3A_369 = vector.shape_cast %get3A_368 : vector<1x1000x32xf32> to vector<1000x32xf32>
    %mul3A_370 = vector.broadcast %exp3A_358 : vector<1000x1xf32> to vector<1000x32xf32>
    %mul3A_371 = arith.mulf %get3A_336, %mul3A_370 : vector<1000x32xf32>
    %add3A_372 = arith.addf %get3A_369, %mul3A_371 : vector<1000x32xf32>
    %add3A_373 = arith.constant 1.000000e-16 : f32
    %add3A_374 = vector.broadcast %add3A_373 : f32 to vector<1000x1xf32>
    %add3A_375 = arith.addf %add3A_364, %add3A_374 : vector<1000x1xf32>
    %div3A_376 = vector.broadcast %add3A_375 : vector<1000x1xf32> to vector<1000x32xf32>
    %div3A_377 = arith.divf %add3A_372, %div3A_376 : vector<1000x32xf32>
    %add3A_378 = arith.addf %div3A_331, %div3A_377 : vector<1000x32xf32>
    %mul3A_379 = arith.constant 5.000000e-01 : f32
    %mul3A_380 = vector.broadcast %mul3A_379 : f32 to vector<1000x32xf32>
    %mul3A_381 = arith.mulf %mul3A_380, %add3A_378 : vector<1000x32xf32>
    %get3A_382 = arith.constant 0 : index
    %get3A_383 = arith.constant 0 : index
    %get3A_384 = vector.load %arg6[%get3A_382, %get3A_383] : memref<1x32xf32, #tpu.memory_space<vmem>>, vector<1x32xf32>
    %add3A_385 = vector.broadcast %get3A_384 : vector<1x32xf32> to vector<1000x32xf32>
    %add3A_386 = arith.addf %mul3A_381, %add3A_385 : vector<1000x32xf32>
    %mul3A_387 = arith.constant 5.000000e-01 : f32
    %mul3A_388 = vector.broadcast %mul3A_387 : f32 to vector<1000x32xf32>
    %mul3A_389 = arith.mulf %mul3A_388, %add3A_386 : vector<1000x32xf32>
    %mul3A_390 = arith.constant 0.707106769 : f32
    %mul3A_391 = vector.broadcast %mul3A_390 : f32 to vector<1000x32xf32>
    %mul3A_392 = arith.mulf %add3A_386, %mul3A_391 : vector<1000x32xf32>
    %erf3A_393 = math.erf %mul3A_392 : vector<1000x32xf32>
    %add3A_394 = arith.constant 1.000000e+00 : f32
    %add3A_395 = vector.broadcast %add3A_394 : f32 to vector<1000x32xf32>
    %add3A_396 = arith.addf %add3A_395, %erf3A_393 : vector<1000x32xf32>
    %mul3A_397 = arith.mulf %mul3A_389, %add3A_396 : vector<1000x32xf32>
    %get3A_398 = arith.constant 0 : index
    %get3A_399 = arith.constant 0 : index
    %get3A_400 = vector.load %arg15[%get3A_398, %get3A_399] : memref<32x32xf32, #tpu.memory_space<vmem>>, vector<32x32xf32>
    %dot_general3A_401 = arith.constant dense<0.000000e+00> : vector<1000x32xf32>
    %dot_general3A_402 = tpu.matmul %mul3A_397, %get3A_400, %dot_general3A_401 {dimension_numbers = #tpu.dot_dimension_numbers<[1], [0], [0], [1], [0, 0, 1, 1], [], []>, transpose_lhs_hint = false} : vector<1000x32xf32>, vector<32x32xf32>, vector<1000x32xf32> -> vector<1000x32xf32>
    %get3A_403 = arith.constant 0 : index
    %get3A_404 = arith.constant 0 : index
    %get3A_405 = vector.load %arg16[%get3A_403, %get3A_404] : memref<1x32xf32, #tpu.memory_space<vmem>>, vector<1x32xf32>
    %add3A_406 = vector.broadcast %get3A_405 : vector<1x32xf32> to vector<1000x32xf32>
    %add3A_407 = arith.addf %dot_general3A_402, %add3A_406 : vector<1000x32xf32>
    %mul3A_408 = arith.constant 5.000000e-01 : f32
    %mul3A_409 = vector.broadcast %mul3A_408 : f32 to vector<1000x32xf32>
    %mul3A_410 = arith.mulf %mul3A_409, %add3A_407 : vector<1000x32xf32>
    %mul3A_411 = arith.constant 0.707106769 : f32
    %mul3A_412 = vector.broadcast %mul3A_411 : f32 to vector<1000x32xf32>
    %mul3A_413 = arith.mulf %add3A_407, %mul3A_412 : vector<1000x32xf32>
    %erf3A_414 = math.erf %mul3A_413 : vector<1000x32xf32>
    %add3A_415 = arith.constant 1.000000e+00 : f32
    %add3A_416 = vector.broadcast %add3A_415 : f32 to vector<1000x32xf32>
    %add3A_417 = arith.addf %add3A_416, %erf3A_414 : vector<1000x32xf32>
    %mul3A_418 = arith.mulf %mul3A_410, %add3A_417 : vector<1000x32xf32>
    %get3A_419 = arith.constant 0 : index
    %get3A_420 = arith.constant 0 : index
    %get3A_421 = vector.load %arg17[%get3A_419, %get3A_420] : memref<32x1xf32, #tpu.memory_space<vmem>>, vector<32x1xf32>
    %dot_general3A_422 = arith.constant dense<0.000000e+00> : vector<1000x1xf32>
    %dot_general3A_423 = tpu.matmul %mul3A_418, %get3A_421, %dot_general3A_422 {dimension_numbers = #tpu.dot_dimension_numbers<[1], [0], [0], [1], [0, 0, 1, 1], [], []>, transpose_lhs_hint = false} : vector<1000x32xf32>, vector<32x1xf32>, vector<1000x1xf32> -> vector<1000x1xf32>
    %get3A_424 = arith.constant 0 : index
    %get3A_425 = arith.constant 0 : index
    %get3A_426 = vector.load %arg18[%get3A_424, %get3A_425] : memref<1x1xf32, #tpu.memory_space<vmem>>, vector<1x1xf32>
    %add3A_427 = vector.broadcast %get3A_426 : vector<1x1xf32> to vector<1000x1xf32>
    %add3A_428 = arith.addf %dot_general3A_423, %add3A_427 : vector<1000x1xf32>
    %logistic3A_429 = arith.negf %add3A_428 : vector<1000x1xf32>
    %logistic3A_430 = math.exp %logistic3A_429 : vector<1000x1xf32>
    %logistic3A_431 = arith.constant 1.000000e+00 : f32
    %logistic3A_432 = vector.broadcast %logistic3A_431 : f32 to vector<1000x1xf32>
    %logistic3A_433 = arith.addf %logistic3A_432, %logistic3A_430 : vector<1000x1xf32>
    %logistic3A_434 = arith.divf %logistic3A_432, %logistic3A_433 : vector<1000x1xf32>
    %concatenate3A = tpu.concatenate %logistic3A_136, %logistic3A_285, %logistic3A_434 in 1 : vector<1000x1xf32>, vector<1000x1xf32>, vector<1000x1xf32> -> vector<1000x3xf32>
    %swap3A = arith.constant 0 : index
    %swap3A_435 = arith.constant 0 : index
    %swap3A_436 = vector.load %arg19[%swap3A, %swap3A_435] : memref<1000x3xf32, #tpu.memory_space<vmem>>, vector<1000x3xf32>
    tpu.vector_store %arg19[%swap3A, %swap3A_435], %concatenate3A {strides = array<i32>} : memref<1000x3xf32, #tpu.memory_space<vmem>>, vector<1000x3xf32>,
    return
  }
  func.func @transform_0(%arg0: i32) -> (i32, i32, i32) {
    %c0_i32 = arith.constant 0 : i32
    %c0_i32_0 = arith.constant 0 : i32
    %c0_i32_1 = arith.constant 0 : i32
    return %c0_i32, %arg0, %c0_i32_0 : i32, i32, i32
  }
  func.func @transform_1(%arg0: i32) -> (i32, i32, i32) {
    %c0_i32 = arith.constant 0 : i32
    %c0_i32_0 = arith.constant 0 : i32
    %c0_i32_1 = arith.constant 0 : i32
    return %c0_i32, %arg0, %c0_i32_0 : i32, i32, i32
  }
  func.func @transform_2(%arg0: i32) -> (i32, i32, i32) {
    %c0_i32 = arith.constant 0 : i32
    %c0_i32_0 = arith.constant 0 : i32
    %c0_i32_1 = arith.constant 0 : i32
    return %c0_i32, %arg0, %c0_i32_0 : i32, i32, i32
  }
  func.func @transform_3(%arg0: i32) -> (i32, i32, i32) {
    %c0_i32 = arith.constant 0 : i32
    %c0_i32_0 = arith.constant 0 : i32
    %c0_i32_1 = arith.constant 0 : i32
    return %c0_i32, %arg0, %c0_i32_0 : i32, i32, i32
  }
  func.func @transform_4(%arg0: i32) -> (i32, i32) {
    %c0_i32 = arith.constant 0 : i32
    %c0_i32_0 = arith.constant 0 : i32
    %c0_i32_1 = arith.constant 0 : i32
    return %c0_i32, %c0_i32_0 : i32, i32
  }
  func.func @transform_5(%arg0: i32) -> (i32, i32) {
    %c0_i32 = arith.constant 0 : i32
    %c0_i32_0 = arith.constant 0 : i32
    %c0_i32_1 = arith.constant 0 : i32
    return %c0_i32, %c0_i32_0 : i32, i32
  }
  func.func @transform_6(%arg0: i32) -> (i32, i32) {
    %c0_i32 = arith.constant 0 : i32
    %c0_i32_0 = arith.constant 0 : i32
    %c0_i32_1 = arith.constant 0 : i32
    return %c0_i32, %c0_i32_0 : i32, i32
  }
  func.func @transform_7(%arg0: i32) -> (i32, i32) {
    %c0_i32 = arith.constant 0 : i32
    %c0_i32_0 = arith.constant 0 : i32
    %c0_i32_1 = arith.constant 0 : i32
    return %c0_i32, %c0_i32_0 : i32, i32
  }
  func.func @transform_8(%arg0: i32) -> (i32, i32) {
    %c0_i32 = arith.constant 0 : i32
    %c0_i32_0 = arith.constant 0 : i32
    %c0_i32_1 = arith.constant 0 : i32
    return %c0_i32, %c0_i32_0 : i32, i32
  }
  func.func @transform_9(%arg0: i32) -> (i32, i32) {
    %c0_i32 = arith.constant 0 : i32
    %c0_i32_0 = arith.constant 0 : i32
    %c0_i32_1 = arith.constant 0 : i32
    return %c0_i32, %c0_i32_0 : i32, i32
  }
  func.func @transform_10(%arg0: i32) -> (i32, i32) {
    %c0_i32 = arith.constant 0 : i32
    %c0_i32_0 = arith.constant 0 : i32
    %c0_i32_1 = arith.constant 0 : i32
    return %c0_i32, %c0_i32_0 : i32, i32
  }
  func.func @transform_11(%arg0: i32) -> (i32, i32) {
    %c0_i32 = arith.constant 0 : i32
    %c0_i32_0 = arith.constant 0 : i32
    %c0_i32_1 = arith.constant 0 : i32
    return %c0_i32, %c0_i32_0 : i32, i32
  }
  func.func @transform_12(%arg0: i32) -> (i32, i32) {
    %c0_i32 = arith.constant 0 : i32
    %c0_i32_0 = arith.constant 0 : i32
    %c0_i32_1 = arith.constant 0 : i32
    return %c0_i32, %c0_i32_0 : i32, i32
  }
  func.func @transform_13(%arg0: i32) -> (i32, i32) {
    %c0_i32 = arith.constant 0 : i32
    %c0_i32_0 = arith.constant 0 : i32
    %c0_i32_1 = arith.constant 0 : i32
    return %c0_i32, %c0_i32_0 : i32, i32
  }
  func.func @transform_14(%arg0: i32) -> (i32, i32) {
    %c0_i32 = arith.constant 0 : i32
    %c0_i32_0 = arith.constant 0 : i32
    %c0_i32_1 = arith.constant 0 : i32
    return %c0_i32, %c0_i32_0 : i32, i32
  }
  func.func @transform_15(%arg0: i32) -> (i32, i32) {
    %c0_i32 = arith.constant 0 : i32
    %c0_i32_0 = arith.constant 0 : i32
    %c0_i32_1 = arith.constant 0 : i32
    return %c0_i32, %c0_i32_0 : i32, i32
  }
  func.func @transform_16(%arg0: i32) -> (i32, i32) {
    %c0_i32 = arith.constant 0 : i32
    %c0_i32_0 = arith.constant 0 : i32
    %c0_i32_1 = arith.constant 0 : i32
    return %c0_i32, %c0_i32_0 : i32, i32
  }
  func.func @transform_17(%arg0: i32) -> (i32, i32) {
    %c0_i32 = arith.constant 0 : i32
    %c0_i32_0 = arith.constant 0 : i32
    %c0_i32_1 = arith.constant 0 : i32
    return %c0_i32, %c0_i32_0 : i32, i32
  }
  func.func @transform_18(%arg0: i32) -> (i32, i32) {
    %c0_i32 = arith.constant 0 : i32
    %c0_i32_0 = arith.constant 0 : i32
    return %arg0, %c0_i32 : i32, i32
  }
}

</mosaic_0001>

<sc_bundles>
// kernel: kernel.5.cloned.1.call-start
scs
__scs_entry_jumppad:
0x0: {  	(pc) =	sbr.rel $0x88, $3  }
0x1: {  	(tag) =	ssettag $0x0;
	lr =	simm.s32 $0x1  }
0x2: {  	[smem:$0x3F80] =	sst lr;
	_ =	strace $0xD0000000  }
0x3: {  	_ = 	snop  }
0x4: {  	_ = 	snop  }
0x5: {  	_ = 	snop  }
0x6: {  	_ = 	snop  }
0x7: {  	_ = 	snop  }
__scs_overlays_trampoline_lowered:
0x8: {  	[smem:$0x3F8F] =	sst s0  }
0x9: {  	[smem:$0x3F90] =	sst s1  }
0xa: {  	[smem:$0x3F91] =	sst s2  }
0xb: {  	[smem:$0x3F92] =	sst s3  }
0xc: {  	[smem:$0x3F93] =	sst s4  }
0xd: {  	[smem:$0x3F94] =	sst s5  }
0xe: {  	[smem:$0x3F95] =	sst s6  }
0xf: {  	[smem:$0x3F96] =	sst s7  }
0x10: {  	[smem:$0x3F97] =	sst s8  }
0x11: {  	[smem:$0x3F98] =	sst s9;
	s0 =	simm.s32 @!p0 $0x0  }
0x12: {  	s1 =	sld [smem:$0x3F7E];
	s0 =	simm.s32 @p0 $0x1  }
0x13: {  	[smem:$0x3F99] =	sst s0;
	s0 =	simm.s32 @!p1 $0x0  }
0x14: {  	s2 =	sld [smem:$0x3F7D];
	s0 =	simm.s32 @p1 $0x1  }
0x15: {  	[smem:$0x3F9A] =	sst s0;
	s0 =	simm.s32 @!p2 $0x0  }
0x16: {  	s3 =	sld [smem:$0x3FDB];
	s0 =	simm.s32 @p2 $0x1  }
0x17: {  	s4 =	simm.s32 $0x1BF5;
	[smem:$0x3F9C] =	sst s0  }
0x18: {  	s0 =	sld [smem:$0x3F7F];
	_ =	swait.ge [sflag:s4], $0x0  }
0x19: {  	s7 =	sld [smem:$0x3F80]  }
0x1a: {  	s8 =	sadd.s32 $0xFFFFE003, lr  }
0x1b: {  	s9 =	sadd.s32 $0xFFFFFEF7, lr;
	s5 =	simm.s32 $0xFFFFFFFF;
	p2 =	slt.u32 s8, $0xFFFFF086  }
0x1c: {  	p1 =	slt.u32 s9, $0xF7A;
	s5 =	simm.s32 @!p2 $0x0  }
0x1d: {  	s5 =	simm.s32 @p1 $0x1;
	p0 =	seq.s32 s7, s2  }
0x1e: {  	s7 =	smul.u32 @!p0 $0xF7A, s2;
	p2 =	seq.s32 @!p0 s5, $0x0  }
0x1f: {  	s9 =	smul.u32 $0xF7A, s1;
	s8 =	simm.s32 @!p0 $0x1BF5;
	p2 =	por !p2, p0  }
0x20: {  	[sflag:s8] =	ssyncset.s32 @!p0 $0xFFFFF086;
	s6 =	sadd.s32 @!p0 s3, s7;
	s7 =	simm.s32 @!p0 $0x108  }
0x21: {  	s3 =	sadd.s32 s3, s9;
	s6 =	sadd.s32 @!p0 $0x88, s6;
	s7 =	simm.s32 @p2 $0x1082  }
0x22: {  	[simem:s7], [sflag:s8] =	dma.local @!p0 [hbm:s6], $0xF7A  }
0x23: {  	s9 =	sor.u32 $0xD0000000, s2;
	s6 =	simm.s32 $0x108;
	_ =	swait.ge @!p0 [sflag:s8], $0x0  }
0x24: {  	s3 =	sadd.s32 $0x88, s3;
	s6 =	simm.s32 @!p1 $0x1082;
	[sflag:s4] =	ssyncset.s32 $0xFFFFF086  }
0x25: {  	[simem:s6], [sflag:s4] =	dma.local [hbm:s3], $0xF7A  }
0x26: {  	[smem:$0x3F80] =	sst s1;
	(tag) =	ssettag s2;
	_ =	strace s9  }
0x27: {  	s1 =	sld [smem:$0x3F90]  }
0x28: {  	s2 =	sld [smem:$0x3F91]  }
0x29: {  	s4 =	sld [smem:$0x3F93]  }
0x2a: {  	p0 =	seq.s32 s5, $0x0;
	s5 =	sld [smem:$0x3F94]  }
0x2b: {  	s6 =	sld [smem:$0x3F95]  }
0x2c: {  	s7 =	sld [smem:$0x3F96]  }
0x2d: {  	s3 =	simm.s32 $0x108;
	s8 =	sld [smem:$0x3F97]  }
0x2e: {  	s3 =	simm.s32 @!p0 $0x1082;
	s9 =	sld [smem:$0x3F98]  }
0x2f: {  	lr =	sadd.s32 s0, s3;
	s0 =	sld [smem:$0x3F8F]  }
0x30: {  	s3 =	sld [smem:$0x3F92]  }
0x31: {  	[smem:$0x3F9B] =	sst s10  }
0x32: {  	s10 =	sld [smem:$0x3F99];
	_ =	sdelay $0x3  }
0x33: {  	p0 =	seq.s32 s10, $0x1;
	s10 =	sld [smem:$0x3F9B];
	_ =	sdelay $0x3  }
0x34: {  	[smem:$0x3F9B] =	sst s10  }
0x35: {  	s10 =	sld [smem:$0x3F9A];
	_ =	sdelay $0x3  }
0x36: {  	p1 =	seq.s32 s10, $0x1;
	s10 =	sld [smem:$0x3F9B];
	_ =	sdelay $0x3  }
0x37: {  	[smem:$0x3F9B] =	sst s10  }
0x38: {  	s10 =	sld [smem:$0x3F9C]  }
0x39: {  	_ = 	snop;
	(pc) =	sbr.ind lr, $3  }
0x3a: {  	_ = 	snop  }
0x3b: {  	_ = 	snop  }
0x3c: {  	p2 =	seq.s32 s10, $0x1;
	s10 =	sld [smem:$0x3F9B]  }
0x3d: {  	_ =	shalt  }
0x3e: {  	_ =	shalt  }
0x3f: {  	_ =	shalt  }
0x40: {  	_ =	shalt  }
0x41: {  	_ =	shalt  }
0x42: {  	_ =	shalt  }
0x43: {  	_ =	shalt  }
0x44: {  	_ =	shalt  }
0x45: {  	_ =	shalt  }
0x46: {  	_ =	shalt  }
0x47: {  	_ =	shalt  }
0x48: {  	_ =	shalt  }
0x49: {  	_ =	shalt  }
0x4a: {  	_ =	shalt  }
0x4b: {  	_ =	shalt  }
0x4c: {  	_ =	shalt  }
0x4d: {  	_ =	shalt  }
0x4e: {  	_ =	shalt  }
0x4f: {  	_ =	shalt  }
0x50: {  	_ =	shalt  }
0x51: {  	_ =	shalt  }
0x52: {  	_ =	shalt  }
0x53: {  	_ =	shalt  }
0x54: {  	_ =	shalt  }
0x55: {  	_ =	shalt  }
0x56: {  	_ =	shalt  }
0x57: {  	_ =	shalt  }
0x58: {  	_ =	shalt  }
0x59: {  	_ =	shalt  }
0x5a: {  	_ =	shalt  }
0x5b: {  	_ =	shalt  }
0x5c: {  	_ =	shalt  }
0x5d: {  	_ =	shalt  }
0x5e: {  	_ =	shalt  }
0x5f: {  	_ =	shalt  }
0x60: {  	_ =	shalt  }
0x61: {  	_ =	shalt  }
0x62: {  	_ =	shalt  }
0x63: {  	_ =	shalt  }
0x64: {  	_ =	shalt  }
0x65: {  	_ =	shalt  }
0x66: {  	_ =	shalt  }
0x67: {  	_ =	shalt  }
0x68: {  	_ =	shalt  }
0x69: {  	_ =	shalt  }
0x6a: {  	_ =	shalt  }
0x6b: {  	_ =	shalt  }
0x6c: {  	_ =	shalt  }
0x6d: {  	_ =	shalt  }
0x6e: {  	_ =	shalt  }
0x6f: {  	_ =	shalt  }
0x70: {  	_ =	shalt  }
0x71: {  	_ =	shalt  }
0x72: {  	_ =	shalt  }
0x73: {  	_ =	shalt  }
0x74: {  	_ =	shalt  }
0x75: {  	_ =	shalt  }
0x76: {  	_ =	shalt  }
0x77: {  	_ =	shalt  }
0x78: {  	_ =	shalt  }
0x79: {  	_ =	shalt  }
0x7a: {  	_ =	shalt  }
0x7b: {  	_ =	shalt  }
0x7c: {  	_ =	shalt  }
0x7d: {  	_ =	shalt  }
0x7e: {  	_ =	shalt  }
0x7f: {  	_ =	shalt  }
0x80: {  	_ =	shalt  }
0x81: {  	_ =	shalt  }
0x82: {  	_ =	shalt  }
0x83: {  	_ =	shalt  }
0x84: {  	_ =	shalt  }
0x85: {  	_ =	shalt  }
0x86: {  	_ =	shalt  }
0x87: {  	_ =	shalt  }
.Lfunc_end0:
.L_simem_size_0:
called_computation_lowered:
.L_overlay_start_0:
0x88: {  	s2 =	sld [smem:$0x3FD9]  }
0x89: {  	s3 =	sld [smem:$0x3FFE];
	_ =	sdelay $0x1  }
0x8a: {  	s1 =	srdreg.scid  }
0x8b: {  	s0 =	sand.u32 $0x1, s1  }
0x8c: {  	s16 =	sshll.u32 s0, $0xA;
	s2 =	sadd.s32 s3, s2  }
0x8d: {  	s2 =	sadd.s32 s2, s16  }
0x8e: {  	[smem:$0x3FA7] =	sst s2  }
0x8f: {  	_ = 	snop  }
0x90: {  	(tm) =	ssettm $0x1  }
0x91: {  	s17 =	sld [smem:$0x3FFB];
	_ =	sdelay $0x3  }
0x92: {  	_ =	strace s17  }
0x93: {  	s2 =	sld [smem:$0x3FFC];
	_ =	sdelay $0x3  }
0x94: {  	_ =	strace s2  }
0x95: {  	s2 =	sld [smem:$0x3FFD];
	_ =	sdelay $0x3  }
0x96: {  	_ =	strace s2  }
0x97: {  	_ =	strace $0x8FFFFFFF  }
0x98: {  	s18 =	sld [smem:$0x3FDB];
	_ =	sdelay $0x1  }
0x99: {  	s19 =	simm.s32 $_scs_section_size  }
0x9a: {  	s4 =	simm.s32 $_size__tile_overlayer_lowered;
	s5 =	simm.s32 $_tile_overlayer_lowered  }
0x9b: {  	s22 =	simm.s32 $0x1BFF;
	s21 =	sshll.u32 s5, $0x1;
	s2 =	sadd.s32 s19, s18  }
0x9c: {  	s6 =	simm.s32 $0x0;
	s20 =	sshll.u32 s4, $0x1;
	s4 =	sadd.s32 s21, s2  }
0x9d: {  	[timem:s6], [sflag:s22] =	dma.local [hbm:s4], s20  }
0x9e: {  	_ =	swait.ge [sflag:s22], s20  }
0x9f: {  	s3 =	ssub.s32 $0x0, s20;
	[sflag:s22] =	ssyncset.done $0x0  }
0xa0: {  	[sflag:s22] =	ssyncadd.s32 s3;
	_ =	sdelay $0x1  }
0xa1: {  	s23 =	simm.s32 $0x1B8B  }
0xa2: {  	_ =	swait.ge [sflag:s23], $0x1  }
0xa3: {  	[sflag:s23] =	ssyncset.done $0x0  }
0xa4: {  	s25 =	simm.s32 $0x1B8E;
	s24 =	sld [smem:$0x3FFE];
	[sflag:s23] =	ssyncadd.s32 $0xFFFFFFFF  }
0xa5: {  	s26 =	simm.s32 $execute0_lowered;
	[smem:$0x3FD2] =	sst s25  }
0xa6: {  	s4 =	sshll.u32 s26, $0x1;
	_ =	strace $0x80000046;
	[dreg:$0x1] =	wrdreg $0xFFFFFFFF  }
0xa7: {  	s28 =	simm.s32 $_size_execute0_lowered;
	s2 =	sadd.s32 s2, s4;
	[dreg:$0x0] =	wrdreg $0x0  }
0xa8: {  	s4 =	sshll.u32 s28, $0x1;
	[dreg:$0x2] =	wrdreg s2  }
0xa9: {  	[dreg:$0x3] =	wrdreg s4  }
0xaa: {  	[dreg:$0x4] =	wrdreg $0xC0  }
0xab: {  	_ =	task [dreg:s6], $0x5FFFF  }
0xac: {  	[dreg:$0x1] =	wrdreg $0xFFFFFFFF  }
0xad: {  	[dreg:$0x0] =	wrdreg $0x60  }
0xae: {  	[dreg:$0x2] =	wrdreg s24  }
0xaf: {  	[dreg:$0x3] =	wrdreg $0x69500  }
0xb0: {  	[dreg:$0x4] =	wrdreg $0x1F0600  }
0xb1: {  	[dreg:$0x5] =	wrdreg $0x9  }
0xb2: {  	_ =	task.clear_ibuf [dreg:s6], $0x6FFFF;
	_ =	strace $0x90000046  }
0xb3: {  	s29 =	simm.s32 $0x9;
	_ =	strace $0x80000048  }
0xb4: {  	_ =	swait.ge [sflag:s29], $0x1  }
0xb5: {  	[sflag:s29] =	ssyncadd.s32 $0xFFFFFFFF  }
0xb6: {  	_ =	strace $0x90000048  }
0xb7: {  	_ =	sfence  }
0xb8: {  	s30 =	sld [smem:$0x0];
	_ =	sdelay $0x2  }
0xb9: {  	s31 =	sshll.u32 s1, $0xD;
	s1 =	sshrl.u32 s1, $0x2  }
0xba: {  	s3 =	sand.u32 $0x4000, s31;
	s1 =	sadd.s32 s1, s30  }
0xbb: {  	s0 =	sor.u32 s3, s0;
	s1 =	sshll.u32 s1, $0x11  }
0xbc: {  	s0 =	sor.u32 s1, s0  }
0xbd: {  	s0 =	sadd.s32 $0x8F2B, s0  }
0xbe: {  	[sflag:s0] =	ssyncadd.remote.s32 $0x1  }
0xbf: {  	_ =	sfence.sel $0xFFFF  }
0xc0: {  	[dreg:$0x0] =	wrdreg $0xFFFFFFFF;
	(pc) =	sbr.abs _section_cstart, $3  }
0xc1: {  	[dreg:$0x1] =	wrdreg $0xFFFFFFFF  }
0xc2: {  	_ =	task.clear_ibuf [dreg:s6], $0x2FFFF;
	_ =	strace $0x9FFFFFFF  }
0xc3: {  	(tm) =	ssettm $0x7FFFFFFF  }
tec
execute0_lowered:
.L_overlay_start_1:
0x0: {  	(tag) =	ssettag $0x1  }
0x1: {  	s6 =	rddreg [dreg:$0x0]  }
0x2: {  	s1 =	rddreg [dreg:$0x1]  }
0x3: {  	s3 =	rddreg [dreg:$0x2];
	s2 =	simm.s32 $0x0;
	s0 =	srdreg.scid  }
0x4: {  	s21 =	stileid.u32;
	s29 =	simm.s32 $0x1;
	s30 =	simm.s32 $0x2  }
0x5: {  	s31 =	simm.s32 $0x6300;
	[smem:$0x7FF] =	sst s2;
	s8 =	smul.u32 $0xC30, s21  }
0x6: {  	s7 =	sand.u32 $0x1, s0;
	s5 =	sadd.s32 $0x12AE00, s6;
	s9 =	sadd.s32 $0xF17E00, s6  }
0x7: {  	s10 =	sadd.s32 $0x2E2800, s6;
	s19 =	ssub.s32 $0x2, s7;
	s0 =	smul.u32 $0xC350, s7  }
0x8: {  	s28 =	smul.u32 $0xC380, s21;
	p0 =	sne.s32 s21, $0xF;
	s4 =	sshrl.u32 s19, $0x1  }
0x9: {  	_ =	strace $0x80000047;
	s2 =	ssub.s32 s19, s4;
	s11 =	sadd.s32 s8, s0  }
0xa: {  	s4 =	smul.u32 $0xC3800, s7;
	s12 =	sadd.s32 $0xC300, s0;
	s23 =	sadd.s32 $0x249A0, s0  }
0xb: {  	s25 =	sadd.s32 $0x3D040, s0;
	s7 =	sshll.u32 s7, $0x2;
	s13 =	sadd.s32 $0x186A0, s11  }
0xc: {  	s14 =	sshll.u32 s11, $0x2;
	s15 =	sshll.u32 s12, $0x2;
	s24 =	sadd.s32 $0x30D40, s11  }
0xd: {  	s17 =	sshll.u32 s23, $0x2;
	s19 =	sshll.u32 s25, $0x2;
	s2 =	smax.u32 s2, $0x1  }
0xe: {  	s11 =	sshrl.u32 s11, $0x3;
	s14 =	sadd.s32 s9, s14;
	[dreg:$0x1f] =	wrdreg s2  }
0xf: {  	s12 =	sshrl.u32 s12, $0x3;
	s20 =	sadd.s32 s9, s15;
	[dreg:$0x4] =	wrdreg s14  }
0x10: {  	s7 =	sadd.s32 s7, s6;
	s17 =	sadd.s32 s9, s17;
	[dreg:$0x5] =	wrdreg s20  }
0x11: {  	s16 =	sshll.u32 s13, $0x2;
	s11 =	sadd.s32 s10, s11;
	[dreg:$0x7] =	wrdreg s17  }
0x12: {  	s18 =	sshll.u32 s24, $0x2;
	s7 =	sadd.s32 $0x5C00, s7;
	[dreg:$0xa] =	wrdreg s11  }
0x13: {  	s22 =	sadd.s32 s9, s16;
	s26 =	sadd.s32 s9, s18;
	[dreg:$0x10] =	wrdreg s7  }
0x14: {  	s9 =	sadd.s32 s9, s19;
	s17 =	sadd.s32 s10, s12;
	[dreg:$0x6] =	wrdreg s22  }
0x15: {  	s18 =	sshrl.u32 s13, $0x3;
	s19 =	sshrl.u32 s23, $0x3;
	[dreg:$0x8] =	wrdreg s26  }
0x16: {  	s20 =	sshrl.u32 s24, $0x3;
	s23 =	sshrl.u32 s25, $0x3;
	[dreg:$0x9] =	wrdreg s9  }
0x17: {  	s24 =	smul.u32 $0x61800, s21;
	[dreg:$0xb] =	wrdreg s17;
	s11 =	sadd.s32 s10, s18  }
0x18: {  	s22 =	sadd.s32 s10, s20;
	s9 =	sadd.s32 s28, s4;
	[dreg:$0xc] =	wrdreg s11  }
0x19: {  	s11 =	sadd.s32 s10, s19;
	[dreg:$0xe] =	wrdreg s22;
	s10 =	sadd.s32 s10, s23  }
0x1a: {  	s19 =	sadd.s32 $0xE85400, s6;
	s26 =	sshrl.u32 s24, $0x2;
	[dreg:$0xd] =	wrdreg s11  }
0x1b: {  	s25 =	sshrl.u32 s9, $0x3;
	[dreg:$0xf] =	wrdreg s10;
	s7 =	sadd.s32 s26, s1  }
0x1c: {  	s20 =	sadd.s32 $0x24FE00, s6;
	s15 =	sadd.s32 s19, s25;
	[dreg:$0x13] =	wrdreg s7  }
0x1d: {  	s2 =	simm.s32 $0x5;
	s17 =	sadd.s32 s20, s25;
	[dreg:$0x19] =	wrdreg s15  }
0x1e: {  	s9 =	sadd.s32 $0x10, s25;
	s26 =	sadd.s32 $0x186000, s1;
	[dreg:$0x1a] =	wrdreg s17  }
0x1f: {  	s18 =	sadd.s32 $0x5E00, s6;
	s28 =	sadd.s32 s19, s9;
	[smem:$0x7FC] =	sst s26  }
0x20: {  	s10 =	sadd.s32 $0x30E00, s25;
	s9 =	sadd.s32 s20, s9;
	[dreg:$0x11] =	wrdreg s28  }
0x21: {  	s24 =	smul.u32 $0x30C0, s21;
	s12 =	sadd.s32 s19, s10;
	[dreg:$0x12] =	wrdreg s9  }
0x22: {  	s11 =	sadd.s32 $0x30E10, s25;
	s7 =	sadd.s32 s20, s10;
	[dreg:$0x15] =	wrdreg s12  }
0x23: {  	s16 =	sadd.s32 $0x61C00, s25;
	s13 =	sadd.s32 s19, s11;
	[dreg:$0x16] =	wrdreg s7  }
0x24: {  	s6 =	sadd.s32 $0x61C10, s25;
	s14 =	sadd.s32 s20, s11;
	[dreg:$0x17] =	wrdreg s13  }
0x25: {  	s22 =	sadd.s32 s19, s16;
	s23 =	sadd.s32 s19, s6;
	[dreg:$0x18] =	wrdreg s14  }
0x26: {  	s6 =	sadd.s32 s20, s6;
	s10 =	sadd.s32 $0x30E100, s4;
	[dreg:$0x1b] =	wrdreg s22  }
0x27: {  	s25 =	sshrl.u32 s24, $0x2;
	s17 =	simm.s32 $0x6420;
	[dreg:$0x1d] =	wrdreg s23  }
0x28: {  	s9 =	sadd.s32 s8, s3;
	s7 =	sadd.s32 s20, s16;
	[dreg:$0x1e] =	wrdreg s6  }
0x29: {  	s8 =	sor.u32 $0x100, s4;
	s12 =	sadd.s32 s25, s3;
	s13 =	smul.u32 $0x187, s21  }
0x2a: {  	v5 =	vimm.s32 $0x0;
	s28 =	sadd.s32 $0xC300, s3;
	s16 =	simm.s32 $0x6;
	[dreg:$0x14] =	wrdreg s9  }
0x2b: {  	vm0 =	vcmask $0x300;
	v4 =	vimm.s32 $0xF;
	v0 =	vmov s0;
	s21 =	simm.s32 $0x6920;
	s23 =	simm.s32 $0x80;
	[dreg:$0x1c] =	wrdreg s7  }
0x2c: {  	v5 =	vsel vm0, $0x3, v5;
	v1 =	vsub.s32 $0xFFFE7960, v0;
	[tilespmem:$0x1FFF0] =	vst v0;
	v2 =	vsub.s32 $0xFFFCF2C0, v0;
	s6 =	simm.s32 $0x0;
	s9 =	sadd.s32 $0x187100, s4;
	[smem:$0x7FD] =	sst s28  }
.LBB2_1:
0x2d: {  	v0 =	vimm.f32 $0.0e+00  }
0x2e: {  	[tilespmem:$0x6420] =	vst v0  }
0x2f: {  	[tilespmem:$0x6430] =	vst v0  }
0x30: {  	[tilespmem:$0x6440] =	vst v0  }
0x31: {  	[tilespmem:$0x6450] =	vst v0  }
0x32: {  	[tilespmem:$0x6460] =	vst v0  }
0x33: {  	[tilespmem:$0x6470] =	vst v0  }
0x34: {  	[tilespmem:$0x6480] =	vst v0  }
0x35: {  	[tilespmem:$0x6490] =	vst v0  }
0x36: {  	[tilespmem:$0x64A0] =	vst v0  }
0x37: {  	[tilespmem:$0x64B0] =	vst v0  }
0x38: {  	[tilespmem:$0x64C0] =	vst v0  }
0x39: {  	[tilespmem:$0x64D0] =	vst v0  }
0x3a: {  	[tilespmem:$0x64E0] =	vst v0  }
0x3b: {  	[tilespmem:$0x64F0] =	vst v0  }
0x3c: {  	[tilespmem:$0x6500] =	vst v0  }
0x3d: {  	[tilespmem:$0x6510] =	vst v0  }
0x3e: {  	[tilespmem:$0x6520] =	vst v0  }
0x3f: {  	[tilespmem:$0x6530] =	vst v0  }
0x40: {  	[tilespmem:$0x6540] =	vst v0  }
0x41: {  	[tilespmem:$0x6550] =	vst v0  }
0x42: {  	[tilespmem:$0x6560] =	vst v0  }
0x43: {  	[tilespmem:$0x6570] =	vst v0  }
0x44: {  	[tilespmem:$0x6580] =	vst v0  }
0x45: {  	[tilespmem:$0x6590] =	vst v0  }
0x46: {  	[tilespmem:$0x65A0] =	vst v0  }
0x47: {  	[tilespmem:$0x65B0] =	vst v0  }
0x48: {  	[tilespmem:$0x65C0] =	vst v0  }
0x49: {  	[tilespmem:$0x65D0] =	vst v0  }
0x4a: {  	[tilespmem:$0x65E0] =	vst v0  }
0x4b: {  	[tilespmem:$0x65F0] =	vst v0  }
0x4c: {  	[tilespmem:$0x6600] =	vst v0  }
0x4d: {  	[tilespmem:$0x6610] =	vst v0  }
0x4e: {  	[tilespmem:$0x6620] =	vst v0  }
0x4f: {  	[tilespmem:$0x6630] =	vst v0  }
0x50: {  	[tilespmem:$0x6640] =	vst v0  }
0x51: {  	[tilespmem:$0x6650] =	vst v0  }
0x52: {  	[tilespmem:$0x6660] =	vst v0  }
0x53: {  	[tilespmem:$0x6670] =	vst v0  }
0x54: {  	[tilespmem:$0x6680] =	vst v0  }
0x55: {  	[tilespmem:$0x6690] =	vst v0  }
0x56: {  	[tilespmem:$0x66A0] =	vst v0  }
0x57: {  	[tilespmem:$0x66B0] =	vst v0  }
0x58: {  	[tilespmem:$0x66C0] =	vst v0  }
0x59: {  	[tilespmem:$0x66D0] =	vst v0  }
0x5a: {  	[tilespmem:$0x66E0] =	vst v0  }
0x5b: {  	[tilespmem:$0x66F0] =	vst v0  }
0x5c: {  	[tilespmem:$0x6700] =	vst v0  }
0x5d: {  	[tilespmem:$0x6710] =	vst v0  }
0x5e: {  	[tilespmem:$0x6720] =	vst v0  }
0x5f: {  	[tilespmem:$0x6730] =	vst v0  }
0x60: {  	[tilespmem:$0x6740] =	vst v0  }
0x61: {  	[tilespmem:$0x6750] =	vst v0  }
0x62: {  	[tilespmem:$0x6760] =	vst v0  }
0x63: {  	[tilespmem:$0x6770] =	vst v0  }
0x64: {  	[tilespmem:$0x6780] =	vst v0  }
0x65: {  	[tilespmem:$0x6790] =	vst v0  }
0x66: {  	[tilespmem:$0x67A0] =	vst v0  }
0x67: {  	[tilespmem:$0x67B0] =	vst v0  }
0x68: {  	[tilespmem:$0x67C0] =	vst v0  }
0x69: {  	[tilespmem:$0x67D0] =	vst v0  }
0x6a: {  	[tilespmem:$0x67E0] =	vst v0  }
0x6b: {  	[tilespmem:$0x67F0] =	vst v0  }
0x6c: {  	[tilespmem:$0x6800] =	vst v0  }
0x6d: {  	[tilespmem:$0x6810] =	vst v0  }
0x6e: {  	[tilespmem:$0x6820] =	vst v0  }
0x6f: {  	[tilespmem:$0x6830] =	vst v0  }
0x70: {  	[tilespmem:$0x6840] =	vst v0  }
0x71: {  	[tilespmem:$0x6850] =	vst v0  }
0x72: {  	[tilespmem:$0x6860] =	vst v0  }
0x73: {  	[tilespmem:$0x6870] =	vst v0  }
0x74: {  	[tilespmem:$0x6880] =	vst v0  }
0x75: {  	[tilespmem:$0x6890] =	vst v0  }
0x76: {  	[tilespmem:$0x68A0] =	vst v0  }
0x77: {  	[tilespmem:$0x68B0] =	vst v0  }
0x78: {  	[tilespmem:$0x68C0] =	vst v0  }
0x79: {  	[tilespmem:$0x68D0] =	vst v0  }
0x7a: {  	[tilespmem:$0x68E0] =	vst v0  }
0x7b: {  	[tilespmem:$0x68F0] =	vst v0  }
0x7c: {  	[tilespmem:$0x6900] =	vst v0  }
0x7d: {  	[tilespmem:$0x6910] =	vst v0  }
0x7e: {  	[tilespmem:$0x6920] =	vst v0  }
0x7f: {  	[smem:$0x7FB] =	sst s6;
	[tilespmem:$0x6930] =	vst v0  }
0x80: {  	s0 =	simm.s32 $0x0;
	s4 =	rddreg [dreg:$0x10];
	s26 =	simm.s32 $0x6400;
	[tilespmem:$0x6940] =	vst v0  }
0x81: {  	[tilespmem:s26], [sflag:$0x6] =	stream.linear.gather [hbm4b:s4+s0], $0x20, $0x38;
	[tilespmem:$0x1FCA0] =	vst v63  }
0x82: {  	_ =	swait.ge [sflag:s16], $0x20  }
0x83: {  	[sflag:s16] =	ssyncset.done $0x0  }
0x84: {  	s6 =	rddreg [dreg:$0x13];
	[sflag:s16] =	ssyncadd.s32 $0xFFFFFFE0  }
0x85: {  	[spmem:s6] =	stream.linear.scatter [tilespmem:s17], [sflag:$0x6], $0x500, $0x38;
	[tilespmem:$0x1FCA0] =	vst v63  }
0x86: {  	_ =	swait.ge [sflag:s16], $0x500  }
0x87: {  	[sflag:s16] =	ssyncset.done $0x0  }
0x88: {  	s28 =	sadd.s32 $0x0, s12;
	[sflag:s16] =	ssyncadd.s32 $0xFFFFFB00  }
0x89: {  	[spmem:s28] =	stream.linear.scatter [tilespmem:s21], [sflag:$0x6], $0x28, $0x38;
	[tilespmem:$0x1FCA0] =	vst v63  }
0x8a: {  	_ =	swait.ge [sflag:s16], $0x28  }
0x8b: {  	s0 =	simm.s32 $0xA0;
	[sflag:s16] =	ssyncset.done $0x0  }
.LBB2_2:
0x8c: {  	p1 =	sne.s32 s0, $0x3160;
	[sflag:s16] =	ssyncadd.s32 $0xFFFFFFD8;
	s6 =	sadd.s32 $0x500, s6  }
0x8d: {  	[spmem:s6] =	stream.linear.scatter [tilespmem:s17], [sflag:$0x6], $0x500, $0x38;
	[tilespmem:$0x1FCA0] =	vst v63  }
0x8e: {  	s7 =	smov.u32 s0;
	s0 =	sadd.s32 $0xA0, s0;
	_ =	swait.ge [sflag:s16], $0x500  }
.Ltmp0:
0x8f: {  	s7 =	sshra.s32 s7, $0x2;
	[sflag:s16] =	ssyncset.done $0x0;
	(pc) =	sbr.rel @p1 .LBB2_2-.Ltmp0, $4  }
0x90: {  	s7 =	sadd.s32 s7, s12;
	[sflag:s16] =	ssyncadd.s32 $0xFFFFFB00  }
0x91: {  	[spmem:s7] =	stream.linear.scatter [tilespmem:s21], [sflag:$0x6], $0x28, $0x38;
	[tilespmem:$0x1FCA0] =	vst v63  }
0x92: {  	_ =	swait.ge [sflag:s16], $0x28  }
0x93: {  	[sflag:s16] =	ssyncset.done $0x0  }
0x94: {  	[sflag:s16] =	ssyncadd.s32 $0xFFFFFFD8  }
0x95: {  	[bflag:$0x0] =	sbarrier.arrive $0xFFFF  }
0x96: {  	s7 =	simm.s32 $0x0;
	v6 =	vld [tilespmem:$0x6400];
	s0 =	rddreg [dreg:$0x19]  }
0x97: {  	v7 =	vld [tilespmem:$0x6410];
	[tilespmem:s7], [sflag:$0x6] =	stream.linear.gather [hbm4b:s0+s7], $0x80, $0x38  }
0x98: {  	_ =	swait.ge [sflag:s16], $0x80  }
0x99: {  	[sflag:s16] =	ssyncset.done $0x0  }
0x9a: {  	s4 =	simm.s32 $0x100;
	s22 =	rddreg [dreg:$0x1a];
	[sflag:s16] =	ssyncadd.s32 $0xFFFFFF80  }
0x9b: {  	[tilespmem:s4], [sflag:$0x6] =	stream.linear.gather [hbm4b:s22+s7], $0x80, $0x38;
	[tilespmem:$0x1FCA0] =	vst v63  }
0x9c: {  	_ =	swait.ge [sflag:s16], $0x80  }
0x9d: {  	[sflag:s16] =	ssyncset.done $0x0  }
0x9e: {  	s24 =	rddreg [dreg:$0x11];
	[sflag:s16] =	ssyncadd.s32 $0xFFFFFF80  }
0x9f: {  	[tilespmem:s23], [sflag:$0x6] =	stream.linear.gather [hbm4b:s24+s7], $0x80, $0x38;
	[tilespmem:$0x1FCA0] =	vst v63  }
0xa0: {  	_ =	swait.ge [sflag:s16], $0x80  }
0xa1: {  	[sflag:s16] =	ssyncset.done $0x0  }
0xa2: {  	s6 =	simm.s32 $0x180;
	s25 =	rddreg [dreg:$0x12];
	[sflag:s16] =	ssyncadd.s32 $0xFFFFFF80  }
0xa3: {  	[tilespmem:s6], [sflag:$0x6] =	stream.linear.gather [hbm4b:s25+s7], $0x80, $0x38;
	[tilespmem:$0x1FCA0] =	vst v63  }
0xa4: {  	_ =	swait.ge [sflag:s16], $0x80  }
0xa5: {  	[sflag:s16] =	ssyncset.done $0x0  }
0xa6: {  	s26 =	simm.s32 $0x300;
	[sflag:s16] =	ssyncadd.s32 $0xFFFFFF80  }
0xa7: {  	[tilespmem:s26], [sflag:$0x1] =	stream.indirect.gather [hbm4b:s5+s23], $0x20, s7, s23, $0xb8;
	[tilespmem:$0x1FCA0] =	vst v63  }
0xa8: {  	s28 =	simm.s32 $0x2300;
	p1 =	por $0x0, $0x0  }
0xa9: {  	[tilespmem:s28], [sflag:$0x2] =	stream.indirect.gather [hbm4b:s18+s23], $0x20, s4, s23, $0xb8;
	[tilespmem:$0x1FCA0] =	vst v63  }
.LBB2_4:
0xaa: {  	_ =	swait.ge [sflag:s29], $0x1000  }
0xab: {  	[sflag:s29] =	ssyncset.done $0x0  }
0xac: {  	[sflag:s29] =	ssyncadd.s32 $0xFFFFF000  }
0xad: {  	_ =	swait.ge [sflag:s30], $0x1000  }
0xae: {  	p2 =	slt.u32 s7, $0x2;
	[sflag:s30] =	ssyncset.done $0x0  }
0xaf: {  	s0 =	simm.s32 @!p2 $0x3;
	[sflag:s30] =	ssyncadd.s32 $0xFFFFF000  }
0xb0: {  	_ =	swait.ge @!p2 [sflag:s0], $0x1000  }
0xb1: {  	[sflag:s0] =	ssyncset.done @!p2 $0x0  }
0xb2: {  	[sflag:s0] =	ssyncadd.s32 @!p2 $0xFFFFF000;
	s0 =	simm.s32 @!p2 $0x4  }
0xb3: {  	_ =	swait.ge @!p2 [sflag:s0], $0x80  }
0xb4: {  	s14 =	sand.u32 $0x1, s7;
	[sflag:s0] =	ssyncset.done @!p2 $0x0  }
0xb5: {  	s11 =	sshll.u32 s14, $0x7;
	v0 =	vld [tilespmem:$0x1FFF0];
	[sflag:s0] =	ssyncadd.s32 @!p2 $0xFFFFFF80  }
0xb6: {  	v8 =	vld [tilespmem:s11+$0x100]  }
0xb7: {  	v9 =	vld [tilespmem:s11+$0x110]  }
0xb8: {  	v10 =	vld [tilespmem:s11+$0x120]  }
0xb9: {  	v11 =	vld [tilespmem:s11+$0x130]  }
0xba: {  	v12 =	vld [tilespmem:s11+$0x140]  }
0xbb: {  	v13 =	vld [tilespmem:s11+$0x150];
	v8 =	vsub.s32 v8, v0  }
0xbc: {  	v62 =	vld [tilespmem:s11+$0x160];
	[tilespmem:s11+$0x200] =	vst v8;
	v8 =	vsub.s32 v9, v0  }
0xbd: {  	v63 =	vld [tilespmem:s11+$0x170];
	[tilespmem:s11+$0x210] =	vst v8;
	v8 =	vsub.s32 v10, v0  }
0xbe: {  	p2 =	sgt.u32 s7, $0x184;
	[tilespmem:s11+$0x220] =	vst v8;
	v8 =	vsub.s32 v11, v0  }
0xbf: {  	s0 =	sadd.s32 @!p2 s13, s7;
	[tilespmem:s11+$0x230] =	vst v8;
	v8 =	vsub.s32 v12, v0  }
0xc0: {  	s0 =	sshll.u32 @!p2 s0, $0x7;
	[tilespmem:s11+$0x240] =	vst v8;
	v8 =	vsub.s32 v13, v0  }
0xc1: {  	s0 =	sadd.s32 @!p2 s0, s8;
	[tilespmem:s11+$0x250] =	vst v8;
	v8 =	vsub.s32 v62, v0  }
0xc2: {  	s0 =	sshrl.u32 @!p2 s0, $0x3;
	[tilespmem:s11+$0x260] =	vst v8;
	v8 =	vsub.s32 v63, v0  }
0xc3: {  	s15 =	simm.s32 @!p2 $0x0;
	s6 =	sadd.s32 @!p2 s19, s0;
	[tilespmem:s11+$0x270] =	vst v8  }
0xc4: {  	[tilespmem:s11], [sflag:$0x5] =	stream.linear.gather @!p2 [hbm4b:s6+s15], $0x80, $0x38;
	[tilespmem:$0x1FCA0] =	vst v63  }
0xc5: {  	s0 =	sadd.s32 @!p2 s20, s0;
	s6 =	sor.u32 $0x100, s11  }
0xc6: {  	[tilespmem:s6], [sflag:$0x5] =	stream.linear.gather @!p2 [hbm4b:s0+s15], $0x80, $0x38;
	[tilespmem:$0x1FCA0] =	vst v63  }
0xc7: {  	p2 =	seq.s32 s7, $0x0  }
.Ltmp1:
0xc8: {  	_ = 	snop;
	(pc) =	sbr.rel @p2 .LBB2_7-.Ltmp1, $1  }
0xc9: {  	_ =	sdelay $0x3  }
0xca: {  	p2 =	seq.s32 s7, $0x186  }
.Ltmp2:
0xcb: {  	_ = 	snop;
	(pc) =	sbr.rel @p2 .LBB2_8-.Ltmp2, $1  }
0xcc: {  	_ =	sdelay $0x3  }
0xcd: {  	_ =	swait.ge [sflag:s2], $0x80  }
0xce: {  	[sflag:s2] =	ssyncset.done $0x0  }
0xcf: {  	[sflag:s2] =	ssyncadd.s32 $0xFFFFFF80  }
0xd0: {  	_ =	swait.ge [sflag:s2], $0x80  }
0xd1: {  	[sflag:s2] =	ssyncset.done $0x0  }
0xd2: {  	[sflag:s2] =	ssyncadd.s32 $0xFFFFFF80  }
.LBB2_7:
0xd3: {  	s0 =	sxor.u32 $0x1, s14  }
0xd4: {  	s6 =	sshll.u32 s0, $0xC  }
0xd5: {  	s0 =	sshll.u32 s0, $0x7;
	s15 =	sor.u32 $0x300, s6  }
0xd6: {  	[tilespmem:s15], [sflag:$0x1] =	stream.indirect.gather [hbm4b:s5+s23], $0x20, s0, s23, $0xb8;
	[tilespmem:$0x1FCA0] =	vst v63  }
0xd7: {  	s6 =	sor.u32 $0x2300, s6;
	s0 =	sor.u32 $0x100, s0  }
0xd8: {  	[tilespmem:s6], [sflag:$0x2] =	stream.indirect.gather [hbm4b:s18+s23], $0x20, s0, s23, $0xb8;
	[tilespmem:$0x1FCA0] =	vst v63  }
.LBB2_8:
0xd9: {  	s0 =	simm.s32 $0x1  }
0xda: {  	s0 =	simm.s32 @!p1 $0x0  }
0xdb: {  	s0 =	sshll.u32 s0, $0xC  }
0xdc: {  	s15 =	sor.u32 $0x380, s0  }
0xdd: {  	v24 =	vld [tilespmem:s15+$0x60]  }
0xde: {  	s6 =	sor.u32 $0x2380, s0;
	v23 =	vld [tilespmem:s15+$0x70]  }
0xdf: {  	v8 =	vld [tilespmem:s6+$0x60]  }
0xe0: {  	v9 =	vld [tilespmem:s6+$0x70];
	_ =	sdelay $0x1  }
0xe1: {  	v20 =	vld [tilespmem:s15+$0xFFFFFF90]  }
0xe2: {  	v16 =	vld [tilespmem:s6+$0xFFFFFF90]  }
0xe3: {  	v34 =	vld [tilespmem:s15+$0xFFFFFFA0]  }
0xe4: {  	v35 =	vld [tilespmem:s15+$0xFFFFFFB0];
	v8 =	vadd.f32 v8, v24;
	v15 =	vadd.f32 v9, v23  }
0xe5: {  	v17 =	vld [tilespmem:s6+$0xFFFFFFA0]  }
0xe6: {  	v11 =	vmov s11;
	v18 =	vld [tilespmem:s6+$0xFFFFFFB0];
	v19 =	vmul.f32 $2.000000030e-01, v8;
	v21 =	vmul.f32 $2.000000030e-01, v15  }
0xe7: {  	v13 =	vor.u32 $0x1, v11;
	v14 =	vor.u32 $0x2, v11;
	v36 =	vld [tilespmem:s15+$0xFFFFFFC0]  }
0xe8: {  	v12 =	vor.u32 $0x3, v11;
	v26 =	vld [tilespmem:s15+$0xFFFFFFD0];
	v19 =	vmax.f32 v8, v19;
	v15 =	vmax.f32 v15, v21  }
0xe9: {  	s22 =	simm.s32 $0x0;
	s25 =	simm.s32 $0x1;
	s26 =	simm.s32 $0x2;
	v10 =	vor.u32 $0x4, v11;
	v29 =	vld [tilespmem:s6+$0xFFFFFFD0];
	v19 =	vmul.f32 v19, v6;
	v22 =	vmul.f32 v15, v7  }
0xea: {  	s24 =	simm.s32 $0x3;
	v25 =	vmov s22;
	v31 =	vmov s25;
	v33 =	vmov s26;
	v21 =	vld [tilespmem:s6+$0xFFFFFFC0]  }
0xeb: {  	v37 =	vmov s24;
	s24 =	simm.s32 $0x5;
	v27 =	vld [tilespmem:s15+$0xFFFFFFE0];
	v16 =	vadd.f32 v16, v20;
	v19 =	vadd.f32 v22, v19  }
0xec: {  	s25 =	simm.s32 $0x6;
	v30 =	vshrl.u32 v25, $0x3;
	v45 =	vmov s24;
	v32 =	vld [tilespmem:s6+$0xFFFFFFE0];
	v17 =	vadd.f32 v17, v34  }
0xed: {  	v46 =	vmov s25;
	v25 =	vld [tilespmem:s15+$0xFFFFFFF0];
	v18 =	vadd.f32 v18, v35;
	v22 =	vmul.f32 $2.000000030e-01, v16;
	(xrf2) =	vadd.scan.msk.f32 $0xffff, v19  }
0xee: {  	v37 =	vshrl.u32 v37, $0x3;
	v30 =	vshll.u32 v30, v5;
	v63 =	vld [tilespmem:s6+$0x0];
	v38 =	vmul.f32 $2.000000030e-01, v17  }
0xef: {  	v39 =	vmul.f32 $2.000000030e-01, v18;
	v19 =	vld [tilespmem:s6+$0xFFFFFFF0];
	v16 =	vmax.f32 v16, v22;
	v40 =	vadd.f32 v21, v36  }
0xf0: {  	v44 =	vld [tilespmem:s6+$0x10];
	v41 =	vmul.f32 v16, v7;
	v16 =	vmax.f32 v17, v38;
	v17 =	vadd.f32 v29, v26  }
0xf1: {  	v37 =	vshll.u32 v37, v5;
	v32 =	vadd.f32 v32, v27;
	v22 =	vld [tilespmem:s15+$0x0];
	v29 =	vmul.f32 v16, v6  }
0xf2: {  	v21 =	vld [tilespmem:s15+$0x10];
	v16 =	vmax.f32 v18, v39;
	v18 =	vmul.f32 $2.000000030e-01, v40;
	v43 =	vmul.f32 $2.000000030e-01, v17  }
0xf3: {  	v30 =	vadd.s32 v11, v30;
	v53 =	vmul.f32 $2.000000030e-01, v32;
	v42 =	vmul.f32 v16, v7  }
0xf4: {  	v28 =	vld [tilespmem:s6+$0xFFFFFF80];
	v18 =	vmax.f32 v40, v18;
	v51 =	vmax.f32 v17, v43;
	v52 =	vadd.f32 v19, v25  }
0xf5: {  	v47 =	vld [tilespmem:s6+$0x20];
	v9 =	vor.u32 $0x5, v11;
	v18 =	vmul.f32 v18, v6;
	v19 =	vmul.f32 v51, v7  }
0xf6: {  	v48 =	vld [tilespmem:s6+$0x30];
	v29 =	vadd.f32 v42, v29;
	v55 =	vadd.f32 v63, v22;
	v54 =	vmul.f32 $2.000000030e-01, v52  }
0xf7: {  	v16 =	vld [tilespmem:s15+$0x20];
	v58 =	vadd.f32 v44, v21;
	v44 =	vshrl.u32 v31, $0x3;
	v49 =	vadd.f32 v19, v18;
	v59, _, _ =	vpop (xrf2)  }
0xf8: {  	v31 =	vld [tilespmem:s15+$0xFFFFFF80];
	v18 =	vmax.f32 v32, v53;
	v57 =	vmax.f32 v52, v54;
	v43 =	vperm.xlane v59, v4  }
0xf9: {  	v8 =	vor.u32 $0x6, v11;
	v17 =	vld [tilespmem:s15+$0x30];
	v56 =	vmul.f32 v18, v6;
	(xrf2) =	vadd.scan.msk.f32 $0xffff, v29;
	v60 =	vmul.f32 v57, v7  }
0xfa: {  	v61 =	vld [tilespmem:s6+$0x40];
	v15 =	vor.u32 $0x7, v11;
	v50 =	vmul.f32 $2.000000030e-01, v55;
	(xrf2) =	vadd.scan.msk.f32 $0xffff, v49;
	v43 =	vmul.f32 $1.442695020e+00, v43  }
0xfb: {  	s4 =	simm.s32 $0x4;
	v63 =	vld [tilespmem:s6+$0x50];
	v62 =	vmul.f32 $2.000000030e-01, v58;
	v29 =	vshrl.u32 v33, $0x3;
	v33 =	vadd.f32 v60, v56  }
0xfc: {  	v39 =	vmov s4;
	v19 =	vld [tilespmem:s15+$0x40];
	v47 =	vadd.f32 v47, v16;
	(erf) = vpow2.f32 v43  }
0xfd: {  	s26 =	simm.s32 $0x7;
	v18 =	vld [tilespmem:s15+$0x50];
	v32 =	vmax.f32 v55, v50;
	v42 =	vmax.f32 v58, v62;
	v28 =	vadd.f32 v28, v31;
	(xrf2) =	vadd.scan.msk.f32 $0xffff, v33  }
0xfe: {  	v48 =	vadd.f32 v48, v17;
	v51 =	vmul.f32 $2.000000030e-01, v47;
	v57 =	vmov s26  }
0xff: {  	v32 =	vmul.f32 v32, v6;
	v49 =	vshrl.u32 v57, $0x3;
	v55 =	vmul.f32 $2.000000030e-01, v28  }
0x100: {  	v52 =	vmul.f32 $2.000000030e-01, v48;
	v38 =	vmax.f32 v47, v51;
	v58 =	vshll.u32 v49, v5  }
0x101: {  	v40 =	vadd.f32 v61, v19;
	v38 =	vmul.f32 v38, v6;
	v28 =	vmax.f32 v28, v55  }
0x102: {  	v61 =	vadd.s32 v58, v15;
	v54 =	vadd.f32 v63, v18;
	v28 =	vmul.f32 v28, v6  }
0x103: {  	v33 =	vmul.f32 v42, v7;
	v53 =	vmax.f32 v48, v52;
	v51 =	vbroadcast v61, $0x0;
	v59, _, _ =	vpop (xrf2)  }
0x104: {  	v56 =	vmul.f32 $2.000000030e-01, v40;
	v50 =	vmul.f32 $2.000000030e-01, v54;
	v28 =	vadd.f32 v41, v28;
	v62, _, _ =	vpop (xrf2)  }
0x105: {  	v57 =	vshrl.u32 v39, $0x3;
	v42 =	vmul.f32 v53, v7;
	v63 =	vperm.xlane v59, v4;
	v52 =	vpop (erf)  }
0x106: {  	v60 =	vmax.f32 v54, v50;
	(xrf2) =	vadd.scan.msk.f32 $0xffff, v28;
	v53 =	vperm.xlane v62, v4;
	v54 =	vmul.f32 v52, v24  }
0x107: {  	v40 =	vmax.f32 v40, v56;
	v24 =	vmul.f32 $1.442695020e+00, v63;
	v56 =	vmul.f32 v52, v23;
	v23, _, _ =	vpop (xrf2)  }
0x108: {  	v32 =	vadd.f32 v33, v32;
	v28 =	vmul.f32 $1.442695020e+00, v53;
	v23 =	vperm.xlane v23, v4  }
0x109: {  	v29 =	vshll.u32 v29, v5;
	v33 =	vbroadcast v30, $0x0;
	(erf) = vpow2.f32 v24  }
0x10a: {  	v30 =	vadd.s32 v29, v14;
	(xrf2) =	vadd.scan.msk.f32 $0xffff, v32;
	(erf) = vpow2.f32 v28;
	v23 =	vmul.f32 $1.442695020e+00, v23  }
0x10b: {  	v55 =	vadd.f32 v42, v38;
	v42 =	vbroadcast v30, $0x0;
	v49 =	vmul.f32 v40, v6  }
0x10c: {  	v58 =	vshrl.u32 v46, $0x3;
	v50 =	vmul.f32 v60, v7;
	(erf) = vpow2.f32 v23  }
0x10d: {  	v59 =	vshll.u32 v57, v5;
	(xrf2) =	vadd.scan.msk.f32 $0xffff, v55;
	v24 =	vshrl.u32 v45, $0x3;
	v28 =	vshll.u32 v44, v5  }
0x10e: {  	s24 =	sadd.s32 $0x100, s15;
	v62 =	vadd.f32 v50, v49;
	v23 =	vshll.u32 v24, v5;
	v24 =	vadd.s32 v28, v13  }
0x10f: {  	s28 =	sadd.s32 $0x100, s6;
	v29 =	vld [tilespmem:s24+$0x60];
	v60 =	vadd.s32 v59, v10;
	v44 =	vbroadcast v24, $0x0;
	v24 =	vadd.s32 v37, v12  }
0x110: {  	v41 =	vld [tilespmem:s28+$0x70];
	v32 =	vshll.u32 v58, v5;
	v23 =	vadd.s32 v23, v9;
	v61, _, _ =	vpop (xrf2);
	(xrf2) =	vadd.scan.msk.f32 $0xffff, v62;
	v38 =	vbroadcast v24, $0x0  }
0x111: {  	s26 =	sor.u32 $0x4380, s0;
	v40 =	vld [tilespmem:s28+$0x60];
	v24 =	vbroadcast v23, $0x0;
	v23 =	vadd.s32 v32, v8;
	v63 =	vperm.xlane v61, v4  }
0x112: {  	v30 =	vbroadcast v60, $0x0;
	[tilespmem:s26+$0x60] =	vst v54;
	v28 =	vld [tilespmem:s24+$0x70];
	v23 =	vbroadcast v23, $0x0;
	v46 =	vpop (erf)  }
0x113: {  	s7 =	sadd.s32 $0x1, s7;
	s22 =	simm.s32 $0x8;
	[tilespmem:s26+$0x70] =	vst v56;
	v32 =	vld [tilespmem:s24+$0xFFFFFF90];
	v49 =	vmul.f32 $1.442695020e+00, v63;
	v43 =	vmul.f32 v46, v34;
	v45 =	vpop (erf)  }
0x114: {  	s6 =	simm.s32 $0x10;
	s15 =	sor.u32 $0x200, s11;
	s25 =	smov.u32 s26;
	[tilespmem:v51+s31+$0x0] =	vst.idx.msk $0x1, v52;
	v48 =	vmul.f32 v46, v35;
	v34 =	vld [tilespmem:s28+$0xFFFFFF80];
	v47 =	vmul.f32 v45, v36;
	v36, _, _ =	vpop (xrf2)  }
.LBB2_9:
0x115: {  	p2 =	slt.u32 s6, $0x78;
	v37 =	vld [tilespmem:s28+$0xFFFFFF90];
	v35 =	vmov s22;
	[tilespmem:s26+$0xFFFFFFA0] =	vst v43;
	v26 =	vmul.f32 v45, v26;
	v39 =	vperm.xlane v36, v4;
	v43 =	vpop (erf)  }
0x116: {  	v50 =	vshrl.u32 v35, $0x3;
	v35 =	vld [tilespmem:s24+$0xFFFFFFA0];
	[tilespmem:s26+$0xFFFFFFB0] =	vst v48;
	v27 =	vmul.f32 v43, v27;
	(erf) = vpow2.f32 v49  }
0x117: {  	s0 =	sadd.s32 $0x1, s22;
	v40 =	vadd.f32 v40, v29;
	v36 =	vld [tilespmem:s24+$0xFFFFFFB0];
	v41 =	vadd.f32 v41, v28;
	[tilespmem:v44+s31+$0x0] =	vst.idx.msk $0x1, v46;
	v0 =	vmul.f32 $1.442695020e+00, v39;
	v44, _, _ =	vpop (xrf2)  }
0x118: {  	v48 =	vmov s0;
	s0 =	sadd.s32 $0x2, s22;
	v25 =	vmul.f32 v43, v25;
	v46 =	vld [tilespmem:s28+$0xFFFFFFA0];
	[tilespmem:s26+$0xFFFFFFC0] =	vst v47;
	v44 =	vperm.xlane v44, v4  }
0x119: {  	v49 =	vmov s0;
	v51 =	vmul.f32 $2.000000030e-01, v40;
	v47 =	vld [tilespmem:s28+$0xFFFFFFB0];
	v52 =	vmul.f32 $2.000000030e-01, v41;
	[tilespmem:s26+$0xFFFFFFD0] =	vst v26  }
0x11a: {  	v53 =	vadd.f32 v37, v32;
	v37 =	vld [tilespmem:s24+$0xFFFFFFC0];
	[tilespmem:v42+s31+$0x0] =	vst.idx.msk $0x1, v45;
	v42 =	vmul.f32 $1.442695020e+00, v44;
	(erf) = vpow2.f32 v0;
	v39, _, _ =	vpop (xrf2)  }
0x11b: {  	s0 =	sadd.s32 $0x3, s22;
	v40 =	vmax.f32 v40, v51;
	v26 =	vld [tilespmem:s24+$0xFFFFFFD0];
	v41 =	vmax.f32 v41, v52;
	[tilespmem:s26+$0xFFFFFFE0] =	vst v27;
	v27 =	vperm.xlane v39, v4  }
0x11c: {  	v45 =	vmov s0;
	v39 =	vmul.f32 v40, v6;
	v44 =	vld [tilespmem:s28+$0xFFFFFFC0];
	v40 =	vmul.f32 v41, v7;
	[tilespmem:s26+$0xFFFFFFF0] =	vst v25  }
0x11d: {  	v25 =	vmul.f32 $2.000000030e-01, v53;
	v41 =	vadd.f32 v46, v35;
	v46 =	vld [tilespmem:s28+$0xFFFFFFD0];
	[tilespmem:v38+s31+$0x0] =	vst.idx.msk $0x1, v43;
	v38 =	vmul.f32 $1.442695020e+00, v27  }
0x11e: {  	v43 =	vadd.f32 v47, v36;
	v27 =	vld [tilespmem:s24+$0xFFFFFFE0];
	v47 =	vadd.f32 v40, v39;
	(erf) = vpow2.f32 v42  }
0x11f: {  	s0 =	sadd.s32 $0x4, s22;
	v39 =	vmax.f32 v53, v25;
	v42 =	vmul.f32 $2.000000030e-01, v41;
	v25 =	vld [tilespmem:s24+$0xFFFFFFF0];
	v51 =	vpop (erf);
	(erf) = vpow2.f32 v38  }
0x120: {  	v40 =	vmul.f32 v39, v7;
	v39 =	vmov s0;
	v38 =	vmul.f32 $2.000000030e-01, v43;
	v52 =	vld [tilespmem:s28+$0xFFFFFFE0];
	(xrf2) =	vadd.scan.msk.f32 $0xffff, v47  }
0x121: {  	v31 =	vmul.f32 v51, v31;
	v41 =	vmax.f32 v41, v42;
	v42 =	vadd.f32 v44, v37;
	v44 =	vld [tilespmem:s28+$0xFFFFFFF0]  }
0x122: {  	s0 =	sadd.s32 $0x5, s22;
	v47 =	vmul.f32 v41, v6;
	v38 =	vmax.f32 v43, v38;
	v43 =	vadd.f32 v46, v26;
	v46 =	vld [tilespmem:s24+$0x0]  }
0x123: {  	v41 =	vmov s0;
	s0 =	sadd.s32 $0x6, s22;
	v53 =	vmul.f32 v38, v7;
	v54 =	vmul.f32 $2.000000030e-01, v42;
	v55 =	vld [tilespmem:s24+$0x10];
	[tilespmem:s26+$0xFFFFFF80] =	vst v31;
	v56 =	vpop (erf)  }
0x124: {  	v58 =	vmul.f32 v51, v20;
	v20 =	vmovc v32;
	v38 =	vmov s0;
	v31 =	vmul.f32 $2.000000030e-01, v43;
	v57 =	vld [tilespmem:s28+$0x0]  }
0x125: {  	v0 =	vadd.f32 v53, v47;
	v42 =	vmax.f32 v42, v54;
	v47 =	vadd.f32 v52, v27;
	v52 =	vld [tilespmem:s28+$0x10]  }
0x126: {  	v42 =	vmul.f32 v42, v6;
	v31 =	vmax.f32 v43, v31;
	v43 =	vadd.f32 v44, v25;
	v44 =	vld [tilespmem:s24+$0x20];
	[tilespmem:s26+$0xFFFFFF90] =	vst v58  }
0x127: {  	v31 =	vmul.f32 v31, v7;
	v53 =	vmul.f32 $2.000000030e-01, v47;
	v54 =	vld [tilespmem:s24+$0x30];
	(xrf2) =	vadd.scan.msk.f32 $0xffff, v0;
	[tilespmem:v33+s31+$0x0] =	vst.idx.msk $0x1, v51;
	v33 =	vpop (erf)  }
0x128: {  	v50 =	vshll.u32 v50, v5;
	v59 =	vmul.f32 v56, v22;
	v51 =	vmul.f32 $2.000000030e-01, v43;
	v58 =	vld [tilespmem:s28+$0x20];
	v32 =	vpop (erf)  }
0x129: {  	v22 =	vmovc v46;
	v31 =	vadd.f32 v31, v42;
	v42 =	vmax.f32 v47, v53;
	v47 =	vadd.f32 v57, v46;
	v53 =	vld [tilespmem:s28+$0x30]  }
0x12a: {  	v42 =	vmul.f32 v42, v6;
	v43 =	vmax.f32 v43, v51;
	v46 =	vadd.f32 v52, v55;
	v51 =	vld [tilespmem:s24+$0x40];
	v52, _, _ =	vpop (xrf2);
	[tilespmem:s26+$0x0] =	vst v59  }
0x12b: {  	v48 =	vshrl.u32 v48, $0x3;
	v57 =	vmul.f32 $2.000000030e-01, v47;
	v59 =	vld [tilespmem:s24+$0x50];
	v52 =	vperm.xlane v52, v4;
	(xrf2) =	vadd.scan.msk.f32 $0xffff, v31  }
0x12c: {  	v49 =	vshrl.u32 v49, $0x3;
	v43 =	vmul.f32 v43, v7;
	v60 =	vmul.f32 $2.000000030e-01, v46;
	v61 =	vld [tilespmem:s28+$0x40]  }
0x12d: {  	v47 =	vmax.f32 v47, v57;
	v57 =	vadd.f32 v58, v44;
	v58 =	vld [tilespmem:s28+$0x50];
	v52 =	vmul.f32 $1.442695020e+00, v52  }
0x12e: {  	v31 =	vld [tilespmem:s24+$0xFFFFFF80];
	v47 =	vmul.f32 v47, v6;
	v46 =	vmax.f32 v46, v60;
	v53 =	vadd.f32 v53, v54  }
0x12f: {  	v42 =	vadd.f32 v43, v42;
	v43 =	vmul.f32 $2.000000030e-01, v57;
	(erf) = vpow2.f32 v52  }
0x130: {  	v45 =	vshrl.u32 v45, $0x3;
	v46 =	vmul.f32 v46, v7;
	v52 =	vmul.f32 $2.000000030e-01, v53  }
0x131: {  	v43 =	vmax.f32 v57, v43;
	v57 =	vadd.f32 v61, v51;
	v60, _, _ =	vpop (xrf2);
	(xrf2) =	vadd.scan.msk.f32 $0xffff, v42;
	v42 =	vmul.f32 v56, v21  }
0x132: {  	s0 =	sadd.s32 $0x7, s22;
	s22 =	smov.u32 s6;
	v21 =	vmovc v55;
	v43 =	vmul.f32 v43, v6;
	v52 =	vmax.f32 v53, v52;
	v53 =	vadd.f32 v58, v59  }
0x133: {  	v58 =	vmov s0;
	v34 =	vadd.f32 v34, v31;
	v55 =	vmul.f32 $2.000000030e-01, v57;
	[tilespmem:s26+$0x10] =	vst v42  }
0x134: {  	v42 =	vmul.f32 v52, v7;
	v58 =	vshrl.u32 v58, $0x3;
	v52 =	vmul.f32 $2.000000030e-01, v53;
	[tilespmem:v30+s31+$0x0] =	vst.idx.msk $0x1, v56  }
0x135: {  	v56 =	vshll.u32 v58, v5;
	v30 =	vmul.f32 $2.000000030e-01, v34;
	v55 =	vmax.f32 v57, v55;
	v57, _, _ =	vpop (xrf2)  }
0x136: {  	v55 =	vmul.f32 v55, v6;
	v52 =	vmax.f32 v53, v52;
	v53 =	vadd.s32 v56, v15  }
0x137: {  	v30 =	vmax.f32 v34, v30;
	v34 =	vmul.f32 v52, v7;
	v52 =	vbroadcast v53, $0x0  }
0x138: {  	v46 =	vadd.f32 v46, v47;
	v42 =	vadd.f32 v42, v43;
	v30 =	vmul.f32 v30, v6;
	v43 =	vpop (erf)  }
0x139: {  	v47 =	vperm.xlane v60, v4;
	v34 =	vadd.f32 v34, v55;
	v0 =	vmul.f32 v43, v29  }
0x13a: {  	s26 =	sadd.s32 $0x100, s26;
	v28 =	vmul.f32 v43, v28;
	v30 =	vadd.f32 v40, v30;
	v40 =	vperm.xlane v57, v4  }
0x13b: {  	v39 =	vshrl.u32 v39, $0x3;
	v47 =	vmul.f32 $1.442695020e+00, v47;
	v53 =	vmul.f32 v33, v16;
	[tilespmem:s26+$0x60] =	vst v0;
	v29, _, _ =	vpop (xrf2)  }
0x13c: {  	v16 =	vmovc v44;
	v40 =	vmul.f32 $1.442695020e+00, v40;
	v29 =	vperm.xlane v29, v4;
	[tilespmem:s26+$0x70] =	vst v28;
	(xrf2) =	vadd.scan.msk.f32 $0xffff, v30  }
0x13d: {  	v28 =	vshrl.u32 v41, $0x3;
	v30 =	vmul.f32 v33, v17;
	v41 =	vmul.f32 v32, v19;
	[tilespmem:v52+s31+$0x0] =	vst.idx.msk $0x1, v43  }
0x13e: {  	v17 =	vmovc v54;
	v19 =	vmovc v51;
	v43 =	vadd.s32 v11, v50;
	v29 =	vmul.f32 $1.442695020e+00, v29;
	(erf) = vpow2.f32 v47;
	[tilespmem:s25+$0x20] =	vst v53  }
0x13f: {  	(erf) = vpow2.f32 v40;
	(xrf2) =	vadd.scan.msk.f32 $0xffff, v46;
	[tilespmem:s25+$0x30] =	vst v30;
	v30 =	vmul.f32 v32, v18;
	v18 =	vmovc v59  }
0x140: {  	v38 =	vshrl.u32 v38, $0x3;
	v44 =	vshll.u32 v49, v5;
	v40 =	vshll.u32 v48, v5;
	[tilespmem:v24+s31+$0x0] =	vst.idx.msk $0x1, v33  }
0x141: {  	v39 =	vshll.u32 v39, v5;
	v24 =	vshll.u32 v45, v5;
	(erf) = vpow2.f32 v29;
	[tilespmem:s25+$0x40] =	vst v41  }
0x142: {  	v45 =	vshll.u32 v38, v5;
	v41 =	vshll.u32 v28, v5;
	(xrf2) =	vadd.scan.msk.f32 $0xffff, v42;
	[tilespmem:s25+$0x50] =	vst v30;
	s25 =	smov.u32 s26  }
0x143: {  	s24 =	sadd.s32 $0x100, s24;
	v33 =	vbroadcast v43, $0x0;
	v28 =	vadd.s32 v40, v13;
	v30 =	vadd.s32 v44, v14;
	[tilespmem:v23+s31+$0x0] =	vst.idx.msk $0x1, v32  }
0x144: {  	v44 =	vbroadcast v28, $0x0;
	v23 =	vadd.s32 v24, v12;
	v24 =	vadd.s32 v39, v10;
	v29 =	vld [tilespmem:s24+$0x60]  }
.Ltmp3:
0x145: {  	s28 =	sadd.s32 $0x100, s28;
	v42 =	vbroadcast v30, $0x0;
	v38 =	vbroadcast v23, $0x0;
	v23 =	vadd.s32 v41, v9;
	v28 =	vld [tilespmem:s24+$0x70];
	(xrf2) =	vadd.scan.msk.f32 $0xffff, v34;
	(pc) =	sbr.rel @p2 .LBB2_9-.Ltmp3, $4  }
0x146: {  	v30 =	vbroadcast v24, $0x0;
	v24 =	vbroadcast v23, $0x0;
	v23 =	vadd.s32 v45, v8;
	v40 =	vld [tilespmem:s28+$0x60];
	v32, _, _ =	vpop (xrf2)  }
0x147: {  	v23 =	vbroadcast v23, $0x0;
	v41 =	vld [tilespmem:s28+$0x70];
	v39 =	vperm.xlane v32, v4;
	v46 =	vpop (erf)  }
0x148: {  	v32 =	vld [tilespmem:s24+$0xFFFFFF90];
	v43 =	vmul.f32 v46, v35;
	v48 =	vmul.f32 v46, v36;
	v45 =	vpop (erf)  }
0x149: {  	s6 =	sadd.s32 $0x8, s6;
	v34 =	vld [tilespmem:s28+$0xFFFFFF80];
	v49 =	vmul.f32 $1.442695020e+00, v39;
	v47 =	vmul.f32 v45, v37;
	v36, _, _ =	vpop (xrf2)  }
0x14a: {  	v50 =	vld [tilespmem:s28+$0xFFFFFF90]  }
0x14b: {  	v39 =	vld [tilespmem:s24+$0xFFFFFFA0]  }
0x14c: {  	v35 =	vld [tilespmem:s24+$0xFFFFFFB0]  }
0x14d: {  	v51 =	vld [tilespmem:s28+$0xFFFFFFA0];
	v40 =	vadd.f32 v40, v29  }
0x14e: {  	v36 =	vperm.xlane v36, v4;
	v37 =	vld [tilespmem:s24+$0xFFFFFFC0];
	v54 =	vmul.f32 v45, v26  }
0x14f: {  	v56 =	vpop (erf);
	v58 =	vld [tilespmem:s28+$0xFFFFFFD0];
	(erf) = vpow2.f32 v49;
	v41 =	vadd.f32 v41, v28;
	v52 =	vmul.f32 $2.000000030e-01, v40  }
0x150: {  	v49 =	vld [tilespmem:s28+$0xFFFFFFB0];
	v59 =	vmul.f32 v56, v27;
	v60 =	vmul.f32 $1.442695020e+00, v36;
	v55, _, _ =	vpop (xrf2)  }
0x151: {  	[tilespmem:s26+$0xFFFFFFA0] =	vst v43;
	v43 =	vld [tilespmem:s24+$0xFFFFFF80];
	v55 =	vperm.xlane v55, v4;
	v53 =	vmul.f32 $2.000000030e-01, v41;
	v40 =	vmax.f32 v40, v52  }
0x152: {  	v36 =	vld [tilespmem:s24+$0xFFFFFFD0];
	(erf) = vpow2.f32 v60;
	v61, _, _ =	vpop (xrf2);
	v27 =	vadd.f32 v50, v32;
	v40 =	vmul.f32 v40, v6  }
0x153: {  	v52 =	vld [tilespmem:s28+$0xFFFFFFC0];
	v41 =	vmax.f32 v41, v53;
	v62 =	vperm.xlane v61, v4;
	v53 =	vmul.f32 $1.442695020e+00, v55  }
0x154: {  	v51 =	vadd.f32 v51, v39;
	v57 =	vmul.f32 v41, v7;
	v41 =	vld [tilespmem:s24+$0xFFFFFFE0];
	v55 =	vmul.f32 $2.000000030e-01, v27  }
0x155: {  	v49 =	vadd.f32 v49, v35;
	v50 =	vmul.f32 $1.442695020e+00, v62;
	(erf) = vpow2.f32 v53;
	v53 =	vld [tilespmem:s28+$0xFFFFFFF0]  }
0x156: {  	v26 =	vadd.f32 v57, v40;
	v57 =	vld [tilespmem:s28+$0xFFFFFFE0];
	v63 =	vmax.f32 v27, v55;
	v27 =	vmul.f32 $2.000000030e-01, v51  }
0x157: {  	v60 =	vmul.f32 v56, v25;
	v61 =	vmul.f32 $2.000000030e-01, v49;
	v40 =	vld [tilespmem:s24+$0xFFFFFFF0]  }
0x158: {  	[tilespmem:s26+$0xFFFFFFB0] =	vst v48;
	v25 =	vld [tilespmem:s24+$0x0];
	v34 =	vadd.f32 v34, v43;
	v52 =	vadd.f32 v52, v37;
	v27 =	vmax.f32 v51, v27  }
0x159: {  	(erf) = vpow2.f32 v50;
	(xrf2) =	vadd.scan.msk.f32 $0xffff, v26;
	v26 =	vld [tilespmem:s24+$0x10];
	v50 =	vpop (erf);
	v62 =	vmul.f32 v27, v6;
	v27 =	vmax.f32 v49, v61  }
0x15a: {  	[tilespmem:v44+s31+$0x0] =	vst.idx.msk $0x1, v46;
	v49 =	vmul.f32 $2.000000030e-01, v52;
	v61 =	vld [tilespmem:s28+$0x10];
	v51 =	vmul.f32 v50, v31;
	v31 =	vadd.f32 v58, v36  }
0x15b: {  	v55 =	vmul.f32 v63, v7;
	v58 =	vld [tilespmem:s28+$0x0];
	v63 =	vmul.f32 v27, v7;
	v57 =	vadd.f32 v57, v41  }
0x15c: {  	[tilespmem:s26+$0xFFFFFFC0] =	vst v47;
	v27 =	vld [tilespmem:s24+$0x20];
	v44 =	vpop (erf);
	v52 =	vmax.f32 v52, v49;
	v49 =	vadd.f32 v53, v40;
	v3 =	vmul.f32 $2.000000030e-01, v31  }
0x15d: {  	[tilespmem:s26+$0xFFFFFFD0] =	vst v54;
	v0 =	vmul.f32 v50, v20;
	v53 =	vld [tilespmem:s28+$0x20];
	v47 =	vmul.f32 v44, v22;
	v46 =	vadd.f32 v63, v62  }
0x15e: {  	[tilespmem:v42+s31+$0x0] =	vst.idx.msk $0x1, v45;
	v63 =	vmul.f32 $2.000000030e-01, v49;
	v3 =	vmax.f32 v31, v3;
	v31 =	vmul.f32 $2.000000030e-01, v57  }
0x15f: {  	[tilespmem:s26+$0xFFFFFFE0] =	vst v59;
	v21 =	vmul.f32 v44, v21;
	v48 =	vmul.f32 v52, v6;
	v52 =	vadd.f32 v61, v26  }
0x160: {  	v20 =	vld [tilespmem:s24+$0x30];
	(xrf2) =	vadd.scan.msk.f32 $0xffff, v46;
	v3 =	vmul.f32 v3, v7;
	v49 =	vmax.f32 v49, v63;
	v31 =	vmax.f32 v57, v31  }
0x161: {  	[tilespmem:s26+$0xFFFFFFF0] =	vst v60;
	v22 =	vld [tilespmem:s24+$0x40];
	v57 =	vadd.f32 v58, v25;
	v63 =	vmul.f32 v49, v7;
	v45 =	vmul.f32 $2.000000030e-01, v52  }
0x162: {  	[tilespmem:s26+$0xFFFFFF90] =	vst v0;
	v0 =	vpop (erf);
	v58 =	vld [tilespmem:s28+$0x30];
	v49 =	vadd.f32 v53, v27;
	v53 =	vmul.f32 $2.000000030e-01, v34;
	v3 =	vadd.f32 v3, v48  }
0x163: {  	[tilespmem:v38+s31+$0x0] =	vst.idx.msk $0x1, v56;
	v16 =	vmul.f32 v0, v16;
	v54 =	vmul.f32 v31, v6;
	v31 =	vld [tilespmem:s24+$0x50]  }
0x164: {  	v48 =	vld [tilespmem:s28+$0x40];
	v62, _, _ =	vpop (xrf2);
	v46 =	vmul.f32 $2.000000030e-01, v57;
	v34 =	vmax.f32 v34, v53;
	v52 =	vmax.f32 v52, v45;
	(xrf2) =	vadd.scan.msk.f32 $0xffff, v3  }
0x165: {  	[tilespmem:s26+$0xFFFFFF80] =	vst v51;
	v61 =	vperm.xlane v62, v4;
	v3 =	vld [tilespmem:s28+$0x50];
	v42 =	vadd.f32 v63, v54;
	v63 =	vmul.f32 $2.000000030e-01, v49  }
0x166: {  	[tilespmem:v33+s31+$0x0] =	vst.idx.msk $0x1, v50;
	v34 =	vmul.f32 v34, v6;
	v38 =	vmul.f32 v52, v7  }
0x167: {  	v46 =	vmax.f32 v57, v46;
	v62 =	vmul.f32 $1.442695020e+00, v61;
	v58 =	vadd.f32 v58, v20;
	(xrf2) =	vadd.scan.msk.f32 $0xffff, v42  }
0x168: {  	v46 =	vmul.f32 v46, v6;
	v49 =	vmax.f32 v49, v63;
	v34 =	vadd.f32 v55, v34  }
0x169: {  	[tilespmem:s26+$0x0] =	vst v47;
	v56 =	vadd.f32 v48, v22;
	v57 =	vmul.f32 v49, v6;
	v53 =	vmul.f32 $2.000000030e-01, v58  }
0x16a: {  	(erf) = vpow2.f32 v62;
	(xrf2) =	vadd.scan.msk.f32 $0xffff, v34;
	v38 =	vadd.f32 v38, v46;
	v3 =	vadd.f32 v3, v31;
	v60, _, _ =	vpop (xrf2)  }
0x16b: {  	s0 =	sadd.s32 $0x7, s22;
	[tilespmem:s26+$0x10] =	vst v21;
	v45 =	vmax.f32 v58, v53;
	v58 =	vmul.f32 $2.000000030e-01, v56;
	v34 =	vperm.xlane v60, v4  }
0x16c: {  	v59 =	vmov s0;
	[tilespmem:v30+s31+$0x0] =	vst.idx.msk $0x1, v44;
	v45 =	vmul.f32 v45, v7;
	v61 =	vmul.f32 $2.000000030e-01, v3  }
0x16d: {  	v52 =	vshrl.u32 v59, $0x3;
	(xrf2) =	vadd.scan.msk.f32 $0xffff, v38;
	v42 =	vmax.f32 v56, v58;
	v34 =	vmul.f32 $1.442695020e+00, v34  }
0x16e: {  	v42 =	vmul.f32 v42, v6;
	v3 =	vmax.f32 v3, v61;
	v48 =	vadd.f32 v45, v57;
	v63, _, _ =	vpop (xrf2)  }
0x16f: {  	v62 =	vshll.u32 v52, v5;
	v3 =	vmul.f32 v3, v7;
	v33 =	vperm.xlane v63, v4  }
0x170: {  	v59 =	vmul.f32 v0, v17;
	v49 =	vpop (erf);
	v15 =	vadd.s32 v62, v15;
	(erf) = vpow2.f32 v34;
	(xrf2) =	vadd.scan.msk.f32 $0xffff, v48  }
0x171: {  	[tilespmem:s25+$0x20] =	vst v16;
	s28 =	sadd.s32 $0x1, s22;
	v15 =	vbroadcast v15, $0x0;
	v3 =	vadd.f32 v3, v42;
	v54, _, _ =	vpop (xrf2);
	v55 =	vmul.f32 $1.442695020e+00, v33  }
0x172: {  	s6 =	sadd.s32 $0x2, s22;
	v50 =	vmov s28;
	[tilespmem:s25+$0x30] =	vst v59;
	v19 =	vmul.f32 v49, v19;
	v58 =	vperm.xlane v54, v4  }
0x173: {  	s4 =	sadd.s32 $0x3, s22;
	v21 =	vmul.f32 v49, v18;
	v56 =	vmov s6;
	v51 =	vpop (erf);
	(xrf2) =	vadd.scan.msk.f32 $0xffff, v3;
	(erf) = vpow2.f32 v55  }
0x174: {  	[tilespmem:v24+s31+$0x0] =	vst.idx.msk $0x1, v0;
	v57 =	vmov s4;
	v62 =	vshrl.u32 v56, $0x3;
	v61, _, _ =	vpop (xrf2);
	v60 =	vmul.f32 $1.442695020e+00, v58  }
0x175: {  	[tilespmem:s25+$0x40] =	vst v19;
	v52 =	vmul.f32 v51, v29;
	v3 =	vshrl.u32 v50, $0x3;
	v63 =	vperm.xlane v61, v4  }
0x176: {  	[tilespmem:s25+$0x50] =	vst v21;
	v53 =	vmul.f32 v51, v28;
	v3 =	vshll.u32 v3, v5;
	(erf) = vpow2.f32 v60  }
0x177: {  	s28 =	sadd.s32 $0x100, s26;
	[tilespmem:v23+s31+$0x0] =	vst.idx.msk $0x1, v49;
	v28 =	vshll.u32 v62, v5;
	v0 =	vadd.s32 v3, v13;
	v29, _, _ =	vpop (xrf2);
	v3 =	vmul.f32 $1.442695020e+00, v63  }
0x178: {  	v14 =	vadd.s32 v28, v14;
	[tilespmem:s28+$0x60] =	vst v52;
	v0 =	vbroadcast v0, $0x0;
	v13 =	vperm.xlane v29, v4  }
0x179: {  	v30 =	vshrl.u32 v57, $0x3;
	[tilespmem:s28+$0x70] =	vst v53;
	v14 =	vbroadcast v14, $0x0;
	v33 =	vpop (erf);
	(erf) = vpow2.f32 v3  }
0x17a: {  	[tilespmem:v15+s31+$0x0] =	vst.idx.msk $0x1, v51;
	v3 =	vshll.u32 v30, v5;
	v13 =	vmul.f32 $1.442695020e+00, v13;
	v34 =	vmul.f32 v33, v39;
	v38, _, _ =	vpop (xrf2)  }
0x17b: {  	v3 =	vadd.s32 v3, v12;
	v39 =	vmul.f32 v33, v35;
	v17 =	vperm.xlane v38, v4  }
0x17c: {  	v3 =	vbroadcast v3, $0x0;
	[tilespmem:s28+$0xFFFFFFA0] =	vst v34;
	v42 =	vpop (erf);
	(erf) = vpow2.f32 v13  }
0x17d: {  	v44 =	vmov s22;
	[tilespmem:s28+$0xFFFFFFB0] =	vst v39;
	v46 =	vmul.f32 $1.442695020e+00, v17;
	v47, _, _ =	vpop (xrf2);
	v45 =	vmul.f32 v42, v37  }
0x17e: {  	s4 =	sadd.s32 $0x4, s22;
	[tilespmem:v0+s31+$0x0] =	vst.idx.msk $0x1, v33;
	v13 =	vshrl.u32 v44, $0x3;
	v48 =	vmul.f32 v42, v36;
	v0 =	vperm.xlane v47, v4  }
0x17f: {  	v49 =	vmov s4;
	v13 =	vshll.u32 v13, v5;
	v50 =	vpop (erf);
	(erf) = vpow2.f32 v46;
	[tilespmem:s28+$0xFFFFFFC0] =	vst v45  }
0x180: {  	v11 =	vadd.s32 v11, v13;
	v51 =	vmul.f32 v50, v41;
	[tilespmem:s28+$0xFFFFFFD0] =	vst v48;
	v0 =	vmul.f32 $1.442695020e+00, v0  }
0x181: {  	v52 =	vshrl.u32 v49, $0x3;
	v11 =	vbroadcast v11, $0x0;
	v53 =	vmul.f32 v50, v40;
	[tilespmem:v14+s31+$0x0] =	vst.idx.msk $0x1, v42  }
0x182: {  	s24 =	sadd.s32 $0x5, s22;
	v13 =	vshll.u32 v52, v5;
	v54 =	vpop (erf);
	[tilespmem:s28+$0xFFFFFFE0] =	vst v51;
	(erf) = vpow2.f32 v0  }
0x183: {  	v10 =	vadd.s32 v13, v10;
	v0 =	vmov s24;
	[tilespmem:s28+$0xFFFFFFF0] =	vst v53;
	v55 =	vmul.f32 v54, v43  }
0x184: {  	v10 =	vbroadcast v10, $0x0;
	v0 =	vshrl.u32 v0, $0x3;
	[tilespmem:v3+s31+$0x0] =	vst.idx.msk $0x1, v50;
	v3 =	vmul.f32 v54, v32  }
0x185: {  	s25 =	sadd.s32 $0x6, s22;
	v0 =	vshll.u32 v0, v5;
	[tilespmem:s28+$0xFFFFFF80] =	vst v55;
	v56 =	vpop (erf)  }
0x186: {  	v57 =	vmov s25;
	v0 =	vadd.s32 v0, v9;
	[tilespmem:s28+$0xFFFFFF90] =	vst v3;
	v3 =	vmul.f32 v56, v25  }
0x187: {  	v58 =	vshrl.u32 v57, $0x3;
	v0 =	vbroadcast v0, $0x0;
	[tilespmem:v11+s31+$0x0] =	vst.idx.msk $0x1, v54;
	v59 =	vmul.f32 v56, v26  }
0x188: {  	v9 =	vshll.u32 v58, v5;
	v60 =	vpop (erf);
	[tilespmem:s28+$0x0] =	vst v3  }
0x189: {  	v3 =	vadd.s32 v9, v8;
	[tilespmem:s28+$0x10] =	vst v59;
	v8 =	vmul.f32 v60, v27  }
0x18a: {  	v61 =	vmul.f32 v60, v20;
	v3 =	vbroadcast v3, $0x0;
	[tilespmem:v10+s31+$0x0] =	vst.idx.msk $0x1, v56  }
0x18b: {  	v62 =	vpop (erf);
	[tilespmem:s28+$0x20] =	vst v8  }
0x18c: {  	[tilespmem:s28+$0x30] =	vst v61;
	v8 =	vmul.f32 v62, v22  }
0x18d: {  	v63 =	vmul.f32 v62, v31;
	[tilespmem:v0+s31+$0x0] =	vst.idx.msk $0x1, v60  }
0x18e: {  	p2 =	sne.s32 s7, $0x187;
	[tilespmem:s28+$0x40] =	vst v8  }
.Ltmp4:
0x18f: {  	s26 =	sshll.u32 s14, $0xC;
	[tilespmem:s28+$0x50] =	vst v63;
	(pc) =	sbr.rel @p2 .LBB2_4-.Ltmp4, $4  }
0x190: {  	s0 =	sor.u32 $0x4300, s26;
	[tilespmem:v3+s31+$0x0] =	vst.idx.msk $0x1, v62  }
0x191: {  	[spmem:s1] =	stream.indirect.scatter.add.f32 [tilespmem:s0], [sflag:$0x3], $0x20, s15, s23, $0xb8;
	[tilespmem:$0x1FCA0] =	vst v63  }
0x192: {  	p1 =	por !p1, !p1;
	s28 =	sor.u32 $0x6300, s11  }
0x193: {  	[spmem:s3] =	stream.indirect.scatter.add.f32 [tilespmem:s28], [sflag:$0x4], $0x1, s15, s23, $0xb8;
	[tilespmem:$0x1FCA0] =	vst v63  }
0x194: {  	s0 =	simm.s32 $0x3  }
0x195: {  	_ =	swait.ge [sflag:s0], $0x1000  }
0x196: {  	[sflag:s0] =	ssyncset.done $0x0  }
0x197: {  	s4 =	simm.s32 $0x4;
	[sflag:s0] =	ssyncadd.s32 $0xFFFFF000  }
0x198: {  	_ =	swait.ge [sflag:s4], $0x80  }
0x199: {  	[sflag:s4] =	ssyncset.done $0x0  }
0x19a: {  	[sflag:s4] =	ssyncadd.s32 $0xFFFFFF80  }
0x19b: {  	_ =	swait.ge [sflag:s0], $0x1000  }
0x19c: {  	[sflag:s0] =	ssyncset.done $0x0  }
0x19d: {  	[sflag:s0] =	ssyncadd.s32 $0xFFFFF000  }
0x19e: {  	_ =	swait.ge [sflag:s4], $0x80  }
0x19f: {  	[sflag:s4] =	ssyncset.done $0x0  }
0x1a0: {  	[sflag:s4] =	ssyncadd.s32 $0xFFFFFF80  }
0x1a1: {  	[bflag:$0x0] =	sbarrier.arrive $0xFFFF  }
0x1a2: {  	s14 =	stileid.u32;
	s6 =	rddreg [dreg:$0x13]  }
0x1a3: {  	s0 =	sshll.u32 s14, $0x6;
	s22 =	rddreg [dreg:$0x4];
	s15 =	sshrl.u32 s6, $0x3  }
0x1a4: {  	s7 =	sor.u32 $0x1C06, s0;
	[smem:$0x7F7] =	sst s15  }
0x1a5: {  	[hbm:s22], [sflag:s7] =	dma.local [spmem:s15], $0x30C0  }
0x1a6: {  	_ =	swait.ge [sflag:s16], $0x30C0  }
0x1a7: {  	s24 =	rddreg [dreg:$0x14]  }
0x1a8: {  	[sflag:s16] =	ssyncset.done $0x0;
	s26 =	rddreg [dreg:$0xa];
	s25 =	sshrl.u32 s24, $0x3  }
0x1a9: {  	[sflag:s16] =	ssyncadd.s32 $0xFFFFCF40;
	[smem:$0x7F8] =	sst s25  }
0x1aa: {  	[hbm:s26], [sflag:s7] =	dma.local [spmem:s25], $0x186  }
0x1ab: {  	_ =	swait.ge [sflag:s16], $0x186  }
0x1ac: {  	s0 =	sld [smem:$0x7FC];
	_ =	sdelay $0x2  }
0x1ad: {  	[sflag:s16] =	ssyncset.done $0x0;
	s4 =	sshrl.u32 @!p0 s0, $0x3;
	s0 =	rddreg [dreg:$0x5]  }
0x1ae: {  	[sflag:s16] =	ssyncadd.s32 $0xFFFFFE7A;
	[smem:$0x7F9] =	sst s4  }
0x1af: {  	[hbm:s0], [sflag:s7] =	dma.local @!p0 [spmem:s4], $0x140  }
0x1b0: {  	s0 =	simm.s32 @!p0 $0x6  }
0x1b1: {  	_ =	swait.ge @!p0 [sflag:s0], $0x140  }
0x1b2: {  	s4 =	sld [smem:$0x7FD];
	_ =	sdelay $0x2  }
0x1b3: {  	[sflag:s0] =	ssyncset.done @!p0 $0x0;
	s11 =	sshrl.u32 @!p0 s4, $0x3;
	s4 =	rddreg [dreg:$0xb]  }
0x1b4: {  	[sflag:s0] =	ssyncadd.s32 @!p0 $0xFFFFFEC0;
	[smem:$0x7FA] =	sst s11  }
0x1b5: {  	[hbm:s4], [sflag:s7] =	dma.local @!p0 [spmem:s11], $0xA  }
0x1b6: {  	_ =	swait.ge @!p0 [sflag:s0], $0xA  }
0x1b7: {  	[sflag:s0] =	ssyncset.done @!p0 $0x0  }
0x1b8: {  	[sflag:s0] =	ssyncadd.s32 @!p0 $0xFFFFFFF6  }
0x1b9: {  	[spmem:s6] =	stream.linear.scatter [tilespmem:s17], [sflag:$0x6], $0x500, $0x38;
	[tilespmem:$0x1FCA0] =	vst v63  }
0x1ba: {  	_ =	swait.ge [sflag:s16], $0x500  }
0x1bb: {  	[sflag:s16] =	ssyncset.done $0x0  }
0x1bc: {  	s28 =	sadd.s32 $0x0, s12;
	[sflag:s16] =	ssyncadd.s32 $0xFFFFFB00  }
0x1bd: {  	[spmem:s28] =	stream.linear.scatter [tilespmem:s21], [sflag:$0x6], $0x28, $0x38;
	[tilespmem:$0x1FCA0] =	vst v63  }
0x1be: {  	_ =	swait.ge [sflag:s16], $0x28  }
0x1bf: {  	s0 =	simm.s32 $0xA0;
	[sflag:s16] =	ssyncset.done $0x0  }
.LBB2_12:
0x1c0: {  	p1 =	sne.s32 s0, $0x3160;
	[sflag:s16] =	ssyncadd.s32 $0xFFFFFFD8;
	s6 =	sadd.s32 $0x500, s6  }
0x1c1: {  	[spmem:s6] =	stream.linear.scatter [tilespmem:s17], [sflag:$0x6], $0x500, $0x38;
	[tilespmem:$0x1FCA0] =	vst v63  }
0x1c2: {  	s11 =	smov.u32 s0;
	s0 =	sadd.s32 $0xA0, s0;
	_ =	swait.ge [sflag:s16], $0x500  }
.Ltmp5:
0x1c3: {  	s11 =	sshra.s32 s11, $0x2;
	[sflag:s16] =	ssyncset.done $0x0;
	(pc) =	sbr.rel @p1 .LBB2_12-.Ltmp5, $4  }
0x1c4: {  	s11 =	sadd.s32 s11, s12;
	[sflag:s16] =	ssyncadd.s32 $0xFFFFFB00  }
0x1c5: {  	[spmem:s11] =	stream.linear.scatter [tilespmem:s21], [sflag:$0x6], $0x28, $0x38;
	[tilespmem:$0x1FCA0] =	vst v63  }
0x1c6: {  	_ =	swait.ge [sflag:s16], $0x28  }
0x1c7: {  	[sflag:s16] =	ssyncset.done $0x0  }
0x1c8: {  	[sflag:s16] =	ssyncadd.s32 $0xFFFFFFD8  }
0x1c9: {  	[bflag:$0x0] =	sbarrier.arrive $0xFFFF  }
0x1ca: {  	s26 =	simm.s32 $0x0;
	v6 =	vld [tilespmem:$0x6400];
	s0 =	rddreg [dreg:$0x15]  }
0x1cb: {  	v7 =	vld [tilespmem:$0x6410];
	[tilespmem:s26], [sflag:$0x6] =	stream.linear.gather [hbm4b:s0+s26], $0x80, $0x38  }
0x1cc: {  	_ =	swait.ge [sflag:s16], $0x80  }
0x1cd: {  	[sflag:s16] =	ssyncset.done $0x0  }
0x1ce: {  	s4 =	simm.s32 $0x100;
	s15 =	rddreg [dreg:$0x16];
	[sflag:s16] =	ssyncadd.s32 $0xFFFFFF80  }
0x1cf: {  	[tilespmem:s4], [sflag:$0x6] =	stream.linear.gather [hbm4b:s15+s26], $0x80, $0x38;
	[tilespmem:$0x1FCA0] =	vst v63  }
0x1d0: {  	_ =	swait.ge [sflag:s16], $0x80  }
0x1d1: {  	[sflag:s16] =	ssyncset.done $0x0  }
0x1d2: {  	s22 =	rddreg [dreg:$0x17];
	[sflag:s16] =	ssyncadd.s32 $0xFFFFFF80  }
0x1d3: {  	[tilespmem:s23], [sflag:$0x6] =	stream.linear.gather [hbm4b:s22+s26], $0x80, $0x38;
	[tilespmem:$0x1FCA0] =	vst v63  }
0x1d4: {  	_ =	swait.ge [sflag:s16], $0x80  }
0x1d5: {  	[sflag:s16] =	ssyncset.done $0x0  }
0x1d6: {  	s6 =	simm.s32 $0x180;
	s24 =	rddreg [dreg:$0x18];
	[sflag:s16] =	ssyncadd.s32 $0xFFFFFF80  }
0x1d7: {  	[tilespmem:s6], [sflag:$0x6] =	stream.linear.gather [hbm4b:s24+s26], $0x80, $0x38;
	[tilespmem:$0x1FCA0] =	vst v63  }
0x1d8: {  	_ =	swait.ge [sflag:s16], $0x80  }
0x1d9: {  	[sflag:s16] =	ssyncset.done $0x0  }
0x1da: {  	s25 =	simm.s32 $0x300;
	[sflag:s16] =	ssyncadd.s32 $0xFFFFFF80  }
0x1db: {  	[tilespmem:s25], [sflag:$0x1] =	stream.indirect.gather [hbm4b:s5+s23], $0x20, s26, s23, $0xb8;
	[tilespmem:$0x1FCA0] =	vst v63  }
0x1dc: {  	s28 =	simm.s32 $0x2300;
	p1 =	por $0x0, $0x0  }
0x1dd: {  	[tilespmem:s28], [sflag:$0x2] =	stream.indirect.gather [hbm4b:s18+s23], $0x20, s4, s23, $0xb8;
	[tilespmem:$0x1FCA0] =	vst v63  }
.LBB2_14:
0x1de: {  	_ =	swait.ge [sflag:s29], $0x1000  }
0x1df: {  	[sflag:s29] =	ssyncset.done $0x0  }
0x1e0: {  	[sflag:s29] =	ssyncadd.s32 $0xFFFFF000  }
0x1e1: {  	_ =	swait.ge [sflag:s30], $0x1000  }
0x1e2: {  	p2 =	slt.u32 s26, $0x2;
	[sflag:s30] =	ssyncset.done $0x0  }
0x1e3: {  	s0 =	simm.s32 @!p2 $0x3;
	[sflag:s30] =	ssyncadd.s32 $0xFFFFF000  }
0x1e4: {  	_ =	swait.ge @!p2 [sflag:s0], $0x1000  }
0x1e5: {  	[sflag:s0] =	ssyncset.done @!p2 $0x0  }
0x1e6: {  	[sflag:s0] =	ssyncadd.s32 @!p2 $0xFFFFF000;
	s0 =	simm.s32 @!p2 $0x4  }
0x1e7: {  	_ =	swait.ge @!p2 [sflag:s0], $0x80  }
0x1e8: {  	s22 =	sand.u32 $0x1, s26;
	[sflag:s0] =	ssyncset.done @!p2 $0x0  }
0x1e9: {  	s28 =	sshll.u32 s22, $0x7;
	[sflag:s0] =	ssyncadd.s32 @!p2 $0xFFFFFF80  }
0x1ea: {  	v0 =	vld [tilespmem:s28+$0x100]  }
0x1eb: {  	v3 =	vld [tilespmem:s28+$0x110]  }
0x1ec: {  	v8 =	vld [tilespmem:s28+$0x120]  }
0x1ed: {  	v9 =	vld [tilespmem:s28+$0x130]  }
0x1ee: {  	v10 =	vld [tilespmem:s28+$0x140]  }
0x1ef: {  	v11 =	vld [tilespmem:s28+$0x150];
	v0 =	vadd.s32 v1, v0  }
0x1f0: {  	[tilespmem:s28+$0x200] =	vst v0;
	v0 =	vadd.s32 v1, v3;
	v3 =	vld [tilespmem:s28+$0x160]  }
0x1f1: {  	[tilespmem:s28+$0x210] =	vst v0;
	v0 =	vadd.s32 v1, v8;
	v8 =	vld [tilespmem:s28+$0x170]  }
0x1f2: {  	p2 =	sgt.u32 s26, $0x184;
	[tilespmem:s28+$0x220] =	vst v0;
	v0 =	vadd.s32 v1, v9  }
0x1f3: {  	s0 =	sadd.s32 @!p2 s13, s26;
	[tilespmem:s28+$0x230] =	vst v0;
	v0 =	vadd.s32 v1, v10  }
0x1f4: {  	s0 =	sshll.u32 @!p2 s0, $0x7;
	[tilespmem:s28+$0x240] =	vst v0;
	v0 =	vadd.s32 v1, v11  }
0x1f5: {  	s0 =	sadd.s32 @!p2 s0, s9;
	[tilespmem:s28+$0x250] =	vst v0;
	v0 =	vadd.s32 v1, v3  }
0x1f6: {  	s0 =	sshrl.u32 @!p2 s0, $0x3;
	[tilespmem:s28+$0x260] =	vst v0;
	v0 =	vadd.s32 v1, v8  }
0x1f7: {  	s11 =	simm.s32 @!p2 $0x0;
	s6 =	sadd.s32 @!p2 s19, s0;
	[tilespmem:s28+$0x270] =	vst v0  }
0x1f8: {  	[tilespmem:s28], [sflag:$0x5] =	stream.linear.gather @!p2 [hbm4b:s6+s11], $0x80, $0x38;
	[tilespmem:$0x1FCA0] =	vst v63  }
0x1f9: {  	s0 =	sadd.s32 @!p2 s20, s0;
	s6 =	sor.u32 $0x100, s28  }
0x1fa: {  	[tilespmem:s6], [sflag:$0x5] =	stream.linear.gather @!p2 [hbm4b:s0+s11], $0x80, $0x38;
	[tilespmem:$0x1FCA0] =	vst v63  }
0x1fb: {  	p2 =	seq.s32 s26, $0x0  }
.Ltmp6:
0x1fc: {  	_ = 	snop;
	(pc) =	sbr.rel @p2 .LBB2_17-.Ltmp6, $1  }
0x1fd: {  	_ =	sdelay $0x3  }
0x1fe: {  	p2 =	seq.s32 s26, $0x186  }
.Ltmp7:
0x1ff: {  	_ = 	snop;
	(pc) =	sbr.rel @p2 .LBB2_18-.Ltmp7, $1  }
0x200: {  	_ =	sdelay $0x3  }
0x201: {  	_ =	swait.ge [sflag:s2], $0x80  }
0x202: {  	[sflag:s2] =	ssyncset.done $0x0  }
0x203: {  	[sflag:s2] =	ssyncadd.s32 $0xFFFFFF80  }
0x204: {  	_ =	swait.ge [sflag:s2], $0x80  }
0x205: {  	[sflag:s2] =	ssyncset.done $0x0  }
0x206: {  	[sflag:s2] =	ssyncadd.s32 $0xFFFFFF80  }
.LBB2_17:
0x207: {  	s0 =	sxor.u32 $0x1, s22  }
0x208: {  	s6 =	sshll.u32 s0, $0xC  }
0x209: {  	s0 =	sshll.u32 s0, $0x7;
	s11 =	sor.u32 $0x300, s6  }
0x20a: {  	[tilespmem:s11], [sflag:$0x1] =	stream.indirect.gather [hbm4b:s5+s23], $0x20, s0, s23, $0xb8;
	[tilespmem:$0x1FCA0] =	vst v63  }
0x20b: {  	s6 =	sor.u32 $0x2300, s6;
	s0 =	sor.u32 $0x100, s0  }
0x20c: {  	[tilespmem:s6], [sflag:$0x2] =	stream.indirect.gather [hbm4b:s18+s23], $0x20, s0, s23, $0xb8;
	[tilespmem:$0x1FCA0] =	vst v63  }
.LBB2_18:
0x20d: {  	s0 =	simm.s32 $0x1  }
0x20e: {  	s0 =	simm.s32 @!p1 $0x0  }
0x20f: {  	s0 =	sshll.u32 s0, $0xC  }
0x210: {  	s6 =	sor.u32 $0x380, s0  }
0x211: {  	v24 =	vld [tilespmem:s6+$0x60]  }
0x212: {  	s11 =	sor.u32 $0x2380, s0;
	v23 =	vld [tilespmem:s6+$0x70]  }
0x213: {  	v0 =	vld [tilespmem:s11+$0x60]  }
0x214: {  	v3 =	vld [tilespmem:s11+$0x70]  }
0x215: {  	v20 =	vld [tilespmem:s6+$0xFFFFFF90]  }
0x216: {  	v28 =	vld [tilespmem:s11+$0xFFFFFF80]  }
0x217: {  	v16 =	vld [tilespmem:s11+$0xFFFFFF90]  }
0x218: {  	v34 =	vld [tilespmem:s6+$0xFFFFFFA0]  }
0x219: {  	v35 =	vld [tilespmem:s6+$0xFFFFFFB0];
	v0 =	vadd.f32 v0, v24;
	v3 =	vadd.f32 v3, v23  }
0x21a: {  	v17 =	vld [tilespmem:s11+$0xFFFFFFA0]  }
0x21b: {  	v18 =	vld [tilespmem:s11+$0xFFFFFFB0];
	v8 =	vmul.f32 $2.000000030e-01, v0;
	v15 =	vmul.f32 $2.000000030e-01, v3  }
0x21c: {  	v36 =	vld [tilespmem:s6+$0xFFFFFFC0]  }
0x21d: {  	v11 =	vmov s28;
	v26 =	vld [tilespmem:s6+$0xFFFFFFD0];
	v0 =	vmax.f32 v0, v8;
	v3 =	vmax.f32 v3, v15  }
0x21e: {  	v13 =	vor.u32 $0x1, v11;
	v19 =	vld [tilespmem:s11+$0xFFFFFFC0];
	v0 =	vmul.f32 v0, v6;
	v3 =	vmul.f32 v3, v7  }
0x21f: {  	v14 =	vor.u32 $0x2, v11;
	v12 =	vor.u32 $0x3, v11;
	v10 =	vor.u32 $0x4, v11;
	v21 =	vld [tilespmem:s11+$0xFFFFFFD0]  }
0x220: {  	s14 =	simm.s32 $0x0;
	s25 =	simm.s32 $0x2;
	v9 =	vor.u32 $0x5, v11;
	v27 =	vld [tilespmem:s6+$0xFFFFFFE0];
	v16 =	vadd.f32 v16, v20;
	v0 =	vadd.f32 v3, v0  }
0x221: {  	v22 =	vmov s14;
	v32 =	vmov s25;
	v25 =	vld [tilespmem:s6+$0xFFFFFFF0];
	v17 =	vadd.f32 v17, v34  }
0x222: {  	s15 =	simm.s32 $0x3;
	s4 =	simm.s32 $0x4;
	v29 =	vshrl.u32 v22, $0x3;
	v18 =	vadd.f32 v18, v35;
	v22 =	vmul.f32 $2.000000030e-01, v16;
	(xrf2) =	vadd.scan.msk.f32 $0xffff, v0;
	v0 =	vld [tilespmem:s11+$0xFFFFFFF0]  }
0x223: {  	v33 =	vmov s15;
	v39 =	vmov s4;
	s15 =	simm.s32 $0x5;
	v30 =	vld [tilespmem:s11+$0xFFFFFFE0];
	v31 =	vmul.f32 $2.000000030e-01, v17  }
0x224: {  	v43 =	vmov s15;
	v53 =	vld [tilespmem:s11+$0x0];
	v37 =	vmul.f32 $2.000000030e-01, v18;
	v16 =	vmax.f32 v16, v22  }
0x225: {  	v32 =	vshrl.u32 v32, $0x3;
	v42 =	vld [tilespmem:s11+$0x10];
	v38 =	vmul.f32 v16, v7;
	v16 =	vmax.f32 v17, v31  }
0x226: {  	v45 =	vld [tilespmem:s11+$0x20];
	v19 =	vadd.f32 v19, v36;
	v31 =	vmul.f32 v16, v6;
	v16 =	vmax.f32 v18, v37  }
0x227: {  	s25 =	simm.s32 $0x7;
	v46 =	vld [tilespmem:s11+$0x30];
	v17 =	vadd.f32 v21, v26;
	v40 =	vmul.f32 v16, v7;
	v0 =	vadd.f32 v0, v25  }
0x228: {  	v62 =	vmov s25;
	v33 =	vshrl.u32 v33, $0x3;
	v54 =	vld [tilespmem:s11+$0x40];
	v18 =	vmul.f32 $2.000000030e-01, v19  }
0x229: {  	v55 =	vld [tilespmem:s11+$0x50];
	v41 =	vmul.f32 $2.000000030e-01, v17;
	v40 =	vadd.f32 v40, v31;
	v31 =	vmul.f32 $2.000000030e-01, v0  }
0x22a: {  	v29 =	vshll.u32 v29, v5;
	v22 =	vld [tilespmem:s6+$0x0];
	v18 =	vmax.f32 v19, v18;
	v19 =	vadd.f32 v30, v27  }
0x22b: {  	v29 =	vadd.s32 v11, v29;
	v21 =	vld [tilespmem:s6+$0x10];
	v18 =	vmul.f32 v18, v6;
	v30 =	vmax.f32 v17, v41  }
0x22c: {  	s24 =	simm.s32 $0x1;
	v8 =	vor.u32 $0x6, v11;
	v16 =	vld [tilespmem:s6+$0x20];
	v30 =	vmul.f32 v30, v7;
	v44 =	vmul.f32 $2.000000030e-01, v19  }
0x22d: {  	v15 =	vor.u32 $0x7, v11;
	v3 =	vmov s24;
	v17 =	vld [tilespmem:s6+$0x30];
	v0 =	vmax.f32 v0, v31;
	v31, _, _ =	vpop (xrf2)  }
0x22e: {  	v30 =	vadd.f32 v30, v18;
	v18 =	vmax.f32 v19, v44;
	v48 =	vperm.xlane v31, v4;
	v31 =	vld [tilespmem:s6+$0xFFFFFF80]  }
0x22f: {  	v37 =	vadd.f32 v53, v22;
	v44 =	vmul.f32 v18, v6;
	v18 =	vld [tilespmem:s6+$0x50];
	v0 =	vmul.f32 v0, v7;
	(xrf2) =	vadd.scan.msk.f32 $0xffff, v40  }
0x230: {  	s24 =	simm.s32 $0x6;
	v3 =	vshrl.u32 v3, $0x3;
	v42 =	vadd.f32 v42, v21;
	v19 =	vld [tilespmem:s6+$0x40];
	(xrf2) =	vadd.scan.msk.f32 $0xffff, v30;
	v48 =	vmul.f32 $1.442695020e+00, v48  }
0x231: {  	v41 =	vmov s24;
	v47 =	vmul.f32 $2.000000030e-01, v37;
	v0 =	vadd.f32 v0, v44  }
0x232: {  	v45 =	vadd.f32 v45, v16;
	v30 =	vmul.f32 $2.000000030e-01, v42;
	(erf) = vpow2.f32 v48  }
0x233: {  	v37 =	vmax.f32 v37, v47;
	v46 =	vadd.f32 v46, v17;
	(xrf2) =	vadd.scan.msk.f32 $0xffff, v0;
	v0 =	vadd.f32 v28, v31  }
0x234: {  	v56 =	vmul.f32 $2.000000030e-01, v45;
	v59 =	vadd.f32 v55, v18;
	v30 =	vmax.f32 v42, v30  }
0x235: {  	v28 =	vmul.f32 v30, v7;
	v30 =	vadd.f32 v54, v19;
	v60 =	vmul.f32 $2.000000030e-01, v0  }
0x236: {  	v3 =	vshll.u32 v3, v5;
	v37 =	vmul.f32 v37, v6;
	v57 =	vmul.f32 $2.000000030e-01, v46  }
0x237: {  	v63 =	vmul.f32 $2.000000030e-01, v59;
	v61 =	vmul.f32 $2.000000030e-01, v30;
	v0 =	vmax.f32 v0, v60  }
0x238: {  	v44 =	vmax.f32 v45, v56;
	v42 =	vmax.f32 v46, v57;
	v0 =	vmul.f32 v0, v6  }
0x239: {  	v58 =	vmul.f32 v44, v6;
	v42 =	vmul.f32 v42, v7;
	v30 =	vmax.f32 v30, v61;
	v52, _, _ =	vpop (xrf2)  }
0x23a: {  	v53 =	vmul.f32 v30, v6;
	v30 =	vmax.f32 v59, v63;
	v55, _, _ =	vpop (xrf2);
	v0 =	vadd.f32 v38, v0  }
0x23b: {  	v3 =	vadd.s32 v3, v13;
	v48 =	vmul.f32 v30, v7;
	v30 =	vperm.xlane v52, v4;
	v50 =	vpop (erf)  }
0x23c: {  	v47 =	vshrl.u32 v62, $0x3;
	v56 =	vperm.xlane v55, v4;
	v57 =	vmul.f32 v50, v24;
	(xrf2) =	vadd.scan.msk.f32 $0xffff, v0  }
0x23d: {  	v24 =	vmul.f32 $1.442695020e+00, v30;
	v0 =	vadd.f32 v42, v58;
	v58 =	vmul.f32 v50, v23;
	v23, _, _ =	vpop (xrf2)  }
0x23e: {  	v28 =	vadd.f32 v28, v37;
	v30 =	vmul.f32 $1.442695020e+00, v56;
	v23 =	vperm.xlane v23, v4  }
0x23f: {  	v51 =	vshll.u32 v47, v5;
	v44 =	vbroadcast v3, $0x0;
	(erf) = vpow2.f32 v24  }
0x240: {  	v54 =	vadd.s32 v51, v15;
	(xrf2) =	vadd.scan.msk.f32 $0xffff, v28;
	(erf) = vpow2.f32 v30;
	v23 =	vmul.f32 $1.442695020e+00, v23  }
0x241: {  	v49 =	vbroadcast v54, $0x0;
	v60 =	vshll.u32 v33, v5;
	v33 =	vbroadcast v29, $0x0  }
0x242: {  	v59 =	vshrl.u32 v39, $0x3;
	v24 =	vshrl.u32 v43, $0x3;
	(erf) = vpow2.f32 v23  }
0x243: {  	v3 =	vadd.s32 v60, v12;
	v38 =	vshll.u32 v59, v5;
	(xrf2) =	vadd.scan.msk.f32 $0xffff, v0;
	v23 =	vshll.u32 v24, v5  }
0x244: {  	s24 =	sadd.s32 $0x100, s11;
	v62 =	vadd.f32 v48, v53;
	v28 =	vshll.u32 v32, v5;
	v30 =	vshrl.u32 v41, $0x3  }
0x245: {  	v40 =	vld [tilespmem:s24+$0x60];
	s6 =	sadd.s32 $0x100, s6;
	v61 =	vshll.u32 v30, v5;
	v30 =	vadd.s32 v38, v10;
	v38 =	vbroadcast v3, $0x0  }
0x246: {  	v29 =	vld [tilespmem:s6+$0x60];
	v24 =	vadd.s32 v28, v14;
	v30 =	vbroadcast v30, $0x0;
	v3 =	vadd.s32 v23, v9;
	v23, _, _ =	vpop (xrf2);
	(xrf2) =	vadd.scan.msk.f32 $0xffff, v62  }
0x247: {  	s15 =	sor.u32 $0x4380, s0;
	v41 =	vld [tilespmem:s24+$0x70];
	v42 =	vbroadcast v24, $0x0;
	v24 =	vbroadcast v3, $0x0;
	v3 =	vadd.s32 v61, v8  }
0x248: {  	[tilespmem:s15+$0x60] =	vst v57;
	v28 =	vld [tilespmem:s6+$0x70];
	v63 =	vperm.xlane v23, v4;
	v23 =	vbroadcast v3, $0x0;
	v46 =	vpop (erf)  }
0x249: {  	s26 =	sadd.s32 $0x1, s26;
	s14 =	simm.s32 $0x8;
	v32 =	vld [tilespmem:s6+$0xFFFFFF90];
	[tilespmem:s15+$0x70] =	vst v58;
	v43 =	vmul.f32 v46, v34;
	v48 =	vmul.f32 v46, v35;
	v45 =	vpop (erf)  }
0x24a: {  	s0 =	simm.s32 $0x10;
	s25 =	smov.u32 s15;
	s11 =	sor.u32 $0x200, s28;
	[tilespmem:v49+s31+$0x0] =	vst.idx.msk $0x1, v50;
	v34 =	vld [tilespmem:s24+$0xFFFFFF80];
	v49 =	vmul.f32 $1.442695020e+00, v63;
	v47 =	vmul.f32 v45, v36;
	v36, _, _ =	vpop (xrf2)  }
.LBB2_19:
0x24b: {  	p2 =	slt.u32 s0, $0x78;
	v0 =	vld [tilespmem:s24+$0xFFFFFF90];
	v3 =	vmov s14;
	[tilespmem:s15+$0xFFFFFFA0] =	vst v43;
	v26 =	vmul.f32 v45, v26;
	v50 =	vperm.xlane v36, v4;
	v39 =	vpop (erf)  }
0x24c: {  	v3 =	vshrl.u32 v3, $0x3;
	v35 =	vld [tilespmem:s6+$0xFFFFFFA0];
	[tilespmem:s15+$0xFFFFFFB0] =	vst v48;
	v27 =	vmul.f32 v39, v27;
	(erf) = vpow2.f32 v49  }
0x24d: {  	s4 =	sadd.s32 $0x1, s14;
	v40 =	vadd.f32 v40, v29;
	v36 =	vld [tilespmem:s6+$0xFFFFFFB0];
	v41 =	vadd.f32 v41, v28;
	[tilespmem:v44+s31+$0x0] =	vst.idx.msk $0x1, v46;
	v52 =	vmul.f32 $1.442695020e+00, v50;
	v37, _, _ =	vpop (xrf2)  }
0x24e: {  	v25 =	vmul.f32 v39, v25;
	v46 =	vmov s4;
	s4 =	sadd.s32 $0x2, s14;
	v44 =	vld [tilespmem:s24+$0xFFFFFFA0];
	[tilespmem:s15+$0xFFFFFFC0] =	vst v47;
	v47 =	vperm.xlane v37, v4  }
0x24f: {  	v49 =	vmov s4;
	v50 =	vmul.f32 $2.000000030e-01, v40;
	v48 =	vld [tilespmem:s24+$0xFFFFFFB0];
	v51 =	vmul.f32 $2.000000030e-01, v41;
	[tilespmem:s15+$0xFFFFFFD0] =	vst v26  }
0x250: {  	v0 =	vadd.f32 v0, v32;
	v37 =	vld [tilespmem:s6+$0xFFFFFFC0];
	[tilespmem:v42+s31+$0x0] =	vst.idx.msk $0x1, v45;
	v42 =	vmul.f32 $1.442695020e+00, v47;
	(erf) = vpow2.f32 v52;
	v43, _, _ =	vpop (xrf2)  }
0x251: {  	s4 =	sadd.s32 $0x3, s14;
	v40 =	vmax.f32 v40, v50;
	v26 =	vld [tilespmem:s6+$0xFFFFFFD0];
	v41 =	vmax.f32 v41, v51;
	[tilespmem:s15+$0xFFFFFFE0] =	vst v27;
	v27 =	vperm.xlane v43, v4  }
0x252: {  	v45 =	vmov s4;
	v40 =	vmul.f32 v40, v6;
	v43 =	vld [tilespmem:s24+$0xFFFFFFC0];
	v41 =	vmul.f32 v41, v7;
	[tilespmem:s15+$0xFFFFFFF0] =	vst v25  }
0x253: {  	v25 =	vmul.f32 $2.000000030e-01, v0;
	v44 =	vadd.f32 v44, v35;
	v47 =	vld [tilespmem:s24+$0xFFFFFFD0];
	[tilespmem:v38+s31+$0x0] =	vst.idx.msk $0x1, v39;
	v38 =	vmul.f32 $1.442695020e+00, v27  }
0x254: {  	v48 =	vadd.f32 v48, v36;
	v27 =	vld [tilespmem:s6+$0xFFFFFFE0];
	v41 =	vadd.f32 v41, v40;
	(erf) = vpow2.f32 v42  }
0x255: {  	s4 =	sadd.s32 $0x4, s14;
	v0 =	vmax.f32 v0, v25;
	v42 =	vmul.f32 $2.000000030e-01, v44;
	v25 =	vld [tilespmem:s6+$0xFFFFFFF0];
	v50 =	vpop (erf);
	(erf) = vpow2.f32 v38  }
0x256: {  	v39 =	vmov s4;
	v40 =	vmul.f32 v0, v7;
	v0 =	vmul.f32 $2.000000030e-01, v48;
	v51 =	vld [tilespmem:s24+$0xFFFFFFE0];
	(xrf2) =	vadd.scan.msk.f32 $0xffff, v41  }
0x257: {  	v31 =	vmul.f32 v50, v31;
	v38 =	vmax.f32 v44, v42;
	v42 =	vadd.f32 v43, v37;
	v43 =	vld [tilespmem:s24+$0xFFFFFFF0]  }
0x258: {  	s4 =	sadd.s32 $0x5, s14;
	v44 =	vmul.f32 v38, v6;
	v0 =	vmax.f32 v48, v0;
	v47 =	vadd.f32 v47, v26;
	v48 =	vld [tilespmem:s6+$0x0]  }
0x259: {  	v41 =	vmov s4;
	s4 =	sadd.s32 $0x6, s14;
	v0 =	vmul.f32 v0, v7;
	v52 =	vmul.f32 $2.000000030e-01, v42;
	v53 =	vld [tilespmem:s6+$0x10];
	[tilespmem:s15+$0xFFFFFF80] =	vst v31;
	v54 =	vpop (erf)  }
0x25a: {  	v56 =	vmul.f32 v50, v20;
	v20 =	vmovc v32;
	v38 =	vmov s4;
	v31 =	vmul.f32 $2.000000030e-01, v47;
	v55 =	vld [tilespmem:s24+$0x0]  }
0x25b: {  	v0 =	vadd.f32 v0, v44;
	v32 =	vmax.f32 v42, v52;
	v42 =	vadd.f32 v51, v27;
	v44 =	vld [tilespmem:s24+$0x10]  }
0x25c: {  	v51 =	vmul.f32 v32, v6;
	v31 =	vmax.f32 v47, v31;
	v43 =	vadd.f32 v43, v25;
	v47 =	vld [tilespmem:s6+$0x20];
	[tilespmem:s15+$0xFFFFFF90] =	vst v56  }
0x25d: {  	v31 =	vmul.f32 v31, v7;
	v52 =	vmul.f32 $2.000000030e-01, v42;
	v56 =	vld [tilespmem:s6+$0x30];
	(xrf2) =	vadd.scan.msk.f32 $0xffff, v0;
	[tilespmem:v33+s31+$0x0] =	vst.idx.msk $0x1, v50;
	v33 =	vpop (erf)  }
0x25e: {  	v57 =	vmul.f32 v54, v22;
	v0 =	vshll.u32 v3, v5;
	v3 =	vmul.f32 $2.000000030e-01, v43;
	v50 =	vld [tilespmem:s24+$0x20];
	v32 =	vpop (erf)  }
0x25f: {  	v22 =	vmovc v48;
	v31 =	vadd.f32 v31, v51;
	v42 =	vmax.f32 v42, v52;
	v51 =	vadd.f32 v55, v48;
	v52 =	vld [tilespmem:s24+$0x30]  }
0x260: {  	v42 =	vmul.f32 v42, v6;
	v3 =	vmax.f32 v43, v3;
	v43 =	vadd.f32 v44, v53;
	v44 =	vld [tilespmem:s6+$0x40];
	v48, _, _ =	vpop (xrf2);
	[tilespmem:s15+$0x0] =	vst v57  }
0x261: {  	v46 =	vshrl.u32 v46, $0x3;
	v55 =	vmul.f32 $2.000000030e-01, v51;
	v57 =	vld [tilespmem:s6+$0x50];
	v48 =	vperm.xlane v48, v4;
	(xrf2) =	vadd.scan.msk.f32 $0xffff, v31  }
0x262: {  	v49 =	vshrl.u32 v49, $0x3;
	v3 =	vmul.f32 v3, v7;
	v58 =	vmul.f32 $2.000000030e-01, v43;
	v59 =	vld [tilespmem:s24+$0x40]  }
0x263: {  	v51 =	vmax.f32 v51, v55;
	v50 =	vadd.f32 v50, v47;
	v55 =	vld [tilespmem:s24+$0x50];
	v48 =	vmul.f32 $1.442695020e+00, v48  }
0x264: {  	v31 =	vld [tilespmem:s6+$0xFFFFFF80];
	v51 =	vmul.f32 v51, v6;
	v43 =	vmax.f32 v43, v58;
	v52 =	vadd.f32 v52, v56  }
0x265: {  	v3 =	vadd.f32 v3, v42;
	v42 =	vmul.f32 $2.000000030e-01, v50;
	(erf) = vpow2.f32 v48  }
0x266: {  	v45 =	vshrl.u32 v45, $0x3;
	v43 =	vmul.f32 v43, v7;
	v48 =	vmul.f32 $2.000000030e-01, v52  }
0x267: {  	v42 =	vmax.f32 v50, v42;
	v50 =	vadd.f32 v59, v44;
	v58, _, _ =	vpop (xrf2);
	(xrf2) =	vadd.scan.msk.f32 $0xffff, v3;
	v3 =	vmul.f32 v54, v21  }
0x268: {  	s4 =	sadd.s32 $0x7, s14;
	s14 =	smov.u32 s0;
	v21 =	vmovc v53;
	v42 =	vmul.f32 v42, v6;
	v48 =	vmax.f32 v52, v48;
	v52 =	vadd.f32 v55, v57  }
0x269: {  	v55 =	vmov s4;
	v34 =	vadd.f32 v34, v31;
	v53 =	vmul.f32 $2.000000030e-01, v50;
	[tilespmem:s15+$0x10] =	vst v3  }
0x26a: {  	v3 =	vmul.f32 v48, v7;
	v55 =	vshrl.u32 v55, $0x3;
	v48 =	vmul.f32 $2.000000030e-01, v52;
	[tilespmem:v30+s31+$0x0] =	vst.idx.msk $0x1, v54  }
0x26b: {  	v30 =	vmul.f32 $2.000000030e-01, v34;
	v50 =	vmax.f32 v50, v53;
	v53 =	vshll.u32 v55, v5;
	v54, _, _ =	vpop (xrf2)  }
0x26c: {  	v50 =	vmul.f32 v50, v6;
	v48 =	vmax.f32 v52, v48;
	v52 =	vadd.s32 v53, v15  }
0x26d: {  	v30 =	vmax.f32 v34, v30;
	v34 =	vmul.f32 v48, v7;
	v48 =	vbroadcast v52, $0x0  }
0x26e: {  	v43 =	vadd.f32 v43, v51;
	v3 =	vadd.f32 v3, v42;
	v30 =	vmul.f32 v30, v6;
	v42 =	vpop (erf)  }
0x26f: {  	v51 =	vperm.xlane v58, v4;
	v34 =	vadd.f32 v34, v50;
	v52 =	vmul.f32 v42, v29  }
0x270: {  	s15 =	sadd.s32 $0x100, s15;
	v28 =	vmul.f32 v42, v28;
	v30 =	vadd.f32 v40, v30;
	v40 =	vperm.xlane v54, v4  }
0x271: {  	v39 =	vshrl.u32 v39, $0x3;
	v50 =	vmul.f32 $1.442695020e+00, v51;
	v51 =	vmul.f32 v33, v16;
	[tilespmem:s15+$0x60] =	vst v52;
	v29, _, _ =	vpop (xrf2)  }
0x272: {  	v16 =	vmovc v47;
	v40 =	vmul.f32 $1.442695020e+00, v40;
	v29 =	vperm.xlane v29, v4;
	[tilespmem:s15+$0x70] =	vst v28;
	(xrf2) =	vadd.scan.msk.f32 $0xffff, v30  }
0x273: {  	v28 =	vshrl.u32 v41, $0x3;
	v30 =	vmul.f32 v33, v17;
	v41 =	vmul.f32 v32, v19;
	[tilespmem:v48+s31+$0x0] =	vst.idx.msk $0x1, v42  }
0x274: {  	v0 =	vadd.s32 v11, v0;
	v17 =	vmovc v56;
	v19 =	vmovc v44;
	v29 =	vmul.f32 $1.442695020e+00, v29;
	(erf) = vpow2.f32 v50;
	[tilespmem:s25+$0x20] =	vst v51  }
0x275: {  	(erf) = vpow2.f32 v40;
	(xrf2) =	vadd.scan.msk.f32 $0xffff, v43;
	[tilespmem:s25+$0x30] =	vst v30;
	v30 =	vmul.f32 v32, v18;
	v18 =	vmovc v57  }
0x276: {  	v38 =	vshrl.u32 v38, $0x3;
	v42 =	vshll.u32 v49, v5;
	v40 =	vshll.u32 v46, v5;
	[tilespmem:v24+s31+$0x0] =	vst.idx.msk $0x1, v33  }
0x277: {  	v39 =	vshll.u32 v39, v5;
	v24 =	vshll.u32 v45, v5;
	(erf) = vpow2.f32 v29;
	[tilespmem:s25+$0x40] =	vst v41  }
0x278: {  	v43 =	vshll.u32 v38, v5;
	v41 =	vshll.u32 v28, v5;
	(xrf2) =	vadd.scan.msk.f32 $0xffff, v3;
	[tilespmem:s25+$0x50] =	vst v30;
	s25 =	smov.u32 s15  }
0x279: {  	s6 =	sadd.s32 $0x100, s6;
	v33 =	vbroadcast v0, $0x0;
	v0 =	vadd.s32 v40, v13;
	v3 =	vadd.s32 v42, v14;
	[tilespmem:v23+s31+$0x0] =	vst.idx.msk $0x1, v32  }
0x27a: {  	v44 =	vbroadcast v0, $0x0;
	v0 =	vadd.s32 v24, v12;
	v23 =	vadd.s32 v39, v10;
	v29 =	vld [tilespmem:s6+$0x60]  }
.Ltmp8:
0x27b: {  	s24 =	sadd.s32 $0x100, s24;
	v38 =	vbroadcast v0, $0x0;
	v0 =	vadd.s32 v41, v9;
	v42 =	vbroadcast v3, $0x0;
	v28 =	vld [tilespmem:s6+$0x70];
	(xrf2) =	vadd.scan.msk.f32 $0xffff, v34;
	(pc) =	sbr.rel @p2 .LBB2_19-.Ltmp8, $4  }
0x27c: {  	v24 =	vbroadcast v0, $0x0;
	v0 =	vadd.s32 v43, v8;
	v30 =	vbroadcast v23, $0x0;
	v40 =	vld [tilespmem:s24+$0x60];
	v3, _, _ =	vpop (xrf2)  }
0x27d: {  	v23 =	vbroadcast v0, $0x0;
	v41 =	vld [tilespmem:s24+$0x70];
	v3 =	vperm.xlane v3, v4;
	v46 =	vpop (erf)  }
0x27e: {  	v32 =	vld [tilespmem:s6+$0xFFFFFF90];
	v43 =	vmul.f32 v46, v35;
	v48 =	vmul.f32 v46, v36;
	v45 =	vpop (erf)  }
0x27f: {  	s0 =	sadd.s32 $0x8, s0;
	v34 =	vld [tilespmem:s24+$0xFFFFFF80];
	v49 =	vmul.f32 $1.442695020e+00, v3;
	v47 =	vmul.f32 v45, v37;
	v36, _, _ =	vpop (xrf2)  }
0x280: {  	v0 =	vld [tilespmem:s24+$0xFFFFFF90]  }
0x281: {  	v39 =	vld [tilespmem:s6+$0xFFFFFFA0]  }
0x282: {  	v35 =	vld [tilespmem:s6+$0xFFFFFFB0]  }
0x283: {  	v50 =	vld [tilespmem:s24+$0xFFFFFFA0];
	v36 =	vperm.xlane v36, v4;
	v52 =	vmul.f32 v45, v26  }
0x284: {  	v37 =	vld [tilespmem:s6+$0xFFFFFFC0];
	v54 =	vpop (erf);
	v3 =	vadd.f32 v40, v29;
	(erf) = vpow2.f32 v49;
	v60 =	vadd.f32 v41, v28  }
0x285: {  	v55 =	vld [tilespmem:s24+$0xFFFFFFD0];
	v56 =	vmul.f32 v54, v27;
	v62 =	vmul.f32 $1.442695020e+00, v36  }
0x286: {  	v49 =	vld [tilespmem:s24+$0xFFFFFFB0];
	v53, _, _ =	vpop (xrf2);
	v61 =	vmul.f32 $2.000000030e-01, v3;
	v51 =	vmul.f32 $2.000000030e-01, v60  }
0x287: {  	v57 =	vld [tilespmem:s24+$0xFFFFFFE0];
	v58 =	vmul.f32 v54, v25;
	v53 =	vperm.xlane v53, v4  }
0x288: {  	[tilespmem:s15+$0xFFFFFFA0] =	vst v43;
	v43 =	vld [tilespmem:s6+$0xFFFFFF80];
	(erf) = vpow2.f32 v62;
	v3 =	vmax.f32 v3, v61;
	v40 =	vmax.f32 v60, v51  }
0x289: {  	v26 =	vld [tilespmem:s6+$0x10];
	v63, _, _ =	vpop (xrf2);
	v0 =	vadd.f32 v0, v32;
	v3 =	vmul.f32 v3, v6;
	v40 =	vmul.f32 v40, v7  }
0x28a: {  	v53 =	vmul.f32 $1.442695020e+00, v53;
	v50 =	vadd.f32 v50, v39;
	v51 =	vld [tilespmem:s24+$0xFFFFFFC0];
	v60 =	vperm.xlane v63, v4  }
0x28b: {  	v36 =	vld [tilespmem:s6+$0xFFFFFFD0];
	v49 =	vadd.f32 v49, v35;
	v61 =	vmul.f32 $2.000000030e-01, v0;
	v3 =	vadd.f32 v40, v3  }
0x28c: {  	v41 =	vld [tilespmem:s6+$0xFFFFFFE0];
	v62 =	vmul.f32 $2.000000030e-01, v50;
	v27 =	vmul.f32 $1.442695020e+00, v60  }
0x28d: {  	v34 =	vadd.f32 v34, v43;
	(erf) = vpow2.f32 v53;
	v63 =	vmul.f32 $2.000000030e-01, v49;
	v40 =	vld [tilespmem:s6+$0xFFFFFFF0];
	(xrf2) =	vadd.scan.msk.f32 $0xffff, v3  }
0x28e: {  	v0 =	vmax.f32 v0, v61;
	v50 =	vmax.f32 v50, v62;
	(erf) = vpow2.f32 v27;
	v3 =	vld [tilespmem:s24+$0xFFFFFFF0]  }
0x28f: {  	v25 =	vld [tilespmem:s6+$0x0];
	v59 =	vpop (erf);
	v50 =	vmul.f32 v50, v6;
	v27 =	vmax.f32 v49, v63;
	v51 =	vadd.f32 v51, v37  }
0x290: {  	v53 =	vmul.f32 v59, v31;
	v31 =	vadd.f32 v55, v36;
	v55 =	vld [tilespmem:s24+$0x0];
	v61 =	vmul.f32 v27, v7  }
0x291: {  	[tilespmem:s15+$0xFFFFFFB0] =	vst v48;
	v57 =	vadd.f32 v57, v41;
	v60 =	vld [tilespmem:s24+$0x10];
	v0 =	vmul.f32 v0, v7;
	v49 =	vmul.f32 $2.000000030e-01, v51  }
0x292: {  	[tilespmem:v44+s31+$0x0] =	vst.idx.msk $0x1, v46;
	v63 =	vmul.f32 v59, v20;
	v62 =	vmul.f32 $2.000000030e-01, v31;
	v61 =	vadd.f32 v61, v50  }
0x293: {  	[tilespmem:s15+$0xFFFFFFC0] =	vst v47;
	v27 =	vld [tilespmem:s6+$0x20];
	v44 =	vpop (erf);
	v51 =	vmax.f32 v51, v49;
	v49 =	vmul.f32 $2.000000030e-01, v57;
	v3 =	vadd.f32 v3, v40  }
0x294: {  	[tilespmem:s15+$0xFFFFFFD0] =	vst v52;
	v20 =	vld [tilespmem:s6+$0x30];
	v47 =	vmul.f32 v44, v22;
	v31 =	vmax.f32 v31, v62;
	v48 =	vmul.f32 v51, v6  }
0x295: {  	[tilespmem:v42+s31+$0x0] =	vst.idx.msk $0x1, v45;
	v51 =	vld [tilespmem:s24+$0x20];
	v57 =	vmax.f32 v57, v49;
	v49 =	vadd.f32 v55, v25;
	v62 =	vmul.f32 $2.000000030e-01, v3  }
0x296: {  	v50 =	vadd.f32 v60, v26;
	v21 =	vmul.f32 v44, v21;
	v31 =	vmul.f32 v31, v7;
	v55 =	vld [tilespmem:s24+$0x30]  }
0x297: {  	v42 =	vld [tilespmem:s24+$0x50];
	(xrf2) =	vadd.scan.msk.f32 $0xffff, v61;
	v52 =	vmul.f32 v57, v6;
	v61 =	vmul.f32 $2.000000030e-01, v49;
	v3 =	vmax.f32 v3, v62;
	v60, _, _ =	vpop (xrf2)  }
0x298: {  	v22 =	vld [tilespmem:s6+$0x40];
	v62 =	vadd.f32 v31, v48;
	v57 =	vperm.xlane v60, v4;
	v60 =	vmul.f32 $2.000000030e-01, v34  }
0x299: {  	v45 =	vmul.f32 $2.000000030e-01, v50;
	v48 =	vld [tilespmem:s24+$0x40];
	v3 =	vmul.f32 v3, v7;
	v46 =	vmax.f32 v49, v61  }
0x29a: {  	v31 =	vld [tilespmem:s6+$0x50];
	v49 =	vadd.f32 v51, v27;
	(xrf2) =	vadd.scan.msk.f32 $0xffff, v62;
	v46 =	vmul.f32 v46, v6;
	v34 =	vmax.f32 v34, v60  }
0x29b: {  	[tilespmem:s15+$0xFFFFFFE0] =	vst v56;
	s24 =	sadd.s32 $0x3, s14;
	v55 =	vadd.f32 v55, v20;
	v3 =	vadd.f32 v3, v52;
	v34 =	vmul.f32 v34, v6  }
0x29c: {  	[tilespmem:s15+$0xFFFFFFF0] =	vst v58;
	v56 =	vmov s24;
	v62 =	vmul.f32 $2.000000030e-01, v49;
	v61 =	vmul.f32 $1.442695020e+00, v57  }
0x29d: {  	s6 =	sadd.s32 $0x1, s14;
	v57 =	vmax.f32 v50, v45;
	v58 =	vmul.f32 $2.000000030e-01, v55;
	(xrf2) =	vadd.scan.msk.f32 $0xffff, v3;
	v0 =	vadd.f32 v0, v34  }
0x29e: {  	[tilespmem:v38+s31+$0x0] =	vst.idx.msk $0x1, v54;
	v50 =	vmov s6;
	v38 =	vmul.f32 v57, v7;
	v3 =	vadd.f32 v48, v22  }
0x29f: {  	v49 =	vmax.f32 v49, v62;
	v42 =	vadd.f32 v42, v31;
	(erf) = vpow2.f32 v61  }
0x2a0: {  	s0 =	sadd.s32 $0x7, s14;
	v60 =	vmul.f32 v49, v6;
	v45 =	vmax.f32 v55, v58;
	v48 =	vmul.f32 $2.000000030e-01, v3;
	(xrf2) =	vadd.scan.msk.f32 $0xffff, v0  }
0x2a1: {  	s4 =	sadd.s32 $0x2, s14;
	[tilespmem:s15+$0xFFFFFF80] =	vst v53;
	v61 =	vmov s0;
	v62 =	vmul.f32 $2.000000030e-01, v42;
	v38 =	vadd.f32 v38, v46;
	v0, _, _ =	vpop (xrf2)  }
0x2a2: {  	[tilespmem:s15+$0xFFFFFF90] =	vst v63;
	v55 =	vmov s4;
	v45 =	vmul.f32 v45, v7;
	v0 =	vperm.xlane v0, v4  }
0x2a3: {  	v49 =	vshrl.u32 v61, $0x3;
	v3 =	vmax.f32 v3, v48;
	v42 =	vmax.f32 v42, v62;
	(xrf2) =	vadd.scan.msk.f32 $0xffff, v38  }
0x2a4: {  	[tilespmem:v33+s31+$0x0] =	vst.idx.msk $0x1, v59;
	v34 =	vadd.f32 v45, v60;
	v3 =	vmul.f32 v3, v6;
	v48, _, _ =	vpop (xrf2);
	v0 =	vmul.f32 $1.442695020e+00, v0  }
0x2a5: {  	[tilespmem:s15+$0x0] =	vst v47;
	v46 =	vpop (erf);
	v63 =	vshll.u32 v49, v5;
	v42 =	vmul.f32 v42, v7;
	v33 =	vperm.xlane v48, v4  }
0x2a6: {  	v16 =	vmul.f32 v46, v16;
	v15 =	vadd.s32 v63, v15;
	v49 =	vpop (erf);
	(xrf2) =	vadd.scan.msk.f32 $0xffff, v34;
	(erf) = vpow2.f32 v0  }
0x2a7: {  	[tilespmem:s15+$0x10] =	vst v21;
	v15 =	vbroadcast v15, $0x0;
	v53, _, _ =	vpop (xrf2);
	v54 =	vmul.f32 $1.442695020e+00, v33;
	v0 =	vadd.f32 v42, v3  }
0x2a8: {  	[tilespmem:v30+s31+$0x0] =	vst.idx.msk $0x1, v44;
	v60 =	vshrl.u32 v55, $0x3;
	v19 =	vmul.f32 v49, v19;
	v51 =	vpop (erf);
	v57 =	vperm.xlane v53, v4  }
0x2a9: {  	[tilespmem:s25+$0x20] =	vst v16;
	v3 =	vmul.f32 v51, v28;
	(erf) = vpow2.f32 v54;
	(xrf2) =	vadd.scan.msk.f32 $0xffff, v0  }
0x2aa: {  	s0 =	sadd.s32 $0x100, s15;
	v62 =	vshll.u32 v60, v5;
	[tilespmem:s25+$0x40] =	vst v19;
	v52 =	vmul.f32 v51, v29;
	v58 =	vmul.f32 $1.442695020e+00, v57;
	v59, _, _ =	vpop (xrf2)  }
0x2ab: {  	[tilespmem:s0+$0x70] =	vst v3;
	v0 =	vshrl.u32 v50, $0x3;
	v3 =	vmul.f32 v46, v17;
	v61 =	vperm.xlane v59, v4  }
0x2ac: {  	v14 =	vadd.s32 v62, v14;
	[tilespmem:s0+$0x60] =	vst v52;
	v0 =	vshll.u32 v0, v5;
	(erf) = vpow2.f32 v58  }
0x2ad: {  	[tilespmem:s25+$0x30] =	vst v3;
	v3 =	vmul.f32 v49, v18;
	v0 =	vadd.s32 v0, v13;
	v21, _, _ =	vpop (xrf2);
	v63 =	vmul.f32 $1.442695020e+00, v61  }
0x2ae: {  	v28 =	vshrl.u32 v56, $0x3;
	[tilespmem:v24+s31+$0x0] =	vst.idx.msk $0x1, v46;
	v0 =	vbroadcast v0, $0x0;
	v24 =	vperm.xlane v21, v4  }
0x2af: {  	v30 =	vshll.u32 v28, v5;
	[tilespmem:s25+$0x50] =	vst v3;
	v3 =	vbroadcast v14, $0x0;
	v29 =	vpop (erf);
	(erf) = vpow2.f32 v63  }
0x2b0: {  	v12 =	vadd.s32 v30, v12;
	[tilespmem:v15+s31+$0x0] =	vst.idx.msk $0x1, v51;
	v34, _, _ =	vpop (xrf2);
	v15 =	vmul.f32 $1.442695020e+00, v24;
	v33 =	vmul.f32 v29, v39  }
0x2b1: {  	[tilespmem:v23+s31+$0x0] =	vst.idx.msk $0x1, v49;
	v17 =	vperm.xlane v34, v4;
	v38 =	vmul.f32 v29, v35  }
0x2b2: {  	v12 =	vbroadcast v12, $0x0;
	v39 =	vpop (erf);
	(erf) = vpow2.f32 v15;
	[tilespmem:s0+$0xFFFFFFA0] =	vst v33  }
0x2b3: {  	v42 =	vmov s14;
	v45 =	vmul.f32 $1.442695020e+00, v17;
	v44 =	vmul.f32 v39, v37;
	[tilespmem:s0+$0xFFFFFFB0] =	vst v38;
	v46, _, _ =	vpop (xrf2)  }
0x2b4: {  	s6 =	sadd.s32 $0x4, s14;
	v15 =	vshrl.u32 v42, $0x3;
	v47 =	vmul.f32 v39, v36;
	[tilespmem:v0+s31+$0x0] =	vst.idx.msk $0x1, v29;
	v0 =	vperm.xlane v46, v4  }
0x2b5: {  	v48 =	vmov s6;
	v15 =	vshll.u32 v15, v5;
	v49 =	vpop (erf);
	[tilespmem:s0+$0xFFFFFFC0] =	vst v44;
	(erf) = vpow2.f32 v45  }
0x2b6: {  	v11 =	vadd.s32 v11, v15;
	[tilespmem:s0+$0xFFFFFFD0] =	vst v47;
	v50 =	vmul.f32 v49, v41;
	v0 =	vmul.f32 $1.442695020e+00, v0  }
0x2b7: {  	v14 =	vshrl.u32 v48, $0x3;
	v11 =	vbroadcast v11, $0x0;
	v51 =	vmul.f32 v49, v40;
	[tilespmem:v3+s31+$0x0] =	vst.idx.msk $0x1, v39  }
0x2b8: {  	s15 =	sadd.s32 $0x5, s14;
	v3 =	vshll.u32 v14, v5;
	[tilespmem:s0+$0xFFFFFFE0] =	vst v50;
	v52 =	vpop (erf);
	(erf) = vpow2.f32 v0  }
0x2b9: {  	v3 =	vadd.s32 v3, v10;
	[tilespmem:s0+$0xFFFFFFF0] =	vst v51;
	v0 =	vmov s15;
	v53 =	vmul.f32 v52, v43  }
0x2ba: {  	v3 =	vbroadcast v3, $0x0;
	[tilespmem:v12+s31+$0x0] =	vst.idx.msk $0x1, v49;
	v0 =	vshrl.u32 v0, $0x3;
	v54 =	vmul.f32 v52, v32  }
0x2bb: {  	s24 =	sadd.s32 $0x6, s14;
	v55 =	vpop (erf);
	v0 =	vshll.u32 v0, v5;
	[tilespmem:s0+$0xFFFFFF80] =	vst v53  }
0x2bc: {  	v56 =	vmov s24;
	v57 =	vmul.f32 v55, v25;
	v0 =	vadd.s32 v0, v9;
	[tilespmem:s0+$0xFFFFFF90] =	vst v54  }
0x2bd: {  	v58 =	vshrl.u32 v56, $0x3;
	v59 =	vmul.f32 v55, v26;
	v0 =	vbroadcast v0, $0x0;
	[tilespmem:v11+s31+$0x0] =	vst.idx.msk $0x1, v52  }
0x2be: {  	v12 =	vshll.u32 v58, v5;
	v60 =	vpop (erf);
	[tilespmem:s0+$0x0] =	vst v57  }
0x2bf: {  	v8 =	vadd.s32 v12, v8;
	[tilespmem:s0+$0x10] =	vst v59;
	v61 =	vmul.f32 v60, v27  }
0x2c0: {  	v8 =	vbroadcast v8, $0x0;
	[tilespmem:v3+s31+$0x0] =	vst.idx.msk $0x1, v55;
	v3 =	vmul.f32 v60, v20  }
0x2c1: {  	[tilespmem:s0+$0x20] =	vst v61;
	v62 =	vpop (erf)  }
0x2c2: {  	[tilespmem:s0+$0x30] =	vst v3;
	v63 =	vmul.f32 v62, v22  }
0x2c3: {  	v3 =	vmul.f32 v62, v31;
	[tilespmem:v0+s31+$0x0] =	vst.idx.msk $0x1, v60  }
0x2c4: {  	p2 =	sne.s32 s26, $0x187;
	[tilespmem:s0+$0x40] =	vst v63  }
.Ltmp9:
0x2c5: {  	s25 =	sshll.u32 s22, $0xC;
	[tilespmem:s0+$0x50] =	vst v3;
	(pc) =	sbr.rel @p2 .LBB2_14-.Ltmp9, $4  }
0x2c6: {  	s0 =	sor.u32 $0x4300, s25;
	[tilespmem:v8+s31+$0x0] =	vst.idx.msk $0x1, v62  }
0x2c7: {  	[spmem:s1] =	stream.indirect.scatter.add.f32 [tilespmem:s0], [sflag:$0x3], $0x20, s11, s23, $0xb8;
	[tilespmem:$0x1FCA0] =	vst v63  }
0x2c8: {  	s28 =	sor.u32 $0x6300, s28;
	p1 =	por !p1, !p1  }
0x2c9: {  	[spmem:s3] =	stream.indirect.scatter.add.f32 [tilespmem:s28], [sflag:$0x4], $0x1, s11, s23, $0xb8;
	[tilespmem:$0x1FCA0] =	vst v63  }
0x2ca: {  	s0 =	simm.s32 $0x3  }
0x2cb: {  	_ =	swait.ge [sflag:s0], $0x1000  }
0x2cc: {  	[sflag:s0] =	ssyncset.done $0x0  }
0x2cd: {  	s4 =	simm.s32 $0x4;
	[sflag:s0] =	ssyncadd.s32 $0xFFFFF000  }
0x2ce: {  	_ =	swait.ge [sflag:s4], $0x80  }
0x2cf: {  	[sflag:s4] =	ssyncset.done $0x0  }
0x2d0: {  	[sflag:s4] =	ssyncadd.s32 $0xFFFFFF80  }
0x2d1: {  	_ =	swait.ge [sflag:s0], $0x1000  }
0x2d2: {  	[sflag:s0] =	ssyncset.done $0x0  }
0x2d3: {  	[sflag:s0] =	ssyncadd.s32 $0xFFFFF000  }
0x2d4: {  	_ =	swait.ge [sflag:s4], $0x80  }
0x2d5: {  	[sflag:s4] =	ssyncset.done $0x0  }
0x2d6: {  	[sflag:s4] =	ssyncadd.s32 $0xFFFFFF80  }
0x2d7: {  	[bflag:$0x0] =	sbarrier.arrive $0xFFFF  }
0x2d8: {  	s24 =	sld [smem:$0x7F7];
	_ =	sdelay $0x1  }
0x2d9: {  	s22 =	rddreg [dreg:$0x6]  }
0x2da: {  	[hbm:s22], [sflag:s7] =	dma.local [spmem:s24], $0x30C0  }
0x2db: {  	_ =	swait.ge [sflag:s16], $0x30C0  }
0x2dc: {  	s26 =	sld [smem:$0x7F8]  }
0x2dd: {  	[sflag:s16] =	ssyncset.done $0x0  }
0x2de: {  	s25 =	rddreg [dreg:$0xc];
	[sflag:s16] =	ssyncadd.s32 $0xFFFFCF40  }
0x2df: {  	[hbm:s25], [sflag:s7] =	dma.local [spmem:s26], $0x186  }
0x2e0: {  	_ =	swait.ge [sflag:s16], $0x186  }
0x2e1: {  	s4 =	sld [smem:$0x7F9]  }
0x2e2: {  	[sflag:s16] =	ssyncset.done $0x0  }
0x2e3: {  	s0 =	rddreg [dreg:$0x7];
	[sflag:s16] =	ssyncadd.s32 $0xFFFFFE7A  }
0x2e4: {  	[hbm:s0], [sflag:s7] =	dma.local @!p0 [spmem:s4], $0x140  }
0x2e5: {  	s0 =	simm.s32 @!p0 $0x6  }
0x2e6: {  	_ =	swait.ge @!p0 [sflag:s0], $0x140  }
0x2e7: {  	s6 =	sld [smem:$0x7FA]  }
0x2e8: {  	[sflag:s0] =	ssyncset.done @!p0 $0x0  }
0x2e9: {  	s4 =	rddreg [dreg:$0xd];
	[sflag:s0] =	ssyncadd.s32 @!p0 $0xFFFFFEC0  }
0x2ea: {  	[hbm:s4], [sflag:s7] =	dma.local @!p0 [spmem:s6], $0xA  }
0x2eb: {  	_ =	swait.ge @!p0 [sflag:s0], $0xA  }
0x2ec: {  	[sflag:s0] =	ssyncset.done @!p0 $0x0  }
0x2ed: {  	s6 =	rddreg [dreg:$0x13];
	[sflag:s0] =	ssyncadd.s32 @!p0 $0xFFFFFFF6  }
0x2ee: {  	[spmem:s6] =	stream.linear.scatter [tilespmem:s17], [sflag:$0x6], $0x500, $0x38;
	[tilespmem:$0x1FCA0] =	vst v63  }
0x2ef: {  	_ =	swait.ge [sflag:s16], $0x500  }
0x2f0: {  	[sflag:s16] =	ssyncset.done $0x0  }
0x2f1: {  	s28 =	sadd.s32 $0x0, s12;
	[sflag:s16] =	ssyncadd.s32 $0xFFFFFB00  }
0x2f2: {  	[spmem:s28] =	stream.linear.scatter [tilespmem:s21], [sflag:$0x6], $0x28, $0x38;
	[tilespmem:$0x1FCA0] =	vst v63  }
0x2f3: {  	_ =	swait.ge [sflag:s16], $0x28  }
0x2f4: {  	s0 =	simm.s32 $0xA0;
	[sflag:s16] =	ssyncset.done $0x0  }
.LBB2_22:
0x2f5: {  	p1 =	sne.s32 s0, $0x3160;
	[sflag:s16] =	ssyncadd.s32 $0xFFFFFFD8;
	s6 =	sadd.s32 $0x500, s6  }
0x2f6: {  	[spmem:s6] =	stream.linear.scatter [tilespmem:s17], [sflag:$0x6], $0x500, $0x38;
	[tilespmem:$0x1FCA0] =	vst v63  }
0x2f7: {  	s4 =	smov.u32 s0;
	s0 =	sadd.s32 $0xA0, s0;
	_ =	swait.ge [sflag:s16], $0x500  }
.Ltmp10:
0x2f8: {  	s4 =	sshra.s32 s4, $0x2;
	[sflag:s16] =	ssyncset.done $0x0;
	(pc) =	sbr.rel @p1 .LBB2_22-.Ltmp10, $4  }
0x2f9: {  	s4 =	sadd.s32 s4, s12;
	[sflag:s16] =	ssyncadd.s32 $0xFFFFFB00  }
0x2fa: {  	[spmem:s4] =	stream.linear.scatter [tilespmem:s21], [sflag:$0x6], $0x28, $0x38;
	[tilespmem:$0x1FCA0] =	vst v63  }
0x2fb: {  	_ =	swait.ge [sflag:s16], $0x28  }
0x2fc: {  	[sflag:s16] =	ssyncset.done $0x0  }
0x2fd: {  	[sflag:s16] =	ssyncadd.s32 $0xFFFFFFD8  }
0x2fe: {  	[bflag:$0x0] =	sbarrier.arrive $0xFFFF  }
0x2ff: {  	s26 =	simm.s32 $0x0;
	v6 =	vld [tilespmem:$0x6400];
	s0 =	rddreg [dreg:$0x1b]  }
0x300: {  	v7 =	vld [tilespmem:$0x6410];
	[tilespmem:s26], [sflag:$0x6] =	stream.linear.gather [hbm4b:s0+s26], $0x80, $0x38  }
0x301: {  	_ =	swait.ge [sflag:s16], $0x80  }
0x302: {  	[sflag:s16] =	ssyncset.done $0x0  }
0x303: {  	s4 =	simm.s32 $0x100;
	s15 =	rddreg [dreg:$0x1c];
	[sflag:s16] =	ssyncadd.s32 $0xFFFFFF80  }
0x304: {  	[tilespmem:s4], [sflag:$0x6] =	stream.linear.gather [hbm4b:s15+s26], $0x80, $0x38;
	[tilespmem:$0x1FCA0] =	vst v63  }
0x305: {  	_ =	swait.ge [sflag:s16], $0x80  }
0x306: {  	[sflag:s16] =	ssyncset.done $0x0  }
0x307: {  	s22 =	rddreg [dreg:$0x1d];
	[sflag:s16] =	ssyncadd.s32 $0xFFFFFF80  }
0x308: {  	[tilespmem:s23], [sflag:$0x6] =	stream.linear.gather [hbm4b:s22+s26], $0x80, $0x38;
	[tilespmem:$0x1FCA0] =	vst v63  }
0x309: {  	_ =	swait.ge [sflag:s16], $0x80  }
0x30a: {  	[sflag:s16] =	ssyncset.done $0x0  }
0x30b: {  	s6 =	simm.s32 $0x180;
	s24 =	rddreg [dreg:$0x1e];
	[sflag:s16] =	ssyncadd.s32 $0xFFFFFF80  }
0x30c: {  	[tilespmem:s6], [sflag:$0x6] =	stream.linear.gather [hbm4b:s24+s26], $0x80, $0x38;
	[tilespmem:$0x1FCA0] =	vst v63  }
0x30d: {  	_ =	swait.ge [sflag:s16], $0x80  }
0x30e: {  	[sflag:s16] =	ssyncset.done $0x0  }
0x30f: {  	s25 =	simm.s32 $0x300;
	[sflag:s16] =	ssyncadd.s32 $0xFFFFFF80  }
0x310: {  	[tilespmem:s25], [sflag:$0x1] =	stream.indirect.gather [hbm4b:s5+s23], $0x20, s26, s23, $0xb8;
	[tilespmem:$0x1FCA0] =	vst v63  }
0x311: {  	s28 =	simm.s32 $0x2300;
	p1 =	por $0x0, $0x0  }
0x312: {  	[tilespmem:s28], [sflag:$0x2] =	stream.indirect.gather [hbm4b:s18+s23], $0x20, s4, s23, $0xb8;
	[tilespmem:$0x1FCA0] =	vst v63  }
.LBB2_24:
0x313: {  	_ =	swait.ge [sflag:s29], $0x1000  }
0x314: {  	[sflag:s29] =	ssyncset.done $0x0  }
0x315: {  	[sflag:s29] =	ssyncadd.s32 $0xFFFFF000  }
0x316: {  	_ =	swait.ge [sflag:s30], $0x1000  }
0x317: {  	p2 =	slt.u32 s26, $0x2;
	[sflag:s30] =	ssyncset.done $0x0  }
0x318: {  	s0 =	simm.s32 @!p2 $0x3;
	[sflag:s30] =	ssyncadd.s32 $0xFFFFF000  }
0x319: {  	_ =	swait.ge @!p2 [sflag:s0], $0x1000  }
0x31a: {  	[sflag:s0] =	ssyncset.done @!p2 $0x0  }
0x31b: {  	[sflag:s0] =	ssyncadd.s32 @!p2 $0xFFFFF000;
	s0 =	simm.s32 @!p2 $0x4  }
0x31c: {  	_ =	swait.ge @!p2 [sflag:s0], $0x80  }
0x31d: {  	s22 =	sand.u32 $0x1, s26;
	[sflag:s0] =	ssyncset.done @!p2 $0x0  }
0x31e: {  	s28 =	sshll.u32 s22, $0x7;
	[sflag:s0] =	ssyncadd.s32 @!p2 $0xFFFFFF80  }
0x31f: {  	v0 =	vld [tilespmem:s28+$0x100]  }
0x320: {  	v3 =	vld [tilespmem:s28+$0x110]  }
0x321: {  	v8 =	vld [tilespmem:s28+$0x120]  }
0x322: {  	v9 =	vld [tilespmem:s28+$0x130]  }
0x323: {  	v10 =	vld [tilespmem:s28+$0x140]  }
0x324: {  	v11 =	vld [tilespmem:s28+$0x150];
	v0 =	vadd.s32 v2, v0  }
0x325: {  	[tilespmem:s28+$0x200] =	vst v0;
	v0 =	vadd.s32 v2, v3;
	v3 =	vld [tilespmem:s28+$0x160]  }
0x326: {  	[tilespmem:s28+$0x210] =	vst v0;
	v0 =	vadd.s32 v2, v8;
	v8 =	vld [tilespmem:s28+$0x170]  }
0x327: {  	p2 =	sgt.u32 s26, $0x184;
	[tilespmem:s28+$0x220] =	vst v0;
	v0 =	vadd.s32 v2, v9  }
0x328: {  	s0 =	sadd.s32 @!p2 s13, s26;
	[tilespmem:s28+$0x230] =	vst v0;
	v0 =	vadd.s32 v2, v10  }
0x329: {  	s0 =	sshll.u32 @!p2 s0, $0x7;
	[tilespmem:s28+$0x240] =	vst v0;
	v0 =	vadd.s32 v2, v11  }
0x32a: {  	s0 =	sadd.s32 @!p2 s0, s10;
	[tilespmem:s28+$0x250] =	vst v0;
	v0 =	vadd.s32 v2, v3  }
0x32b: {  	s0 =	sshrl.u32 @!p2 s0, $0x3;
	[tilespmem:s28+$0x260] =	vst v0;
	v0 =	vadd.s32 v2, v8  }
0x32c: {  	s6 =	simm.s32 @!p2 $0x0;
	s4 =	sadd.s32 @!p2 s19, s0;
	[tilespmem:s28+$0x270] =	vst v0  }
0x32d: {  	[tilespmem:s28], [sflag:$0x5] =	stream.linear.gather @!p2 [hbm4b:s4+s6], $0x80, $0x38;
	[tilespmem:$0x1FCA0] =	vst v63  }
0x32e: {  	s0 =	sadd.s32 @!p2 s20, s0;
	s4 =	sor.u32 $0x100, s28  }
0x32f: {  	[tilespmem:s4], [sflag:$0x5] =	stream.linear.gather @!p2 [hbm4b:s0+s6], $0x80, $0x38;
	[tilespmem:$0x1FCA0] =	vst v63  }
0x330: {  	p2 =	seq.s32 s26, $0x0  }
.Ltmp11:
0x331: {  	_ = 	snop;
	(pc) =	sbr.rel @p2 .LBB2_27-.Ltmp11, $1  }
0x332: {  	_ =	sdelay $0x3  }
0x333: {  	p2 =	seq.s32 s26, $0x186  }
.Ltmp12:
0x334: {  	_ = 	snop;
	(pc) =	sbr.rel @p2 .LBB2_28-.Ltmp12, $1  }
0x335: {  	_ =	sdelay $0x3  }
0x336: {  	_ =	swait.ge [sflag:s2], $0x80  }
0x337: {  	[sflag:s2] =	ssyncset.done $0x0  }
0x338: {  	[sflag:s2] =	ssyncadd.s32 $0xFFFFFF80  }
0x339: {  	_ =	swait.ge [sflag:s2], $0x80  }
0x33a: {  	[sflag:s2] =	ssyncset.done $0x0  }
0x33b: {  	[sflag:s2] =	ssyncadd.s32 $0xFFFFFF80  }
.LBB2_27:
0x33c: {  	s0 =	sxor.u32 $0x1, s22  }
0x33d: {  	s4 =	sshll.u32 s0, $0xC  }
0x33e: {  	s0 =	sshll.u32 s0, $0x7;
	s6 =	sor.u32 $0x300, s4  }
0x33f: {  	[tilespmem:s6], [sflag:$0x1] =	stream.indirect.gather [hbm4b:s5+s23], $0x20, s0, s23, $0xb8;
	[tilespmem:$0x1FCA0] =	vst v63  }
0x340: {  	s4 =	sor.u32 $0x2300, s4;
	s0 =	sor.u32 $0x100, s0  }
0x341: {  	[tilespmem:s4], [sflag:$0x2] =	stream.indirect.gather [hbm4b:s18+s23], $0x20, s0, s23, $0xb8;
	[tilespmem:$0x1FCA0] =	vst v63  }
.LBB2_28:
0x342: {  	s0 =	simm.s32 $0x1  }
0x343: {  	s0 =	simm.s32 @!p1 $0x0  }
0x344: {  	s0 =	sshll.u32 s0, $0xC  }
0x345: {  	s11 =	sor.u32 $0x380, s0  }
0x346: {  	v24 =	vld [tilespmem:s11+$0x60]  }
0x347: {  	s6 =	sor.u32 $0x2380, s0;
	v23 =	vld [tilespmem:s11+$0x70]  }
0x348: {  	v0 =	vld [tilespmem:s6+$0x60]  }
0x349: {  	v3 =	vld [tilespmem:s6+$0x70]  }
0x34a: {  	v20 =	vld [tilespmem:s11+$0xFFFFFF90]  }
0x34b: {  	v28 =	vld [tilespmem:s6+$0xFFFFFF80]  }
0x34c: {  	v16 =	vld [tilespmem:s6+$0xFFFFFF90]  }
0x34d: {  	v34 =	vld [tilespmem:s11+$0xFFFFFFA0]  }
0x34e: {  	v35 =	vld [tilespmem:s11+$0xFFFFFFB0];
	v0 =	vadd.f32 v0, v24;
	v3 =	vadd.f32 v3, v23  }
0x34f: {  	v17 =	vld [tilespmem:s6+$0xFFFFFFA0]  }
0x350: {  	v18 =	vld [tilespmem:s6+$0xFFFFFFB0];
	v8 =	vmul.f32 $2.000000030e-01, v0;
	v15 =	vmul.f32 $2.000000030e-01, v3  }
0x351: {  	v36 =	vld [tilespmem:s11+$0xFFFFFFC0]  }
0x352: {  	v11 =	vmov s28;
	v26 =	vld [tilespmem:s11+$0xFFFFFFD0];
	v0 =	vmax.f32 v0, v8;
	v3 =	vmax.f32 v3, v15  }
0x353: {  	v13 =	vor.u32 $0x1, v11;
	v19 =	vld [tilespmem:s6+$0xFFFFFFC0];
	v0 =	vmul.f32 v0, v6;
	v3 =	vmul.f32 v3, v7  }
0x354: {  	v14 =	vor.u32 $0x2, v11;
	v12 =	vor.u32 $0x3, v11;
	v10 =	vor.u32 $0x4, v11;
	v21 =	vld [tilespmem:s6+$0xFFFFFFD0]  }
0x355: {  	s4 =	simm.s32 $0x0;
	s25 =	simm.s32 $0x2;
	v9 =	vor.u32 $0x5, v11;
	v27 =	vld [tilespmem:s11+$0xFFFFFFE0];
	v16 =	vadd.f32 v16, v20;
	v0 =	vadd.f32 v3, v0  }
0x356: {  	v22 =	vmov s4;
	v32 =	vmov s25;
	v25 =	vld [tilespmem:s11+$0xFFFFFFF0];
	v17 =	vadd.f32 v17, v34  }
0x357: {  	s14 =	simm.s32 $0x3;
	s15 =	simm.s32 $0x5;
	v29 =	vshrl.u32 v22, $0x3;
	v18 =	vadd.f32 v18, v35;
	v22 =	vmul.f32 $2.000000030e-01, v16;
	(xrf2) =	vadd.scan.msk.f32 $0xffff, v0;
	v0 =	vld [tilespmem:s6+$0xFFFFFFF0]  }
0x358: {  	v33 =	vmov s14;
	s14 =	simm.s32 $0x4;
	v43 =	vmov s15;
	v30 =	vld [tilespmem:s6+$0xFFFFFFE0];
	v31 =	vmul.f32 $2.000000030e-01, v17  }
0x359: {  	v39 =	vmov s14;
	v53 =	vld [tilespmem:s6+$0x0];
	v37 =	vmul.f32 $2.000000030e-01, v18;
	v16 =	vmax.f32 v16, v22  }
0x35a: {  	v32 =	vshrl.u32 v32, $0x3;
	v42 =	vld [tilespmem:s6+$0x10];
	v38 =	vmul.f32 v16, v7;
	v16 =	vmax.f32 v17, v31  }
0x35b: {  	v45 =	vld [tilespmem:s6+$0x20];
	v19 =	vadd.f32 v19, v36;
	v31 =	vmul.f32 v16, v6;
	v16 =	vmax.f32 v18, v37  }
0x35c: {  	s25 =	simm.s32 $0x7;
	v46 =	vld [tilespmem:s6+$0x30];
	v17 =	vadd.f32 v21, v26;
	v40 =	vmul.f32 v16, v7;
	v0 =	vadd.f32 v0, v25  }
0x35d: {  	v62 =	vmov s25;
	v33 =	vshrl.u32 v33, $0x3;
	v54 =	vld [tilespmem:s6+$0x40];
	v18 =	vmul.f32 $2.000000030e-01, v19  }
0x35e: {  	v55 =	vld [tilespmem:s6+$0x50];
	v41 =	vmul.f32 $2.000000030e-01, v17;
	v40 =	vadd.f32 v40, v31;
	v31 =	vmul.f32 $2.000000030e-01, v0  }
0x35f: {  	v29 =	vshll.u32 v29, v5;
	v22 =	vld [tilespmem:s11+$0x0];
	v18 =	vmax.f32 v19, v18;
	v19 =	vadd.f32 v30, v27  }
0x360: {  	v29 =	vadd.s32 v11, v29;
	v21 =	vld [tilespmem:s11+$0x10];
	v18 =	vmul.f32 v18, v6;
	v30 =	vmax.f32 v17, v41  }
0x361: {  	s24 =	simm.s32 $0x1;
	v8 =	vor.u32 $0x6, v11;
	v16 =	vld [tilespmem:s11+$0x20];
	v30 =	vmul.f32 v30, v7;
	v44 =	vmul.f32 $2.000000030e-01, v19  }
0x362: {  	v15 =	vor.u32 $0x7, v11;
	v3 =	vmov s24;
	v17 =	vld [tilespmem:s11+$0x30];
	v0 =	vmax.f32 v0, v31;
	v31, _, _ =	vpop (xrf2)  }
0x363: {  	v30 =	vadd.f32 v30, v18;
	v18 =	vmax.f32 v19, v44;
	v48 =	vperm.xlane v31, v4;
	v31 =	vld [tilespmem:s11+$0xFFFFFF80]  }
0x364: {  	v37 =	vadd.f32 v53, v22;
	v44 =	vmul.f32 v18, v6;
	v18 =	vld [tilespmem:s11+$0x50];
	v0 =	vmul.f32 v0, v7;
	(xrf2) =	vadd.scan.msk.f32 $0xffff, v40  }
0x365: {  	s24 =	simm.s32 $0x6;
	v3 =	vshrl.u32 v3, $0x3;
	v42 =	vadd.f32 v42, v21;
	v19 =	vld [tilespmem:s11+$0x40];
	(xrf2) =	vadd.scan.msk.f32 $0xffff, v30;
	v48 =	vmul.f32 $1.442695020e+00, v48  }
0x366: {  	v41 =	vmov s24;
	v47 =	vmul.f32 $2.000000030e-01, v37;
	v0 =	vadd.f32 v0, v44  }
0x367: {  	v45 =	vadd.f32 v45, v16;
	v30 =	vmul.f32 $2.000000030e-01, v42;
	(erf) = vpow2.f32 v48  }
0x368: {  	v37 =	vmax.f32 v37, v47;
	v46 =	vadd.f32 v46, v17;
	(xrf2) =	vadd.scan.msk.f32 $0xffff, v0;
	v0 =	vadd.f32 v28, v31  }
0x369: {  	v56 =	vmul.f32 $2.000000030e-01, v45;
	v59 =	vadd.f32 v55, v18;
	v30 =	vmax.f32 v42, v30  }
0x36a: {  	v28 =	vmul.f32 v30, v7;
	v30 =	vadd.f32 v54, v19;
	v60 =	vmul.f32 $2.000000030e-01, v0  }
0x36b: {  	v3 =	vshll.u32 v3, v5;
	v37 =	vmul.f32 v37, v6;
	v57 =	vmul.f32 $2.000000030e-01, v46  }
0x36c: {  	v63 =	vmul.f32 $2.000000030e-01, v59;
	v61 =	vmul.f32 $2.000000030e-01, v30;
	v0 =	vmax.f32 v0, v60  }
0x36d: {  	v44 =	vmax.f32 v45, v56;
	v42 =	vmax.f32 v46, v57;
	v0 =	vmul.f32 v0, v6  }
0x36e: {  	v58 =	vmul.f32 v44, v6;
	v42 =	vmul.f32 v42, v7;
	v30 =	vmax.f32 v30, v61;
	v52, _, _ =	vpop (xrf2)  }
0x36f: {  	v53 =	vmul.f32 v30, v6;
	v30 =	vmax.f32 v59, v63;
	v55, _, _ =	vpop (xrf2);
	v0 =	vadd.f32 v38, v0  }
0x370: {  	v3 =	vadd.s32 v3, v13;
	v48 =	vmul.f32 v30, v7;
	v30 =	vperm.xlane v52, v4;
	v50 =	vpop (erf)  }
0x371: {  	v47 =	vshrl.u32 v62, $0x3;
	v56 =	vperm.xlane v55, v4;
	v57 =	vmul.f32 v50, v24;
	(xrf2) =	vadd.scan.msk.f32 $0xffff, v0  }
0x372: {  	v24 =	vmul.f32 $1.442695020e+00, v30;
	v0 =	vadd.f32 v42, v58;
	v58 =	vmul.f32 v50, v23;
	v23, _, _ =	vpop (xrf2)  }
0x373: {  	v28 =	vadd.f32 v28, v37;
	v30 =	vmul.f32 $1.442695020e+00, v56;
	v23 =	vperm.xlane v23, v4  }
0x374: {  	v51 =	vshll.u32 v47, v5;
	v44 =	vbroadcast v3, $0x0;
	(erf) = vpow2.f32 v24  }
0x375: {  	v54 =	vadd.s32 v51, v15;
	(xrf2) =	vadd.scan.msk.f32 $0xffff, v28;
	(erf) = vpow2.f32 v30;
	v23 =	vmul.f32 $1.442695020e+00, v23  }
0x376: {  	v49 =	vbroadcast v54, $0x0;
	v60 =	vshll.u32 v33, v5;
	v33 =	vbroadcast v29, $0x0  }
0x377: {  	v59 =	vshrl.u32 v39, $0x3;
	v24 =	vshrl.u32 v43, $0x3;
	(erf) = vpow2.f32 v23  }
0x378: {  	v3 =	vadd.s32 v60, v12;
	v38 =	vshll.u32 v59, v5;
	(xrf2) =	vadd.scan.msk.f32 $0xffff, v0;
	v23 =	vshll.u32 v24, v5  }
0x379: {  	s6 =	sadd.s32 $0x100, s6;
	v62 =	vadd.f32 v48, v53;
	v28 =	vshll.u32 v32, v5;
	v30 =	vshrl.u32 v41, $0x3  }
0x37a: {  	s24 =	sadd.s32 $0x100, s11;
	v40 =	vld [tilespmem:s6+$0x60];
	v61 =	vshll.u32 v30, v5;
	v30 =	vadd.s32 v38, v10;
	v38 =	vbroadcast v3, $0x0  }
0x37b: {  	v29 =	vld [tilespmem:s24+$0x60];
	v24 =	vadd.s32 v28, v14;
	v30 =	vbroadcast v30, $0x0;
	v3 =	vadd.s32 v23, v9;
	v23, _, _ =	vpop (xrf2);
	(xrf2) =	vadd.scan.msk.f32 $0xffff, v62  }
0x37c: {  	s25 =	sor.u32 $0x4380, s0;
	v41 =	vld [tilespmem:s6+$0x70];
	v42 =	vbroadcast v24, $0x0;
	v24 =	vbroadcast v3, $0x0;
	v3 =	vadd.s32 v61, v8  }
0x37d: {  	[tilespmem:s25+$0x60] =	vst v57;
	v28 =	vld [tilespmem:s24+$0x70];
	v63 =	vperm.xlane v23, v4;
	v23 =	vbroadcast v3, $0x0;
	v46 =	vpop (erf)  }
0x37e: {  	s26 =	sadd.s32 $0x1, s26;
	s14 =	simm.s32 $0x8;
	v32 =	vld [tilespmem:s24+$0xFFFFFF90];
	[tilespmem:s25+$0x70] =	vst v58;
	v43 =	vmul.f32 v46, v34;
	v48 =	vmul.f32 v46, v35;
	v45 =	vpop (erf)  }
0x37f: {  	s0 =	simm.s32 $0x10;
	s15 =	smov.u32 s25;
	s11 =	sor.u32 $0x200, s28;
	[tilespmem:v49+s31+$0x0] =	vst.idx.msk $0x1, v50;
	v34 =	vld [tilespmem:s6+$0xFFFFFF80];
	v49 =	vmul.f32 $1.442695020e+00, v63;
	v47 =	vmul.f32 v45, v36;
	v36, _, _ =	vpop (xrf2)  }
.LBB2_29:
0x380: {  	p2 =	slt.u32 s0, $0x78;
	v0 =	vld [tilespmem:s6+$0xFFFFFF90];
	v3 =	vmov s14;
	[tilespmem:s25+$0xFFFFFFA0] =	vst v43;
	v26 =	vmul.f32 v45, v26;
	v50 =	vperm.xlane v36, v4;
	v39 =	vpop (erf)  }
0x381: {  	v3 =	vshrl.u32 v3, $0x3;
	v35 =	vld [tilespmem:s24+$0xFFFFFFA0];
	[tilespmem:s25+$0xFFFFFFB0] =	vst v48;
	v27 =	vmul.f32 v39, v27;
	(erf) = vpow2.f32 v49  }
0x382: {  	s4 =	sadd.s32 $0x1, s14;
	v40 =	vadd.f32 v40, v29;
	v36 =	vld [tilespmem:s24+$0xFFFFFFB0];
	v41 =	vadd.f32 v41, v28;
	[tilespmem:v44+s31+$0x0] =	vst.idx.msk $0x1, v46;
	v52 =	vmul.f32 $1.442695020e+00, v50;
	v37, _, _ =	vpop (xrf2)  }
0x383: {  	v25 =	vmul.f32 v39, v25;
	v46 =	vmov s4;
	s4 =	sadd.s32 $0x2, s14;
	v44 =	vld [tilespmem:s6+$0xFFFFFFA0];
	[tilespmem:s25+$0xFFFFFFC0] =	vst v47;
	v47 =	vperm.xlane v37, v4  }
0x384: {  	v49 =	vmov s4;
	v50 =	vmul.f32 $2.000000030e-01, v40;
	v48 =	vld [tilespmem:s6+$0xFFFFFFB0];
	v51 =	vmul.f32 $2.000000030e-01, v41;
	[tilespmem:s25+$0xFFFFFFD0] =	vst v26  }
0x385: {  	v0 =	vadd.f32 v0, v32;
	v37 =	vld [tilespmem:s24+$0xFFFFFFC0];
	[tilespmem:v42+s31+$0x0] =	vst.idx.msk $0x1, v45;
	v42 =	vmul.f32 $1.442695020e+00, v47;
	(erf) = vpow2.f32 v52;
	v43, _, _ =	vpop (xrf2)  }
0x386: {  	s4 =	sadd.s32 $0x3, s14;
	v40 =	vmax.f32 v40, v50;
	v26 =	vld [tilespmem:s24+$0xFFFFFFD0];
	v41 =	vmax.f32 v41, v51;
	[tilespmem:s25+$0xFFFFFFE0] =	vst v27;
	v27 =	vperm.xlane v43, v4  }
0x387: {  	v45 =	vmov s4;
	v40 =	vmul.f32 v40, v6;
	v43 =	vld [tilespmem:s6+$0xFFFFFFC0];
	v41 =	vmul.f32 v41, v7;
	[tilespmem:s25+$0xFFFFFFF0] =	vst v25  }
0x388: {  	v25 =	vmul.f32 $2.000000030e-01, v0;
	v44 =	vadd.f32 v44, v35;
	v47 =	vld [tilespmem:s6+$0xFFFFFFD0];
	[tilespmem:v38+s31+$0x0] =	vst.idx.msk $0x1, v39;
	v38 =	vmul.f32 $1.442695020e+00, v27  }
0x389: {  	v48 =	vadd.f32 v48, v36;
	v27 =	vld [tilespmem:s24+$0xFFFFFFE0];
	v41 =	vadd.f32 v41, v40;
	(erf) = vpow2.f32 v42  }
0x38a: {  	s4 =	sadd.s32 $0x4, s14;
	v0 =	vmax.f32 v0, v25;
	v42 =	vmul.f32 $2.000000030e-01, v44;
	v25 =	vld [tilespmem:s24+$0xFFFFFFF0];
	v50 =	vpop (erf);
	(erf) = vpow2.f32 v38  }
0x38b: {  	v39 =	vmov s4;
	v40 =	vmul.f32 v0, v7;
	v0 =	vmul.f32 $2.000000030e-01, v48;
	v51 =	vld [tilespmem:s6+$0xFFFFFFE0];
	(xrf2) =	vadd.scan.msk.f32 $0xffff, v41  }
0x38c: {  	v31 =	vmul.f32 v50, v31;
	v38 =	vmax.f32 v44, v42;
	v42 =	vadd.f32 v43, v37;
	v43 =	vld [tilespmem:s6+$0xFFFFFFF0]  }
0x38d: {  	s4 =	sadd.s32 $0x5, s14;
	v44 =	vmul.f32 v38, v6;
	v0 =	vmax.f32 v48, v0;
	v47 =	vadd.f32 v47, v26;
	v48 =	vld [tilespmem:s24+$0x0]  }
0x38e: {  	v41 =	vmov s4;
	s4 =	sadd.s32 $0x6, s14;
	v0 =	vmul.f32 v0, v7;
	v52 =	vmul.f32 $2.000000030e-01, v42;
	v53 =	vld [tilespmem:s24+$0x10];
	[tilespmem:s25+$0xFFFFFF80] =	vst v31;
	v54 =	vpop (erf)  }
0x38f: {  	v56 =	vmul.f32 v50, v20;
	v20 =	vmovc v32;
	v38 =	vmov s4;
	v31 =	vmul.f32 $2.000000030e-01, v47;
	v55 =	vld [tilespmem:s6+$0x0]  }
0x390: {  	v0 =	vadd.f32 v0, v44;
	v32 =	vmax.f32 v42, v52;
	v42 =	vadd.f32 v51, v27;
	v44 =	vld [tilespmem:s6+$0x10]  }
0x391: {  	v51 =	vmul.f32 v32, v6;
	v31 =	vmax.f32 v47, v31;
	v43 =	vadd.f32 v43, v25;
	v47 =	vld [tilespmem:s24+$0x20];
	[tilespmem:s25+$0xFFFFFF90] =	vst v56  }
0x392: {  	v31 =	vmul.f32 v31, v7;
	v52 =	vmul.f32 $2.000000030e-01, v42;
	v56 =	vld [tilespmem:s24+$0x30];
	(xrf2) =	vadd.scan.msk.f32 $0xffff, v0;
	[tilespmem:v33+s31+$0x0] =	vst.idx.msk $0x1, v50;
	v33 =	vpop (erf)  }
0x393: {  	v57 =	vmul.f32 v54, v22;
	v0 =	vshll.u32 v3, v5;
	v3 =	vmul.f32 $2.000000030e-01, v43;
	v50 =	vld [tilespmem:s6+$0x20];
	v32 =	vpop (erf)  }
0x394: {  	v22 =	vmovc v48;
	v31 =	vadd.f32 v31, v51;
	v42 =	vmax.f32 v42, v52;
	v51 =	vadd.f32 v55, v48;
	v52 =	vld [tilespmem:s6+$0x30]  }
0x395: {  	v42 =	vmul.f32 v42, v6;
	v3 =	vmax.f32 v43, v3;
	v43 =	vadd.f32 v44, v53;
	v44 =	vld [tilespmem:s24+$0x40];
	v48, _, _ =	vpop (xrf2);
	[tilespmem:s25+$0x0] =	vst v57  }
0x396: {  	v46 =	vshrl.u32 v46, $0x3;
	v55 =	vmul.f32 $2.000000030e-01, v51;
	v57 =	vld [tilespmem:s24+$0x50];
	v48 =	vperm.xlane v48, v4;
	(xrf2) =	vadd.scan.msk.f32 $0xffff, v31  }
0x397: {  	v49 =	vshrl.u32 v49, $0x3;
	v3 =	vmul.f32 v3, v7;
	v58 =	vmul.f32 $2.000000030e-01, v43;
	v59 =	vld [tilespmem:s6+$0x40]  }
0x398: {  	v51 =	vmax.f32 v51, v55;
	v50 =	vadd.f32 v50, v47;
	v55 =	vld [tilespmem:s6+$0x50];
	v48 =	vmul.f32 $1.442695020e+00, v48  }
0x399: {  	v31 =	vld [tilespmem:s24+$0xFFFFFF80];
	v51 =	vmul.f32 v51, v6;
	v43 =	vmax.f32 v43, v58;
	v52 =	vadd.f32 v52, v56  }
0x39a: {  	v3 =	vadd.f32 v3, v42;
	v42 =	vmul.f32 $2.000000030e-01, v50;
	(erf) = vpow2.f32 v48  }
0x39b: {  	v45 =	vshrl.u32 v45, $0x3;
	v43 =	vmul.f32 v43, v7;
	v48 =	vmul.f32 $2.000000030e-01, v52  }
0x39c: {  	v42 =	vmax.f32 v50, v42;
	v50 =	vadd.f32 v59, v44;
	v58, _, _ =	vpop (xrf2);
	(xrf2) =	vadd.scan.msk.f32 $0xffff, v3;
	v3 =	vmul.f32 v54, v21  }
0x39d: {  	s4 =	sadd.s32 $0x7, s14;
	s14 =	smov.u32 s0;
	v21 =	vmovc v53;
	v42 =	vmul.f32 v42, v6;
	v48 =	vmax.f32 v52, v48;
	v52 =	vadd.f32 v55, v57  }
0x39e: {  	v55 =	vmov s4;
	v34 =	vadd.f32 v34, v31;
	v53 =	vmul.f32 $2.000000030e-01, v50;
	[tilespmem:s25+$0x10] =	vst v3  }
0x39f: {  	v3 =	vmul.f32 v48, v7;
	v55 =	vshrl.u32 v55, $0x3;
	v48 =	vmul.f32 $2.000000030e-01, v52;
	[tilespmem:v30+s31+$0x0] =	vst.idx.msk $0x1, v54  }
0x3a0: {  	v30 =	vmul.f32 $2.000000030e-01, v34;
	v50 =	vmax.f32 v50, v53;
	v53 =	vshll.u32 v55, v5;
	v54, _, _ =	vpop (xrf2)  }
0x3a1: {  	v50 =	vmul.f32 v50, v6;
	v48 =	vmax.f32 v52, v48;
	v52 =	vadd.s32 v53, v15  }
0x3a2: {  	v30 =	vmax.f32 v34, v30;
	v34 =	vmul.f32 v48, v7;
	v48 =	vbroadcast v52, $0x0  }
0x3a3: {  	v43 =	vadd.f32 v43, v51;
	v3 =	vadd.f32 v3, v42;
	v30 =	vmul.f32 v30, v6;
	v42 =	vpop (erf)  }
0x3a4: {  	v51 =	vperm.xlane v58, v4;
	v34 =	vadd.f32 v34, v50;
	v52 =	vmul.f32 v42, v29  }
0x3a5: {  	s25 =	sadd.s32 $0x100, s25;
	v28 =	vmul.f32 v42, v28;
	v30 =	vadd.f32 v40, v30;
	v40 =	vperm.xlane v54, v4  }
0x3a6: {  	v39 =	vshrl.u32 v39, $0x3;
	v50 =	vmul.f32 $1.442695020e+00, v51;
	v51 =	vmul.f32 v33, v16;
	[tilespmem:s25+$0x60] =	vst v52;
	v29, _, _ =	vpop (xrf2)  }
0x3a7: {  	v16 =	vmovc v47;
	v40 =	vmul.f32 $1.442695020e+00, v40;
	v29 =	vperm.xlane v29, v4;
	[tilespmem:s25+$0x70] =	vst v28;
	(xrf2) =	vadd.scan.msk.f32 $0xffff, v30  }
0x3a8: {  	v28 =	vshrl.u32 v41, $0x3;
	v30 =	vmul.f32 v33, v17;
	v41 =	vmul.f32 v32, v19;
	[tilespmem:v48+s31+$0x0] =	vst.idx.msk $0x1, v42  }
0x3a9: {  	v0 =	vadd.s32 v11, v0;
	v17 =	vmovc v56;
	v19 =	vmovc v44;
	v29 =	vmul.f32 $1.442695020e+00, v29;
	(erf) = vpow2.f32 v50;
	[tilespmem:s15+$0x20] =	vst v51  }
0x3aa: {  	(erf) = vpow2.f32 v40;
	(xrf2) =	vadd.scan.msk.f32 $0xffff, v43;
	[tilespmem:s15+$0x30] =	vst v30;
	v30 =	vmul.f32 v32, v18;
	v18 =	vmovc v57  }
0x3ab: {  	v38 =	vshrl.u32 v38, $0x3;
	v42 =	vshll.u32 v49, v5;
	v40 =	vshll.u32 v46, v5;
	[tilespmem:v24+s31+$0x0] =	vst.idx.msk $0x1, v33  }
0x3ac: {  	v39 =	vshll.u32 v39, v5;
	v24 =	vshll.u32 v45, v5;
	(erf) = vpow2.f32 v29;
	[tilespmem:s15+$0x40] =	vst v41  }
0x3ad: {  	v43 =	vshll.u32 v38, v5;
	v41 =	vshll.u32 v28, v5;
	(xrf2) =	vadd.scan.msk.f32 $0xffff, v3;
	[tilespmem:s15+$0x50] =	vst v30;
	s15 =	smov.u32 s25  }
0x3ae: {  	s24 =	sadd.s32 $0x100, s24;
	v33 =	vbroadcast v0, $0x0;
	v0 =	vadd.s32 v40, v13;
	v3 =	vadd.s32 v42, v14;
	[tilespmem:v23+s31+$0x0] =	vst.idx.msk $0x1, v32  }
0x3af: {  	v44 =	vbroadcast v0, $0x0;
	v0 =	vadd.s32 v24, v12;
	v23 =	vadd.s32 v39, v10;
	v29 =	vld [tilespmem:s24+$0x60]  }
.Ltmp13:
0x3b0: {  	s6 =	sadd.s32 $0x100, s6;
	v38 =	vbroadcast v0, $0x0;
	v0 =	vadd.s32 v41, v9;
	v42 =	vbroadcast v3, $0x0;
	v28 =	vld [tilespmem:s24+$0x70];
	(xrf2) =	vadd.scan.msk.f32 $0xffff, v34;
	(pc) =	sbr.rel @p2 .LBB2_29-.Ltmp13, $4  }
0x3b1: {  	v24 =	vbroadcast v0, $0x0;
	v0 =	vadd.s32 v43, v8;
	v30 =	vbroadcast v23, $0x0;
	v40 =	vld [tilespmem:s6+$0x60];
	v3, _, _ =	vpop (xrf2)  }
0x3b2: {  	v23 =	vbroadcast v0, $0x0;
	v41 =	vld [tilespmem:s6+$0x70];
	v3 =	vperm.xlane v3, v4;
	v46 =	vpop (erf)  }
0x3b3: {  	v32 =	vld [tilespmem:s24+$0xFFFFFF90];
	v43 =	vmul.f32 v46, v35;
	v48 =	vmul.f32 v46, v36;
	v45 =	vpop (erf)  }
0x3b4: {  	s0 =	sadd.s32 $0x8, s0;
	v34 =	vld [tilespmem:s6+$0xFFFFFF80];
	v49 =	vmul.f32 $1.442695020e+00, v3;
	v47 =	vmul.f32 v45, v37;
	v36, _, _ =	vpop (xrf2)  }
0x3b5: {  	v0 =	vld [tilespmem:s6+$0xFFFFFF90]  }
0x3b6: {  	v39 =	vld [tilespmem:s24+$0xFFFFFFA0]  }
0x3b7: {  	v35 =	vld [tilespmem:s24+$0xFFFFFFB0]  }
0x3b8: {  	v50 =	vld [tilespmem:s6+$0xFFFFFFA0];
	v36 =	vperm.xlane v36, v4;
	v52 =	vmul.f32 v45, v26  }
0x3b9: {  	v37 =	vld [tilespmem:s24+$0xFFFFFFC0];
	v54 =	vpop (erf);
	v3 =	vadd.f32 v40, v29;
	(erf) = vpow2.f32 v49;
	v60 =	vadd.f32 v41, v28  }
0x3ba: {  	v55 =	vld [tilespmem:s6+$0xFFFFFFD0];
	v56 =	vmul.f32 v54, v27;
	v62 =	vmul.f32 $1.442695020e+00, v36  }
0x3bb: {  	v49 =	vld [tilespmem:s6+$0xFFFFFFB0];
	v53, _, _ =	vpop (xrf2);
	v61 =	vmul.f32 $2.000000030e-01, v3;
	v51 =	vmul.f32 $2.000000030e-01, v60  }
0x3bc: {  	v57 =	vld [tilespmem:s6+$0xFFFFFFE0];
	v58 =	vmul.f32 v54, v25;
	v53 =	vperm.xlane v53, v4  }
0x3bd: {  	[tilespmem:s25+$0xFFFFFFA0] =	vst v43;
	v43 =	vld [tilespmem:s24+$0xFFFFFF80];
	(erf) = vpow2.f32 v62;
	v3 =	vmax.f32 v3, v61;
	v40 =	vmax.f32 v60, v51  }
0x3be: {  	v26 =	vld [tilespmem:s24+$0x10];
	v63, _, _ =	vpop (xrf2);
	v0 =	vadd.f32 v0, v32;
	v3 =	vmul.f32 v3, v6;
	v40 =	vmul.f32 v40, v7  }
0x3bf: {  	v53 =	vmul.f32 $1.442695020e+00, v53;
	v50 =	vadd.f32 v50, v39;
	v51 =	vld [tilespmem:s6+$0xFFFFFFC0];
	v60 =	vperm.xlane v63, v4  }
0x3c0: {  	v36 =	vld [tilespmem:s24+$0xFFFFFFD0];
	v49 =	vadd.f32 v49, v35;
	v61 =	vmul.f32 $2.000000030e-01, v0;
	v3 =	vadd.f32 v40, v3  }
0x3c1: {  	v41 =	vld [tilespmem:s24+$0xFFFFFFE0];
	v62 =	vmul.f32 $2.000000030e-01, v50;
	v27 =	vmul.f32 $1.442695020e+00, v60  }
0x3c2: {  	v34 =	vadd.f32 v34, v43;
	(erf) = vpow2.f32 v53;
	v63 =	vmul.f32 $2.000000030e-01, v49;
	v40 =	vld [tilespmem:s24+$0xFFFFFFF0];
	(xrf2) =	vadd.scan.msk.f32 $0xffff, v3  }
0x3c3: {  	v0 =	vmax.f32 v0, v61;
	v50 =	vmax.f32 v50, v62;
	(erf) = vpow2.f32 v27;
	v3 =	vld [tilespmem:s6+$0xFFFFFFF0]  }
0x3c4: {  	v25 =	vld [tilespmem:s24+$0x0];
	v59 =	vpop (erf);
	v50 =	vmul.f32 v50, v6;
	v27 =	vmax.f32 v49, v63;
	v51 =	vadd.f32 v51, v37  }
0x3c5: {  	v53 =	vmul.f32 v59, v31;
	v31 =	vadd.f32 v55, v36;
	v55 =	vld [tilespmem:s6+$0x0];
	v61 =	vmul.f32 v27, v7  }
0x3c6: {  	[tilespmem:s25+$0xFFFFFFB0] =	vst v48;
	v57 =	vadd.f32 v57, v41;
	v60 =	vld [tilespmem:s6+$0x10];
	v0 =	vmul.f32 v0, v7;
	v49 =	vmul.f32 $2.000000030e-01, v51  }
0x3c7: {  	[tilespmem:v44+s31+$0x0] =	vst.idx.msk $0x1, v46;
	v63 =	vmul.f32 v59, v20;
	v62 =	vmul.f32 $2.000000030e-01, v31;
	v61 =	vadd.f32 v61, v50  }
0x3c8: {  	[tilespmem:s25+$0xFFFFFFC0] =	vst v47;
	v27 =	vld [tilespmem:s24+$0x20];
	v44 =	vpop (erf);
	v51 =	vmax.f32 v51, v49;
	v49 =	vmul.f32 $2.000000030e-01, v57;
	v3 =	vadd.f32 v3, v40  }
0x3c9: {  	[tilespmem:s25+$0xFFFFFFD0] =	vst v52;
	v20 =	vld [tilespmem:s24+$0x30];
	v47 =	vmul.f32 v44, v22;
	v31 =	vmax.f32 v31, v62;
	v48 =	vmul.f32 v51, v6  }
0x3ca: {  	[tilespmem:v42+s31+$0x0] =	vst.idx.msk $0x1, v45;
	v51 =	vld [tilespmem:s6+$0x20];
	v57 =	vmax.f32 v57, v49;
	v49 =	vadd.f32 v55, v25;
	v62 =	vmul.f32 $2.000000030e-01, v3  }
0x3cb: {  	v50 =	vadd.f32 v60, v26;
	v21 =	vmul.f32 v44, v21;
	v31 =	vmul.f32 v31, v7;
	v55 =	vld [tilespmem:s6+$0x30]  }
0x3cc: {  	v42 =	vld [tilespmem:s6+$0x50];
	(xrf2) =	vadd.scan.msk.f32 $0xffff, v61;
	v52 =	vmul.f32 v57, v6;
	v61 =	vmul.f32 $2.000000030e-01, v49;
	v3 =	vmax.f32 v3, v62;
	v60, _, _ =	vpop (xrf2)  }
0x3cd: {  	v22 =	vld [tilespmem:s24+$0x40];
	v62 =	vadd.f32 v31, v48;
	v57 =	vperm.xlane v60, v4;
	v60 =	vmul.f32 $2.000000030e-01, v34  }
0x3ce: {  	v45 =	vmul.f32 $2.000000030e-01, v50;
	v48 =	vld [tilespmem:s6+$0x40];
	v3 =	vmul.f32 v3, v7;
	v46 =	vmax.f32 v49, v61  }
0x3cf: {  	v31 =	vld [tilespmem:s24+$0x50];
	v49 =	vadd.f32 v51, v27;
	(xrf2) =	vadd.scan.msk.f32 $0xffff, v62;
	v46 =	vmul.f32 v46, v6;
	v34 =	vmax.f32 v34, v60  }
0x3d0: {  	[tilespmem:s25+$0xFFFFFFE0] =	vst v56;
	s24 =	sadd.s32 $0x3, s14;
	v55 =	vadd.f32 v55, v20;
	v3 =	vadd.f32 v3, v52;
	v34 =	vmul.f32 v34, v6  }
0x3d1: {  	[tilespmem:s25+$0xFFFFFFF0] =	vst v58;
	v56 =	vmov s24;
	v62 =	vmul.f32 $2.000000030e-01, v49;
	v61 =	vmul.f32 $1.442695020e+00, v57  }
0x3d2: {  	s6 =	sadd.s32 $0x1, s14;
	v57 =	vmax.f32 v50, v45;
	v58 =	vmul.f32 $2.000000030e-01, v55;
	(xrf2) =	vadd.scan.msk.f32 $0xffff, v3;
	v0 =	vadd.f32 v0, v34  }
0x3d3: {  	[tilespmem:v38+s31+$0x0] =	vst.idx.msk $0x1, v54;
	v50 =	vmov s6;
	v38 =	vmul.f32 v57, v7;
	v3 =	vadd.f32 v48, v22  }
0x3d4: {  	v49 =	vmax.f32 v49, v62;
	v42 =	vadd.f32 v42, v31;
	(erf) = vpow2.f32 v61  }
0x3d5: {  	s0 =	sadd.s32 $0x7, s14;
	v60 =	vmul.f32 v49, v6;
	v45 =	vmax.f32 v55, v58;
	v48 =	vmul.f32 $2.000000030e-01, v3;
	(xrf2) =	vadd.scan.msk.f32 $0xffff, v0  }
0x3d6: {  	s4 =	sadd.s32 $0x2, s14;
	[tilespmem:s25+$0xFFFFFF80] =	vst v53;
	v61 =	vmov s0;
	v62 =	vmul.f32 $2.000000030e-01, v42;
	v38 =	vadd.f32 v38, v46;
	v0, _, _ =	vpop (xrf2)  }
0x3d7: {  	[tilespmem:s25+$0xFFFFFF90] =	vst v63;
	v55 =	vmov s4;
	v45 =	vmul.f32 v45, v7;
	v0 =	vperm.xlane v0, v4  }
0x3d8: {  	v49 =	vshrl.u32 v61, $0x3;
	v3 =	vmax.f32 v3, v48;
	v42 =	vmax.f32 v42, v62;
	(xrf2) =	vadd.scan.msk.f32 $0xffff, v38  }
0x3d9: {  	[tilespmem:v33+s31+$0x0] =	vst.idx.msk $0x1, v59;
	v34 =	vadd.f32 v45, v60;
	v3 =	vmul.f32 v3, v6;
	v48, _, _ =	vpop (xrf2);
	v0 =	vmul.f32 $1.442695020e+00, v0  }
0x3da: {  	[tilespmem:s25+$0x0] =	vst v47;
	v46 =	vpop (erf);
	v63 =	vshll.u32 v49, v5;
	v42 =	vmul.f32 v42, v7;
	v33 =	vperm.xlane v48, v4  }
0x3db: {  	v16 =	vmul.f32 v46, v16;
	v15 =	vadd.s32 v63, v15;
	v49 =	vpop (erf);
	(xrf2) =	vadd.scan.msk.f32 $0xffff, v34;
	(erf) = vpow2.f32 v0  }
0x3dc: {  	[tilespmem:s25+$0x10] =	vst v21;
	v15 =	vbroadcast v15, $0x0;
	v53, _, _ =	vpop (xrf2);
	v54 =	vmul.f32 $1.442695020e+00, v33;
	v0 =	vadd.f32 v42, v3  }
0x3dd: {  	[tilespmem:v30+s31+$0x0] =	vst.idx.msk $0x1, v44;
	v60 =	vshrl.u32 v55, $0x3;
	v19 =	vmul.f32 v49, v19;
	v51 =	vpop (erf);
	v57 =	vperm.xlane v53, v4  }
0x3de: {  	[tilespmem:s15+$0x20] =	vst v16;
	v3 =	vmul.f32 v51, v28;
	(erf) = vpow2.f32 v54;
	(xrf2) =	vadd.scan.msk.f32 $0xffff, v0  }
0x3df: {  	s25 =	sadd.s32 $0x100, s25;
	v62 =	vshll.u32 v60, v5;
	[tilespmem:s15+$0x40] =	vst v19;
	v52 =	vmul.f32 v51, v29;
	v58 =	vmul.f32 $1.442695020e+00, v57;
	v59, _, _ =	vpop (xrf2)  }
0x3e0: {  	[tilespmem:s25+$0x70] =	vst v3;
	v0 =	vshrl.u32 v50, $0x3;
	v3 =	vmul.f32 v46, v17;
	v61 =	vperm.xlane v59, v4  }
0x3e1: {  	v14 =	vadd.s32 v62, v14;
	[tilespmem:s25+$0x60] =	vst v52;
	v0 =	vshll.u32 v0, v5;
	(erf) = vpow2.f32 v58  }
0x3e2: {  	[tilespmem:s15+$0x30] =	vst v3;
	v3 =	vmul.f32 v49, v18;
	v0 =	vadd.s32 v0, v13;
	v21, _, _ =	vpop (xrf2);
	v63 =	vmul.f32 $1.442695020e+00, v61  }
0x3e3: {  	v28 =	vshrl.u32 v56, $0x3;
	[tilespmem:v24+s31+$0x0] =	vst.idx.msk $0x1, v46;
	v0 =	vbroadcast v0, $0x0;
	v24 =	vperm.xlane v21, v4  }
0x3e4: {  	v30 =	vshll.u32 v28, v5;
	[tilespmem:s15+$0x50] =	vst v3;
	v3 =	vbroadcast v14, $0x0;
	v29 =	vpop (erf);
	(erf) = vpow2.f32 v63  }
0x3e5: {  	v12 =	vadd.s32 v30, v12;
	[tilespmem:v15+s31+$0x0] =	vst.idx.msk $0x1, v51;
	v34, _, _ =	vpop (xrf2);
	v15 =	vmul.f32 $1.442695020e+00, v24;
	v33 =	vmul.f32 v29, v39  }
0x3e6: {  	[tilespmem:v23+s31+$0x0] =	vst.idx.msk $0x1, v49;
	v17 =	vperm.xlane v34, v4;
	v38 =	vmul.f32 v29, v35  }
0x3e7: {  	v12 =	vbroadcast v12, $0x0;
	v39 =	vpop (erf);
	(erf) = vpow2.f32 v15;
	[tilespmem:s25+$0xFFFFFFA0] =	vst v33  }
0x3e8: {  	v42 =	vmov s14;
	v45 =	vmul.f32 $1.442695020e+00, v17;
	v44 =	vmul.f32 v39, v37;
	[tilespmem:s25+$0xFFFFFFB0] =	vst v38;
	v46, _, _ =	vpop (xrf2)  }
0x3e9: {  	s6 =	sadd.s32 $0x4, s14;
	v15 =	vshrl.u32 v42, $0x3;
	v47 =	vmul.f32 v39, v36;
	[tilespmem:v0+s31+$0x0] =	vst.idx.msk $0x1, v29;
	v0 =	vperm.xlane v46, v4  }
0x3ea: {  	v48 =	vmov s6;
	v15 =	vshll.u32 v15, v5;
	v49 =	vpop (erf);
	[tilespmem:s25+$0xFFFFFFC0] =	vst v44;
	(erf) = vpow2.f32 v45  }
0x3eb: {  	v11 =	vadd.s32 v11, v15;
	[tilespmem:s25+$0xFFFFFFD0] =	vst v47;
	v50 =	vmul.f32 v49, v41;
	v0 =	vmul.f32 $1.442695020e+00, v0  }
0x3ec: {  	v14 =	vshrl.u32 v48, $0x3;
	v11 =	vbroadcast v11, $0x0;
	v51 =	vmul.f32 v49, v40;
	[tilespmem:v3+s31+$0x0] =	vst.idx.msk $0x1, v39  }
0x3ed: {  	s15 =	sadd.s32 $0x5, s14;
	v3 =	vshll.u32 v14, v5;
	[tilespmem:s25+$0xFFFFFFE0] =	vst v50;
	v52 =	vpop (erf);
	(erf) = vpow2.f32 v0  }
0x3ee: {  	v3 =	vadd.s32 v3, v10;
	[tilespmem:s25+$0xFFFFFFF0] =	vst v51;
	v0 =	vmov s15;
	v53 =	vmul.f32 v52, v43  }
0x3ef: {  	v3 =	vbroadcast v3, $0x0;
	[tilespmem:v12+s31+$0x0] =	vst.idx.msk $0x1, v49;
	v0 =	vshrl.u32 v0, $0x3;
	v54 =	vmul.f32 v52, v32  }
0x3f0: {  	s24 =	sadd.s32 $0x6, s14;
	v55 =	vpop (erf);
	v0 =	vshll.u32 v0, v5;
	[tilespmem:s25+$0xFFFFFF80] =	vst v53  }
0x3f1: {  	v56 =	vmov s24;
	v57 =	vmul.f32 v55, v25;
	v0 =	vadd.s32 v0, v9;
	[tilespmem:s25+$0xFFFFFF90] =	vst v54  }
0x3f2: {  	v58 =	vshrl.u32 v56, $0x3;
	v59 =	vmul.f32 v55, v26;
	v0 =	vbroadcast v0, $0x0;
	[tilespmem:v11+s31+$0x0] =	vst.idx.msk $0x1, v52  }
0x3f3: {  	v12 =	vshll.u32 v58, v5;
	v60 =	vpop (erf);
	[tilespmem:s25+$0x0] =	vst v57  }
0x3f4: {  	v8 =	vadd.s32 v12, v8;
	[tilespmem:s25+$0x10] =	vst v59;
	v61 =	vmul.f32 v60, v27  }
0x3f5: {  	v8 =	vbroadcast v8, $0x0;
	[tilespmem:v3+s31+$0x0] =	vst.idx.msk $0x1, v55;
	v3 =	vmul.f32 v60, v20  }
0x3f6: {  	[tilespmem:s25+$0x20] =	vst v61;
	v62 =	vpop (erf)  }
0x3f7: {  	[tilespmem:s25+$0x30] =	vst v3;
	v63 =	vmul.f32 v62, v22  }
0x3f8: {  	v3 =	vmul.f32 v62, v31;
	[tilespmem:v0+s31+$0x0] =	vst.idx.msk $0x1, v60  }
0x3f9: {  	p2 =	sne.s32 s26, $0x187;
	[tilespmem:s25+$0x40] =	vst v63  }
.Ltmp14:
0x3fa: {  	[tilespmem:s25+$0x50] =	vst v3;
	s25 =	sshll.u32 s22, $0xC;
	(pc) =	sbr.rel @p2 .LBB2_24-.Ltmp14, $4  }
0x3fb: {  	[tilespmem:v8+s31+$0x0] =	vst.idx.msk $0x1, v62;
	s0 =	sor.u32 $0x4300, s25  }
0x3fc: {  	[spmem:s1] =	stream.indirect.scatter.add.f32 [tilespmem:s0], [sflag:$0x3], $0x20, s11, s23, $0xb8;
	[tilespmem:$0x1FCA0] =	vst v63  }
0x3fd: {  	s28 =	sor.u32 $0x6300, s28;
	p1 =	por !p1, !p1  }
0x3fe: {  	[spmem:s3] =	stream.indirect.scatter.add.f32 [tilespmem:s28], [sflag:$0x4], $0x1, s11, s23, $0xb8;
	[tilespmem:$0x1FCA0] =	vst v63  }
0x3ff: {  	s0 =	simm.s32 $0x3  }
0x400: {  	_ =	swait.ge [sflag:s0], $0x1000  }
0x401: {  	[sflag:s0] =	ssyncset.done $0x0  }
0x402: {  	s4 =	simm.s32 $0x4;
	[sflag:s0] =	ssyncadd.s32 $0xFFFFF000  }
0x403: {  	_ =	swait.ge [sflag:s4], $0x80  }
0x404: {  	[sflag:s4] =	ssyncset.done $0x0  }
0x405: {  	[sflag:s4] =	ssyncadd.s32 $0xFFFFFF80  }
0x406: {  	_ =	swait.ge [sflag:s0], $0x1000  }
0x407: {  	[sflag:s0] =	ssyncset.done $0x0  }
0x408: {  	[sflag:s0] =	ssyncadd.s32 $0xFFFFF000  }
0x409: {  	_ =	swait.ge [sflag:s4], $0x80  }
0x40a: {  	[sflag:s4] =	ssyncset.done $0x0  }
0x40b: {  	[sflag:s4] =	ssyncadd.s32 $0xFFFFFF80  }
0x40c: {  	[bflag:$0x0] =	sbarrier.arrive $0xFFFF  }
0x40d: {  	s22 =	sld [smem:$0x7F7];
	_ =	sdelay $0x1  }
0x40e: {  	s15 =	rddreg [dreg:$0x8]  }
0x40f: {  	[hbm:s15], [sflag:s7] =	dma.local [spmem:s22], $0x30C0  }
0x410: {  	_ =	swait.ge [sflag:s16], $0x30C0  }
0x411: {  	s25 =	sld [smem:$0x7F8]  }
0x412: {  	[sflag:s16] =	ssyncset.done $0x0  }
0x413: {  	s24 =	rddreg [dreg:$0xe];
	[sflag:s16] =	ssyncadd.s32 $0xFFFFCF40  }
0x414: {  	[hbm:s24], [sflag:s7] =	dma.local [spmem:s25], $0x186  }
0x415: {  	_ =	swait.ge [sflag:s16], $0x186  }
0x416: {  	s4 =	sld [smem:$0x7F9]  }
0x417: {  	[sflag:s16] =	ssyncset.done $0x0  }
0x418: {  	s0 =	rddreg [dreg:$0x9];
	[sflag:s16] =	ssyncadd.s32 $0xFFFFFE7A  }
0x419: {  	[hbm:s0], [sflag:s7] =	dma.local @!p0 [spmem:s4], $0x140  }
0x41a: {  	s0 =	simm.s32 @!p0 $0x6  }
0x41b: {  	_ =	swait.ge @!p0 [sflag:s0], $0x140  }
0x41c: {  	s6 =	sld [smem:$0x7FA]  }
0x41d: {  	[sflag:s0] =	ssyncset.done @!p0 $0x0  }
0x41e: {  	s4 =	rddreg [dreg:$0xf];
	[sflag:s0] =	ssyncadd.s32 @!p0 $0xFFFFFEC0  }
0x41f: {  	[hbm:s4], [sflag:s7] =	dma.local @!p0 [spmem:s6], $0xA  }
0x420: {  	_ =	swait.ge @!p0 [sflag:s0], $0xA  }
0x421: {  	s26 =	sld [smem:$0x7FB];
	_ =	sdelay $0x2  }
0x422: {  	s28 =	rddreg [dreg:$0x1f];
	s6 =	sadd.s32 $0x1, s26  }
0x423: {  	p1 =	sne.s32 s6, s28  }
.Ltmp15:
0x424: {  	_ = 	snop;
	(pc) =	sbr.rel @p1 .LBB2_1-.Ltmp15, $3  }
0x425: {  	_ =	sdelay $0x1  }
0x426: {  	[sflag:s0] =	ssyncset.done @!p0 $0x0  }
0x427: {  	[sflag:s0] =	ssyncadd.s32 @!p0 $0xFFFFFFF6  }
0x428: {  	_ =	sfence.sel $0x180000  }
0x429: {  	[bflag:$0x0] =	sbarrier.arrive $0xFFFF  }
0x42a: {  	_ =	strace $0x90000047  }
0x42b: {  	s0 =	stileid.u32;
	[bflag:$0x2] =	sbarrier.arrive $0xFFFF  }
0x42c: {  	p0 =	sne.s32 s0, $0x0;
	s0 =	rddreg [dreg:$0x3]  }
0x42d: {  	s0 =	sadd.s32 @!p0 $0x100000, s0  }
0x42e: {  	[sflag:s0] =	ssyncadd.tile.s32 @!p0 $0x1;
	_ =	shalt  }
.Lfunc_end2:
_tile_overlayer_lowered:
.L_overlay_start_2:
0x42f: {  	(tag) =	ssettag $0x2  }
0x430: {  	s0 =	rddreg [dreg:$0x0];
	s2 =	stileid.u32  }
0x431: {  	s1 =	rddreg [dreg:$0x1];
	p0 =	sne.s32 s2, $0x0  }
0x432: {  	s3 =	rddreg [dreg:$0x2];
	[bflag:$0x3] =	sbarrier.arrive $0xFFFF;
	s2 =	simm.s32 @!p0 $0x1C06  }
0x433: {  	[timem:s3], [sflag:s2] =	dma.local @!p0 [hbm:s0], s1  }
0x434: {  	s0 =	simm.s32 @!p0 $0x6  }
0x435: {  	_ =	swait.ge @!p0 [sflag:s0], s1  }
0x436: {  	s1 =	ssub.s32 @!p0 $0x0, s1;
	[sflag:s0] =	ssyncset.done @!p0 $0x0  }
0x437: {  	[sflag:s0] =	ssyncadd.s32 @!p0 s1  }
0x438: {  	[bflag:$0x3] =	sbarrier.arrive $0xFFFF  }
0x439: {  	_ =	shalt  }

</sc_bundles>
